<compile_context>
chip_gen: v7x
topology: tpu7x:2x2x1
jax: 0.10.2.dev20260603
libtpu: 0.0.44.dev20260713+nightly
codegen_flags: <defaults>
</compile_context>

<pallas_src>
import functools

import jax
import jax.numpy as jnp
from jax import lax
from jax.experimental import pallas as pl
from jax.experimental.pallas import tpu as pltpu
from jax.experimental.pallas import tpu_sc as plsc

_N, _E, _D = 10000, 160000, 128
_NC = 2
_NS = 16
_NW = _NC * _NS
_EW = _E // _NW
_T = 32
_NT = _EW // _T
_TT = _EW - _NT * _T
_L = 16
_US = 48
_GROWS = 632


def _h_body(x_ref, w_ref, b_ref, o_ref):
    h = lax.dot_general(x_ref[...], w_ref[...], (((1,), (1,)), ((), ())),
                        preferred_element_type=jnp.float32)
    o_ref[...] = (h + b_ref[...]) * (1.0 / 512.0)


def _edge_body(g_hbm, src_hbm, dst_hbm, u_hbm, v_hbm, o_hbm,
               gsh, sidx, didx, ub, gs, gd, vbuf,
               semm0, semm1, semg0, semg1, semv0, semv1, semo0, semo1):
    sid = lax.axis_index("s")
    wid = sid * _NC + lax.axis_index("c")
    ebase = wid * _EW
    semm = (semm0, semm1)
    semg = (semg0, semg1)
    semv = (semv0, semv1)
    semo = (semo0, semo1)

    @pl.when(sid < _NS - 1)
    def _():
        pltpu.sync_copy(g_hbm.at[pl.ds(sid * _GROWS, _GROWS)],
                        gsh.at[pl.ds(sid * _GROWS, _GROWS)])

    @pl.when(sid == _NS - 1)
    def _():
        last = _N - (_NS - 1) * _GROWS
        pltpu.sync_copy(g_hbm.at[pl.ds((_NS - 1) * _GROWS, last)],
                        gsh.at[pl.ds((_NS - 1) * _GROWS, last)])

    plsc.subcore_barrier()

    def fire_meta(t, bt, n=_T):
        off = ebase + t * _T
        pltpu.async_copy(src_hbm.at[pl.ds(off, n)],
                         sidx.at[pl.ds(bt * _T, n)], semm[bt])
        pltpu.async_copy(dst_hbm.at[pl.ds(off, n)],
                         didx.at[pl.ds(bt * _T, n)], semm[bt])
        for k in range(3):
            pltpu.async_copy(u_hbm.at[pl.ds(k * _E + off, n)],
                             ub.at[pl.ds((bt * 3 + k) * _US, n)], semm[bt])

    def wait_meta(t, bt, n=_T):
        off = ebase + t * _T
        pltpu.make_async_copy(src_hbm.at[pl.ds(off, n)],
                              sidx.at[pl.ds(bt * _T, n)], semm[bt]).wait()
        pltpu.make_async_copy(dst_hbm.at[pl.ds(off, n)],
                              didx.at[pl.ds(bt * _T, n)], semm[bt]).wait()
        for k in range(3):
            pltpu.make_async_copy(u_hbm.at[pl.ds(k * _E + off, n)],
                                  ub.at[pl.ds((bt * 3 + k) * _US, n)],
                                  semm[bt]).wait()

    def fire_gathers(bt, bg, n=_T):
        pltpu.async_copy(gsh.at[sidx.at[pl.ds(bt * _T, n)]],
                         gs.at[bg, pl.ds(0, n)], semg[bg])
        pltpu.async_copy(gsh.at[didx.at[pl.ds(bt * _T, n)]],
                         gd.at[bg, pl.ds(0, n)], semg[bg])

    def wait_gathers(bt, bg, n=_T):
        pltpu.make_async_copy(gsh.at[sidx.at[pl.ds(bt * _T, n)]],
                              gs.at[bg, pl.ds(0, n)], semg[bg]).wait()
        pltpu.make_async_copy(gsh.at[didx.at[pl.ds(bt * _T, n)]],
                              gd.at[bg, pl.ds(0, n)], semg[bg]).wait()

    def fire_v(t, bt, n=_T):
        pltpu.async_copy(v_hbm.at[:, pl.ds(ebase + t * _T, n)],
                         vbuf.at[bt, :, pl.ds(0, n)], semv[bt])

    def wait_v(t, bt, n=_T):
        pltpu.make_async_copy(v_hbm.at[:, pl.ds(ebase + t * _T, n)],
                              vbuf.at[bt, :, pl.ds(0, n)], semv[bt]).wait()

    def fire_out(t, bt, n=_T):
        pltpu.async_copy(vbuf.at[bt, :, pl.ds(0, n)],
                         o_hbm.at[:, pl.ds(ebase + t * _T, n)], semo[bt])

    def wait_out(t, bt, n=_T):
        pltpu.make_async_copy(vbuf.at[bt, :, pl.ds(0, n)],
                              o_hbm.at[:, pl.ds(ebase + t * _T, n)],
                              semo[bt]).wait()

    def compute(bt, bg, n=_T):
        def edge(e, c2):
            uv = [ub[pl.ds((bt * 3 + k) * _US + e, _L)][0] for k in range(3)]
            for c in range(_D // _L):
                s = pl.ds(c * _L, _L)
                dv = gs[bg, e, s] - gd[bg, e, s]
                for k in range(3):
                    vbuf[bt, k, e, s] = vbuf[bt, k, e, s] * 0.5 + uv[k] * dv
            return c2

        lax.fori_loop(0, n, edge, 0)

    fire_meta(0, 0)
    fire_v(0, 0)
    wait_meta(0, 0)
    fire_gathers(0, 0)
    fire_meta(1, 1)

    def pair(i2, carry):
        t = i2 * 2

        @pl.when(i2 > 0)
        def _():
            wait_out(t - 1, 1)
        fire_v(t + 1, 1)
        wait_v(t, 0)
        wait_gathers(0, 0)
        wait_meta(t + 1, 1)
        fire_gathers(1, 1)
        compute(0, 0)
        fire_meta(t + 2, 0)
        fire_out(t, 0)

        wait_out(t, 0)
        fire_v(t + 2, 0)
        wait_v(t + 1, 1)
        wait_gathers(1, 1)
        wait_meta(t + 2, 0)
        fire_gathers(0, 0)
        compute(1, 1)
        fire_meta(t + 3, 1)
        fire_out(t + 1, 1)
        return carry

    lax.fori_loop(0, _NT // 2 - 1, pair, 0)

    t = _NT - 2
    wait_out(t - 1, 1)
    fire_v(t + 1, 1)
    wait_v(t, 0)
    wait_gathers(0, 0)
    wait_meta(t + 1, 1)
    fire_gathers(1, 1)
    compute(0, 0)
    fire_meta(_NT, 0, _TT)
    fire_out(t, 0)

    wait_out(t, 0)
    fire_v(_NT, 0, _TT)
    wait_v(t + 1, 1)
    wait_gathers(1, 1)
    wait_meta(_NT, 0, _TT)
    fire_gathers(0, 0, _TT)
    compute(1, 1)
    fire_out(t + 1, 1)

    wait_out(t + 1, 1)
    wait_v(_NT, 0, _TT)
    wait_gathers(0, 0, _TT)
    compute(0, 0, _TT)
    fire_out(_NT, 0, _TT)
    wait_out(_NT, 0, _TT)


def kernel(v, x, edge_index, u, W, b):
    g = pl.pallas_call(
        _h_body,
        out_shape=jax.ShapeDtypeStruct((_N, _D), jnp.float32),
    )(x, W, b.reshape(1, _D))

    uflat = u.T.reshape(3 * _E)
    v3 = v.transpose(1, 0, 2)

    mesh = plsc.VectorSubcoreMesh(core_axis_name="c", subcore_axis_name="s")
    edge_fn = functools.partial(
        pl.kernel,
        mesh=mesh,
        out_type=jax.ShapeDtypeStruct((3, _E, _D), jnp.float32),
        scratch_types=[
            pltpu.VMEM_SHARED((_N, _D), jnp.float32),
            pltpu.VMEM((2 * _T,), jnp.int32),
            pltpu.VMEM((2 * _T,), jnp.int32),
            pltpu.VMEM((2 * 3 * _US,), jnp.float32),
            pltpu.VMEM((2, _T, _D), jnp.float32),
            pltpu.VMEM((2, _T, _D), jnp.float32),
            pltpu.VMEM((2, 3, _T, _D), jnp.float32),
            pltpu.SemaphoreType.DMA,
            pltpu.SemaphoreType.DMA,
            pltpu.SemaphoreType.DMA,
            pltpu.SemaphoreType.DMA,
            pltpu.SemaphoreType.DMA,
            pltpu.SemaphoreType.DMA,
            pltpu.SemaphoreType.DMA,
            pltpu.SemaphoreType.DMA,
        ],
    )(_edge_body)
    out3 = edge_fn(g, edge_index[0], edge_index[1], uflat, v3)
    return out3.transpose(1, 0, 2)

# --- scband reference (transcript-rebuilt; emitter-appended) ---
"""Pipeline reference for scband-equiv-block-13950053777843 (READ-ONLY COPY).

The authoritative reference and input builder live on the scoring server;
editing this copy changes nothing except your own understanding.
"""

import jax, jax.numpy as jnp
import numpy as np

N = 10000
E = 160000
D = 128


def setup_inputs(seed: int = 0) -> dict:
    key = jax.random.key(seed)
    k1, k2, k3, k4, k5 = jax.random.split(key, 5)
    v = jax.random.normal(k1, (E, 3, D), dtype=jnp.float32)
    x = jax.random.normal(k2, (N, D), dtype=jnp.float32)
    edge_index = jax.random.randint(k3, (2, E), 0, N, dtype=jnp.int32)
    u = jax.random.normal(k4, (E, 3), dtype=jnp.float32)
    # Learned params of W_h = nn.Linear(D, D)
    W = jax.random.normal(k5, (D, D), dtype=jnp.float32) * (1.0 / np.sqrt(D))
    b = jnp.zeros((D,), dtype=jnp.float32)
    return {"v": v, "x": x, "edge_index": edge_index, "u": u, "W": W, "b": b}


def reference(v, x, edge_index, u, W, b):
    # W_h(x) applied once; x_i = h/256 on src, x_j = -h/256 on dst
    h = x @ W.T + b
    src = edge_index[0]
    dst = edge_index[1]
    # apply_edges fn.u_add_v('x_i','x_j') -> phi[e] = h[src]/256 - h[dst]/256
    phi = (jnp.take(h, src, axis=0) - jnp.take(h, dst, axis=0)) / 256.0  # [E, D]
    # edata['v'] = u.unsqueeze(2) * phi.unsqueeze(1) -> [E, 3, D]
    v_new = u[:, :, None] * phi[:, None, :]
    # residual
    out = (v + v_new) / 2.0
    return out

if __name__ == "__main__":
    import jax
    _d = setup_inputs()
    print(jax.jit(kernel)(*tuple(_d.values())))

</pallas_src>

<mosaic_0001>
#map = affine_map<(d0, d1) -> (0, 0)>
#map1 = affine_map<(d0, d1) -> (0)>
#map2 = affine_map<(d0, d1) -> (0, 0, 0)>
module attributes {stable_mosaic.version = 14 : i64} {
  func.func @_edge_body(%arg0: i32, %arg1: i32, %arg2: memref<10000x128xf32, #tpu.memory_space<hbm>>, %arg3: memref<160000xi32, #tpu.memory_space<hbm>>, %arg4: memref<160000xi32, #tpu.memory_space<hbm>>, %arg5: memref<480000xf32, #tpu.memory_space<hbm>>, %arg6: memref<3x160000x128xf32, #tpu.memory_space<hbm>>, %arg7: memref<3x160000x128xf32, #tpu.memory_space<hbm>>, %arg8: memref<10000x128xf32, #tpu.memory_space<vmem_shared>>, %arg9: memref<64xi32, #tpu.memory_space<vmem>>, %arg10: memref<64xi32, #tpu.memory_space<vmem>>, %arg11: memref<288xf32, #tpu.memory_space<vmem>>, %arg12: memref<2x32x128xf32, #tpu.memory_space<vmem>>, %arg13: memref<2x32x128xf32, #tpu.memory_space<vmem>>, %arg14: memref<2x3x32x128xf32, #tpu.memory_space<vmem>>, %arg15: memref<!tpu.dma_semaphore, #tpu.memory_space<semaphore_mem>>, %arg16: memref<!tpu.dma_semaphore, #tpu.memory_space<semaphore_mem>>, %arg17: memref<!tpu.dma_semaphore, #tpu.memory_space<semaphore_mem>>, %arg18: memref<!tpu.dma_semaphore, #tpu.memory_space<semaphore_mem>>, %arg19: memref<!tpu.dma_semaphore, #tpu.memory_space<semaphore_mem>>, %arg20: memref<!tpu.dma_semaphore, #tpu.memory_space<semaphore_mem>>, %arg21: memref<!tpu.dma_semaphore, #tpu.memory_space<semaphore_mem>>, %arg22: memref<!tpu.dma_semaphore, #tpu.memory_space<semaphore_mem>>) attributes {dimension_semantics = [#tpu.dimension_semantics<core_parallel>, #tpu.dimension_semantics<subcore_parallel>], iteration_bounds = array<i64: 2, 16>, scalar_prefetch = 0 : i64, scratch_operands = 15 : i64, tpu.core_type = #tpu.core_type<sc_vector_subcore>, window_params = [{transform_indices = #map}, {transform_indices = #map1}, {transform_indices = #map1}, {transform_indices = #map1}, {transform_indices = #map2}, {transform_indices = #map2}]} {
    %mul3A = arith.constant 2 : i32
    %mul3A_0 = arith.muli %arg1, %mul3A : i32
    %add3A = arith.addi %mul3A_0, %arg0 : i32
    %mul3A_1 = arith.constant 5000 : i32
    %mul3A_2 = arith.muli %add3A, %mul3A_1 : i32
    %lt3A = arith.constant 15 : i32
    %lt3A_3 = arith.cmpi slt, %arg1, %lt3A : i32
    %convert_element_type3A = arith.extui %lt3A_3 : i1 to i32
    %cond3A = arith.constant 0 : i32
    %cond3A_4 = arith.cmpi ne, %convert_element_type3A, %cond3A : i32
    scf.if %cond3A_4 {
      %mul3A_625 = arith.constant 632 : i32
      %mul3A_626 = arith.muli %arg1, %mul3A_625 : i32
      %mul3A_627 = arith.constant 632 : i32
      %mul3A_628 = arith.muli %arg1, %mul3A_627 : i32
      "tpu.region"() ({
        %run_scoped3A = tpu.sem_alloc : memref<!tpu.dma_semaphore, #tpu.memory_space<semaphore_mem>>
        %dma_start3A_629 = arith.constant 0 : i32
        %dma_start3A_630 = tpu.memref_slice %arg8[%mul3A_628, %dma_start3A_629] : memref<10000x128xf32, #tpu.memory_space<vmem_shared>> -> memref<632x128xf32, #tpu.memory_space<vmem_shared>>
        %dma_start3A_631 = arith.constant 0 : i32
        %dma_start3A_632 = tpu.memref_slice %arg2[%mul3A_626, %dma_start3A_631] : memref<10000x128xf32, #tpu.memory_space<hbm>> -> memref<632x128xf32, #tpu.memory_space<hbm>>
        tpu.enqueue_dma source(%dma_start3A_632 : memref<632x128xf32, #tpu.memory_space<hbm>>) target(%dma_start3A_630 : memref<632x128xf32, #tpu.memory_space<vmem_shared>>) target_semaphore(%run_scoped3A : memref<!tpu.dma_semaphore, #tpu.memory_space<semaphore_mem>>)
        %dma_wait3A_633 = arith.constant 0 : i32
        %dma_wait3A_634 = tpu.memref_slice %arg8[%mul3A_628, %dma_wait3A_633] : memref<10000x128xf32, #tpu.memory_space<vmem_shared>> -> memref<632x128xf32, #tpu.memory_space<vmem_shared>>
        %dma_wait3A_635 = arith.constant 0 : i32
        %dma_wait3A_636 = tpu.memref_slice %arg2[%mul3A_626, %dma_wait3A_635] : memref<10000x128xf32, #tpu.memory_space<hbm>> -> memref<632x128xf32, #tpu.memory_space<hbm>>
        tpu.wait_dma2 semaphore(%run_scoped3A : memref<!tpu.dma_semaphore, #tpu.memory_space<semaphore_mem>>) src(%dma_wait3A_636 : memref<632x128xf32, #tpu.memory_space<hbm>>) dst(%dma_wait3A_634 : memref<632x128xf32, #tpu.memory_space<vmem_shared>>)
        tpu.yield
      }) : () -> ()
    } else {
    }
    %eq3A = arith.constant 15 : i32
    %eq3A_5 = arith.cmpi eq, %arg1, %eq3A : i32
    %convert_element_type3A_6 = arith.extui %eq3A_5 : i1 to i32
    %cond3A_7 = arith.constant 0 : i32
    %cond3A_8 = arith.cmpi ne, %convert_element_type3A_6, %cond3A_7 : i32
    scf.if %cond3A_8 {
      "tpu.region"() ({
        %run_scoped3A = tpu.sem_alloc : memref<!tpu.dma_semaphore, #tpu.memory_space<semaphore_mem>>
        %dma_start3A_625 = arith.constant 9480 : i32
        %dma_start3A_626 = arith.constant 0 : i32
        %dma_start3A_627 = tpu.memref_slice %arg8[%dma_start3A_625, %dma_start3A_626] : memref<10000x128xf32, #tpu.memory_space<vmem_shared>> -> memref<520x128xf32, #tpu.memory_space<vmem_shared>>
        %dma_start3A_628 = arith.constant 9480 : i32
        %dma_start3A_629 = arith.constant 0 : i32
        %dma_start3A_630 = tpu.memref_slice %arg2[%dma_start3A_628, %dma_start3A_629] : memref<10000x128xf32, #tpu.memory_space<hbm>> -> memref<520x128xf32, #tpu.memory_space<hbm>>
        tpu.enqueue_dma source(%dma_start3A_630 : memref<520x128xf32, #tpu.memory_space<hbm>>) target(%dma_start3A_627 : memref<520x128xf32, #tpu.memory_space<vmem_shared>>) target_semaphore(%run_scoped3A : memref<!tpu.dma_semaphore, #tpu.memory_space<semaphore_mem>>)
        %dma_wait3A_631 = arith.constant 9480 : i32
        %dma_wait3A_632 = arith.constant 0 : i32
        %dma_wait3A_633 = tpu.memref_slice %arg8[%dma_wait3A_631, %dma_wait3A_632] : memref<10000x128xf32, #tpu.memory_space<vmem_shared>> -> memref<520x128xf32, #tpu.memory_space<vmem_shared>>
        %dma_wait3A_634 = arith.constant 9480 : i32
        %dma_wait3A_635 = arith.constant 0 : i32
        %dma_wait3A_636 = tpu.memref_slice %arg2[%dma_wait3A_634, %dma_wait3A_635] : memref<10000x128xf32, #tpu.memory_space<hbm>> -> memref<520x128xf32, #tpu.memory_space<hbm>>
        tpu.wait_dma2 semaphore(%run_scoped3A : memref<!tpu.dma_semaphore, #tpu.memory_space<semaphore_mem>>) src(%dma_wait3A_636 : memref<520x128xf32, #tpu.memory_space<hbm>>) dst(%dma_wait3A_633 : memref<520x128xf32, #tpu.memory_space<vmem_shared>>)
        tpu.yield
      }) : () -> ()
    } else {
    }
    %barrier3A = arith.constant 0 : index
    tpu.barrier barrier_id(%barrier3A)
    %add3A_9 = arith.constant 0 : i32
    %add3A_10 = arith.addi %mul3A_2, %add3A_9 : i32
    %dma_start3A = arith.constant 0 : i32
    %dma_start3A_11 = tpu.memref_slice %arg9[%dma_start3A] : memref<64xi32, #tpu.memory_space<vmem>> -> memref<32xi32, #tpu.memory_space<vmem>>
    %dma_start3A_12 = tpu.memref_slice %arg3[%add3A_10] : memref<160000xi32, #tpu.memory_space<hbm>> -> memref<32xi32, #tpu.memory_space<hbm>>
    %dma_start3A_13 = arith.constant 0 : i32
    %dma_start3A_14 = tpu.memref_slice %arg9[%dma_start3A_13] : memref<64xi32, #tpu.memory_space<vmem>> -> memref<32xi32, #tpu.memory_space<vmem>>
    %dma_start3A_15 = tpu.memref_slice %arg3[%add3A_10] : memref<160000xi32, #tpu.memory_space<hbm>> -> memref<32xi32, #tpu.memory_space<hbm>>
    tpu.enqueue_dma source(%dma_start3A_15 : memref<32xi32, #tpu.memory_space<hbm>>) target(%dma_start3A_14 : memref<32xi32, #tpu.memory_space<vmem>>) target_semaphore(%arg15 : memref<!tpu.dma_semaphore, #tpu.memory_space<semaphore_mem>>)
    %dma_start3A_16 = arith.constant 0 : i32
    %dma_start3A_17 = tpu.memref_slice %arg10[%dma_start3A_16] : memref<64xi32, #tpu.memory_space<vmem>> -> memref<32xi32, #tpu.memory_space<vmem>>
    %dma_start3A_18 = tpu.memref_slice %arg4[%add3A_10] : memref<160000xi32, #tpu.memory_space<hbm>> -> memref<32xi32, #tpu.memory_space<hbm>>
    %dma_start3A_19 = arith.constant 0 : i32
    %dma_start3A_20 = tpu.memref_slice %arg10[%dma_start3A_19] : memref<64xi32, #tpu.memory_space<vmem>> -> memref<32xi32, #tpu.memory_space<vmem>>
    %dma_start3A_21 = tpu.memref_slice %arg4[%add3A_10] : memref<160000xi32, #tpu.memory_space<hbm>> -> memref<32xi32, #tpu.memory_space<hbm>>
    tpu.enqueue_dma source(%dma_start3A_21 : memref<32xi32, #tpu.memory_space<hbm>>) target(%dma_start3A_20 : memref<32xi32, #tpu.memory_space<vmem>>) target_semaphore(%arg15 : memref<!tpu.dma_semaphore, #tpu.memory_space<semaphore_mem>>)
    %add3A_22 = arith.constant 0 : i32
    %add3A_23 = arith.addi %add3A_22, %add3A_10 : i32
    %dma_start3A_24 = arith.constant 0 : i32
    %dma_start3A_25 = tpu.memref_slice %arg11[%dma_start3A_24] : memref<288xf32, #tpu.memory_space<vmem>> -> memref<32xf32, #tpu.memory_space<vmem>>
    %dma_start3A_26 = tpu.memref_slice %arg5[%add3A_23] : memref<480000xf32, #tpu.memory_space<hbm>> -> memref<32xf32, #tpu.memory_space<hbm>>
    %dma_start3A_27 = arith.constant 0 : i32
    %dma_start3A_28 = tpu.memref_slice %arg11[%dma_start3A_27] : memref<288xf32, #tpu.memory_space<vmem>> -> memref<32xf32, #tpu.memory_space<vmem>>
    %dma_start3A_29 = tpu.memref_slice %arg5[%add3A_23] : memref<480000xf32, #tpu.memory_space<hbm>> -> memref<32xf32, #tpu.memory_space<hbm>>
    tpu.enqueue_dma source(%dma_start3A_29 : memref<32xf32, #tpu.memory_space<hbm>>) target(%dma_start3A_28 : memref<32xf32, #tpu.memory_space<vmem>>) target_semaphore(%arg15 : memref<!tpu.dma_semaphore, #tpu.memory_space<semaphore_mem>>)
    %add3A_30 = arith.constant 160000 : i32
    %add3A_31 = arith.addi %add3A_30, %add3A_10 : i32
    %dma_start3A_32 = arith.constant 48 : i32
    %dma_start3A_33 = tpu.memref_slice %arg11[%dma_start3A_32] : memref<288xf32, #tpu.memory_space<vmem>> -> memref<32xf32, #tpu.memory_space<vmem>>
    %dma_start3A_34 = tpu.memref_slice %arg5[%add3A_31] : memref<480000xf32, #tpu.memory_space<hbm>> -> memref<32xf32, #tpu.memory_space<hbm>>
    %dma_start3A_35 = arith.constant 48 : i32
    %dma_start3A_36 = tpu.memref_slice %arg11[%dma_start3A_35] : memref<288xf32, #tpu.memory_space<vmem>> -> memref<32xf32, #tpu.memory_space<vmem>>
    %dma_start3A_37 = tpu.memref_slice %arg5[%add3A_31] : memref<480000xf32, #tpu.memory_space<hbm>> -> memref<32xf32, #tpu.memory_space<hbm>>
    tpu.enqueue_dma source(%dma_start3A_37 : memref<32xf32, #tpu.memory_space<hbm>>) target(%dma_start3A_36 : memref<32xf32, #tpu.memory_space<vmem>>) target_semaphore(%arg15 : memref<!tpu.dma_semaphore, #tpu.memory_space<semaphore_mem>>)
    %add3A_38 = arith.constant 320000 : i32
    %add3A_39 = arith.addi %add3A_38, %add3A_10 : i32
    %dma_start3A_40 = arith.constant 96 : i32
    %dma_start3A_41 = tpu.memref_slice %arg11[%dma_start3A_40] : memref<288xf32, #tpu.memory_space<vmem>> -> memref<32xf32, #tpu.memory_space<vmem>>
    %dma_start3A_42 = tpu.memref_slice %arg5[%add3A_39] : memref<480000xf32, #tpu.memory_space<hbm>> -> memref<32xf32, #tpu.memory_space<hbm>>
    %dma_start3A_43 = arith.constant 96 : i32
    %dma_start3A_44 = tpu.memref_slice %arg11[%dma_start3A_43] : memref<288xf32, #tpu.memory_space<vmem>> -> memref<32xf32, #tpu.memory_space<vmem>>
    %dma_start3A_45 = tpu.memref_slice %arg5[%add3A_39] : memref<480000xf32, #tpu.memory_space<hbm>> -> memref<32xf32, #tpu.memory_space<hbm>>
    tpu.enqueue_dma source(%dma_start3A_45 : memref<32xf32, #tpu.memory_space<hbm>>) target(%dma_start3A_44 : memref<32xf32, #tpu.memory_space<vmem>>) target_semaphore(%arg15 : memref<!tpu.dma_semaphore, #tpu.memory_space<semaphore_mem>>)
    %add3A_46 = arith.constant 0 : i32
    %add3A_47 = arith.addi %mul3A_2, %add3A_46 : i32
    %dma_start3A_48 = arith.constant 0 : i32
    %dma_start3A_49 = arith.constant 0 : i32
    %dma_start3A_50 = arith.constant 0 : i32
    %dma_start3A_51 = arith.constant 0 : i32
    %dma_start3A_52 = tpu.memref_slice %arg14[%dma_start3A_48, %dma_start3A_49, %dma_start3A_50, %dma_start3A_51] : memref<2x3x32x128xf32, #tpu.memory_space<vmem>> -> memref<1x3x32x128xf32, #tpu.memory_space<vmem>>
    %dma_start3A_53 = tpu.memref_squeeze %dma_start3A_52 : memref<1x3x32x128xf32, #tpu.memory_space<vmem>> -> memref<3x32x128xf32, #tpu.memory_space<vmem>>
    %dma_start3A_54 = arith.constant 0 : i32
    %dma_start3A_55 = arith.constant 0 : i32
    %dma_start3A_56 = tpu.memref_slice %arg6[%dma_start3A_54, %add3A_47, %dma_start3A_55] : memref<3x160000x128xf32, #tpu.memory_space<hbm>> -> memref<3x32x128xf32, #tpu.memory_space<hbm>>
    %dma_start3A_57 = arith.constant 0 : i32
    %dma_start3A_58 = arith.constant 0 : i32
    %dma_start3A_59 = arith.constant 0 : i32
    %dma_start3A_60 = tpu.memref_slice %arg14[%dma_start3A_48, %dma_start3A_57, %dma_start3A_58, %dma_start3A_59] : memref<2x3x32x128xf32, #tpu.memory_space<vmem>> -> memref<1x3x32x128xf32, #tpu.memory_space<vmem>>
    %dma_start3A_61 = tpu.memref_squeeze %dma_start3A_60 : memref<1x3x32x128xf32, #tpu.memory_space<vmem>> -> memref<3x32x128xf32, #tpu.memory_space<vmem>>
    %dma_start3A_62 = arith.constant 0 : i32
    %dma_start3A_63 = arith.constant 0 : i32
    %dma_start3A_64 = tpu.memref_slice %arg6[%dma_start3A_62, %add3A_47, %dma_start3A_63] : memref<3x160000x128xf32, #tpu.memory_space<hbm>> -> memref<3x32x128xf32, #tpu.memory_space<hbm>>
    tpu.enqueue_dma source(%dma_start3A_64 : memref<3x32x128xf32, #tpu.memory_space<hbm>>) target(%dma_start3A_61 : memref<3x32x128xf32, #tpu.memory_space<vmem>>) target_semaphore(%arg19 : memref<!tpu.dma_semaphore, #tpu.memory_space<semaphore_mem>>)
    %add3A_65 = arith.constant 0 : i32
    %add3A_66 = arith.addi %mul3A_2, %add3A_65 : i32
    %dma_wait3A = arith.constant 0 : i32
    %dma_wait3A_67 = tpu.memref_slice %arg9[%dma_wait3A] : memref<64xi32, #tpu.memory_space<vmem>> -> memref<32xi32, #tpu.memory_space<vmem>>
    %dma_wait3A_68 = tpu.memref_slice %arg3[%add3A_66] : memref<160000xi32, #tpu.memory_space<hbm>> -> memref<32xi32, #tpu.memory_space<hbm>>
    %dma_wait3A_69 = arith.constant 0 : i32
    %dma_wait3A_70 = tpu.memref_slice %arg9[%dma_wait3A_69] : memref<64xi32, #tpu.memory_space<vmem>> -> memref<32xi32, #tpu.memory_space<vmem>>
    %dma_wait3A_71 = tpu.memref_slice %arg3[%add3A_66] : memref<160000xi32, #tpu.memory_space<hbm>> -> memref<32xi32, #tpu.memory_space<hbm>>
    tpu.wait_dma2 semaphore(%arg15 : memref<!tpu.dma_semaphore, #tpu.memory_space<semaphore_mem>>) src(%dma_wait3A_71 : memref<32xi32, #tpu.memory_space<hbm>>) dst(%dma_wait3A_70 : memref<32xi32, #tpu.memory_space<vmem>>)
    %dma_wait3A_72 = arith.constant 0 : i32
    %dma_wait3A_73 = tpu.memref_slice %arg10[%dma_wait3A_72] : memref<64xi32, #tpu.memory_space<vmem>> -> memref<32xi32, #tpu.memory_space<vmem>>
    %dma_wait3A_74 = tpu.memref_slice %arg4[%add3A_66] : memref<160000xi32, #tpu.memory_space<hbm>> -> memref<32xi32, #tpu.memory_space<hbm>>
    %dma_wait3A_75 = arith.constant 0 : i32
    %dma_wait3A_76 = tpu.memref_slice %arg10[%dma_wait3A_75] : memref<64xi32, #tpu.memory_space<vmem>> -> memref<32xi32, #tpu.memory_space<vmem>>
    %dma_wait3A_77 = tpu.memref_slice %arg4[%add3A_66] : memref<160000xi32, #tpu.memory_space<hbm>> -> memref<32xi32, #tpu.memory_space<hbm>>
    tpu.wait_dma2 semaphore(%arg15 : memref<!tpu.dma_semaphore, #tpu.memory_space<semaphore_mem>>) src(%dma_wait3A_77 : memref<32xi32, #tpu.memory_space<hbm>>) dst(%dma_wait3A_76 : memref<32xi32, #tpu.memory_space<vmem>>)
    %add3A_78 = arith.constant 0 : i32
    %add3A_79 = arith.addi %add3A_78, %add3A_66 : i32
    %dma_wait3A_80 = arith.constant 0 : i32
    %dma_wait3A_81 = tpu.memref_slice %arg11[%dma_wait3A_80] : memref<288xf32, #tpu.memory_space<vmem>> -> memref<32xf32, #tpu.memory_space<vmem>>
    %dma_wait3A_82 = tpu.memref_slice %arg5[%add3A_79] : memref<480000xf32, #tpu.memory_space<hbm>> -> memref<32xf32, #tpu.memory_space<hbm>>
    %dma_wait3A_83 = arith.constant 0 : i32
    %dma_wait3A_84 = tpu.memref_slice %arg11[%dma_wait3A_83] : memref<288xf32, #tpu.memory_space<vmem>> -> memref<32xf32, #tpu.memory_space<vmem>>
    %dma_wait3A_85 = tpu.memref_slice %arg5[%add3A_79] : memref<480000xf32, #tpu.memory_space<hbm>> -> memref<32xf32, #tpu.memory_space<hbm>>
    tpu.wait_dma2 semaphore(%arg15 : memref<!tpu.dma_semaphore, #tpu.memory_space<semaphore_mem>>) src(%dma_wait3A_85 : memref<32xf32, #tpu.memory_space<hbm>>) dst(%dma_wait3A_84 : memref<32xf32, #tpu.memory_space<vmem>>)
    %add3A_86 = arith.constant 160000 : i32
    %add3A_87 = arith.addi %add3A_86, %add3A_66 : i32
    %dma_wait3A_88 = arith.constant 48 : i32
    %dma_wait3A_89 = tpu.memref_slice %arg11[%dma_wait3A_88] : memref<288xf32, #tpu.memory_space<vmem>> -> memref<32xf32, #tpu.memory_space<vmem>>
    %dma_wait3A_90 = tpu.memref_slice %arg5[%add3A_87] : memref<480000xf32, #tpu.memory_space<hbm>> -> memref<32xf32, #tpu.memory_space<hbm>>
    %dma_wait3A_91 = arith.constant 48 : i32
    %dma_wait3A_92 = tpu.memref_slice %arg11[%dma_wait3A_91] : memref<288xf32, #tpu.memory_space<vmem>> -> memref<32xf32, #tpu.memory_space<vmem>>
    %dma_wait3A_93 = tpu.memref_slice %arg5[%add3A_87] : memref<480000xf32, #tpu.memory_space<hbm>> -> memref<32xf32, #tpu.memory_space<hbm>>
    tpu.wait_dma2 semaphore(%arg15 : memref<!tpu.dma_semaphore, #tpu.memory_space<semaphore_mem>>) src(%dma_wait3A_93 : memref<32xf32, #tpu.memory_space<hbm>>) dst(%dma_wait3A_92 : memref<32xf32, #tpu.memory_space<vmem>>)
    %add3A_94 = arith.constant 320000 : i32
    %add3A_95 = arith.addi %add3A_94, %add3A_66 : i32
    %dma_wait3A_96 = arith.constant 96 : i32
    %dma_wait3A_97 = tpu.memref_slice %arg11[%dma_wait3A_96] : memref<288xf32, #tpu.memory_space<vmem>> -> memref<32xf32, #tpu.memory_space<vmem>>
    %dma_wait3A_98 = tpu.memref_slice %arg5[%add3A_95] : memref<480000xf32, #tpu.memory_space<hbm>> -> memref<32xf32, #tpu.memory_space<hbm>>
    %dma_wait3A_99 = arith.constant 96 : i32
    %dma_wait3A_100 = tpu.memref_slice %arg11[%dma_wait3A_99] : memref<288xf32, #tpu.memory_space<vmem>> -> memref<32xf32, #tpu.memory_space<vmem>>
    %dma_wait3A_101 = tpu.memref_slice %arg5[%add3A_95] : memref<480000xf32, #tpu.memory_space<hbm>> -> memref<32xf32, #tpu.memory_space<hbm>>
    tpu.wait_dma2 semaphore(%arg15 : memref<!tpu.dma_semaphore, #tpu.memory_space<semaphore_mem>>) src(%dma_wait3A_101 : memref<32xf32, #tpu.memory_space<hbm>>) dst(%dma_wait3A_100 : memref<32xf32, #tpu.memory_space<vmem>>)
    %dma_start3A_102 = arith.constant 0 : i32
    %dma_start3A_103 = arith.constant 0 : i32
    %dma_start3A_104 = arith.constant 0 : i32
    %dma_start3A_105 = tpu.memref_slice %arg12[%dma_start3A_102, %dma_start3A_103, %dma_start3A_104] : memref<2x32x128xf32, #tpu.memory_space<vmem>> -> memref<1x32x128xf32, #tpu.memory_space<vmem>>
    %dma_start3A_106 = tpu.memref_squeeze %dma_start3A_105 : memref<1x32x128xf32, #tpu.memory_space<vmem>> -> memref<32x128xf32, #tpu.memory_space<vmem>>
    %dma_start3A_107 = arith.constant 0 : i32
    %dma_start3A_108 = tpu.memref_slice %arg9[%dma_start3A_107] : memref<64xi32, #tpu.memory_space<vmem>> -> memref<32xi32, #tpu.memory_space<vmem>>
    %dma_start3A_109 = arith.constant 0 : i32
    %dma_start3A_110 = arith.constant 0 : i32
    %dma_start3A_111 = tpu.memref_slice %arg8[%dma_start3A_109, %dma_start3A_110] : memref<10000x128xf32, #tpu.memory_space<vmem_shared>> -> memref<10000x128xf32, #tpu.memory_space<vmem_shared>>
    tpu.enqueue_indirect_dma source(%dma_start3A_111 : memref<10000x128xf32, #tpu.memory_space<vmem_shared>>) target(%dma_start3A_106 : memref<32x128xf32, #tpu.memory_space<vmem>>) offsets(%dma_start3A_108 : memref<32xi32, #tpu.memory_space<vmem>>) semaphore(%arg17 : memref<!tpu.dma_semaphore, #tpu.memory_space<semaphore_mem>>)
    %dma_start3A_112 = arith.constant 0 : i32
    %dma_start3A_113 = arith.constant 0 : i32
    %dma_start3A_114 = arith.constant 0 : i32
    %dma_start3A_115 = tpu.memref_slice %arg13[%dma_start3A_112, %dma_start3A_113, %dma_start3A_114] : memref<2x32x128xf32, #tpu.memory_space<vmem>> -> memref<1x32x128xf32, #tpu.memory_space<vmem>>
    %dma_start3A_116 = tpu.memref_squeeze %dma_start3A_115 : memref<1x32x128xf32, #tpu.memory_space<vmem>> -> memref<32x128xf32, #tpu.memory_space<vmem>>
    %dma_start3A_117 = arith.constant 0 : i32
    %dma_start3A_118 = tpu.memref_slice %arg10[%dma_start3A_117] : memref<64xi32, #tpu.memory_space<vmem>> -> memref<32xi32, #tpu.memory_space<vmem>>
    %dma_start3A_119 = arith.constant 0 : i32
    %dma_start3A_120 = arith.constant 0 : i32
    %dma_start3A_121 = tpu.memref_slice %arg8[%dma_start3A_119, %dma_start3A_120] : memref<10000x128xf32, #tpu.memory_space<vmem_shared>> -> memref<10000x128xf32, #tpu.memory_space<vmem_shared>>
    tpu.enqueue_indirect_dma source(%dma_start3A_121 : memref<10000x128xf32, #tpu.memory_space<vmem_shared>>) target(%dma_start3A_116 : memref<32x128xf32, #tpu.memory_space<vmem>>) offsets(%dma_start3A_118 : memref<32xi32, #tpu.memory_space<vmem>>) semaphore(%arg17 : memref<!tpu.dma_semaphore, #tpu.memory_space<semaphore_mem>>)
    %add3A_122 = arith.constant 32 : i32
    %add3A_123 = arith.addi %mul3A_2, %add3A_122 : i32
    %dma_start3A_124 = arith.constant 32 : i32
    %dma_start3A_125 = tpu.memref_slice %arg9[%dma_start3A_124] : memref<64xi32, #tpu.memory_space<vmem>> -> memref<32xi32, #tpu.memory_space<vmem>>
    %dma_start3A_126 = tpu.memref_slice %arg3[%add3A_123] : memref<160000xi32, #tpu.memory_space<hbm>> -> memref<32xi32, #tpu.memory_space<hbm>>
    %dma_start3A_127 = arith.constant 32 : i32
    %dma_start3A_128 = tpu.memref_slice %arg9[%dma_start3A_127] : memref<64xi32, #tpu.memory_space<vmem>> -> memref<32xi32, #tpu.memory_space<vmem>>
    %dma_start3A_129 = tpu.memref_slice %arg3[%add3A_123] : memref<160000xi32, #tpu.memory_space<hbm>> -> memref<32xi32, #tpu.memory_space<hbm>>
    tpu.enqueue_dma source(%dma_start3A_129 : memref<32xi32, #tpu.memory_space<hbm>>) target(%dma_start3A_128 : memref<32xi32, #tpu.memory_space<vmem>>) target_semaphore(%arg16 : memref<!tpu.dma_semaphore, #tpu.memory_space<semaphore_mem>>)
    %dma_start3A_130 = arith.constant 32 : i32
    %dma_start3A_131 = tpu.memref_slice %arg10[%dma_start3A_130] : memref<64xi32, #tpu.memory_space<vmem>> -> memref<32xi32, #tpu.memory_space<vmem>>
    %dma_start3A_132 = tpu.memref_slice %arg4[%add3A_123] : memref<160000xi32, #tpu.memory_space<hbm>> -> memref<32xi32, #tpu.memory_space<hbm>>
    %dma_start3A_133 = arith.constant 32 : i32
    %dma_start3A_134 = tpu.memref_slice %arg10[%dma_start3A_133] : memref<64xi32, #tpu.memory_space<vmem>> -> memref<32xi32, #tpu.memory_space<vmem>>
    %dma_start3A_135 = tpu.memref_slice %arg4[%add3A_123] : memref<160000xi32, #tpu.memory_space<hbm>> -> memref<32xi32, #tpu.memory_space<hbm>>
    tpu.enqueue_dma source(%dma_start3A_135 : memref<32xi32, #tpu.memory_space<hbm>>) target(%dma_start3A_134 : memref<32xi32, #tpu.memory_space<vmem>>) target_semaphore(%arg16 : memref<!tpu.dma_semaphore, #tpu.memory_space<semaphore_mem>>)
    %add3A_136 = arith.constant 0 : i32
    %add3A_137 = arith.addi %add3A_136, %add3A_123 : i32
    %dma_start3A_138 = arith.constant 144 : i32
    %dma_start3A_139 = tpu.memref_slice %arg11[%dma_start3A_138] : memref<288xf32, #tpu.memory_space<vmem>> -> memref<32xf32, #tpu.memory_space<vmem>>
    %dma_start3A_140 = tpu.memref_slice %arg5[%add3A_137] : memref<480000xf32, #tpu.memory_space<hbm>> -> memref<32xf32, #tpu.memory_space<hbm>>
    %dma_start3A_141 = arith.constant 144 : i32
    %dma_start3A_142 = tpu.memref_slice %arg11[%dma_start3A_141] : memref<288xf32, #tpu.memory_space<vmem>> -> memref<32xf32, #tpu.memory_space<vmem>>
    %dma_start3A_143 = tpu.memref_slice %arg5[%add3A_137] : memref<480000xf32, #tpu.memory_space<hbm>> -> memref<32xf32, #tpu.memory_space<hbm>>
    tpu.enqueue_dma source(%dma_start3A_143 : memref<32xf32, #tpu.memory_space<hbm>>) target(%dma_start3A_142 : memref<32xf32, #tpu.memory_space<vmem>>) target_semaphore(%arg16 : memref<!tpu.dma_semaphore, #tpu.memory_space<semaphore_mem>>)
    %add3A_144 = arith.constant 160000 : i32
    %add3A_145 = arith.addi %add3A_144, %add3A_123 : i32
    %dma_start3A_146 = arith.constant 192 : i32
    %dma_start3A_147 = tpu.memref_slice %arg11[%dma_start3A_146] : memref<288xf32, #tpu.memory_space<vmem>> -> memref<32xf32, #tpu.memory_space<vmem>>
    %dma_start3A_148 = tpu.memref_slice %arg5[%add3A_145] : memref<480000xf32, #tpu.memory_space<hbm>> -> memref<32xf32, #tpu.memory_space<hbm>>
    %dma_start3A_149 = arith.constant 192 : i32
    %dma_start3A_150 = tpu.memref_slice %arg11[%dma_start3A_149] : memref<288xf32, #tpu.memory_space<vmem>> -> memref<32xf32, #tpu.memory_space<vmem>>
    %dma_start3A_151 = tpu.memref_slice %arg5[%add3A_145] : memref<480000xf32, #tpu.memory_space<hbm>> -> memref<32xf32, #tpu.memory_space<hbm>>
    tpu.enqueue_dma source(%dma_start3A_151 : memref<32xf32, #tpu.memory_space<hbm>>) target(%dma_start3A_150 : memref<32xf32, #tpu.memory_space<vmem>>) target_semaphore(%arg16 : memref<!tpu.dma_semaphore, #tpu.memory_space<semaphore_mem>>)
    %add3A_152 = arith.constant 320000 : i32
    %add3A_153 = arith.addi %add3A_152, %add3A_123 : i32
    %dma_start3A_154 = arith.constant 240 : i32
    %dma_start3A_155 = tpu.memref_slice %arg11[%dma_start3A_154] : memref<288xf32, #tpu.memory_space<vmem>> -> memref<32xf32, #tpu.memory_space<vmem>>
    %dma_start3A_156 = tpu.memref_slice %arg5[%add3A_153] : memref<480000xf32, #tpu.memory_space<hbm>> -> memref<32xf32, #tpu.memory_space<hbm>>
    %dma_start3A_157 = arith.constant 240 : i32
    %dma_start3A_158 = tpu.memref_slice %arg11[%dma_start3A_157] : memref<288xf32, #tpu.memory_space<vmem>> -> memref<32xf32, #tpu.memory_space<vmem>>
    %dma_start3A_159 = tpu.memref_slice %arg5[%add3A_153] : memref<480000xf32, #tpu.memory_space<hbm>> -> memref<32xf32, #tpu.memory_space<hbm>>
    tpu.enqueue_dma source(%dma_start3A_159 : memref<32xf32, #tpu.memory_space<hbm>>) target(%dma_start3A_158 : memref<32xf32, #tpu.memory_space<vmem>>) target_semaphore(%arg16 : memref<!tpu.dma_semaphore, #tpu.memory_space<semaphore_mem>>)
    %scan3A = arith.constant 0 : i32
    %scan3A_160 = arith.constant 0 : i32
    %scan3A_161 = arith.constant 77 : i32
    %scan3A_162 = arith.addi %scan3A_160, %scan3A_161 : i32
    %scan3A_163 = arith.constant 1 : i32
    scf.for %scan3A_625 = %scan3A_160 to %scan3A_162 step %scan3A_163  : i32 {
      %mul3A_626 = arith.constant 2 : i32
      %mul3A_627 = arith.muli %scan3A_625, %mul3A_626 : i32
      %gt3A = arith.constant 0 : i32
      %gt3A_628 = arith.cmpi sgt, %scan3A_625, %gt3A : i32
      %convert_element_type3A_629 = arith.extui %gt3A_628 : i1 to i32
      %cond3A_630 = arith.constant 0 : i32
      %cond3A_631 = arith.cmpi ne, %convert_element_type3A_629, %cond3A_630 : i32
      scf.if %cond3A_631 {
        %sub3A = arith.constant 1 : i32
        %sub3A_1036 = arith.subi %mul3A_627, %sub3A : i32
        %mul3A_1037 = arith.constant 32 : i32
        %mul3A_1038 = arith.muli %sub3A_1036, %mul3A_1037 : i32
        %add3A_1039 = arith.addi %mul3A_2, %mul3A_1038 : i32
        %dma_wait3A_1040 = arith.constant 1 : i32
        %dma_wait3A_1041 = arith.constant 0 : i32
        %dma_wait3A_1042 = arith.constant 0 : i32
        %dma_wait3A_1043 = arith.constant 0 : i32
        %dma_wait3A_1044 = tpu.memref_slice %arg14[%dma_wait3A_1040, %dma_wait3A_1041, %dma_wait3A_1042, %dma_wait3A_1043] : memref<2x3x32x128xf32, #tpu.memory_space<vmem>> -> memref<1x3x32x128xf32, #tpu.memory_space<vmem>>
        %dma_wait3A_1045 = tpu.memref_squeeze %dma_wait3A_1044 : memref<1x3x32x128xf32, #tpu.memory_space<vmem>> -> memref<3x32x128xf32, #tpu.memory_space<vmem>>
        %dma_wait3A_1046 = arith.constant 0 : i32
        %dma_wait3A_1047 = arith.constant 0 : i32
        %dma_wait3A_1048 = tpu.memref_slice %arg7[%dma_wait3A_1046, %add3A_1039, %dma_wait3A_1047] : memref<3x160000x128xf32, #tpu.memory_space<hbm>> -> memref<3x32x128xf32, #tpu.memory_space<hbm>>
        %dma_wait3A_1049 = arith.constant 0 : i32
        %dma_wait3A_1050 = arith.constant 0 : i32
        %dma_wait3A_1051 = tpu.memref_slice %arg7[%dma_wait3A_1049, %add3A_1039, %dma_wait3A_1050] : memref<3x160000x128xf32, #tpu.memory_space<hbm>> -> memref<3x32x128xf32, #tpu.memory_space<hbm>>
        %dma_wait3A_1052 = arith.constant 0 : i32
        %dma_wait3A_1053 = arith.constant 0 : i32
        %dma_wait3A_1054 = arith.constant 0 : i32
        %dma_wait3A_1055 = tpu.memref_slice %arg14[%dma_wait3A_1040, %dma_wait3A_1052, %dma_wait3A_1053, %dma_wait3A_1054] : memref<2x3x32x128xf32, #tpu.memory_space<vmem>> -> memref<1x3x32x128xf32, #tpu.memory_space<vmem>>
        %dma_wait3A_1056 = tpu.memref_squeeze %dma_wait3A_1055 : memref<1x3x32x128xf32, #tpu.memory_space<vmem>> -> memref<3x32x128xf32, #tpu.memory_space<vmem>>
        tpu.wait_dma2 semaphore(%arg22 : memref<!tpu.dma_semaphore, #tpu.memory_space<semaphore_mem>>) src(%dma_wait3A_1056 : memref<3x32x128xf32, #tpu.memory_space<vmem>>) dst(%dma_wait3A_1051 : memref<3x32x128xf32, #tpu.memory_space<hbm>>)
      } else {
      }
      %add3A_632 = arith.constant 1 : i32
      %add3A_633 = arith.addi %mul3A_627, %add3A_632 : i32
      %mul3A_634 = arith.constant 32 : i32
      %mul3A_635 = arith.muli %add3A_633, %mul3A_634 : i32
      %add3A_636 = arith.addi %mul3A_2, %mul3A_635 : i32
      %dma_start3A_637 = arith.constant 1 : i32
      %dma_start3A_638 = arith.constant 0 : i32
      %dma_start3A_639 = arith.constant 0 : i32
      %dma_start3A_640 = arith.constant 0 : i32
      %dma_start3A_641 = tpu.memref_slice %arg14[%dma_start3A_637, %dma_start3A_638, %dma_start3A_639, %dma_start3A_640] : memref<2x3x32x128xf32, #tpu.memory_space<vmem>> -> memref<1x3x32x128xf32, #tpu.memory_space<vmem>>
      %dma_start3A_642 = tpu.memref_squeeze %dma_start3A_641 : memref<1x3x32x128xf32, #tpu.memory_space<vmem>> -> memref<3x32x128xf32, #tpu.memory_space<vmem>>
      %dma_start3A_643 = arith.constant 0 : i32
      %dma_start3A_644 = arith.constant 0 : i32
      %dma_start3A_645 = tpu.memref_slice %arg6[%dma_start3A_643, %add3A_636, %dma_start3A_644] : memref<3x160000x128xf32, #tpu.memory_space<hbm>> -> memref<3x32x128xf32, #tpu.memory_space<hbm>>
      %dma_start3A_646 = arith.constant 0 : i32
      %dma_start3A_647 = arith.constant 0 : i32
      %dma_start3A_648 = arith.constant 0 : i32
      %dma_start3A_649 = tpu.memref_slice %arg14[%dma_start3A_637, %dma_start3A_646, %dma_start3A_647, %dma_start3A_648] : memref<2x3x32x128xf32, #tpu.memory_space<vmem>> -> memref<1x3x32x128xf32, #tpu.memory_space<vmem>>
      %dma_start3A_650 = tpu.memref_squeeze %dma_start3A_649 : memref<1x3x32x128xf32, #tpu.memory_space<vmem>> -> memref<3x32x128xf32, #tpu.memory_space<vmem>>
      %dma_start3A_651 = arith.constant 0 : i32
      %dma_start3A_652 = arith.constant 0 : i32
      %dma_start3A_653 = tpu.memref_slice %arg6[%dma_start3A_651, %add3A_636, %dma_start3A_652] : memref<3x160000x128xf32, #tpu.memory_space<hbm>> -> memref<3x32x128xf32, #tpu.memory_space<hbm>>
      tpu.enqueue_dma source(%dma_start3A_653 : memref<3x32x128xf32, #tpu.memory_space<hbm>>) target(%dma_start3A_650 : memref<3x32x128xf32, #tpu.memory_space<vmem>>) target_semaphore(%arg20 : memref<!tpu.dma_semaphore, #tpu.memory_space<semaphore_mem>>)
      %mul3A_654 = arith.constant 32 : i32
      %mul3A_655 = arith.muli %mul3A_627, %mul3A_654 : i32
      %add3A_656 = arith.addi %mul3A_2, %mul3A_655 : i32
      %dma_wait3A_657 = arith.constant 0 : i32
      %dma_wait3A_658 = arith.constant 0 : i32
      %dma_wait3A_659 = arith.constant 0 : i32
      %dma_wait3A_660 = arith.constant 0 : i32
      %dma_wait3A_661 = tpu.memref_slice %arg14[%dma_wait3A_657, %dma_wait3A_658, %dma_wait3A_659, %dma_wait3A_660] : memref<2x3x32x128xf32, #tpu.memory_space<vmem>> -> memref<1x3x32x128xf32, #tpu.memory_space<vmem>>
      %dma_wait3A_662 = tpu.memref_squeeze %dma_wait3A_661 : memref<1x3x32x128xf32, #tpu.memory_space<vmem>> -> memref<3x32x128xf32, #tpu.memory_space<vmem>>
      %dma_wait3A_663 = arith.constant 0 : i32
      %dma_wait3A_664 = arith.constant 0 : i32
      %dma_wait3A_665 = tpu.memref_slice %arg6[%dma_wait3A_663, %add3A_656, %dma_wait3A_664] : memref<3x160000x128xf32, #tpu.memory_space<hbm>> -> memref<3x32x128xf32, #tpu.memory_space<hbm>>
      %dma_wait3A_666 = arith.constant 0 : i32
      %dma_wait3A_667 = arith.constant 0 : i32
      %dma_wait3A_668 = arith.constant 0 : i32
      %dma_wait3A_669 = tpu.memref_slice %arg14[%dma_wait3A_657, %dma_wait3A_666, %dma_wait3A_667, %dma_wait3A_668] : memref<2x3x32x128xf32, #tpu.memory_space<vmem>> -> memref<1x3x32x128xf32, #tpu.memory_space<vmem>>
      %dma_wait3A_670 = tpu.memref_squeeze %dma_wait3A_669 : memref<1x3x32x128xf32, #tpu.memory_space<vmem>> -> memref<3x32x128xf32, #tpu.memory_space<vmem>>
      %dma_wait3A_671 = arith.constant 0 : i32
      %dma_wait3A_672 = arith.constant 0 : i32
      %dma_wait3A_673 = tpu.memref_slice %arg6[%dma_wait3A_671, %add3A_656, %dma_wait3A_672] : memref<3x160000x128xf32, #tpu.memory_space<hbm>> -> memref<3x32x128xf32, #tpu.memory_space<hbm>>
      tpu.wait_dma2 semaphore(%arg19 : memref<!tpu.dma_semaphore, #tpu.memory_space<semaphore_mem>>) src(%dma_wait3A_673 : memref<3x32x128xf32, #tpu.memory_space<hbm>>) dst(%dma_wait3A_670 : memref<3x32x128xf32, #tpu.memory_space<vmem>>)
      %dma_wait3A_674 = arith.constant 0 : i32
      %dma_wait3A_675 = arith.constant 0 : i32
      %dma_wait3A_676 = arith.constant 0 : i32
      %dma_wait3A_677 = tpu.memref_slice %arg12[%dma_wait3A_674, %dma_wait3A_675, %dma_wait3A_676] : memref<2x32x128xf32, #tpu.memory_space<vmem>> -> memref<1x32x128xf32, #tpu.memory_space<vmem>>
      %dma_wait3A_678 = tpu.memref_squeeze %dma_wait3A_677 : memref<1x32x128xf32, #tpu.memory_space<vmem>> -> memref<32x128xf32, #tpu.memory_space<vmem>>
      %dma_wait3A_679 = arith.constant 0 : i32
      %dma_wait3A_680 = tpu.memref_slice %arg9[%dma_wait3A_679] : memref<64xi32, #tpu.memory_space<vmem>> -> memref<32xi32, #tpu.memory_space<vmem>>
      %dma_wait3A_681 = arith.constant 0 : i32
      %dma_wait3A_682 = arith.constant 0 : i32
      %dma_wait3A_683 = tpu.memref_slice %arg8[%dma_wait3A_681, %dma_wait3A_682] : memref<10000x128xf32, #tpu.memory_space<vmem_shared>> -> memref<10000x128xf32, #tpu.memory_space<vmem_shared>>
      tpu.wait_indirect_dma semaphore(%arg17 : memref<!tpu.dma_semaphore, #tpu.memory_space<semaphore_mem>>) src(%dma_wait3A_683 : memref<10000x128xf32, #tpu.memory_space<vmem_shared>>) dst(%dma_wait3A_678 : memref<32x128xf32, #tpu.memory_space<vmem>>)
      %dma_wait3A_684 = arith.constant 0 : i32
      %dma_wait3A_685 = arith.constant 0 : i32
      %dma_wait3A_686 = arith.constant 0 : i32
      %dma_wait3A_687 = tpu.memref_slice %arg13[%dma_wait3A_684, %dma_wait3A_685, %dma_wait3A_686] : memref<2x32x128xf32, #tpu.memory_space<vmem>> -> memref<1x32x128xf32, #tpu.memory_space<vmem>>
      %dma_wait3A_688 = tpu.memref_squeeze %dma_wait3A_687 : memref<1x32x128xf32, #tpu.memory_space<vmem>> -> memref<32x128xf32, #tpu.memory_space<vmem>>
      %dma_wait3A_689 = arith.constant 0 : i32
      %dma_wait3A_690 = tpu.memref_slice %arg10[%dma_wait3A_689] : memref<64xi32, #tpu.memory_space<vmem>> -> memref<32xi32, #tpu.memory_space<vmem>>
      %dma_wait3A_691 = arith.constant 0 : i32
      %dma_wait3A_692 = arith.constant 0 : i32
      %dma_wait3A_693 = tpu.memref_slice %arg8[%dma_wait3A_691, %dma_wait3A_692] : memref<10000x128xf32, #tpu.memory_space<vmem_shared>> -> memref<10000x128xf32, #tpu.memory_space<vmem_shared>>
      tpu.wait_indirect_dma semaphore(%arg17 : memref<!tpu.dma_semaphore, #tpu.memory_space<semaphore_mem>>) src(%dma_wait3A_693 : memref<10000x128xf32, #tpu.memory_space<vmem_shared>>) dst(%dma_wait3A_688 : memref<32x128xf32, #tpu.memory_space<vmem>>)
      %add3A_694 = arith.constant 1 : i32
      %add3A_695 = arith.addi %mul3A_627, %add3A_694 : i32
      %mul3A_696 = arith.constant 32 : i32
      %mul3A_697 = arith.muli %add3A_695, %mul3A_696 : i32
      %add3A_698 = arith.addi %mul3A_2, %mul3A_697 : i32
      %dma_wait3A_699 = arith.constant 32 : i32
      %dma_wait3A_700 = tpu.memref_slice %arg9[%dma_wait3A_699] : memref<64xi32, #tpu.memory_space<vmem>> -> memref<32xi32, #tpu.memory_space<vmem>>
      %dma_wait3A_701 = tpu.memref_slice %arg3[%add3A_698] : memref<160000xi32, #tpu.memory_space<hbm>> -> memref<32xi32, #tpu.memory_space<hbm>>
      %dma_wait3A_702 = arith.constant 32 : i32
      %dma_wait3A_703 = tpu.memref_slice %arg9[%dma_wait3A_702] : memref<64xi32, #tpu.memory_space<vmem>> -> memref<32xi32, #tpu.memory_space<vmem>>
      %dma_wait3A_704 = tpu.memref_slice %arg3[%add3A_698] : memref<160000xi32, #tpu.memory_space<hbm>> -> memref<32xi32, #tpu.memory_space<hbm>>
      tpu.wait_dma2 semaphore(%arg16 : memref<!tpu.dma_semaphore, #tpu.memory_space<semaphore_mem>>) src(%dma_wait3A_704 : memref<32xi32, #tpu.memory_space<hbm>>) dst(%dma_wait3A_703 : memref<32xi32, #tpu.memory_space<vmem>>)
      %dma_wait3A_705 = arith.constant 32 : i32
      %dma_wait3A_706 = tpu.memref_slice %arg10[%dma_wait3A_705] : memref<64xi32, #tpu.memory_space<vmem>> -> memref<32xi32, #tpu.memory_space<vmem>>
      %dma_wait3A_707 = tpu.memref_slice %arg4[%add3A_698] : memref<160000xi32, #tpu.memory_space<hbm>> -> memref<32xi32, #tpu.memory_space<hbm>>
      %dma_wait3A_708 = arith.constant 32 : i32
      %dma_wait3A_709 = tpu.memref_slice %arg10[%dma_wait3A_708] : memref<64xi32, #tpu.memory_space<vmem>> -> memref<32xi32, #tpu.memory_space<vmem>>
      %dma_wait3A_710 = tpu.memref_slice %arg4[%add3A_698] : memref<160000xi32, #tpu.memory_space<hbm>> -> memref<32xi32, #tpu.memory_space<hbm>>
      tpu.wait_dma2 semaphore(%arg16 : memref<!tpu.dma_semaphore, #tpu.memory_space<semaphore_mem>>) src(%dma_wait3A_710 : memref<32xi32, #tpu.memory_space<hbm>>) dst(%dma_wait3A_709 : memref<32xi32, #tpu.memory_space<vmem>>)
      %add3A_711 = arith.constant 0 : i32
      %add3A_712 = arith.addi %add3A_711, %add3A_698 : i32
      %dma_wait3A_713 = arith.constant 144 : i32
      %dma_wait3A_714 = tpu.memref_slice %arg11[%dma_wait3A_713] : memref<288xf32, #tpu.memory_space<vmem>> -> memref<32xf32, #tpu.memory_space<vmem>>
      %dma_wait3A_715 = tpu.memref_slice %arg5[%add3A_712] : memref<480000xf32, #tpu.memory_space<hbm>> -> memref<32xf32, #tpu.memory_space<hbm>>
      %dma_wait3A_716 = arith.constant 144 : i32
      %dma_wait3A_717 = tpu.memref_slice %arg11[%dma_wait3A_716] : memref<288xf32, #tpu.memory_space<vmem>> -> memref<32xf32, #tpu.memory_space<vmem>>
      %dma_wait3A_718 = tpu.memref_slice %arg5[%add3A_712] : memref<480000xf32, #tpu.memory_space<hbm>> -> memref<32xf32, #tpu.memory_space<hbm>>
      tpu.wait_dma2 semaphore(%arg16 : memref<!tpu.dma_semaphore, #tpu.memory_space<semaphore_mem>>) src(%dma_wait3A_718 : memref<32xf32, #tpu.memory_space<hbm>>) dst(%dma_wait3A_717 : memref<32xf32, #tpu.memory_space<vmem>>)
      %add3A_719 = arith.constant 160000 : i32
      %add3A_720 = arith.addi %add3A_719, %add3A_698 : i32
      %dma_wait3A_721 = arith.constant 192 : i32
      %dma_wait3A_722 = tpu.memref_slice %arg11[%dma_wait3A_721] : memref<288xf32, #tpu.memory_space<vmem>> -> memref<32xf32, #tpu.memory_space<vmem>>
      %dma_wait3A_723 = tpu.memref_slice %arg5[%add3A_720] : memref<480000xf32, #tpu.memory_space<hbm>> -> memref<32xf32, #tpu.memory_space<hbm>>
      %dma_wait3A_724 = arith.constant 192 : i32
      %dma_wait3A_725 = tpu.memref_slice %arg11[%dma_wait3A_724] : memref<288xf32, #tpu.memory_space<vmem>> -> memref<32xf32, #tpu.memory_space<vmem>>
      %dma_wait3A_726 = tpu.memref_slice %arg5[%add3A_720] : memref<480000xf32, #tpu.memory_space<hbm>> -> memref<32xf32, #tpu.memory_space<hbm>>
      tpu.wait_dma2 semaphore(%arg16 : memref<!tpu.dma_semaphore, #tpu.memory_space<semaphore_mem>>) src(%dma_wait3A_726 : memref<32xf32, #tpu.memory_space<hbm>>) dst(%dma_wait3A_725 : memref<32xf32, #tpu.memory_space<vmem>>)
      %add3A_727 = arith.constant 320000 : i32
      %add3A_728 = arith.addi %add3A_727, %add3A_698 : i32
      %dma_wait3A_729 = arith.constant 240 : i32
      %dma_wait3A_730 = tpu.memref_slice %arg11[%dma_wait3A_729] : memref<288xf32, #tpu.memory_space<vmem>> -> memref<32xf32, #tpu.memory_space<vmem>>
      %dma_wait3A_731 = tpu.memref_slice %arg5[%add3A_728] : memref<480000xf32, #tpu.memory_space<hbm>> -> memref<32xf32, #tpu.memory_space<hbm>>
      %dma_wait3A_732 = arith.constant 240 : i32
      %dma_wait3A_733 = tpu.memref_slice %arg11[%dma_wait3A_732] : memref<288xf32, #tpu.memory_space<vmem>> -> memref<32xf32, #tpu.memory_space<vmem>>
      %dma_wait3A_734 = tpu.memref_slice %arg5[%add3A_728] : memref<480000xf32, #tpu.memory_space<hbm>> -> memref<32xf32, #tpu.memory_space<hbm>>
      tpu.wait_dma2 semaphore(%arg16 : memref<!tpu.dma_semaphore, #tpu.memory_space<semaphore_mem>>) src(%dma_wait3A_734 : memref<32xf32, #tpu.memory_space<hbm>>) dst(%dma_wait3A_733 : memref<32xf32, #tpu.memory_space<vmem>>)
      %dma_start3A_735 = arith.constant 1 : i32
      %dma_start3A_736 = arith.constant 0 : i32
      %dma_start3A_737 = arith.constant 0 : i32
      %dma_start3A_738 = tpu.memref_slice %arg12[%dma_start3A_735, %dma_start3A_736, %dma_start3A_737] : memref<2x32x128xf32, #tpu.memory_space<vmem>> -> memref<1x32x128xf32, #tpu.memory_space<vmem>>
      %dma_start3A_739 = tpu.memref_squeeze %dma_start3A_738 : memref<1x32x128xf32, #tpu.memory_space<vmem>> -> memref<32x128xf32, #tpu.memory_space<vmem>>
      %dma_start3A_740 = arith.constant 32 : i32
      %dma_start3A_741 = tpu.memref_slice %arg9[%dma_start3A_740] : memref<64xi32, #tpu.memory_space<vmem>> -> memref<32xi32, #tpu.memory_space<vmem>>
      %dma_start3A_742 = arith.constant 0 : i32
      %dma_start3A_743 = arith.constant 0 : i32
      %dma_start3A_744 = tpu.memref_slice %arg8[%dma_start3A_742, %dma_start3A_743] : memref<10000x128xf32, #tpu.memory_space<vmem_shared>> -> memref<10000x128xf32, #tpu.memory_space<vmem_shared>>
      tpu.enqueue_indirect_dma source(%dma_start3A_744 : memref<10000x128xf32, #tpu.memory_space<vmem_shared>>) target(%dma_start3A_739 : memref<32x128xf32, #tpu.memory_space<vmem>>) offsets(%dma_start3A_741 : memref<32xi32, #tpu.memory_space<vmem>>) semaphore(%arg18 : memref<!tpu.dma_semaphore, #tpu.memory_space<semaphore_mem>>)
      %dma_start3A_745 = arith.constant 1 : i32
      %dma_start3A_746 = arith.constant 0 : i32
      %dma_start3A_747 = arith.constant 0 : i32
      %dma_start3A_748 = tpu.memref_slice %arg13[%dma_start3A_745, %dma_start3A_746, %dma_start3A_747] : memref<2x32x128xf32, #tpu.memory_space<vmem>> -> memref<1x32x128xf32, #tpu.memory_space<vmem>>
      %dma_start3A_749 = tpu.memref_squeeze %dma_start3A_748 : memref<1x32x128xf32, #tpu.memory_space<vmem>> -> memref<32x128xf32, #tpu.memory_space<vmem>>
      %dma_start3A_750 = arith.constant 32 : i32
      %dma_start3A_751 = tpu.memref_slice %arg10[%dma_start3A_750] : memref<64xi32, #tpu.memory_space<vmem>> -> memref<32xi32, #tpu.memory_space<vmem>>
      %dma_start3A_752 = arith.constant 0 : i32
      %dma_start3A_753 = arith.constant 0 : i32
      %dma_start3A_754 = tpu.memref_slice %arg8[%dma_start3A_752, %dma_start3A_753] : memref<10000x128xf32, #tpu.memory_space<vmem_shared>> -> memref<10000x128xf32, #tpu.memory_space<vmem_shared>>
      tpu.enqueue_indirect_dma source(%dma_start3A_754 : memref<10000x128xf32, #tpu.memory_space<vmem_shared>>) target(%dma_start3A_749 : memref<32x128xf32, #tpu.memory_space<vmem>>) offsets(%dma_start3A_751 : memref<32xi32, #tpu.memory_space<vmem>>) semaphore(%arg18 : memref<!tpu.dma_semaphore, #tpu.memory_space<semaphore_mem>>)
      %scan3A_755 = arith.constant 0 : i32
      %scan3A_756 = arith.constant 0 : i32
      %scan3A_757 = arith.constant 32 : i32
      %scan3A_758 = arith.addi %scan3A_756, %scan3A_757 : i32
      %scan3A_759 = arith.constant 1 : i32
      scf.for %scan3A_1036 = %scan3A_756 to %scan3A_758 step %scan3A_759  : i32 {
        %add3A_1037 = arith.constant 0 : i32
        %add3A_1038 = arith.addi %add3A_1037, %scan3A_1036 : i32
        %get3A = arith.index_cast %add3A_1038 : i32 to index
        %get3A_1039 = tpu.vector_load %arg11[%get3A] {strides = array<i32>} : memref<288xf32, #tpu.memory_space<vmem>>, vector<16xf32>,
        %get3A_1040 = vector.shape_cast %get3A_1039 : vector<16xf32> to vector<16xf32>
        %slice3A = vector.extract_strided_slice %get3A_1040 {offsets = [0], sizes = [1], strides = [1]} : vector<16xf32> to vector<1xf32>
        %squeeze3A = vector.extract %slice3A[0] : f32 from vector<1xf32>
        %add3A_1041 = arith.constant 48 : i32
        %add3A_1042 = arith.addi %add3A_1041, %scan3A_1036 : i32
        %get3A_1043 = arith.index_cast %add3A_1042 : i32 to index
        %get3A_1044 = tpu.vector_load %arg11[%get3A_1043] {strides = array<i32>} : memref<288xf32, #tpu.memory_space<vmem>>, vector<16xf32>,
        %get3A_1045 = vector.shape_cast %get3A_1044 : vector<16xf32> to vector<16xf32>
        %slice3A_1046 = vector.extract_strided_slice %get3A_1045 {offsets = [0], sizes = [1], strides = [1]} : vector<16xf32> to vector<1xf32>
        %squeeze3A_1047 = vector.extract %slice3A_1046[0] : f32 from vector<1xf32>
        %add3A_1048 = arith.constant 96 : i32
        %add3A_1049 = arith.addi %add3A_1048, %scan3A_1036 : i32
        %get3A_1050 = arith.index_cast %add3A_1049 : i32 to index
        %get3A_1051 = tpu.vector_load %arg11[%get3A_1050] {strides = array<i32>} : memref<288xf32, #tpu.memory_space<vmem>>, vector<16xf32>,
        %get3A_1052 = vector.shape_cast %get3A_1051 : vector<16xf32> to vector<16xf32>
        %slice3A_1053 = vector.extract_strided_slice %get3A_1052 {offsets = [0], sizes = [1], strides = [1]} : vector<16xf32> to vector<1xf32>
        %squeeze3A_1054 = vector.extract %slice3A_1053[0] : f32 from vector<1xf32>
        %get3A_1055 = arith.constant 0 : i32
        %get3A_1056 = arith.index_cast %get3A_1055 : i32 to index
        %get3A_1057 = arith.index_cast %scan3A_1036 : i32 to index
        %get3A_1058 = arith.constant 0 : index
        %get3A_1059 = tpu.vector_load %arg12[%get3A_1056, %get3A_1057, %get3A_1058] {strides = array<i32>} : memref<2x32x128xf32, #tpu.memory_space<vmem>>, vector<1x1x16xf32>,
        %get3A_1060 = vector.shape_cast %get3A_1059 : vector<1x1x16xf32> to vector<16xf32>
        %get3A_1061 = arith.constant 0 : i32
        %get3A_1062 = arith.index_cast %get3A_1061 : i32 to index
        %get3A_1063 = arith.index_cast %scan3A_1036 : i32 to index
        %get3A_1064 = arith.constant 0 : index
        %get3A_1065 = tpu.vector_load %arg13[%get3A_1062, %get3A_1063, %get3A_1064] {strides = array<i32>} : memref<2x32x128xf32, #tpu.memory_space<vmem>>, vector<1x1x16xf32>,
        %get3A_1066 = vector.shape_cast %get3A_1065 : vector<1x1x16xf32> to vector<16xf32>
        %sub3A = arith.subf %get3A_1060, %get3A_1066 : vector<16xf32>
        %get3A_1067 = arith.constant 0 : i32
        %get3A_1068 = arith.constant 0 : i32
        %get3A_1069 = arith.index_cast %get3A_1067 : i32 to index
        %get3A_1070 = arith.index_cast %get3A_1068 : i32 to index
        %get3A_1071 = arith.index_cast %scan3A_1036 : i32 to index
        %get3A_1072 = arith.constant 0 : index
        %get3A_1073 = tpu.vector_load %arg14[%get3A_1069, %get3A_1070, %get3A_1071, %get3A_1072] {strides = array<i32>} : memref<2x3x32x128xf32, #tpu.memory_space<vmem>>, vector<1x1x1x16xf32>,
        %get3A_1074 = vector.shape_cast %get3A_1073 : vector<1x1x1x16xf32> to vector<16xf32>
        %mul3A_1075 = arith.constant 5.000000e-01 : f32
        %mul3A_1076 = vector.broadcast %mul3A_1075 : f32 to vector<16xf32>
        %mul3A_1077 = arith.mulf %get3A_1074, %mul3A_1076 : vector<16xf32>
        %mul3A_1078 = vector.broadcast %squeeze3A : f32 to vector<16xf32>
        %mul3A_1079 = arith.mulf %mul3A_1078, %sub3A : vector<16xf32>
        %add3A_1080 = arith.addf %mul3A_1077, %mul3A_1079 : vector<16xf32>
        %swap3A = arith.constant 0 : i32
        %swap3A_1081 = arith.constant 0 : i32
        %swap3A_1082 = arith.index_cast %swap3A : i32 to index
        %swap3A_1083 = arith.index_cast %swap3A_1081 : i32 to index
        %swap3A_1084 = arith.index_cast %scan3A_1036 : i32 to index
        %swap3A_1085 = arith.constant 0 : index
        %swap3A_1086 = tpu.vector_load %arg14[%swap3A_1082, %swap3A_1083, %swap3A_1084, %swap3A_1085] {strides = array<i32>} : memref<2x3x32x128xf32, #tpu.memory_space<vmem>>, vector<1x1x1x16xf32>,
        %swap3A_1087 = vector.shape_cast %swap3A_1086 : vector<1x1x1x16xf32> to vector<16xf32>
        %swap3A_1088 = vector.shape_cast %add3A_1080 : vector<16xf32> to vector<1x1x1x16xf32>
        tpu.vector_store %arg14[%swap3A_1082, %swap3A_1083, %swap3A_1084, %swap3A_1085], %swap3A_1088 {strides = array<i32>} : memref<2x3x32x128xf32, #tpu.memory_space<vmem>>, vector<1x1x1x16xf32>,
        %get3A_1089 = arith.constant 0 : i32
        %get3A_1090 = arith.constant 1 : i32
        %get3A_1091 = arith.index_cast %get3A_1089 : i32 to index
        %get3A_1092 = arith.index_cast %get3A_1090 : i32 to index
        %get3A_1093 = arith.index_cast %scan3A_1036 : i32 to index
        %get3A_1094 = arith.constant 0 : index
        %get3A_1095 = tpu.vector_load %arg14[%get3A_1091, %get3A_1092, %get3A_1093, %get3A_1094] {strides = array<i32>} : memref<2x3x32x128xf32, #tpu.memory_space<vmem>>, vector<1x1x1x16xf32>,
        %get3A_1096 = vector.shape_cast %get3A_1095 : vector<1x1x1x16xf32> to vector<16xf32>
        %mul3A_1097 = arith.constant 5.000000e-01 : f32
        %mul3A_1098 = vector.broadcast %mul3A_1097 : f32 to vector<16xf32>
        %mul3A_1099 = arith.mulf %get3A_1096, %mul3A_1098 : vector<16xf32>
        %mul3A_1100 = vector.broadcast %squeeze3A_1047 : f32 to vector<16xf32>
        %mul3A_1101 = arith.mulf %mul3A_1100, %sub3A : vector<16xf32>
        %add3A_1102 = arith.addf %mul3A_1099, %mul3A_1101 : vector<16xf32>
        %swap3A_1103 = arith.constant 0 : i32
        %swap3A_1104 = arith.constant 1 : i32
        %swap3A_1105 = arith.index_cast %swap3A_1103 : i32 to index
        %swap3A_1106 = arith.index_cast %swap3A_1104 : i32 to index
        %swap3A_1107 = arith.index_cast %scan3A_1036 : i32 to index
        %swap3A_1108 = arith.constant 0 : index
        %swap3A_1109 = tpu.vector_load %arg14[%swap3A_1105, %swap3A_1106, %swap3A_1107, %swap3A_1108] {strides = array<i32>} : memref<2x3x32x128xf32, #tpu.memory_space<vmem>>, vector<1x1x1x16xf32>,
        %swap3A_1110 = vector.shape_cast %swap3A_1109 : vector<1x1x1x16xf32> to vector<16xf32>
        %swap3A_1111 = vector.shape_cast %add3A_1102 : vector<16xf32> to vector<1x1x1x16xf32>
        tpu.vector_store %arg14[%swap3A_1105, %swap3A_1106, %swap3A_1107, %swap3A_1108], %swap3A_1111 {strides = array<i32>} : memref<2x3x32x128xf32, #tpu.memory_space<vmem>>, vector<1x1x1x16xf32>,
        %get3A_1112 = arith.constant 0 : i32
        %get3A_1113 = arith.constant 2 : i32
        %get3A_1114 = arith.index_cast %get3A_1112 : i32 to index
        %get3A_1115 = arith.index_cast %get3A_1113 : i32 to index
        %get3A_1116 = arith.index_cast %scan3A_1036 : i32 to index
        %get3A_1117 = arith.constant 0 : index
        %get3A_1118 = tpu.vector_load %arg14[%get3A_1114, %get3A_1115, %get3A_1116, %get3A_1117] {strides = array<i32>} : memref<2x3x32x128xf32, #tpu.memory_space<vmem>>, vector<1x1x1x16xf32>,
        %get3A_1119 = vector.shape_cast %get3A_1118 : vector<1x1x1x16xf32> to vector<16xf32>
        %mul3A_1120 = arith.constant 5.000000e-01 : f32
        %mul3A_1121 = vector.broadcast %mul3A_1120 : f32 to vector<16xf32>
        %mul3A_1122 = arith.mulf %get3A_1119, %mul3A_1121 : vector<16xf32>
        %mul3A_1123 = vector.broadcast %squeeze3A_1054 : f32 to vector<16xf32>
        %mul3A_1124 = arith.mulf %mul3A_1123, %sub3A : vector<16xf32>
        %add3A_1125 = arith.addf %mul3A_1122, %mul3A_1124 : vector<16xf32>
        %swap3A_1126 = arith.constant 0 : i32
        %swap3A_1127 = arith.constant 2 : i32
        %swap3A_1128 = arith.index_cast %swap3A_1126 : i32 to index
        %swap3A_1129 = arith.index_cast %swap3A_1127 : i32 to index
        %swap3A_1130 = arith.index_cast %scan3A_1036 : i32 to index
        %swap3A_1131 = arith.constant 0 : index
        %swap3A_1132 = tpu.vector_load %arg14[%swap3A_1128, %swap3A_1129, %swap3A_1130, %swap3A_1131] {strides = array<i32>} : memref<2x3x32x128xf32, #tpu.memory_space<vmem>>, vector<1x1x1x16xf32>,
        %swap3A_1133 = vector.shape_cast %swap3A_1132 : vector<1x1x1x16xf32> to vector<16xf32>
        %swap3A_1134 = vector.shape_cast %add3A_1125 : vector<16xf32> to vector<1x1x1x16xf32>
        tpu.vector_store %arg14[%swap3A_1128, %swap3A_1129, %swap3A_1130, %swap3A_1131], %swap3A_1134 {strides = array<i32>} : memref<2x3x32x128xf32, #tpu.memory_space<vmem>>, vector<1x1x1x16xf32>,
        %get3A_1135 = arith.constant 0 : i32
        %get3A_1136 = arith.index_cast %get3A_1135 : i32 to index
        %get3A_1137 = arith.index_cast %scan3A_1036 : i32 to index
        %get3A_1138 = arith.constant 16 : index
        %get3A_1139 = tpu.vector_load %arg12[%get3A_1136, %get3A_1137, %get3A_1138] {strides = array<i32>} : memref<2x32x128xf32, #tpu.memory_space<vmem>>, vector<1x1x16xf32>,
        %get3A_1140 = vector.shape_cast %get3A_1139 : vector<1x1x16xf32> to vector<16xf32>
        %get3A_1141 = arith.constant 0 : i32
        %get3A_1142 = arith.index_cast %get3A_1141 : i32 to index
        %get3A_1143 = arith.index_cast %scan3A_1036 : i32 to index
        %get3A_1144 = arith.constant 16 : index
        %get3A_1145 = tpu.vector_load %arg13[%get3A_1142, %get3A_1143, %get3A_1144] {strides = array<i32>} : memref<2x32x128xf32, #tpu.memory_space<vmem>>, vector<1x1x16xf32>,
        %get3A_1146 = vector.shape_cast %get3A_1145 : vector<1x1x16xf32> to vector<16xf32>
        %sub3A_1147 = arith.subf %get3A_1140, %get3A_1146 : vector<16xf32>
        %get3A_1148 = arith.constant 0 : i32
        %get3A_1149 = arith.constant 0 : i32
        %get3A_1150 = arith.index_cast %get3A_1148 : i32 to index
        %get3A_1151 = arith.index_cast %get3A_1149 : i32 to index
        %get3A_1152 = arith.index_cast %scan3A_1036 : i32 to index
        %get3A_1153 = arith.constant 16 : index
        %get3A_1154 = tpu.vector_load %arg14[%get3A_1150, %get3A_1151, %get3A_1152, %get3A_1153] {strides = array<i32>} : memref<2x3x32x128xf32, #tpu.memory_space<vmem>>, vector<1x1x1x16xf32>,
        %get3A_1155 = vector.shape_cast %get3A_1154 : vector<1x1x1x16xf32> to vector<16xf32>
        %mul3A_1156 = arith.constant 5.000000e-01 : f32
        %mul3A_1157 = vector.broadcast %mul3A_1156 : f32 to vector<16xf32>
        %mul3A_1158 = arith.mulf %get3A_1155, %mul3A_1157 : vector<16xf32>
        %mul3A_1159 = vector.broadcast %squeeze3A : f32 to vector<16xf32>
        %mul3A_1160 = arith.mulf %mul3A_1159, %sub3A_1147 : vector<16xf32>
        %add3A_1161 = arith.addf %mul3A_1158, %mul3A_1160 : vector<16xf32>
        %swap3A_1162 = arith.constant 0 : i32
        %swap3A_1163 = arith.constant 0 : i32
        %swap3A_1164 = arith.index_cast %swap3A_1162 : i32 to index
        %swap3A_1165 = arith.index_cast %swap3A_1163 : i32 to index
        %swap3A_1166 = arith.index_cast %scan3A_1036 : i32 to index
        %swap3A_1167 = arith.constant 16 : index
        %swap3A_1168 = tpu.vector_load %arg14[%swap3A_1164, %swap3A_1165, %swap3A_1166, %swap3A_1167] {strides = array<i32>} : memref<2x3x32x128xf32, #tpu.memory_space<vmem>>, vector<1x1x1x16xf32>,
        %swap3A_1169 = vector.shape_cast %swap3A_1168 : vector<1x1x1x16xf32> to vector<16xf32>
        %swap3A_1170 = vector.shape_cast %add3A_1161 : vector<16xf32> to vector<1x1x1x16xf32>
        tpu.vector_store %arg14[%swap3A_1164, %swap3A_1165, %swap3A_1166, %swap3A_1167], %swap3A_1170 {strides = array<i32>} : memref<2x3x32x128xf32, #tpu.memory_space<vmem>>, vector<1x1x1x16xf32>,
        %get3A_1171 = arith.constant 0 : i32
        %get3A_1172 = arith.constant 1 : i32
        %get3A_1173 = arith.index_cast %get3A_1171 : i32 to index
        %get3A_1174 = arith.index_cast %get3A_1172 : i32 to index
        %get3A_1175 = arith.index_cast %scan3A_1036 : i32 to index
        %get3A_1176 = arith.constant 16 : index
        %get3A_1177 = tpu.vector_load %arg14[%get3A_1173, %get3A_1174, %get3A_1175, %get3A_1176] {strides = array<i32>} : memref<2x3x32x128xf32, #tpu.memory_space<vmem>>, vector<1x1x1x16xf32>,
        %get3A_1178 = vector.shape_cast %get3A_1177 : vector<1x1x1x16xf32> to vector<16xf32>
        %mul3A_1179 = arith.constant 5.000000e-01 : f32
        %mul3A_1180 = vector.broadcast %mul3A_1179 : f32 to vector<16xf32>
        %mul3A_1181 = arith.mulf %get3A_1178, %mul3A_1180 : vector<16xf32>
        %mul3A_1182 = vector.broadcast %squeeze3A_1047 : f32 to vector<16xf32>
        %mul3A_1183 = arith.mulf %mul3A_1182, %sub3A_1147 : vector<16xf32>
        %add3A_1184 = arith.addf %mul3A_1181, %mul3A_1183 : vector<16xf32>
        %swap3A_1185 = arith.constant 0 : i32
        %swap3A_1186 = arith.constant 1 : i32
        %swap3A_1187 = arith.index_cast %swap3A_1185 : i32 to index
        %swap3A_1188 = arith.index_cast %swap3A_1186 : i32 to index
        %swap3A_1189 = arith.index_cast %scan3A_1036 : i32 to index
        %swap3A_1190 = arith.constant 16 : index
        %swap3A_1191 = tpu.vector_load %arg14[%swap3A_1187, %swap3A_1188, %swap3A_1189, %swap3A_1190] {strides = array<i32>} : memref<2x3x32x128xf32, #tpu.memory_space<vmem>>, vector<1x1x1x16xf32>,
        %swap3A_1192 = vector.shape_cast %swap3A_1191 : vector<1x1x1x16xf32> to vector<16xf32>
        %swap3A_1193 = vector.shape_cast %add3A_1184 : vector<16xf32> to vector<1x1x1x16xf32>
        tpu.vector_store %arg14[%swap3A_1187, %swap3A_1188, %swap3A_1189, %swap3A_1190], %swap3A_1193 {strides = array<i32>} : memref<2x3x32x128xf32, #tpu.memory_space<vmem>>, vector<1x1x1x16xf32>,
        %get3A_1194 = arith.constant 0 : i32
        %get3A_1195 = arith.constant 2 : i32
        %get3A_1196 = arith.index_cast %get3A_1194 : i32 to index
        %get3A_1197 = arith.index_cast %get3A_1195 : i32 to index
        %get3A_1198 = arith.index_cast %scan3A_1036 : i32 to index
        %get3A_1199 = arith.constant 16 : index
        %get3A_1200 = tpu.vector_load %arg14[%get3A_1196, %get3A_1197, %get3A_1198, %get3A_1199] {strides = array<i32>} : memref<2x3x32x128xf32, #tpu.memory_space<vmem>>, vector<1x1x1x16xf32>,
        %get3A_1201 = vector.shape_cast %get3A_1200 : vector<1x1x1x16xf32> to vector<16xf32>
        %mul3A_1202 = arith.constant 5.000000e-01 : f32
        %mul3A_1203 = vector.broadcast %mul3A_1202 : f32 to vector<16xf32>
        %mul3A_1204 = arith.mulf %get3A_1201, %mul3A_1203 : vector<16xf32>
        %mul3A_1205 = vector.broadcast %squeeze3A_1054 : f32 to vector<16xf32>
        %mul3A_1206 = arith.mulf %mul3A_1205, %sub3A_1147 : vector<16xf32>
        %add3A_1207 = arith.addf %mul3A_1204, %mul3A_1206 : vector<16xf32>
        %swap3A_1208 = arith.constant 0 : i32
        %swap3A_1209 = arith.constant 2 : i32
        %swap3A_1210 = arith.index_cast %swap3A_1208 : i32 to index
        %swap3A_1211 = arith.index_cast %swap3A_1209 : i32 to index
        %swap3A_1212 = arith.index_cast %scan3A_1036 : i32 to index
        %swap3A_1213 = arith.constant 16 : index
        %swap3A_1214 = tpu.vector_load %arg14[%swap3A_1210, %swap3A_1211, %swap3A_1212, %swap3A_1213] {strides = array<i32>} : memref<2x3x32x128xf32, #tpu.memory_space<vmem>>, vector<1x1x1x16xf32>,
        %swap3A_1215 = vector.shape_cast %swap3A_1214 : vector<1x1x1x16xf32> to vector<16xf32>
        %swap3A_1216 = vector.shape_cast %add3A_1207 : vector<16xf32> to vector<1x1x1x16xf32>
        tpu.vector_store %arg14[%swap3A_1210, %swap3A_1211, %swap3A_1212, %swap3A_1213], %swap3A_1216 {strides = array<i32>} : memref<2x3x32x128xf32, #tpu.memory_space<vmem>>, vector<1x1x1x16xf32>,
        %get3A_1217 = arith.constant 0 : i32
        %get3A_1218 = arith.index_cast %get3A_1217 : i32 to index
        %get3A_1219 = arith.index_cast %scan3A_1036 : i32 to index
        %get3A_1220 = arith.constant 32 : index
        %get3A_1221 = tpu.vector_load %arg12[%get3A_1218, %get3A_1219, %get3A_1220] {strides = array<i32>} : memref<2x32x128xf32, #tpu.memory_space<vmem>>, vector<1x1x16xf32>,
        %get3A_1222 = vector.shape_cast %get3A_1221 : vector<1x1x16xf32> to vector<16xf32>
        %get3A_1223 = arith.constant 0 : i32
        %get3A_1224 = arith.index_cast %get3A_1223 : i32 to index
        %get3A_1225 = arith.index_cast %scan3A_1036 : i32 to index
        %get3A_1226 = arith.constant 32 : index
        %get3A_1227 = tpu.vector_load %arg13[%get3A_1224, %get3A_1225, %get3A_1226] {strides = array<i32>} : memref<2x32x128xf32, #tpu.memory_space<vmem>>, vector<1x1x16xf32>,
        %get3A_1228 = vector.shape_cast %get3A_1227 : vector<1x1x16xf32> to vector<16xf32>
        %sub3A_1229 = arith.subf %get3A_1222, %get3A_1228 : vector<16xf32>
        %get3A_1230 = arith.constant 0 : i32
        %get3A_1231 = arith.constant 0 : i32
        %get3A_1232 = arith.index_cast %get3A_1230 : i32 to index
        %get3A_1233 = arith.index_cast %get3A_1231 : i32 to index
        %get3A_1234 = arith.index_cast %scan3A_1036 : i32 to index
        %get3A_1235 = arith.constant 32 : index
        %get3A_1236 = tpu.vector_load %arg14[%get3A_1232, %get3A_1233, %get3A_1234, %get3A_1235] {strides = array<i32>} : memref<2x3x32x128xf32, #tpu.memory_space<vmem>>, vector<1x1x1x16xf32>,
        %get3A_1237 = vector.shape_cast %get3A_1236 : vector<1x1x1x16xf32> to vector<16xf32>
        %mul3A_1238 = arith.constant 5.000000e-01 : f32
        %mul3A_1239 = vector.broadcast %mul3A_1238 : f32 to vector<16xf32>
        %mul3A_1240 = arith.mulf %get3A_1237, %mul3A_1239 : vector<16xf32>
        %mul3A_1241 = vector.broadcast %squeeze3A : f32 to vector<16xf32>
        %mul3A_1242 = arith.mulf %mul3A_1241, %sub3A_1229 : vector<16xf32>
        %add3A_1243 = arith.addf %mul3A_1240, %mul3A_1242 : vector<16xf32>
        %swap3A_1244 = arith.constant 0 : i32
        %swap3A_1245 = arith.constant 0 : i32
        %swap3A_1246 = arith.index_cast %swap3A_1244 : i32 to index
        %swap3A_1247 = arith.index_cast %swap3A_1245 : i32 to index
        %swap3A_1248 = arith.index_cast %scan3A_1036 : i32 to index
        %swap3A_1249 = arith.constant 32 : index
        %swap3A_1250 = tpu.vector_load %arg14[%swap3A_1246, %swap3A_1247, %swap3A_1248, %swap3A_1249] {strides = array<i32>} : memref<2x3x32x128xf32, #tpu.memory_space<vmem>>, vector<1x1x1x16xf32>,
        %swap3A_1251 = vector.shape_cast %swap3A_1250 : vector<1x1x1x16xf32> to vector<16xf32>
        %swap3A_1252 = vector.shape_cast %add3A_1243 : vector<16xf32> to vector<1x1x1x16xf32>
        tpu.vector_store %arg14[%swap3A_1246, %swap3A_1247, %swap3A_1248, %swap3A_1249], %swap3A_1252 {strides = array<i32>} : memref<2x3x32x128xf32, #tpu.memory_space<vmem>>, vector<1x1x1x16xf32>,
        %get3A_1253 = arith.constant 0 : i32
        %get3A_1254 = arith.constant 1 : i32
        %get3A_1255 = arith.index_cast %get3A_1253 : i32 to index
        %get3A_1256 = arith.index_cast %get3A_1254 : i32 to index
        %get3A_1257 = arith.index_cast %scan3A_1036 : i32 to index
        %get3A_1258 = arith.constant 32 : index
        %get3A_1259 = tpu.vector_load %arg14[%get3A_1255, %get3A_1256, %get3A_1257, %get3A_1258] {strides = array<i32>} : memref<2x3x32x128xf32, #tpu.memory_space<vmem>>, vector<1x1x1x16xf32>,
        %get3A_1260 = vector.shape_cast %get3A_1259 : vector<1x1x1x16xf32> to vector<16xf32>
        %mul3A_1261 = arith.constant 5.000000e-01 : f32
        %mul3A_1262 = vector.broadcast %mul3A_1261 : f32 to vector<16xf32>
        %mul3A_1263 = arith.mulf %get3A_1260, %mul3A_1262 : vector<16xf32>
        %mul3A_1264 = vector.broadcast %squeeze3A_1047 : f32 to vector<16xf32>
        %mul3A_1265 = arith.mulf %mul3A_1264, %sub3A_1229 : vector<16xf32>
        %add3A_1266 = arith.addf %mul3A_1263, %mul3A_1265 : vector<16xf32>
        %swap3A_1267 = arith.constant 0 : i32
        %swap3A_1268 = arith.constant 1 : i32
        %swap3A_1269 = arith.index_cast %swap3A_1267 : i32 to index
        %swap3A_1270 = arith.index_cast %swap3A_1268 : i32 to index
        %swap3A_1271 = arith.index_cast %scan3A_1036 : i32 to index
        %swap3A_1272 = arith.constant 32 : index
        %swap3A_1273 = tpu.vector_load %arg14[%swap3A_1269, %swap3A_1270, %swap3A_1271, %swap3A_1272] {strides = array<i32>} : memref<2x3x32x128xf32, #tpu.memory_space<vmem>>, vector<1x1x1x16xf32>,
        %swap3A_1274 = vector.shape_cast %swap3A_1273 : vector<1x1x1x16xf32> to vector<16xf32>
        %swap3A_1275 = vector.shape_cast %add3A_1266 : vector<16xf32> to vector<1x1x1x16xf32>
        tpu.vector_store %arg14[%swap3A_1269, %swap3A_1270, %swap3A_1271, %swap3A_1272], %swap3A_1275 {strides = array<i32>} : memref<2x3x32x128xf32, #tpu.memory_space<vmem>>, vector<1x1x1x16xf32>,
        %get3A_1276 = arith.constant 0 : i32
        %get3A_1277 = arith.constant 2 : i32
        %get3A_1278 = arith.index_cast %get3A_1276 : i32 to index
        %get3A_1279 = arith.index_cast %get3A_1277 : i32 to index
        %get3A_1280 = arith.index_cast %scan3A_1036 : i32 to index
        %get3A_1281 = arith.constant 32 : index
        %get3A_1282 = tpu.vector_load %arg14[%get3A_1278, %get3A_1279, %get3A_1280, %get3A_1281] {strides = array<i32>} : memref<2x3x32x128xf32, #tpu.memory_space<vmem>>, vector<1x1x1x16xf32>,
        %get3A_1283 = vector.shape_cast %get3A_1282 : vector<1x1x1x16xf32> to vector<16xf32>
        %mul3A_1284 = arith.constant 5.000000e-01 : f32
        %mul3A_1285 = vector.broadcast %mul3A_1284 : f32 to vector<16xf32>
        %mul3A_1286 = arith.mulf %get3A_1283, %mul3A_1285 : vector<16xf32>
        %mul3A_1287 = vector.broadcast %squeeze3A_1054 : f32 to vector<16xf32>
        %mul3A_1288 = arith.mulf %mul3A_1287, %sub3A_1229 : vector<16xf32>
        %add3A_1289 = arith.addf %mul3A_1286, %mul3A_1288 : vector<16xf32>
        %swap3A_1290 = arith.constant 0 : i32
        %swap3A_1291 = arith.constant 2 : i32
        %swap3A_1292 = arith.index_cast %swap3A_1290 : i32 to index
        %swap3A_1293 = arith.index_cast %swap3A_1291 : i32 to index
        %swap3A_1294 = arith.index_cast %scan3A_1036 : i32 to index
        %swap3A_1295 = arith.constant 32 : index
        %swap3A_1296 = tpu.vector_load %arg14[%swap3A_1292, %swap3A_1293, %swap3A_1294, %swap3A_1295] {strides = array<i32>} : memref<2x3x32x128xf32, #tpu.memory_space<vmem>>, vector<1x1x1x16xf32>,
        %swap3A_1297 = vector.shape_cast %swap3A_1296 : vector<1x1x1x16xf32> to vector<16xf32>
        %swap3A_1298 = vector.shape_cast %add3A_1289 : vector<16xf32> to vector<1x1x1x16xf32>
        tpu.vector_store %arg14[%swap3A_1292, %swap3A_1293, %swap3A_1294, %swap3A_1295], %swap3A_1298 {strides = array<i32>} : memref<2x3x32x128xf32, #tpu.memory_space<vmem>>, vector<1x1x1x16xf32>,
        %get3A_1299 = arith.constant 0 : i32
        %get3A_1300 = arith.index_cast %get3A_1299 : i32 to index
        %get3A_1301 = arith.index_cast %scan3A_1036 : i32 to index
        %get3A_1302 = arith.constant 48 : index
        %get3A_1303 = tpu.vector_load %arg12[%get3A_1300, %get3A_1301, %get3A_1302] {strides = array<i32>} : memref<2x32x128xf32, #tpu.memory_space<vmem>>, vector<1x1x16xf32>,
        %get3A_1304 = vector.shape_cast %get3A_1303 : vector<1x1x16xf32> to vector<16xf32>
        %get3A_1305 = arith.constant 0 : i32
        %get3A_1306 = arith.index_cast %get3A_1305 : i32 to index
        %get3A_1307 = arith.index_cast %scan3A_1036 : i32 to index
        %get3A_1308 = arith.constant 48 : index
        %get3A_1309 = tpu.vector_load %arg13[%get3A_1306, %get3A_1307, %get3A_1308] {strides = array<i32>} : memref<2x32x128xf32, #tpu.memory_space<vmem>>, vector<1x1x16xf32>,
        %get3A_1310 = vector.shape_cast %get3A_1309 : vector<1x1x16xf32> to vector<16xf32>
        %sub3A_1311 = arith.subf %get3A_1304, %get3A_1310 : vector<16xf32>
        %get3A_1312 = arith.constant 0 : i32
        %get3A_1313 = arith.constant 0 : i32
        %get3A_1314 = arith.index_cast %get3A_1312 : i32 to index
        %get3A_1315 = arith.index_cast %get3A_1313 : i32 to index
        %get3A_1316 = arith.index_cast %scan3A_1036 : i32 to index
        %get3A_1317 = arith.constant 48 : index
        %get3A_1318 = tpu.vector_load %arg14[%get3A_1314, %get3A_1315, %get3A_1316, %get3A_1317] {strides = array<i32>} : memref<2x3x32x128xf32, #tpu.memory_space<vmem>>, vector<1x1x1x16xf32>,
        %get3A_1319 = vector.shape_cast %get3A_1318 : vector<1x1x1x16xf32> to vector<16xf32>
        %mul3A_1320 = arith.constant 5.000000e-01 : f32
        %mul3A_1321 = vector.broadcast %mul3A_1320 : f32 to vector<16xf32>
        %mul3A_1322 = arith.mulf %get3A_1319, %mul3A_1321 : vector<16xf32>
        %mul3A_1323 = vector.broadcast %squeeze3A : f32 to vector<16xf32>
        %mul3A_1324 = arith.mulf %mul3A_1323, %sub3A_1311 : vector<16xf32>
        %add3A_1325 = arith.addf %mul3A_1322, %mul3A_1324 : vector<16xf32>
        %swap3A_1326 = arith.constant 0 : i32
        %swap3A_1327 = arith.constant 0 : i32
        %swap3A_1328 = arith.index_cast %swap3A_1326 : i32 to index
        %swap3A_1329 = arith.index_cast %swap3A_1327 : i32 to index
        %swap3A_1330 = arith.index_cast %scan3A_1036 : i32 to index
        %swap3A_1331 = arith.constant 48 : index
        %swap3A_1332 = tpu.vector_load %arg14[%swap3A_1328, %swap3A_1329, %swap3A_1330, %swap3A_1331] {strides = array<i32>} : memref<2x3x32x128xf32, #tpu.memory_space<vmem>>, vector<1x1x1x16xf32>,
        %swap3A_1333 = vector.shape_cast %swap3A_1332 : vector<1x1x1x16xf32> to vector<16xf32>
        %swap3A_1334 = vector.shape_cast %add3A_1325 : vector<16xf32> to vector<1x1x1x16xf32>
        tpu.vector_store %arg14[%swap3A_1328, %swap3A_1329, %swap3A_1330, %swap3A_1331], %swap3A_1334 {strides = array<i32>} : memref<2x3x32x128xf32, #tpu.memory_space<vmem>>, vector<1x1x1x16xf32>,
        %get3A_1335 = arith.constant 0 : i32
        %get3A_1336 = arith.constant 1 : i32
        %get3A_1337 = arith.index_cast %get3A_1335 : i32 to index
        %get3A_1338 = arith.index_cast %get3A_1336 : i32 to index
        %get3A_1339 = arith.index_cast %scan3A_1036 : i32 to index
        %get3A_1340 = arith.constant 48 : index
        %get3A_1341 = tpu.vector_load %arg14[%get3A_1337, %get3A_1338, %get3A_1339, %get3A_1340] {strides = array<i32>} : memref<2x3x32x128xf32, #tpu.memory_space<vmem>>, vector<1x1x1x16xf32>,
        %get3A_1342 = vector.shape_cast %get3A_1341 : vector<1x1x1x16xf32> to vector<16xf32>
        %mul3A_1343 = arith.constant 5.000000e-01 : f32
        %mul3A_1344 = vector.broadcast %mul3A_1343 : f32 to vector<16xf32>
        %mul3A_1345 = arith.mulf %get3A_1342, %mul3A_1344 : vector<16xf32>
        %mul3A_1346 = vector.broadcast %squeeze3A_1047 : f32 to vector<16xf32>
        %mul3A_1347 = arith.mulf %mul3A_1346, %sub3A_1311 : vector<16xf32>
        %add3A_1348 = arith.addf %mul3A_1345, %mul3A_1347 : vector<16xf32>
        %swap3A_1349 = arith.constant 0 : i32
        %swap3A_1350 = arith.constant 1 : i32
        %swap3A_1351 = arith.index_cast %swap3A_1349 : i32 to index
        %swap3A_1352 = arith.index_cast %swap3A_1350 : i32 to index
        %swap3A_1353 = arith.index_cast %scan3A_1036 : i32 to index
        %swap3A_1354 = arith.constant 48 : index
        %swap3A_1355 = tpu.vector_load %arg14[%swap3A_1351, %swap3A_1352, %swap3A_1353, %swap3A_1354] {strides = array<i32>} : memref<2x3x32x128xf32, #tpu.memory_space<vmem>>, vector<1x1x1x16xf32>,
        %swap3A_1356 = vector.shape_cast %swap3A_1355 : vector<1x1x1x16xf32> to vector<16xf32>
        %swap3A_1357 = vector.shape_cast %add3A_1348 : vector<16xf32> to vector<1x1x1x16xf32>
        tpu.vector_store %arg14[%swap3A_1351, %swap3A_1352, %swap3A_1353, %swap3A_1354], %swap3A_1357 {strides = array<i32>} : memref<2x3x32x128xf32, #tpu.memory_space<vmem>>, vector<1x1x1x16xf32>,
        %get3A_1358 = arith.constant 0 : i32
        %get3A_1359 = arith.constant 2 : i32
        %get3A_1360 = arith.index_cast %get3A_1358 : i32 to index
        %get3A_1361 = arith.index_cast %get3A_1359 : i32 to index
        %get3A_1362 = arith.index_cast %scan3A_1036 : i32 to index
        %get3A_1363 = arith.constant 48 : index
        %get3A_1364 = tpu.vector_load %arg14[%get3A_1360, %get3A_1361, %get3A_1362, %get3A_1363] {strides = array<i32>} : memref<2x3x32x128xf32, #tpu.memory_space<vmem>>, vector<1x1x1x16xf32>,
        %get3A_1365 = vector.shape_cast %get3A_1364 : vector<1x1x1x16xf32> to vector<16xf32>
        %mul3A_1366 = arith.constant 5.000000e-01 : f32
        %mul3A_1367 = vector.broadcast %mul3A_1366 : f32 to vector<16xf32>
        %mul3A_1368 = arith.mulf %get3A_1365, %mul3A_1367 : vector<16xf32>
        %mul3A_1369 = vector.broadcast %squeeze3A_1054 : f32 to vector<16xf32>
        %mul3A_1370 = arith.mulf %mul3A_1369, %sub3A_1311 : vector<16xf32>
        %add3A_1371 = arith.addf %mul3A_1368, %mul3A_1370 : vector<16xf32>
        %swap3A_1372 = arith.constant 0 : i32
        %swap3A_1373 = arith.constant 2 : i32
        %swap3A_1374 = arith.index_cast %swap3A_1372 : i32 to index
        %swap3A_1375 = arith.index_cast %swap3A_1373 : i32 to index
        %swap3A_1376 = arith.index_cast %scan3A_1036 : i32 to index
        %swap3A_1377 = arith.constant 48 : index
        %swap3A_1378 = tpu.vector_load %arg14[%swap3A_1374, %swap3A_1375, %swap3A_1376, %swap3A_1377] {strides = array<i32>} : memref<2x3x32x128xf32, #tpu.memory_space<vmem>>, vector<1x1x1x16xf32>,
        %swap3A_1379 = vector.shape_cast %swap3A_1378 : vector<1x1x1x16xf32> to vector<16xf32>
        %swap3A_1380 = vector.shape_cast %add3A_1371 : vector<16xf32> to vector<1x1x1x16xf32>
        tpu.vector_store %arg14[%swap3A_1374, %swap3A_1375, %swap3A_1376, %swap3A_1377], %swap3A_1380 {strides = array<i32>} : memref<2x3x32x128xf32, #tpu.memory_space<vmem>>, vector<1x1x1x16xf32>,
        %get3A_1381 = arith.constant 0 : i32
        %get3A_1382 = arith.index_cast %get3A_1381 : i32 to index
        %get3A_1383 = arith.index_cast %scan3A_1036 : i32 to index
        %get3A_1384 = arith.constant 64 : index
        %get3A_1385 = tpu.vector_load %arg12[%get3A_1382, %get3A_1383, %get3A_1384] {strides = array<i32>} : memref<2x32x128xf32, #tpu.memory_space<vmem>>, vector<1x1x16xf32>,
        %get3A_1386 = vector.shape_cast %get3A_1385 : vector<1x1x16xf32> to vector<16xf32>
        %get3A_1387 = arith.constant 0 : i32
        %get3A_1388 = arith.index_cast %get3A_1387 : i32 to index
        %get3A_1389 = arith.index_cast %scan3A_1036 : i32 to index
        %get3A_1390 = arith.constant 64 : index
        %get3A_1391 = tpu.vector_load %arg13[%get3A_1388, %get3A_1389, %get3A_1390] {strides = array<i32>} : memref<2x32x128xf32, #tpu.memory_space<vmem>>, vector<1x1x16xf32>,
        %get3A_1392 = vector.shape_cast %get3A_1391 : vector<1x1x16xf32> to vector<16xf32>
        %sub3A_1393 = arith.subf %get3A_1386, %get3A_1392 : vector<16xf32>
        %get3A_1394 = arith.constant 0 : i32
        %get3A_1395 = arith.constant 0 : i32
        %get3A_1396 = arith.index_cast %get3A_1394 : i32 to index
        %get3A_1397 = arith.index_cast %get3A_1395 : i32 to index
        %get3A_1398 = arith.index_cast %scan3A_1036 : i32 to index
        %get3A_1399 = arith.constant 64 : index
        %get3A_1400 = tpu.vector_load %arg14[%get3A_1396, %get3A_1397, %get3A_1398, %get3A_1399] {strides = array<i32>} : memref<2x3x32x128xf32, #tpu.memory_space<vmem>>, vector<1x1x1x16xf32>,
        %get3A_1401 = vector.shape_cast %get3A_1400 : vector<1x1x1x16xf32> to vector<16xf32>
        %mul3A_1402 = arith.constant 5.000000e-01 : f32
        %mul3A_1403 = vector.broadcast %mul3A_1402 : f32 to vector<16xf32>
        %mul3A_1404 = arith.mulf %get3A_1401, %mul3A_1403 : vector<16xf32>
        %mul3A_1405 = vector.broadcast %squeeze3A : f32 to vector<16xf32>
        %mul3A_1406 = arith.mulf %mul3A_1405, %sub3A_1393 : vector<16xf32>
        %add3A_1407 = arith.addf %mul3A_1404, %mul3A_1406 : vector<16xf32>
        %swap3A_1408 = arith.constant 0 : i32
        %swap3A_1409 = arith.constant 0 : i32
        %swap3A_1410 = arith.index_cast %swap3A_1408 : i32 to index
        %swap3A_1411 = arith.index_cast %swap3A_1409 : i32 to index
        %swap3A_1412 = arith.index_cast %scan3A_1036 : i32 to index
        %swap3A_1413 = arith.constant 64 : index
        %swap3A_1414 = tpu.vector_load %arg14[%swap3A_1410, %swap3A_1411, %swap3A_1412, %swap3A_1413] {strides = array<i32>} : memref<2x3x32x128xf32, #tpu.memory_space<vmem>>, vector<1x1x1x16xf32>,
        %swap3A_1415 = vector.shape_cast %swap3A_1414 : vector<1x1x1x16xf32> to vector<16xf32>
        %swap3A_1416 = vector.shape_cast %add3A_1407 : vector<16xf32> to vector<1x1x1x16xf32>
        tpu.vector_store %arg14[%swap3A_1410, %swap3A_1411, %swap3A_1412, %swap3A_1413], %swap3A_1416 {strides = array<i32>} : memref<2x3x32x128xf32, #tpu.memory_space<vmem>>, vector<1x1x1x16xf32>,
        %get3A_1417 = arith.constant 0 : i32
        %get3A_1418 = arith.constant 1 : i32
        %get3A_1419 = arith.index_cast %get3A_1417 : i32 to index
        %get3A_1420 = arith.index_cast %get3A_1418 : i32 to index
        %get3A_1421 = arith.index_cast %scan3A_1036 : i32 to index
        %get3A_1422 = arith.constant 64 : index
        %get3A_1423 = tpu.vector_load %arg14[%get3A_1419, %get3A_1420, %get3A_1421, %get3A_1422] {strides = array<i32>} : memref<2x3x32x128xf32, #tpu.memory_space<vmem>>, vector<1x1x1x16xf32>,
        %get3A_1424 = vector.shape_cast %get3A_1423 : vector<1x1x1x16xf32> to vector<16xf32>
        %mul3A_1425 = arith.constant 5.000000e-01 : f32
        %mul3A_1426 = vector.broadcast %mul3A_1425 : f32 to vector<16xf32>
        %mul3A_1427 = arith.mulf %get3A_1424, %mul3A_1426 : vector<16xf32>
        %mul3A_1428 = vector.broadcast %squeeze3A_1047 : f32 to vector<16xf32>
        %mul3A_1429 = arith.mulf %mul3A_1428, %sub3A_1393 : vector<16xf32>
        %add3A_1430 = arith.addf %mul3A_1427, %mul3A_1429 : vector<16xf32>
        %swap3A_1431 = arith.constant 0 : i32
        %swap3A_1432 = arith.constant 1 : i32
        %swap3A_1433 = arith.index_cast %swap3A_1431 : i32 to index
        %swap3A_1434 = arith.index_cast %swap3A_1432 : i32 to index
        %swap3A_1435 = arith.index_cast %scan3A_1036 : i32 to index
        %swap3A_1436 = arith.constant 64 : index
        %swap3A_1437 = tpu.vector_load %arg14[%swap3A_1433, %swap3A_1434, %swap3A_1435, %swap3A_1436] {strides = array<i32>} : memref<2x3x32x128xf32, #tpu.memory_space<vmem>>, vector<1x1x1x16xf32>,
        %swap3A_1438 = vector.shape_cast %swap3A_1437 : vector<1x1x1x16xf32> to vector<16xf32>
        %swap3A_1439 = vector.shape_cast %add3A_1430 : vector<16xf32> to vector<1x1x1x16xf32>
        tpu.vector_store %arg14[%swap3A_1433, %swap3A_1434, %swap3A_1435, %swap3A_1436], %swap3A_1439 {strides = array<i32>} : memref<2x3x32x128xf32, #tpu.memory_space<vmem>>, vector<1x1x1x16xf32>,
        %get3A_1440 = arith.constant 0 : i32
        %get3A_1441 = arith.constant 2 : i32
        %get3A_1442 = arith.index_cast %get3A_1440 : i32 to index
        %get3A_1443 = arith.index_cast %get3A_1441 : i32 to index
        %get3A_1444 = arith.index_cast %scan3A_1036 : i32 to index
        %get3A_1445 = arith.constant 64 : index
        %get3A_1446 = tpu.vector_load %arg14[%get3A_1442, %get3A_1443, %get3A_1444, %get3A_1445] {strides = array<i32>} : memref<2x3x32x128xf32, #tpu.memory_space<vmem>>, vector<1x1x1x16xf32>,
        %get3A_1447 = vector.shape_cast %get3A_1446 : vector<1x1x1x16xf32> to vector<16xf32>
        %mul3A_1448 = arith.constant 5.000000e-01 : f32
        %mul3A_1449 = vector.broadcast %mul3A_1448 : f32 to vector<16xf32>
        %mul3A_1450 = arith.mulf %get3A_1447, %mul3A_1449 : vector<16xf32>
        %mul3A_1451 = vector.broadcast %squeeze3A_1054 : f32 to vector<16xf32>
        %mul3A_1452 = arith.mulf %mul3A_1451, %sub3A_1393 : vector<16xf32>
        %add3A_1453 = arith.addf %mul3A_1450, %mul3A_1452 : vector<16xf32>
        %swap3A_1454 = arith.constant 0 : i32
        %swap3A_1455 = arith.constant 2 : i32
        %swap3A_1456 = arith.index_cast %swap3A_1454 : i32 to index
        %swap3A_1457 = arith.index_cast %swap3A_1455 : i32 to index
        %swap3A_1458 = arith.index_cast %scan3A_1036 : i32 to index
        %swap3A_1459 = arith.constant 64 : index
        %swap3A_1460 = tpu.vector_load %arg14[%swap3A_1456, %swap3A_1457, %swap3A_1458, %swap3A_1459] {strides = array<i32>} : memref<2x3x32x128xf32, #tpu.memory_space<vmem>>, vector<1x1x1x16xf32>,
        %swap3A_1461 = vector.shape_cast %swap3A_1460 : vector<1x1x1x16xf32> to vector<16xf32>
        %swap3A_1462 = vector.shape_cast %add3A_1453 : vector<16xf32> to vector<1x1x1x16xf32>
        tpu.vector_store %arg14[%swap3A_1456, %swap3A_1457, %swap3A_1458, %swap3A_1459], %swap3A_1462 {strides = array<i32>} : memref<2x3x32x128xf32, #tpu.memory_space<vmem>>, vector<1x1x1x16xf32>,
        %get3A_1463 = arith.constant 0 : i32
        %get3A_1464 = arith.index_cast %get3A_1463 : i32 to index
        %get3A_1465 = arith.index_cast %scan3A_1036 : i32 to index
        %get3A_1466 = arith.constant 80 : index
        %get3A_1467 = tpu.vector_load %arg12[%get3A_1464, %get3A_1465, %get3A_1466] {strides = array<i32>} : memref<2x32x128xf32, #tpu.memory_space<vmem>>, vector<1x1x16xf32>,
        %get3A_1468 = vector.shape_cast %get3A_1467 : vector<1x1x16xf32> to vector<16xf32>
        %get3A_1469 = arith.constant 0 : i32
        %get3A_1470 = arith.index_cast %get3A_1469 : i32 to index
        %get3A_1471 = arith.index_cast %scan3A_1036 : i32 to index
        %get3A_1472 = arith.constant 80 : index
        %get3A_1473 = tpu.vector_load %arg13[%get3A_1470, %get3A_1471, %get3A_1472] {strides = array<i32>} : memref<2x32x128xf32, #tpu.memory_space<vmem>>, vector<1x1x16xf32>,
        %get3A_1474 = vector.shape_cast %get3A_1473 : vector<1x1x16xf32> to vector<16xf32>
        %sub3A_1475 = arith.subf %get3A_1468, %get3A_1474 : vector<16xf32>
        %get3A_1476 = arith.constant 0 : i32
        %get3A_1477 = arith.constant 0 : i32
        %get3A_1478 = arith.index_cast %get3A_1476 : i32 to index
        %get3A_1479 = arith.index_cast %get3A_1477 : i32 to index
        %get3A_1480 = arith.index_cast %scan3A_1036 : i32 to index
        %get3A_1481 = arith.constant 80 : index
        %get3A_1482 = tpu.vector_load %arg14[%get3A_1478, %get3A_1479, %get3A_1480, %get3A_1481] {strides = array<i32>} : memref<2x3x32x128xf32, #tpu.memory_space<vmem>>, vector<1x1x1x16xf32>,
        %get3A_1483 = vector.shape_cast %get3A_1482 : vector<1x1x1x16xf32> to vector<16xf32>
        %mul3A_1484 = arith.constant 5.000000e-01 : f32
        %mul3A_1485 = vector.broadcast %mul3A_1484 : f32 to vector<16xf32>
        %mul3A_1486 = arith.mulf %get3A_1483, %mul3A_1485 : vector<16xf32>
        %mul3A_1487 = vector.broadcast %squeeze3A : f32 to vector<16xf32>
        %mul3A_1488 = arith.mulf %mul3A_1487, %sub3A_1475 : vector<16xf32>
        %add3A_1489 = arith.addf %mul3A_1486, %mul3A_1488 : vector<16xf32>
        %swap3A_1490 = arith.constant 0 : i32
        %swap3A_1491 = arith.constant 0 : i32
        %swap3A_1492 = arith.index_cast %swap3A_1490 : i32 to index
        %swap3A_1493 = arith.index_cast %swap3A_1491 : i32 to index
        %swap3A_1494 = arith.index_cast %scan3A_1036 : i32 to index
        %swap3A_1495 = arith.constant 80 : index
        %swap3A_1496 = tpu.vector_load %arg14[%swap3A_1492, %swap3A_1493, %swap3A_1494, %swap3A_1495] {strides = array<i32>} : memref<2x3x32x128xf32, #tpu.memory_space<vmem>>, vector<1x1x1x16xf32>,
        %swap3A_1497 = vector.shape_cast %swap3A_1496 : vector<1x1x1x16xf32> to vector<16xf32>
        %swap3A_1498 = vector.shape_cast %add3A_1489 : vector<16xf32> to vector<1x1x1x16xf32>
        tpu.vector_store %arg14[%swap3A_1492, %swap3A_1493, %swap3A_1494, %swap3A_1495], %swap3A_1498 {strides = array<i32>} : memref<2x3x32x128xf32, #tpu.memory_space<vmem>>, vector<1x1x1x16xf32>,
        %get3A_1499 = arith.constant 0 : i32
        %get3A_1500 = arith.constant 1 : i32
        %get3A_1501 = arith.index_cast %get3A_1499 : i32 to index
        %get3A_1502 = arith.index_cast %get3A_1500 : i32 to index
        %get3A_1503 = arith.index_cast %scan3A_1036 : i32 to index
        %get3A_1504 = arith.constant 80 : index
        %get3A_1505 = tpu.vector_load %arg14[%get3A_1501, %get3A_1502, %get3A_1503, %get3A_1504] {strides = array<i32>} : memref<2x3x32x128xf32, #tpu.memory_space<vmem>>, vector<1x1x1x16xf32>,
        %get3A_1506 = vector.shape_cast %get3A_1505 : vector<1x1x1x16xf32> to vector<16xf32>
        %mul3A_1507 = arith.constant 5.000000e-01 : f32
        %mul3A_1508 = vector.broadcast %mul3A_1507 : f32 to vector<16xf32>
        %mul3A_1509 = arith.mulf %get3A_1506, %mul3A_1508 : vector<16xf32>
        %mul3A_1510 = vector.broadcast %squeeze3A_1047 : f32 to vector<16xf32>
        %mul3A_1511 = arith.mulf %mul3A_1510, %sub3A_1475 : vector<16xf32>
        %add3A_1512 = arith.addf %mul3A_1509, %mul3A_1511 : vector<16xf32>
        %swap3A_1513 = arith.constant 0 : i32
        %swap3A_1514 = arith.constant 1 : i32
        %swap3A_1515 = arith.index_cast %swap3A_1513 : i32 to index
        %swap3A_1516 = arith.index_cast %swap3A_1514 : i32 to index
        %swap3A_1517 = arith.index_cast %scan3A_1036 : i32 to index
        %swap3A_1518 = arith.constant 80 : index
        %swap3A_1519 = tpu.vector_load %arg14[%swap3A_1515, %swap3A_1516, %swap3A_1517, %swap3A_1518] {strides = array<i32>} : memref<2x3x32x128xf32, #tpu.memory_space<vmem>>, vector<1x1x1x16xf32>,
        %swap3A_1520 = vector.shape_cast %swap3A_1519 : vector<1x1x1x16xf32> to vector<16xf32>
        %swap3A_1521 = vector.shape_cast %add3A_1512 : vector<16xf32> to vector<1x1x1x16xf32>
        tpu.vector_store %arg14[%swap3A_1515, %swap3A_1516, %swap3A_1517, %swap3A_1518], %swap3A_1521 {strides = array<i32>} : memref<2x3x32x128xf32, #tpu.memory_space<vmem>>, vector<1x1x1x16xf32>,
        %get3A_1522 = arith.constant 0 : i32
        %get3A_1523 = arith.constant 2 : i32
        %get3A_1524 = arith.index_cast %get3A_1522 : i32 to index
        %get3A_1525 = arith.index_cast %get3A_1523 : i32 to index
        %get3A_1526 = arith.index_cast %scan3A_1036 : i32 to index
        %get3A_1527 = arith.constant 80 : index
        %get3A_1528 = tpu.vector_load %arg14[%get3A_1524, %get3A_1525, %get3A_1526, %get3A_1527] {strides = array<i32>} : memref<2x3x32x128xf32, #tpu.memory_space<vmem>>, vector<1x1x1x16xf32>,
        %get3A_1529 = vector.shape_cast %get3A_1528 : vector<1x1x1x16xf32> to vector<16xf32>
        %mul3A_1530 = arith.constant 5.000000e-01 : f32
        %mul3A_1531 = vector.broadcast %mul3A_1530 : f32 to vector<16xf32>
        %mul3A_1532 = arith.mulf %get3A_1529, %mul3A_1531 : vector<16xf32>
        %mul3A_1533 = vector.broadcast %squeeze3A_1054 : f32 to vector<16xf32>
        %mul3A_1534 = arith.mulf %mul3A_1533, %sub3A_1475 : vector<16xf32>
        %add3A_1535 = arith.addf %mul3A_1532, %mul3A_1534 : vector<16xf32>
        %swap3A_1536 = arith.constant 0 : i32
        %swap3A_1537 = arith.constant 2 : i32
        %swap3A_1538 = arith.index_cast %swap3A_1536 : i32 to index
        %swap3A_1539 = arith.index_cast %swap3A_1537 : i32 to index
        %swap3A_1540 = arith.index_cast %scan3A_1036 : i32 to index
        %swap3A_1541 = arith.constant 80 : index
        %swap3A_1542 = tpu.vector_load %arg14[%swap3A_1538, %swap3A_1539, %swap3A_1540, %swap3A_1541] {strides = array<i32>} : memref<2x3x32x128xf32, #tpu.memory_space<vmem>>, vector<1x1x1x16xf32>,
        %swap3A_1543 = vector.shape_cast %swap3A_1542 : vector<1x1x1x16xf32> to vector<16xf32>
        %swap3A_1544 = vector.shape_cast %add3A_1535 : vector<16xf32> to vector<1x1x1x16xf32>
        tpu.vector_store %arg14[%swap3A_1538, %swap3A_1539, %swap3A_1540, %swap3A_1541], %swap3A_1544 {strides = array<i32>} : memref<2x3x32x128xf32, #tpu.memory_space<vmem>>, vector<1x1x1x16xf32>,
        %get3A_1545 = arith.constant 0 : i32
        %get3A_1546 = arith.index_cast %get3A_1545 : i32 to index
        %get3A_1547 = arith.index_cast %scan3A_1036 : i32 to index
        %get3A_1548 = arith.constant 96 : index
        %get3A_1549 = tpu.vector_load %arg12[%get3A_1546, %get3A_1547, %get3A_1548] {strides = array<i32>} : memref<2x32x128xf32, #tpu.memory_space<vmem>>, vector<1x1x16xf32>,
        %get3A_1550 = vector.shape_cast %get3A_1549 : vector<1x1x16xf32> to vector<16xf32>
        %get3A_1551 = arith.constant 0 : i32
        %get3A_1552 = arith.index_cast %get3A_1551 : i32 to index
        %get3A_1553 = arith.index_cast %scan3A_1036 : i32 to index
        %get3A_1554 = arith.constant 96 : index
        %get3A_1555 = tpu.vector_load %arg13[%get3A_1552, %get3A_1553, %get3A_1554] {strides = array<i32>} : memref<2x32x128xf32, #tpu.memory_space<vmem>>, vector<1x1x16xf32>,
        %get3A_1556 = vector.shape_cast %get3A_1555 : vector<1x1x16xf32> to vector<16xf32>
        %sub3A_1557 = arith.subf %get3A_1550, %get3A_1556 : vector<16xf32>
        %get3A_1558 = arith.constant 0 : i32
        %get3A_1559 = arith.constant 0 : i32
        %get3A_1560 = arith.index_cast %get3A_1558 : i32 to index
        %get3A_1561 = arith.index_cast %get3A_1559 : i32 to index
        %get3A_1562 = arith.index_cast %scan3A_1036 : i32 to index
        %get3A_1563 = arith.constant 96 : index
        %get3A_1564 = tpu.vector_load %arg14[%get3A_1560, %get3A_1561, %get3A_1562, %get3A_1563] {strides = array<i32>} : memref<2x3x32x128xf32, #tpu.memory_space<vmem>>, vector<1x1x1x16xf32>,
        %get3A_1565 = vector.shape_cast %get3A_1564 : vector<1x1x1x16xf32> to vector<16xf32>
        %mul3A_1566 = arith.constant 5.000000e-01 : f32
        %mul3A_1567 = vector.broadcast %mul3A_1566 : f32 to vector<16xf32>
        %mul3A_1568 = arith.mulf %get3A_1565, %mul3A_1567 : vector<16xf32>
        %mul3A_1569 = vector.broadcast %squeeze3A : f32 to vector<16xf32>
        %mul3A_1570 = arith.mulf %mul3A_1569, %sub3A_1557 : vector<16xf32>
        %add3A_1571 = arith.addf %mul3A_1568, %mul3A_1570 : vector<16xf32>
        %swap3A_1572 = arith.constant 0 : i32
        %swap3A_1573 = arith.constant 0 : i32
        %swap3A_1574 = arith.index_cast %swap3A_1572 : i32 to index
        %swap3A_1575 = arith.index_cast %swap3A_1573 : i32 to index
        %swap3A_1576 = arith.index_cast %scan3A_1036 : i32 to index
        %swap3A_1577 = arith.constant 96 : index
        %swap3A_1578 = tpu.vector_load %arg14[%swap3A_1574, %swap3A_1575, %swap3A_1576, %swap3A_1577] {strides = array<i32>} : memref<2x3x32x128xf32, #tpu.memory_space<vmem>>, vector<1x1x1x16xf32>,
        %swap3A_1579 = vector.shape_cast %swap3A_1578 : vector<1x1x1x16xf32> to vector<16xf32>
        %swap3A_1580 = vector.shape_cast %add3A_1571 : vector<16xf32> to vector<1x1x1x16xf32>
        tpu.vector_store %arg14[%swap3A_1574, %swap3A_1575, %swap3A_1576, %swap3A_1577], %swap3A_1580 {strides = array<i32>} : memref<2x3x32x128xf32, #tpu.memory_space<vmem>>, vector<1x1x1x16xf32>,
        %get3A_1581 = arith.constant 0 : i32
        %get3A_1582 = arith.constant 1 : i32
        %get3A_1583 = arith.index_cast %get3A_1581 : i32 to index
        %get3A_1584 = arith.index_cast %get3A_1582 : i32 to index
        %get3A_1585 = arith.index_cast %scan3A_1036 : i32 to index
        %get3A_1586 = arith.constant 96 : index
        %get3A_1587 = tpu.vector_load %arg14[%get3A_1583, %get3A_1584, %get3A_1585, %get3A_1586] {strides = array<i32>} : memref<2x3x32x128xf32, #tpu.memory_space<vmem>>, vector<1x1x1x16xf32>,
        %get3A_1588 = vector.shape_cast %get3A_1587 : vector<1x1x1x16xf32> to vector<16xf32>
        %mul3A_1589 = arith.constant 5.000000e-01 : f32
        %mul3A_1590 = vector.broadcast %mul3A_1589 : f32 to vector<16xf32>
        %mul3A_1591 = arith.mulf %get3A_1588, %mul3A_1590 : vector<16xf32>
        %mul3A_1592 = vector.broadcast %squeeze3A_1047 : f32 to vector<16xf32>
        %mul3A_1593 = arith.mulf %mul3A_1592, %sub3A_1557 : vector<16xf32>
        %add3A_1594 = arith.addf %mul3A_1591, %mul3A_1593 : vector<16xf32>
        %swap3A_1595 = arith.constant 0 : i32
        %swap3A_1596 = arith.constant 1 : i32
        %swap3A_1597 = arith.index_cast %swap3A_1595 : i32 to index
        %swap3A_1598 = arith.index_cast %swap3A_1596 : i32 to index
        %swap3A_1599 = arith.index_cast %scan3A_1036 : i32 to index
        %swap3A_1600 = arith.constant 96 : index
        %swap3A_1601 = tpu.vector_load %arg14[%swap3A_1597, %swap3A_1598, %swap3A_1599, %swap3A_1600] {strides = array<i32>} : memref<2x3x32x128xf32, #tpu.memory_space<vmem>>, vector<1x1x1x16xf32>,
        %swap3A_1602 = vector.shape_cast %swap3A_1601 : vector<1x1x1x16xf32> to vector<16xf32>
        %swap3A_1603 = vector.shape_cast %add3A_1594 : vector<16xf32> to vector<1x1x1x16xf32>
        tpu.vector_store %arg14[%swap3A_1597, %swap3A_1598, %swap3A_1599, %swap3A_1600], %swap3A_1603 {strides = array<i32>} : memref<2x3x32x128xf32, #tpu.memory_space<vmem>>, vector<1x1x1x16xf32>,
        %get3A_1604 = arith.constant 0 : i32
        %get3A_1605 = arith.constant 2 : i32
        %get3A_1606 = arith.index_cast %get3A_1604 : i32 to index
        %get3A_1607 = arith.index_cast %get3A_1605 : i32 to index
        %get3A_1608 = arith.index_cast %scan3A_1036 : i32 to index
        %get3A_1609 = arith.constant 96 : index
        %get3A_1610 = tpu.vector_load %arg14[%get3A_1606, %get3A_1607, %get3A_1608, %get3A_1609] {strides = array<i32>} : memref<2x3x32x128xf32, #tpu.memory_space<vmem>>, vector<1x1x1x16xf32>,
        %get3A_1611 = vector.shape_cast %get3A_1610 : vector<1x1x1x16xf32> to vector<16xf32>
        %mul3A_1612 = arith.constant 5.000000e-01 : f32
        %mul3A_1613 = vector.broadcast %mul3A_1612 : f32 to vector<16xf32>
        %mul3A_1614 = arith.mulf %get3A_1611, %mul3A_1613 : vector<16xf32>
        %mul3A_1615 = vector.broadcast %squeeze3A_1054 : f32 to vector<16xf32>
        %mul3A_1616 = arith.mulf %mul3A_1615, %sub3A_1557 : vector<16xf32>
        %add3A_1617 = arith.addf %mul3A_1614, %mul3A_1616 : vector<16xf32>
        %swap3A_1618 = arith.constant 0 : i32
        %swap3A_1619 = arith.constant 2 : i32
        %swap3A_1620 = arith.index_cast %swap3A_1618 : i32 to index
        %swap3A_1621 = arith.index_cast %swap3A_1619 : i32 to index
        %swap3A_1622 = arith.index_cast %scan3A_1036 : i32 to index
        %swap3A_1623 = arith.constant 96 : index
        %swap3A_1624 = tpu.vector_load %arg14[%swap3A_1620, %swap3A_1621, %swap3A_1622, %swap3A_1623] {strides = array<i32>} : memref<2x3x32x128xf32, #tpu.memory_space<vmem>>, vector<1x1x1x16xf32>,
        %swap3A_1625 = vector.shape_cast %swap3A_1624 : vector<1x1x1x16xf32> to vector<16xf32>
        %swap3A_1626 = vector.shape_cast %add3A_1617 : vector<16xf32> to vector<1x1x1x16xf32>
        tpu.vector_store %arg14[%swap3A_1620, %swap3A_1621, %swap3A_1622, %swap3A_1623], %swap3A_1626 {strides = array<i32>} : memref<2x3x32x128xf32, #tpu.memory_space<vmem>>, vector<1x1x1x16xf32>,
        %get3A_1627 = arith.constant 0 : i32
        %get3A_1628 = arith.index_cast %get3A_1627 : i32 to index
        %get3A_1629 = arith.index_cast %scan3A_1036 : i32 to index
        %get3A_1630 = arith.constant 112 : index
        %get3A_1631 = tpu.vector_load %arg12[%get3A_1628, %get3A_1629, %get3A_1630] {strides = array<i32>} : memref<2x32x128xf32, #tpu.memory_space<vmem>>, vector<1x1x16xf32>,
        %get3A_1632 = vector.shape_cast %get3A_1631 : vector<1x1x16xf32> to vector<16xf32>
        %get3A_1633 = arith.constant 0 : i32
        %get3A_1634 = arith.index_cast %get3A_1633 : i32 to index
        %get3A_1635 = arith.index_cast %scan3A_1036 : i32 to index
        %get3A_1636 = arith.constant 112 : index
        %get3A_1637 = tpu.vector_load %arg13[%get3A_1634, %get3A_1635, %get3A_1636] {strides = array<i32>} : memref<2x32x128xf32, #tpu.memory_space<vmem>>, vector<1x1x16xf32>,
        %get3A_1638 = vector.shape_cast %get3A_1637 : vector<1x1x16xf32> to vector<16xf32>
        %sub3A_1639 = arith.subf %get3A_1632, %get3A_1638 : vector<16xf32>
        %get3A_1640 = arith.constant 0 : i32
        %get3A_1641 = arith.constant 0 : i32
        %get3A_1642 = arith.index_cast %get3A_1640 : i32 to index
        %get3A_1643 = arith.index_cast %get3A_1641 : i32 to index
        %get3A_1644 = arith.index_cast %scan3A_1036 : i32 to index
        %get3A_1645 = arith.constant 112 : index
        %get3A_1646 = tpu.vector_load %arg14[%get3A_1642, %get3A_1643, %get3A_1644, %get3A_1645] {strides = array<i32>} : memref<2x3x32x128xf32, #tpu.memory_space<vmem>>, vector<1x1x1x16xf32>,
        %get3A_1647 = vector.shape_cast %get3A_1646 : vector<1x1x1x16xf32> to vector<16xf32>
        %mul3A_1648 = arith.constant 5.000000e-01 : f32
        %mul3A_1649 = vector.broadcast %mul3A_1648 : f32 to vector<16xf32>
        %mul3A_1650 = arith.mulf %get3A_1647, %mul3A_1649 : vector<16xf32>
        %mul3A_1651 = vector.broadcast %squeeze3A : f32 to vector<16xf32>
        %mul3A_1652 = arith.mulf %mul3A_1651, %sub3A_1639 : vector<16xf32>
        %add3A_1653 = arith.addf %mul3A_1650, %mul3A_1652 : vector<16xf32>
        %swap3A_1654 = arith.constant 0 : i32
        %swap3A_1655 = arith.constant 0 : i32
        %swap3A_1656 = arith.index_cast %swap3A_1654 : i32 to index
        %swap3A_1657 = arith.index_cast %swap3A_1655 : i32 to index
        %swap3A_1658 = arith.index_cast %scan3A_1036 : i32 to index
        %swap3A_1659 = arith.constant 112 : index
        %swap3A_1660 = tpu.vector_load %arg14[%swap3A_1656, %swap3A_1657, %swap3A_1658, %swap3A_1659] {strides = array<i32>} : memref<2x3x32x128xf32, #tpu.memory_space<vmem>>, vector<1x1x1x16xf32>,
        %swap3A_1661 = vector.shape_cast %swap3A_1660 : vector<1x1x1x16xf32> to vector<16xf32>
        %swap3A_1662 = vector.shape_cast %add3A_1653 : vector<16xf32> to vector<1x1x1x16xf32>
        tpu.vector_store %arg14[%swap3A_1656, %swap3A_1657, %swap3A_1658, %swap3A_1659], %swap3A_1662 {strides = array<i32>} : memref<2x3x32x128xf32, #tpu.memory_space<vmem>>, vector<1x1x1x16xf32>,
        %get3A_1663 = arith.constant 0 : i32
        %get3A_1664 = arith.constant 1 : i32
        %get3A_1665 = arith.index_cast %get3A_1663 : i32 to index
        %get3A_1666 = arith.index_cast %get3A_1664 : i32 to index
        %get3A_1667 = arith.index_cast %scan3A_1036 : i32 to index
        %get3A_1668 = arith.constant 112 : index
        %get3A_1669 = tpu.vector_load %arg14[%get3A_1665, %get3A_1666, %get3A_1667, %get3A_1668] {strides = array<i32>} : memref<2x3x32x128xf32, #tpu.memory_space<vmem>>, vector<1x1x1x16xf32>,
        %get3A_1670 = vector.shape_cast %get3A_1669 : vector<1x1x1x16xf32> to vector<16xf32>
        %mul3A_1671 = arith.constant 5.000000e-01 : f32
        %mul3A_1672 = vector.broadcast %mul3A_1671 : f32 to vector<16xf32>
        %mul3A_1673 = arith.mulf %get3A_1670, %mul3A_1672 : vector<16xf32>
        %mul3A_1674 = vector.broadcast %squeeze3A_1047 : f32 to vector<16xf32>
        %mul3A_1675 = arith.mulf %mul3A_1674, %sub3A_1639 : vector<16xf32>
        %add3A_1676 = arith.addf %mul3A_1673, %mul3A_1675 : vector<16xf32>
        %swap3A_1677 = arith.constant 0 : i32
        %swap3A_1678 = arith.constant 1 : i32
        %swap3A_1679 = arith.index_cast %swap3A_1677 : i32 to index
        %swap3A_1680 = arith.index_cast %swap3A_1678 : i32 to index
        %swap3A_1681 = arith.index_cast %scan3A_1036 : i32 to index
        %swap3A_1682 = arith.constant 112 : index
        %swap3A_1683 = tpu.vector_load %arg14[%swap3A_1679, %swap3A_1680, %swap3A_1681, %swap3A_1682] {strides = array<i32>} : memref<2x3x32x128xf32, #tpu.memory_space<vmem>>, vector<1x1x1x16xf32>,
        %swap3A_1684 = vector.shape_cast %swap3A_1683 : vector<1x1x1x16xf32> to vector<16xf32>
        %swap3A_1685 = vector.shape_cast %add3A_1676 : vector<16xf32> to vector<1x1x1x16xf32>
        tpu.vector_store %arg14[%swap3A_1679, %swap3A_1680, %swap3A_1681, %swap3A_1682], %swap3A_1685 {strides = array<i32>} : memref<2x3x32x128xf32, #tpu.memory_space<vmem>>, vector<1x1x1x16xf32>,
        %get3A_1686 = arith.constant 0 : i32
        %get3A_1687 = arith.constant 2 : i32
        %get3A_1688 = arith.index_cast %get3A_1686 : i32 to index
        %get3A_1689 = arith.index_cast %get3A_1687 : i32 to index
        %get3A_1690 = arith.index_cast %scan3A_1036 : i32 to index
        %get3A_1691 = arith.constant 112 : index
        %get3A_1692 = tpu.vector_load %arg14[%get3A_1688, %get3A_1689, %get3A_1690, %get3A_1691] {strides = array<i32>} : memref<2x3x32x128xf32, #tpu.memory_space<vmem>>, vector<1x1x1x16xf32>,
        %get3A_1693 = vector.shape_cast %get3A_1692 : vector<1x1x1x16xf32> to vector<16xf32>
        %mul3A_1694 = arith.constant 5.000000e-01 : f32
        %mul3A_1695 = vector.broadcast %mul3A_1694 : f32 to vector<16xf32>
        %mul3A_1696 = arith.mulf %get3A_1693, %mul3A_1695 : vector<16xf32>
        %mul3A_1697 = vector.broadcast %squeeze3A_1054 : f32 to vector<16xf32>
        %mul3A_1698 = arith.mulf %mul3A_1697, %sub3A_1639 : vector<16xf32>
        %add3A_1699 = arith.addf %mul3A_1696, %mul3A_1698 : vector<16xf32>
        %swap3A_1700 = arith.constant 0 : i32
        %swap3A_1701 = arith.constant 2 : i32
        %swap3A_1702 = arith.index_cast %swap3A_1700 : i32 to index
        %swap3A_1703 = arith.index_cast %swap3A_1701 : i32 to index
        %swap3A_1704 = arith.index_cast %scan3A_1036 : i32 to index
        %swap3A_1705 = arith.constant 112 : index
        %swap3A_1706 = tpu.vector_load %arg14[%swap3A_1702, %swap3A_1703, %swap3A_1704, %swap3A_1705] {strides = array<i32>} : memref<2x3x32x128xf32, #tpu.memory_space<vmem>>, vector<1x1x1x16xf32>,
        %swap3A_1707 = vector.shape_cast %swap3A_1706 : vector<1x1x1x16xf32> to vector<16xf32>
        %swap3A_1708 = vector.shape_cast %add3A_1699 : vector<16xf32> to vector<1x1x1x16xf32>
        tpu.vector_store %arg14[%swap3A_1702, %swap3A_1703, %swap3A_1704, %swap3A_1705], %swap3A_1708 {strides = array<i32>} : memref<2x3x32x128xf32, #tpu.memory_space<vmem>>, vector<1x1x1x16xf32>,
      }
      %scan3A_760 = arith.constant 32 : i32
      %add3A_761 = arith.constant 2 : i32
      %add3A_762 = arith.addi %mul3A_627, %add3A_761 : i32
      %mul3A_763 = arith.constant 32 : i32
      %mul3A_764 = arith.muli %add3A_762, %mul3A_763 : i32
      %add3A_765 = arith.addi %mul3A_2, %mul3A_764 : i32
      %dma_start3A_766 = arith.constant 0 : i32
      %dma_start3A_767 = tpu.memref_slice %arg9[%dma_start3A_766] : memref<64xi32, #tpu.memory_space<vmem>> -> memref<32xi32, #tpu.memory_space<vmem>>
      %dma_start3A_768 = tpu.memref_slice %arg3[%add3A_765] : memref<160000xi32, #tpu.memory_space<hbm>> -> memref<32xi32, #tpu.memory_space<hbm>>
      %dma_start3A_769 = arith.constant 0 : i32
      %dma_start3A_770 = tpu.memref_slice %arg9[%dma_start3A_769] : memref<64xi32, #tpu.memory_space<vmem>> -> memref<32xi32, #tpu.memory_space<vmem>>
      %dma_start3A_771 = tpu.memref_slice %arg3[%add3A_765] : memref<160000xi32, #tpu.memory_space<hbm>> -> memref<32xi32, #tpu.memory_space<hbm>>
      tpu.enqueue_dma source(%dma_start3A_771 : memref<32xi32, #tpu.memory_space<hbm>>) target(%dma_start3A_770 : memref<32xi32, #tpu.memory_space<vmem>>) target_semaphore(%arg15 : memref<!tpu.dma_semaphore, #tpu.memory_space<semaphore_mem>>)
      %dma_start3A_772 = arith.constant 0 : i32
      %dma_start3A_773 = tpu.memref_slice %arg10[%dma_start3A_772] : memref<64xi32, #tpu.memory_space<vmem>> -> memref<32xi32, #tpu.memory_space<vmem>>
      %dma_start3A_774 = tpu.memref_slice %arg4[%add3A_765] : memref<160000xi32, #tpu.memory_space<hbm>> -> memref<32xi32, #tpu.memory_space<hbm>>
      %dma_start3A_775 = arith.constant 0 : i32
      %dma_start3A_776 = tpu.memref_slice %arg10[%dma_start3A_775] : memref<64xi32, #tpu.memory_space<vmem>> -> memref<32xi32, #tpu.memory_space<vmem>>
      %dma_start3A_777 = tpu.memref_slice %arg4[%add3A_765] : memref<160000xi32, #tpu.memory_space<hbm>> -> memref<32xi32, #tpu.memory_space<hbm>>
      tpu.enqueue_dma source(%dma_start3A_777 : memref<32xi32, #tpu.memory_space<hbm>>) target(%dma_start3A_776 : memref<32xi32, #tpu.memory_space<vmem>>) target_semaphore(%arg15 : memref<!tpu.dma_semaphore, #tpu.memory_space<semaphore_mem>>)
      %add3A_778 = arith.constant 0 : i32
      %add3A_779 = arith.addi %add3A_778, %add3A_765 : i32
      %dma_start3A_780 = arith.constant 0 : i32
      %dma_start3A_781 = tpu.memref_slice %arg11[%dma_start3A_780] : memref<288xf32, #tpu.memory_space<vmem>> -> memref<32xf32, #tpu.memory_space<vmem>>
      %dma_start3A_782 = tpu.memref_slice %arg5[%add3A_779] : memref<480000xf32, #tpu.memory_space<hbm>> -> memref<32xf32, #tpu.memory_space<hbm>>
      %dma_start3A_783 = arith.constant 0 : i32
      %dma_start3A_784 = tpu.memref_slice %arg11[%dma_start3A_783] : memref<288xf32, #tpu.memory_space<vmem>> -> memref<32xf32, #tpu.memory_space<vmem>>
      %dma_start3A_785 = tpu.memref_slice %arg5[%add3A_779] : memref<480000xf32, #tpu.memory_space<hbm>> -> memref<32xf32, #tpu.memory_space<hbm>>
      tpu.enqueue_dma source(%dma_start3A_785 : memref<32xf32, #tpu.memory_space<hbm>>) target(%dma_start3A_784 : memref<32xf32, #tpu.memory_space<vmem>>) target_semaphore(%arg15 : memref<!tpu.dma_semaphore, #tpu.memory_space<semaphore_mem>>)
      %add3A_786 = arith.constant 160000 : i32
      %add3A_787 = arith.addi %add3A_786, %add3A_765 : i32
      %dma_start3A_788 = arith.constant 48 : i32
      %dma_start3A_789 = tpu.memref_slice %arg11[%dma_start3A_788] : memref<288xf32, #tpu.memory_space<vmem>> -> memref<32xf32, #tpu.memory_space<vmem>>
      %dma_start3A_790 = tpu.memref_slice %arg5[%add3A_787] : memref<480000xf32, #tpu.memory_space<hbm>> -> memref<32xf32, #tpu.memory_space<hbm>>
      %dma_start3A_791 = arith.constant 48 : i32
      %dma_start3A_792 = tpu.memref_slice %arg11[%dma_start3A_791] : memref<288xf32, #tpu.memory_space<vmem>> -> memref<32xf32, #tpu.memory_space<vmem>>
      %dma_start3A_793 = tpu.memref_slice %arg5[%add3A_787] : memref<480000xf32, #tpu.memory_space<hbm>> -> memref<32xf32, #tpu.memory_space<hbm>>
      tpu.enqueue_dma source(%dma_start3A_793 : memref<32xf32, #tpu.memory_space<hbm>>) target(%dma_start3A_792 : memref<32xf32, #tpu.memory_space<vmem>>) target_semaphore(%arg15 : memref<!tpu.dma_semaphore, #tpu.memory_space<semaphore_mem>>)
      %add3A_794 = arith.constant 320000 : i32
      %add3A_795 = arith.addi %add3A_794, %add3A_765 : i32
      %dma_start3A_796 = arith.constant 96 : i32
      %dma_start3A_797 = tpu.memref_slice %arg11[%dma_start3A_796] : memref<288xf32, #tpu.memory_space<vmem>> -> memref<32xf32, #tpu.memory_space<vmem>>
      %dma_start3A_798 = tpu.memref_slice %arg5[%add3A_795] : memref<480000xf32, #tpu.memory_space<hbm>> -> memref<32xf32, #tpu.memory_space<hbm>>
      %dma_start3A_799 = arith.constant 96 : i32
      %dma_start3A_800 = tpu.memref_slice %arg11[%dma_start3A_799] : memref<288xf32, #tpu.memory_space<vmem>> -> memref<32xf32, #tpu.memory_space<vmem>>
      %dma_start3A_801 = tpu.memref_slice %arg5[%add3A_795] : memref<480000xf32, #tpu.memory_space<hbm>> -> memref<32xf32, #tpu.memory_space<hbm>>
      tpu.enqueue_dma source(%dma_start3A_801 : memref<32xf32, #tpu.memory_space<hbm>>) target(%dma_start3A_800 : memref<32xf32, #tpu.memory_space<vmem>>) target_semaphore(%arg15 : memref<!tpu.dma_semaphore, #tpu.memory_space<semaphore_mem>>)
      %mul3A_802 = arith.constant 32 : i32
      %mul3A_803 = arith.muli %mul3A_627, %mul3A_802 : i32
      %add3A_804 = arith.addi %mul3A_2, %mul3A_803 : i32
      %dma_start3A_805 = arith.constant 0 : i32
      %dma_start3A_806 = arith.constant 0 : i32
      %dma_start3A_807 = arith.constant 0 : i32
      %dma_start3A_808 = arith.constant 0 : i32
      %dma_start3A_809 = tpu.memref_slice %arg14[%dma_start3A_805, %dma_start3A_806, %dma_start3A_807, %dma_start3A_808] : memref<2x3x32x128xf32, #tpu.memory_space<vmem>> -> memref<1x3x32x128xf32, #tpu.memory_space<vmem>>
      %dma_start3A_810 = tpu.memref_squeeze %dma_start3A_809 : memref<1x3x32x128xf32, #tpu.memory_space<vmem>> -> memref<3x32x128xf32, #tpu.memory_space<vmem>>
      %dma_start3A_811 = arith.constant 0 : i32
      %dma_start3A_812 = arith.constant 0 : i32
      %dma_start3A_813 = tpu.memref_slice %arg7[%dma_start3A_811, %add3A_804, %dma_start3A_812] : memref<3x160000x128xf32, #tpu.memory_space<hbm>> -> memref<3x32x128xf32, #tpu.memory_space<hbm>>
      %dma_start3A_814 = arith.constant 0 : i32
      %dma_start3A_815 = arith.constant 0 : i32
      %dma_start3A_816 = tpu.memref_slice %arg7[%dma_start3A_814, %add3A_804, %dma_start3A_815] : memref<3x160000x128xf32, #tpu.memory_space<hbm>> -> memref<3x32x128xf32, #tpu.memory_space<hbm>>
      %dma_start3A_817 = arith.constant 0 : i32
      %dma_start3A_818 = arith.constant 0 : i32
      %dma_start3A_819 = arith.constant 0 : i32
      %dma_start3A_820 = tpu.memref_slice %arg14[%dma_start3A_805, %dma_start3A_817, %dma_start3A_818, %dma_start3A_819] : memref<2x3x32x128xf32, #tpu.memory_space<vmem>> -> memref<1x3x32x128xf32, #tpu.memory_space<vmem>>
      %dma_start3A_821 = tpu.memref_squeeze %dma_start3A_820 : memref<1x3x32x128xf32, #tpu.memory_space<vmem>> -> memref<3x32x128xf32, #tpu.memory_space<vmem>>
      tpu.enqueue_dma source(%dma_start3A_821 : memref<3x32x128xf32, #tpu.memory_space<vmem>>) target(%dma_start3A_816 : memref<3x32x128xf32, #tpu.memory_space<hbm>>) target_semaphore(%arg21 : memref<!tpu.dma_semaphore, #tpu.memory_space<semaphore_mem>>)
      %mul3A_822 = arith.constant 32 : i32
      %mul3A_823 = arith.muli %mul3A_627, %mul3A_822 : i32
      %add3A_824 = arith.addi %mul3A_2, %mul3A_823 : i32
      %dma_wait3A_825 = arith.constant 0 : i32
      %dma_wait3A_826 = arith.constant 0 : i32
      %dma_wait3A_827 = arith.constant 0 : i32
      %dma_wait3A_828 = arith.constant 0 : i32
      %dma_wait3A_829 = tpu.memref_slice %arg14[%dma_wait3A_825, %dma_wait3A_826, %dma_wait3A_827, %dma_wait3A_828] : memref<2x3x32x128xf32, #tpu.memory_space<vmem>> -> memref<1x3x32x128xf32, #tpu.memory_space<vmem>>
      %dma_wait3A_830 = tpu.memref_squeeze %dma_wait3A_829 : memref<1x3x32x128xf32, #tpu.memory_space<vmem>> -> memref<3x32x128xf32, #tpu.memory_space<vmem>>
      %dma_wait3A_831 = arith.constant 0 : i32
      %dma_wait3A_832 = arith.constant 0 : i32
      %dma_wait3A_833 = tpu.memref_slice %arg7[%dma_wait3A_831, %add3A_824, %dma_wait3A_832] : memref<3x160000x128xf32, #tpu.memory_space<hbm>> -> memref<3x32x128xf32, #tpu.memory_space<hbm>>
      %dma_wait3A_834 = arith.constant 0 : i32
      %dma_wait3A_835 = arith.constant 0 : i32
      %dma_wait3A_836 = tpu.memref_slice %arg7[%dma_wait3A_834, %add3A_824, %dma_wait3A_835] : memref<3x160000x128xf32, #tpu.memory_space<hbm>> -> memref<3x32x128xf32, #tpu.memory_space<hbm>>
      %dma_wait3A_837 = arith.constant 0 : i32
      %dma_wait3A_838 = arith.constant 0 : i32
      %dma_wait3A_839 = arith.constant 0 : i32
      %dma_wait3A_840 = tpu.memref_slice %arg14[%dma_wait3A_825, %dma_wait3A_837, %dma_wait3A_838, %dma_wait3A_839] : memref<2x3x32x128xf32, #tpu.memory_space<vmem>> -> memref<1x3x32x128xf32, #tpu.memory_space<vmem>>
      %dma_wait3A_841 = tpu.memref_squeeze %dma_wait3A_840 : memref<1x3x32x128xf32, #tpu.memory_space<vmem>> -> memref<3x32x128xf32, #tpu.memory_space<vmem>>
      tpu.wait_dma2 semaphore(%arg21 : memref<!tpu.dma_semaphore, #tpu.memory_space<semaphore_mem>>) src(%dma_wait3A_841 : memref<3x32x128xf32, #tpu.memory_space<vmem>>) dst(%dma_wait3A_836 : memref<3x32x128xf32, #tpu.memory_space<hbm>>)
      %add3A_842 = arith.constant 2 : i32
      %add3A_843 = arith.addi %mul3A_627, %add3A_842 : i32
      %mul3A_844 = arith.constant 32 : i32
      %mul3A_845 = arith.muli %add3A_843, %mul3A_844 : i32
      %add3A_846 = arith.addi %mul3A_2, %mul3A_845 : i32
      %dma_start3A_847 = arith.constant 0 : i32
      %dma_start3A_848 = arith.constant 0 : i32
      %dma_start3A_849 = arith.constant 0 : i32
      %dma_start3A_850 = arith.constant 0 : i32
      %dma_start3A_851 = tpu.memref_slice %arg14[%dma_start3A_847, %dma_start3A_848, %dma_start3A_849, %dma_start3A_850] : memref<2x3x32x128xf32, #tpu.memory_space<vmem>> -> memref<1x3x32x128xf32, #tpu.memory_space<vmem>>
      %dma_start3A_852 = tpu.memref_squeeze %dma_start3A_851 : memref<1x3x32x128xf32, #tpu.memory_space<vmem>> -> memref<3x32x128xf32, #tpu.memory_space<vmem>>
      %dma_start3A_853 = arith.constant 0 : i32
      %dma_start3A_854 = arith.constant 0 : i32
      %dma_start3A_855 = tpu.memref_slice %arg6[%dma_start3A_853, %add3A_846, %dma_start3A_854] : memref<3x160000x128xf32, #tpu.memory_space<hbm>> -> memref<3x32x128xf32, #tpu.memory_space<hbm>>
      %dma_start3A_856 = arith.constant 0 : i32
      %dma_start3A_857 = arith.constant 0 : i32
      %dma_start3A_858 = arith.constant 0 : i32
      %dma_start3A_859 = tpu.memref_slice %arg14[%dma_start3A_847, %dma_start3A_856, %dma_start3A_857, %dma_start3A_858] : memref<2x3x32x128xf32, #tpu.memory_space<vmem>> -> memref<1x3x32x128xf32, #tpu.memory_space<vmem>>
      %dma_start3A_860 = tpu.memref_squeeze %dma_start3A_859 : memref<1x3x32x128xf32, #tpu.memory_space<vmem>> -> memref<3x32x128xf32, #tpu.memory_space<vmem>>
      %dma_start3A_861 = arith.constant 0 : i32
      %dma_start3A_862 = arith.constant 0 : i32
      %dma_start3A_863 = tpu.memref_slice %arg6[%dma_start3A_861, %add3A_846, %dma_start3A_862] : memref<3x160000x128xf32, #tpu.memory_space<hbm>> -> memref<3x32x128xf32, #tpu.memory_space<hbm>>
      tpu.enqueue_dma source(%dma_start3A_863 : memref<3x32x128xf32, #tpu.memory_space<hbm>>) target(%dma_start3A_860 : memref<3x32x128xf32, #tpu.memory_space<vmem>>) target_semaphore(%arg19 : memref<!tpu.dma_semaphore, #tpu.memory_space<semaphore_mem>>)
      %add3A_864 = arith.constant 1 : i32
      %add3A_865 = arith.addi %mul3A_627, %add3A_864 : i32
      %mul3A_866 = arith.constant 32 : i32
      %mul3A_867 = arith.muli %add3A_865, %mul3A_866 : i32
      %add3A_868 = arith.addi %mul3A_2, %mul3A_867 : i32
      %dma_wait3A_869 = arith.constant 1 : i32
      %dma_wait3A_870 = arith.constant 0 : i32
      %dma_wait3A_871 = arith.constant 0 : i32
      %dma_wait3A_872 = arith.constant 0 : i32
      %dma_wait3A_873 = tpu.memref_slice %arg14[%dma_wait3A_869, %dma_wait3A_870, %dma_wait3A_871, %dma_wait3A_872] : memref<2x3x32x128xf32, #tpu.memory_space<vmem>> -> memref<1x3x32x128xf32, #tpu.memory_space<vmem>>
      %dma_wait3A_874 = tpu.memref_squeeze %dma_wait3A_873 : memref<1x3x32x128xf32, #tpu.memory_space<vmem>> -> memref<3x32x128xf32, #tpu.memory_space<vmem>>
      %dma_wait3A_875 = arith.constant 0 : i32
      %dma_wait3A_876 = arith.constant 0 : i32
      %dma_wait3A_877 = tpu.memref_slice %arg6[%dma_wait3A_875, %add3A_868, %dma_wait3A_876] : memref<3x160000x128xf32, #tpu.memory_space<hbm>> -> memref<3x32x128xf32, #tpu.memory_space<hbm>>
      %dma_wait3A_878 = arith.constant 0 : i32
      %dma_wait3A_879 = arith.constant 0 : i32
      %dma_wait3A_880 = arith.constant 0 : i32
      %dma_wait3A_881 = tpu.memref_slice %arg14[%dma_wait3A_869, %dma_wait3A_878, %dma_wait3A_879, %dma_wait3A_880] : memref<2x3x32x128xf32, #tpu.memory_space<vmem>> -> memref<1x3x32x128xf32, #tpu.memory_space<vmem>>
      %dma_wait3A_882 = tpu.memref_squeeze %dma_wait3A_881 : memref<1x3x32x128xf32, #tpu.memory_space<vmem>> -> memref<3x32x128xf32, #tpu.memory_space<vmem>>
      %dma_wait3A_883 = arith.constant 0 : i32
      %dma_wait3A_884 = arith.constant 0 : i32
      %dma_wait3A_885 = tpu.memref_slice %arg6[%dma_wait3A_883, %add3A_868, %dma_wait3A_884] : memref<3x160000x128xf32, #tpu.memory_space<hbm>> -> memref<3x32x128xf32, #tpu.memory_space<hbm>>
      tpu.wait_dma2 semaphore(%arg20 : memref<!tpu.dma_semaphore, #tpu.memory_space<semaphore_mem>>) src(%dma_wait3A_885 : memref<3x32x128xf32, #tpu.memory_space<hbm>>) dst(%dma_wait3A_882 : memref<3x32x128xf32, #tpu.memory_space<vmem>>)
      %dma_wait3A_886 = arith.constant 1 : i32
      %dma_wait3A_887 = arith.constant 0 : i32
      %dma_wait3A_888 = arith.constant 0 : i32
      %dma_wait3A_889 = tpu.memref_slice %arg12[%dma_wait3A_886, %dma_wait3A_887, %dma_wait3A_888] : memref<2x32x128xf32, #tpu.memory_space<vmem>> -> memref<1x32x128xf32, #tpu.memory_space<vmem>>
      %dma_wait3A_890 = tpu.memref_squeeze %dma_wait3A_889 : memref<1x32x128xf32, #tpu.memory_space<vmem>> -> memref<32x128xf32, #tpu.memory_space<vmem>>
      %dma_wait3A_891 = arith.constant 32 : i32
      %dma_wait3A_892 = tpu.memref_slice %arg9[%dma_wait3A_891] : memref<64xi32, #tpu.memory_space<vmem>> -> memref<32xi32, #tpu.memory_space<vmem>>
      %dma_wait3A_893 = arith.constant 0 : i32
      %dma_wait3A_894 = arith.constant 0 : i32
      %dma_wait3A_895 = tpu.memref_slice %arg8[%dma_wait3A_893, %dma_wait3A_894] : memref<10000x128xf32, #tpu.memory_space<vmem_shared>> -> memref<10000x128xf32, #tpu.memory_space<vmem_shared>>
      tpu.wait_indirect_dma semaphore(%arg18 : memref<!tpu.dma_semaphore, #tpu.memory_space<semaphore_mem>>) src(%dma_wait3A_895 : memref<10000x128xf32, #tpu.memory_space<vmem_shared>>) dst(%dma_wait3A_890 : memref<32x128xf32, #tpu.memory_space<vmem>>)
      %dma_wait3A_896 = arith.constant 1 : i32
      %dma_wait3A_897 = arith.constant 0 : i32
      %dma_wait3A_898 = arith.constant 0 : i32
      %dma_wait3A_899 = tpu.memref_slice %arg13[%dma_wait3A_896, %dma_wait3A_897, %dma_wait3A_898] : memref<2x32x128xf32, #tpu.memory_space<vmem>> -> memref<1x32x128xf32, #tpu.memory_space<vmem>>
      %dma_wait3A_900 = tpu.memref_squeeze %dma_wait3A_899 : memref<1x32x128xf32, #tpu.memory_space<vmem>> -> memref<32x128xf32, #tpu.memory_space<vmem>>
      %dma_wait3A_901 = arith.constant 32 : i32
      %dma_wait3A_902 = tpu.memref_slice %arg10[%dma_wait3A_901] : memref<64xi32, #tpu.memory_space<vmem>> -> memref<32xi32, #tpu.memory_space<vmem>>
      %dma_wait3A_903 = arith.constant 0 : i32
      %dma_wait3A_904 = arith.constant 0 : i32
      %dma_wait3A_905 = tpu.memref_slice %arg8[%dma_wait3A_903, %dma_wait3A_904] : memref<10000x128xf32, #tpu.memory_space<vmem_shared>> -> memref<10000x128xf32, #tpu.memory_space<vmem_shared>>
      tpu.wait_indirect_dma semaphore(%arg18 : memref<!tpu.dma_semaphore, #tpu.memory_space<semaphore_mem>>) src(%dma_wait3A_905 : memref<10000x128xf32, #tpu.memory_space<vmem_shared>>) dst(%dma_wait3A_900 : memref<32x128xf32, #tpu.memory_space<vmem>>)
      %add3A_906 = arith.constant 2 : i32
      %add3A_907 = arith.addi %mul3A_627, %add3A_906 : i32
      %mul3A_908 = arith.constant 32 : i32
      %mul3A_909 = arith.muli %add3A_907, %mul3A_908 : i32
      %add3A_910 = arith.addi %mul3A_2, %mul3A_909 : i32
      %dma_wait3A_911 = arith.constant 0 : i32
      %dma_wait3A_912 = tpu.memref_slice %arg9[%dma_wait3A_911] : memref<64xi32, #tpu.memory_space<vmem>> -> memref<32xi32, #tpu.memory_space<vmem>>
      %dma_wait3A_913 = tpu.memref_slice %arg3[%add3A_910] : memref<160000xi32, #tpu.memory_space<hbm>> -> memref<32xi32, #tpu.memory_space<hbm>>
      %dma_wait3A_914 = arith.constant 0 : i32
      %dma_wait3A_915 = tpu.memref_slice %arg9[%dma_wait3A_914] : memref<64xi32, #tpu.memory_space<vmem>> -> memref<32xi32, #tpu.memory_space<vmem>>
      %dma_wait3A_916 = tpu.memref_slice %arg3[%add3A_910] : memref<160000xi32, #tpu.memory_space<hbm>> -> memref<32xi32, #tpu.memory_space<hbm>>
      tpu.wait_dma2 semaphore(%arg15 : memref<!tpu.dma_semaphore, #tpu.memory_space<semaphore_mem>>) src(%dma_wait3A_916 : memref<32xi32, #tpu.memory_space<hbm>>) dst(%dma_wait3A_915 : memref<32xi32, #tpu.memory_space<vmem>>)
      %dma_wait3A_917 = arith.constant 0 : i32
      %dma_wait3A_918 = tpu.memref_slice %arg10[%dma_wait3A_917] : memref<64xi32, #tpu.memory_space<vmem>> -> memref<32xi32, #tpu.memory_space<vmem>>
      %dma_wait3A_919 = tpu.memref_slice %arg4[%add3A_910] : memref<160000xi32, #tpu.memory_space<hbm>> -> memref<32xi32, #tpu.memory_space<hbm>>
      %dma_wait3A_920 = arith.constant 0 : i32
      %dma_wait3A_921 = tpu.memref_slice %arg10[%dma_wait3A_920] : memref<64xi32, #tpu.memory_space<vmem>> -> memref<32xi32, #tpu.memory_space<vmem>>
      %dma_wait3A_922 = tpu.memref_slice %arg4[%add3A_910] : memref<160000xi32, #tpu.memory_space<hbm>> -> memref<32xi32, #tpu.memory_space<hbm>>
      tpu.wait_dma2 semaphore(%arg15 : memref<!tpu.dma_semaphore, #tpu.memory_space<semaphore_mem>>) src(%dma_wait3A_922 : memref<32xi32, #tpu.memory_space<hbm>>) dst(%dma_wait3A_921 : memref<32xi32, #tpu.memory_space<vmem>>)
      %add3A_923 = arith.constant 0 : i32
      %add3A_924 = arith.addi %add3A_923, %add3A_910 : i32
      %dma_wait3A_925 = arith.constant 0 : i32
      %dma_wait3A_926 = tpu.memref_slice %arg11[%dma_wait3A_925] : memref<288xf32, #tpu.memory_space<vmem>> -> memref<32xf32, #tpu.memory_space<vmem>>
      %dma_wait3A_927 = tpu.memref_slice %arg5[%add3A_924] : memref<480000xf32, #tpu.memory_space<hbm>> -> memref<32xf32, #tpu.memory_space<hbm>>
      %dma_wait3A_928 = arith.constant 0 : i32
      %dma_wait3A_929 = tpu.memref_slice %arg11[%dma_wait3A_928] : memref<288xf32, #tpu.memory_space<vmem>> -> memref<32xf32, #tpu.memory_space<vmem>>
      %dma_wait3A_930 = tpu.memref_slice %arg5[%add3A_924] : memref<480000xf32, #tpu.memory_space<hbm>> -> memref<32xf32, #tpu.memory_space<hbm>>
      tpu.wait_dma2 semaphore(%arg15 : memref<!tpu.dma_semaphore, #tpu.memory_space<semaphore_mem>>) src(%dma_wait3A_930 : memref<32xf32, #tpu.memory_space<hbm>>) dst(%dma_wait3A_929 : memref<32xf32, #tpu.memory_space<vmem>>)
      %add3A_931 = arith.constant 160000 : i32
      %add3A_932 = arith.addi %add3A_931, %add3A_910 : i32
      %dma_wait3A_933 = arith.constant 48 : i32
      %dma_wait3A_934 = tpu.memref_slice %arg11[%dma_wait3A_933] : memref<288xf32, #tpu.memory_space<vmem>> -> memref<32xf32, #tpu.memory_space<vmem>>
      %dma_wait3A_935 = tpu.memref_slice %arg5[%add3A_932] : memref<480000xf32, #tpu.memory_space<hbm>> -> memref<32xf32, #tpu.memory_space<hbm>>
      %dma_wait3A_936 = arith.constant 48 : i32
      %dma_wait3A_937 = tpu.memref_slice %arg11[%dma_wait3A_936] : memref<288xf32, #tpu.memory_space<vmem>> -> memref<32xf32, #tpu.memory_space<vmem>>
      %dma_wait3A_938 = tpu.memref_slice %arg5[%add3A_932] : memref<480000xf32, #tpu.memory_space<hbm>> -> memref<32xf32, #tpu.memory_space<hbm>>
      tpu.wait_dma2 semaphore(%arg15 : memref<!tpu.dma_semaphore, #tpu.memory_space<semaphore_mem>>) src(%dma_wait3A_938 : memref<32xf32, #tpu.memory_space<hbm>>) dst(%dma_wait3A_937 : memref<32xf32, #tpu.memory_space<vmem>>)
      %add3A_939 = arith.constant 320000 : i32
      %add3A_940 = arith.addi %add3A_939, %add3A_910 : i32
      %dma_wait3A_941 = arith.constant 96 : i32
      %dma_wait3A_942 = tpu.memref_slice %arg11[%dma_wait3A_941] : memref<288xf32, #tpu.memory_space<vmem>> -> memref<32xf32, #tpu.memory_space<vmem>>
      %dma_wait3A_943 = tpu.memref_slice %arg5[%add3A_940] : memref<480000xf32, #tpu.memory_space<hbm>> -> memref<32xf32, #tpu.memory_space<hbm>>
      %dma_wait3A_944 = arith.constant 96 : i32
      %dma_wait3A_945 = tpu.memref_slice %arg11[%dma_wait3A_944] : memref<288xf32, #tpu.memory_space<vmem>> -> memref<32xf32, #tpu.memory_space<vmem>>
      %dma_wait3A_946 = tpu.memref_slice %arg5[%add3A_940] : memref<480000xf32, #tpu.memory_space<hbm>> -> memref<32xf32, #tpu.memory_space<hbm>>
      tpu.wait_dma2 semaphore(%arg15 : memref<!tpu.dma_semaphore, #tpu.memory_space<semaphore_mem>>) src(%dma_wait3A_946 : memref<32xf32, #tpu.memory_space<hbm>>) dst(%dma_wait3A_945 : memref<32xf32, #tpu.memory_space<vmem>>)
      %dma_start3A_947 = arith.constant 0 : i32
      %dma_start3A_948 = arith.constant 0 : i32
      %dma_start3A_949 = arith.constant 0 : i32
      %dma_start3A_950 = tpu.memref_slice %arg12[%dma_start3A_947, %dma_start3A_948, %dma_start3A_949] : memref<2x32x128xf32, #tpu.memory_space<vmem>> -> memref<1x32x128xf32, #tpu.memory_space<vmem>>
      %dma_start3A_951 = tpu.memref_squeeze %dma_start3A_950 : memref<1x32x128xf32, #tpu.memory_space<vmem>> -> memref<32x128xf32, #tpu.memory_space<vmem>>
      %dma_start3A_952 = arith.constant 0 : i32
      %dma_start3A_953 = tpu.memref_slice %arg9[%dma_start3A_952] : memref<64xi32, #tpu.memory_space<vmem>> -> memref<32xi32, #tpu.memory_space<vmem>>
      %dma_start3A_954 = arith.constant 0 : i32
      %dma_start3A_955 = arith.constant 0 : i32
      %dma_start3A_956 = tpu.memref_slice %arg8[%dma_start3A_954, %dma_start3A_955] : memref<10000x128xf32, #tpu.memory_space<vmem_shared>> -> memref<10000x128xf32, #tpu.memory_space<vmem_shared>>
      tpu.enqueue_indirect_dma source(%dma_start3A_956 : memref<10000x128xf32, #tpu.memory_space<vmem_shared>>) target(%dma_start3A_951 : memref<32x128xf32, #tpu.memory_space<vmem>>) offsets(%dma_start3A_953 : memref<32xi32, #tpu.memory_space<vmem>>) semaphore(%arg17 : memref<!tpu.dma_semaphore, #tpu.memory_space<semaphore_mem>>)
      %dma_start3A_957 = arith.constant 0 : i32
      %dma_start3A_958 = arith.constant 0 : i32
      %dma_start3A_959 = arith.constant 0 : i32
      %dma_start3A_960 = tpu.memref_slice %arg13[%dma_start3A_957, %dma_start3A_958, %dma_start3A_959] : memref<2x32x128xf32, #tpu.memory_space<vmem>> -> memref<1x32x128xf32, #tpu.memory_space<vmem>>
      %dma_start3A_961 = tpu.memref_squeeze %dma_start3A_960 : memref<1x32x128xf32, #tpu.memory_space<vmem>> -> memref<32x128xf32, #tpu.memory_space<vmem>>
      %dma_start3A_962 = arith.constant 0 : i32
      %dma_start3A_963 = tpu.memref_slice %arg10[%dma_start3A_962] : memref<64xi32, #tpu.memory_space<vmem>> -> memref<32xi32, #tpu.memory_space<vmem>>
      %dma_start3A_964 = arith.constant 0 : i32
      %dma_start3A_965 = arith.constant 0 : i32
      %dma_start3A_966 = tpu.memref_slice %arg8[%dma_start3A_964, %dma_start3A_965] : memref<10000x128xf32, #tpu.memory_space<vmem_shared>> -> memref<10000x128xf32, #tpu.memory_space<vmem_shared>>
      tpu.enqueue_indirect_dma source(%dma_start3A_966 : memref<10000x128xf32, #tpu.memory_space<vmem_shared>>) target(%dma_start3A_961 : memref<32x128xf32, #tpu.memory_space<vmem>>) offsets(%dma_start3A_963 : memref<32xi32, #tpu.memory_space<vmem>>) semaphore(%arg17 : memref<!tpu.dma_semaphore, #tpu.memory_space<semaphore_mem>>)
      %scan3A_967 = arith.constant 0 : i32
      %scan3A_968 = arith.constant 0 : i32
      %scan3A_969 = arith.constant 32 : i32
      %scan3A_970 = arith.addi %scan3A_968, %scan3A_969 : i32
      %scan3A_971 = arith.constant 1 : i32
      scf.for %scan3A_1036 = %scan3A_968 to %scan3A_970 step %scan3A_971  : i32 {
        %add3A_1037 = arith.constant 144 : i32
        %add3A_1038 = arith.addi %add3A_1037, %scan3A_1036 : i32
        %get3A = arith.index_cast %add3A_1038 : i32 to index
        %get3A_1039 = tpu.vector_load %arg11[%get3A] {strides = array<i32>} : memref<288xf32, #tpu.memory_space<vmem>>, vector<16xf32>,
        %get3A_1040 = vector.shape_cast %get3A_1039 : vector<16xf32> to vector<16xf32>
        %slice3A = vector.extract_strided_slice %get3A_1040 {offsets = [0], sizes = [1], strides = [1]} : vector<16xf32> to vector<1xf32>
        %squeeze3A = vector.extract %slice3A[0] : f32 from vector<1xf32>
        %add3A_1041 = arith.constant 192 : i32
        %add3A_1042 = arith.addi %add3A_1041, %scan3A_1036 : i32
        %get3A_1043 = arith.index_cast %add3A_1042 : i32 to index
        %get3A_1044 = tpu.vector_load %arg11[%get3A_1043] {strides = array<i32>} : memref<288xf32, #tpu.memory_space<vmem>>, vector<16xf32>,
        %get3A_1045 = vector.shape_cast %get3A_1044 : vector<16xf32> to vector<16xf32>
        %slice3A_1046 = vector.extract_strided_slice %get3A_1045 {offsets = [0], sizes = [1], strides = [1]} : vector<16xf32> to vector<1xf32>
        %squeeze3A_1047 = vector.extract %slice3A_1046[0] : f32 from vector<1xf32>
        %add3A_1048 = arith.constant 240 : i32
        %add3A_1049 = arith.addi %add3A_1048, %scan3A_1036 : i32
        %get3A_1050 = arith.index_cast %add3A_1049 : i32 to index
        %get3A_1051 = tpu.vector_load %arg11[%get3A_1050] {strides = array<i32>} : memref<288xf32, #tpu.memory_space<vmem>>, vector<16xf32>,
        %get3A_1052 = vector.shape_cast %get3A_1051 : vector<16xf32> to vector<16xf32>
        %slice3A_1053 = vector.extract_strided_slice %get3A_1052 {offsets = [0], sizes = [1], strides = [1]} : vector<16xf32> to vector<1xf32>
        %squeeze3A_1054 = vector.extract %slice3A_1053[0] : f32 from vector<1xf32>
        %get3A_1055 = arith.constant 1 : i32
        %get3A_1056 = arith.index_cast %get3A_1055 : i32 to index
        %get3A_1057 = arith.index_cast %scan3A_1036 : i32 to index
        %get3A_1058 = arith.constant 0 : index
        %get3A_1059 = tpu.vector_load %arg12[%get3A_1056, %get3A_1057, %get3A_1058] {strides = array<i32>} : memref<2x32x128xf32, #tpu.memory_space<vmem>>, vector<1x1x16xf32>,
        %get3A_1060 = vector.shape_cast %get3A_1059 : vector<1x1x16xf32> to vector<16xf32>
        %get3A_1061 = arith.constant 1 : i32
        %get3A_1062 = arith.index_cast %get3A_1061 : i32 to index
        %get3A_1063 = arith.index_cast %scan3A_1036 : i32 to index
        %get3A_1064 = arith.constant 0 : index
        %get3A_1065 = tpu.vector_load %arg13[%get3A_1062, %get3A_1063, %get3A_1064] {strides = array<i32>} : memref<2x32x128xf32, #tpu.memory_space<vmem>>, vector<1x1x16xf32>,
        %get3A_1066 = vector.shape_cast %get3A_1065 : vector<1x1x16xf32> to vector<16xf32>
        %sub3A = arith.subf %get3A_1060, %get3A_1066 : vector<16xf32>
        %get3A_1067 = arith.constant 1 : i32
        %get3A_1068 = arith.constant 0 : i32
        %get3A_1069 = arith.index_cast %get3A_1067 : i32 to index
        %get3A_1070 = arith.index_cast %get3A_1068 : i32 to index
        %get3A_1071 = arith.index_cast %scan3A_1036 : i32 to index
        %get3A_1072 = arith.constant 0 : index
        %get3A_1073 = tpu.vector_load %arg14[%get3A_1069, %get3A_1070, %get3A_1071, %get3A_1072] {strides = array<i32>} : memref<2x3x32x128xf32, #tpu.memory_space<vmem>>, vector<1x1x1x16xf32>,
        %get3A_1074 = vector.shape_cast %get3A_1073 : vector<1x1x1x16xf32> to vector<16xf32>
        %mul3A_1075 = arith.constant 5.000000e-01 : f32
        %mul3A_1076 = vector.broadcast %mul3A_1075 : f32 to vector<16xf32>
        %mul3A_1077 = arith.mulf %get3A_1074, %mul3A_1076 : vector<16xf32>
        %mul3A_1078 = vector.broadcast %squeeze3A : f32 to vector<16xf32>
        %mul3A_1079 = arith.mulf %mul3A_1078, %sub3A : vector<16xf32>
        %add3A_1080 = arith.addf %mul3A_1077, %mul3A_1079 : vector<16xf32>
        %swap3A = arith.constant 1 : i32
        %swap3A_1081 = arith.constant 0 : i32
        %swap3A_1082 = arith.index_cast %swap3A : i32 to index
        %swap3A_1083 = arith.index_cast %swap3A_1081 : i32 to index
        %swap3A_1084 = arith.index_cast %scan3A_1036 : i32 to index
        %swap3A_1085 = arith.constant 0 : index
        %swap3A_1086 = tpu.vector_load %arg14[%swap3A_1082, %swap3A_1083, %swap3A_1084, %swap3A_1085] {strides = array<i32>} : memref<2x3x32x128xf32, #tpu.memory_space<vmem>>, vector<1x1x1x16xf32>,
        %swap3A_1087 = vector.shape_cast %swap3A_1086 : vector<1x1x1x16xf32> to vector<16xf32>
        %swap3A_1088 = vector.shape_cast %add3A_1080 : vector<16xf32> to vector<1x1x1x16xf32>
        tpu.vector_store %arg14[%swap3A_1082, %swap3A_1083, %swap3A_1084, %swap3A_1085], %swap3A_1088 {strides = array<i32>} : memref<2x3x32x128xf32, #tpu.memory_space<vmem>>, vector<1x1x1x16xf32>,
        %get3A_1089 = arith.constant 1 : i32
        %get3A_1090 = arith.constant 1 : i32
        %get3A_1091 = arith.index_cast %get3A_1089 : i32 to index
        %get3A_1092 = arith.index_cast %get3A_1090 : i32 to index
        %get3A_1093 = arith.index_cast %scan3A_1036 : i32 to index
        %get3A_1094 = arith.constant 0 : index
        %get3A_1095 = tpu.vector_load %arg14[%get3A_1091, %get3A_1092, %get3A_1093, %get3A_1094] {strides = array<i32>} : memref<2x3x32x128xf32, #tpu.memory_space<vmem>>, vector<1x1x1x16xf32>,
        %get3A_1096 = vector.shape_cast %get3A_1095 : vector<1x1x1x16xf32> to vector<16xf32>
        %mul3A_1097 = arith.constant 5.000000e-01 : f32
        %mul3A_1098 = vector.broadcast %mul3A_1097 : f32 to vector<16xf32>
        %mul3A_1099 = arith.mulf %get3A_1096, %mul3A_1098 : vector<16xf32>
        %mul3A_1100 = vector.broadcast %squeeze3A_1047 : f32 to vector<16xf32>
        %mul3A_1101 = arith.mulf %mul3A_1100, %sub3A : vector<16xf32>
        %add3A_1102 = arith.addf %mul3A_1099, %mul3A_1101 : vector<16xf32>
        %swap3A_1103 = arith.constant 1 : i32
        %swap3A_1104 = arith.constant 1 : i32
        %swap3A_1105 = arith.index_cast %swap3A_1103 : i32 to index
        %swap3A_1106 = arith.index_cast %swap3A_1104 : i32 to index
        %swap3A_1107 = arith.index_cast %scan3A_1036 : i32 to index
        %swap3A_1108 = arith.constant 0 : index
        %swap3A_1109 = tpu.vector_load %arg14[%swap3A_1105, %swap3A_1106, %swap3A_1107, %swap3A_1108] {strides = array<i32>} : memref<2x3x32x128xf32, #tpu.memory_space<vmem>>, vector<1x1x1x16xf32>,
        %swap3A_1110 = vector.shape_cast %swap3A_1109 : vector<1x1x1x16xf32> to vector<16xf32>
        %swap3A_1111 = vector.shape_cast %add3A_1102 : vector<16xf32> to vector<1x1x1x16xf32>
        tpu.vector_store %arg14[%swap3A_1105, %swap3A_1106, %swap3A_1107, %swap3A_1108], %swap3A_1111 {strides = array<i32>} : memref<2x3x32x128xf32, #tpu.memory_space<vmem>>, vector<1x1x1x16xf32>,
        %get3A_1112 = arith.constant 1 : i32
        %get3A_1113 = arith.constant 2 : i32
        %get3A_1114 = arith.index_cast %get3A_1112 : i32 to index
        %get3A_1115 = arith.index_cast %get3A_1113 : i32 to index
        %get3A_1116 = arith.index_cast %scan3A_1036 : i32 to index
        %get3A_1117 = arith.constant 0 : index
        %get3A_1118 = tpu.vector_load %arg14[%get3A_1114, %get3A_1115, %get3A_1116, %get3A_1117] {strides = array<i32>} : memref<2x3x32x128xf32, #tpu.memory_space<vmem>>, vector<1x1x1x16xf32>,
        %get3A_1119 = vector.shape_cast %get3A_1118 : vector<1x1x1x16xf32> to vector<16xf32>
        %mul3A_1120 = arith.constant 5.000000e-01 : f32
        %mul3A_1121 = vector.broadcast %mul3A_1120 : f32 to vector<16xf32>
        %mul3A_1122 = arith.mulf %get3A_1119, %mul3A_1121 : vector<16xf32>
        %mul3A_1123 = vector.broadcast %squeeze3A_1054 : f32 to vector<16xf32>
        %mul3A_1124 = arith.mulf %mul3A_1123, %sub3A : vector<16xf32>
        %add3A_1125 = arith.addf %mul3A_1122, %mul3A_1124 : vector<16xf32>
        %swap3A_1126 = arith.constant 1 : i32
        %swap3A_1127 = arith.constant 2 : i32
        %swap3A_1128 = arith.index_cast %swap3A_1126 : i32 to index
        %swap3A_1129 = arith.index_cast %swap3A_1127 : i32 to index
        %swap3A_1130 = arith.index_cast %scan3A_1036 : i32 to index
        %swap3A_1131 = arith.constant 0 : index
        %swap3A_1132 = tpu.vector_load %arg14[%swap3A_1128, %swap3A_1129, %swap3A_1130, %swap3A_1131] {strides = array<i32>} : memref<2x3x32x128xf32, #tpu.memory_space<vmem>>, vector<1x1x1x16xf32>,
        %swap3A_1133 = vector.shape_cast %swap3A_1132 : vector<1x1x1x16xf32> to vector<16xf32>
        %swap3A_1134 = vector.shape_cast %add3A_1125 : vector<16xf32> to vector<1x1x1x16xf32>
        tpu.vector_store %arg14[%swap3A_1128, %swap3A_1129, %swap3A_1130, %swap3A_1131], %swap3A_1134 {strides = array<i32>} : memref<2x3x32x128xf32, #tpu.memory_space<vmem>>, vector<1x1x1x16xf32>,
        %get3A_1135 = arith.constant 1 : i32
        %get3A_1136 = arith.index_cast %get3A_1135 : i32 to index
        %get3A_1137 = arith.index_cast %scan3A_1036 : i32 to index
        %get3A_1138 = arith.constant 16 : index
        %get3A_1139 = tpu.vector_load %arg12[%get3A_1136, %get3A_1137, %get3A_1138] {strides = array<i32>} : memref<2x32x128xf32, #tpu.memory_space<vmem>>, vector<1x1x16xf32>,
        %get3A_1140 = vector.shape_cast %get3A_1139 : vector<1x1x16xf32> to vector<16xf32>
        %get3A_1141 = arith.constant 1 : i32
        %get3A_1142 = arith.index_cast %get3A_1141 : i32 to index
        %get3A_1143 = arith.index_cast %scan3A_1036 : i32 to index
        %get3A_1144 = arith.constant 16 : index
        %get3A_1145 = tpu.vector_load %arg13[%get3A_1142, %get3A_1143, %get3A_1144] {strides = array<i32>} : memref<2x32x128xf32, #tpu.memory_space<vmem>>, vector<1x1x16xf32>,
        %get3A_1146 = vector.shape_cast %get3A_1145 : vector<1x1x16xf32> to vector<16xf32>
        %sub3A_1147 = arith.subf %get3A_1140, %get3A_1146 : vector<16xf32>
        %get3A_1148 = arith.constant 1 : i32
        %get3A_1149 = arith.constant 0 : i32
        %get3A_1150 = arith.index_cast %get3A_1148 : i32 to index
        %get3A_1151 = arith.index_cast %get3A_1149 : i32 to index
        %get3A_1152 = arith.index_cast %scan3A_1036 : i32 to index
        %get3A_1153 = arith.constant 16 : index
        %get3A_1154 = tpu.vector_load %arg14[%get3A_1150, %get3A_1151, %get3A_1152, %get3A_1153] {strides = array<i32>} : memref<2x3x32x128xf32, #tpu.memory_space<vmem>>, vector<1x1x1x16xf32>,
        %get3A_1155 = vector.shape_cast %get3A_1154 : vector<1x1x1x16xf32> to vector<16xf32>
        %mul3A_1156 = arith.constant 5.000000e-01 : f32
        %mul3A_1157 = vector.broadcast %mul3A_1156 : f32 to vector<16xf32>
        %mul3A_1158 = arith.mulf %get3A_1155, %mul3A_1157 : vector<16xf32>
        %mul3A_1159 = vector.broadcast %squeeze3A : f32 to vector<16xf32>
        %mul3A_1160 = arith.mulf %mul3A_1159, %sub3A_1147 : vector<16xf32>
        %add3A_1161 = arith.addf %mul3A_1158, %mul3A_1160 : vector<16xf32>
        %swap3A_1162 = arith.constant 1 : i32
        %swap3A_1163 = arith.constant 0 : i32
        %swap3A_1164 = arith.index_cast %swap3A_1162 : i32 to index
        %swap3A_1165 = arith.index_cast %swap3A_1163 : i32 to index
        %swap3A_1166 = arith.index_cast %scan3A_1036 : i32 to index
        %swap3A_1167 = arith.constant 16 : index
        %swap3A_1168 = tpu.vector_load %arg14[%swap3A_1164, %swap3A_1165, %swap3A_1166, %swap3A_1167] {strides = array<i32>} : memref<2x3x32x128xf32, #tpu.memory_space<vmem>>, vector<1x1x1x16xf32>,
        %swap3A_1169 = vector.shape_cast %swap3A_1168 : vector<1x1x1x16xf32> to vector<16xf32>
        %swap3A_1170 = vector.shape_cast %add3A_1161 : vector<16xf32> to vector<1x1x1x16xf32>
        tpu.vector_store %arg14[%swap3A_1164, %swap3A_1165, %swap3A_1166, %swap3A_1167], %swap3A_1170 {strides = array<i32>} : memref<2x3x32x128xf32, #tpu.memory_space<vmem>>, vector<1x1x1x16xf32>,
        %get3A_1171 = arith.constant 1 : i32
        %get3A_1172 = arith.constant 1 : i32
        %get3A_1173 = arith.index_cast %get3A_1171 : i32 to index
        %get3A_1174 = arith.index_cast %get3A_1172 : i32 to index
        %get3A_1175 = arith.index_cast %scan3A_1036 : i32 to index
        %get3A_1176 = arith.constant 16 : index
        %get3A_1177 = tpu.vector_load %arg14[%get3A_1173, %get3A_1174, %get3A_1175, %get3A_1176] {strides = array<i32>} : memref<2x3x32x128xf32, #tpu.memory_space<vmem>>, vector<1x1x1x16xf32>,
        %get3A_1178 = vector.shape_cast %get3A_1177 : vector<1x1x1x16xf32> to vector<16xf32>
        %mul3A_1179 = arith.constant 5.000000e-01 : f32
        %mul3A_1180 = vector.broadcast %mul3A_1179 : f32 to vector<16xf32>
        %mul3A_1181 = arith.mulf %get3A_1178, %mul3A_1180 : vector<16xf32>
        %mul3A_1182 = vector.broadcast %squeeze3A_1047 : f32 to vector<16xf32>
        %mul3A_1183 = arith.mulf %mul3A_1182, %sub3A_1147 : vector<16xf32>
        %add3A_1184 = arith.addf %mul3A_1181, %mul3A_1183 : vector<16xf32>
        %swap3A_1185 = arith.constant 1 : i32
        %swap3A_1186 = arith.constant 1 : i32
        %swap3A_1187 = arith.index_cast %swap3A_1185 : i32 to index
        %swap3A_1188 = arith.index_cast %swap3A_1186 : i32 to index
        %swap3A_1189 = arith.index_cast %scan3A_1036 : i32 to index
        %swap3A_1190 = arith.constant 16 : index
        %swap3A_1191 = tpu.vector_load %arg14[%swap3A_1187, %swap3A_1188, %swap3A_1189, %swap3A_1190] {strides = array<i32>} : memref<2x3x32x128xf32, #tpu.memory_space<vmem>>, vector<1x1x1x16xf32>,
        %swap3A_1192 = vector.shape_cast %swap3A_1191 : vector<1x1x1x16xf32> to vector<16xf32>
        %swap3A_1193 = vector.shape_cast %add3A_1184 : vector<16xf32> to vector<1x1x1x16xf32>
        tpu.vector_store %arg14[%swap3A_1187, %swap3A_1188, %swap3A_1189, %swap3A_1190], %swap3A_1193 {strides = array<i32>} : memref<2x3x32x128xf32, #tpu.memory_space<vmem>>, vector<1x1x1x16xf32>,
        %get3A_1194 = arith.constant 1 : i32
        %get3A_1195 = arith.constant 2 : i32
        %get3A_1196 = arith.index_cast %get3A_1194 : i32 to index
        %get3A_1197 = arith.index_cast %get3A_1195 : i32 to index
        %get3A_1198 = arith.index_cast %scan3A_1036 : i32 to index
        %get3A_1199 = arith.constant 16 : index
        %get3A_1200 = tpu.vector_load %arg14[%get3A_1196, %get3A_1197, %get3A_1198, %get3A_1199] {strides = array<i32>} : memref<2x3x32x128xf32, #tpu.memory_space<vmem>>, vector<1x1x1x16xf32>,
        %get3A_1201 = vector.shape_cast %get3A_1200 : vector<1x1x1x16xf32> to vector<16xf32>
        %mul3A_1202 = arith.constant 5.000000e-01 : f32
        %mul3A_1203 = vector.broadcast %mul3A_1202 : f32 to vector<16xf32>
        %mul3A_1204 = arith.mulf %get3A_1201, %mul3A_1203 : vector<16xf32>
        %mul3A_1205 = vector.broadcast %squeeze3A_1054 : f32 to vector<16xf32>
        %mul3A_1206 = arith.mulf %mul3A_1205, %sub3A_1147 : vector<16xf32>
        %add3A_1207 = arith.addf %mul3A_1204, %mul3A_1206 : vector<16xf32>
        %swap3A_1208 = arith.constant 1 : i32
        %swap3A_1209 = arith.constant 2 : i32
        %swap3A_1210 = arith.index_cast %swap3A_1208 : i32 to index
        %swap3A_1211 = arith.index_cast %swap3A_1209 : i32 to index
        %swap3A_1212 = arith.index_cast %scan3A_1036 : i32 to index
        %swap3A_1213 = arith.constant 16 : index
        %swap3A_1214 = tpu.vector_load %arg14[%swap3A_1210, %swap3A_1211, %swap3A_1212, %swap3A_1213] {strides = array<i32>} : memref<2x3x32x128xf32, #tpu.memory_space<vmem>>, vector<1x1x1x16xf32>,
        %swap3A_1215 = vector.shape_cast %swap3A_1214 : vector<1x1x1x16xf32> to vector<16xf32>
        %swap3A_1216 = vector.shape_cast %add3A_1207 : vector<16xf32> to vector<1x1x1x16xf32>
        tpu.vector_store %arg14[%swap3A_1210, %swap3A_1211, %swap3A_1212, %swap3A_1213], %swap3A_1216 {strides = array<i32>} : memref<2x3x32x128xf32, #tpu.memory_space<vmem>>, vector<1x1x1x16xf32>,
        %get3A_1217 = arith.constant 1 : i32
        %get3A_1218 = arith.index_cast %get3A_1217 : i32 to index
        %get3A_1219 = arith.index_cast %scan3A_1036 : i32 to index
        %get3A_1220 = arith.constant 32 : index
        %get3A_1221 = tpu.vector_load %arg12[%get3A_1218, %get3A_1219, %get3A_1220] {strides = array<i32>} : memref<2x32x128xf32, #tpu.memory_space<vmem>>, vector<1x1x16xf32>,
        %get3A_1222 = vector.shape_cast %get3A_1221 : vector<1x1x16xf32> to vector<16xf32>
        %get3A_1223 = arith.constant 1 : i32
        %get3A_1224 = arith.index_cast %get3A_1223 : i32 to index
        %get3A_1225 = arith.index_cast %scan3A_1036 : i32 to index
        %get3A_1226 = arith.constant 32 : index
        %get3A_1227 = tpu.vector_load %arg13[%get3A_1224, %get3A_1225, %get3A_1226] {strides = array<i32>} : memref<2x32x128xf32, #tpu.memory_space<vmem>>, vector<1x1x16xf32>,
        %get3A_1228 = vector.shape_cast %get3A_1227 : vector<1x1x16xf32> to vector<16xf32>
        %sub3A_1229 = arith.subf %get3A_1222, %get3A_1228 : vector<16xf32>
        %get3A_1230 = arith.constant 1 : i32
        %get3A_1231 = arith.constant 0 : i32
        %get3A_1232 = arith.index_cast %get3A_1230 : i32 to index
        %get3A_1233 = arith.index_cast %get3A_1231 : i32 to index
        %get3A_1234 = arith.index_cast %scan3A_1036 : i32 to index
        %get3A_1235 = arith.constant 32 : index
        %get3A_1236 = tpu.vector_load %arg14[%get3A_1232, %get3A_1233, %get3A_1234, %get3A_1235] {strides = array<i32>} : memref<2x3x32x128xf32, #tpu.memory_space<vmem>>, vector<1x1x1x16xf32>,
        %get3A_1237 = vector.shape_cast %get3A_1236 : vector<1x1x1x16xf32> to vector<16xf32>
        %mul3A_1238 = arith.constant 5.000000e-01 : f32
        %mul3A_1239 = vector.broadcast %mul3A_1238 : f32 to vector<16xf32>
        %mul3A_1240 = arith.mulf %get3A_1237, %mul3A_1239 : vector<16xf32>
        %mul3A_1241 = vector.broadcast %squeeze3A : f32 to vector<16xf32>
        %mul3A_1242 = arith.mulf %mul3A_1241, %sub3A_1229 : vector<16xf32>
        %add3A_1243 = arith.addf %mul3A_1240, %mul3A_1242 : vector<16xf32>
        %swap3A_1244 = arith.constant 1 : i32
        %swap3A_1245 = arith.constant 0 : i32
        %swap3A_1246 = arith.index_cast %swap3A_1244 : i32 to index
        %swap3A_1247 = arith.index_cast %swap3A_1245 : i32 to index
        %swap3A_1248 = arith.index_cast %scan3A_1036 : i32 to index
        %swap3A_1249 = arith.constant 32 : index
        %swap3A_1250 = tpu.vector_load %arg14[%swap3A_1246, %swap3A_1247, %swap3A_1248, %swap3A_1249] {strides = array<i32>} : memref<2x3x32x128xf32, #tpu.memory_space<vmem>>, vector<1x1x1x16xf32>,
        %swap3A_1251 = vector.shape_cast %swap3A_1250 : vector<1x1x1x16xf32> to vector<16xf32>
        %swap3A_1252 = vector.shape_cast %add3A_1243 : vector<16xf32> to vector<1x1x1x16xf32>
        tpu.vector_store %arg14[%swap3A_1246, %swap3A_1247, %swap3A_1248, %swap3A_1249], %swap3A_1252 {strides = array<i32>} : memref<2x3x32x128xf32, #tpu.memory_space<vmem>>, vector<1x1x1x16xf32>,
        %get3A_1253 = arith.constant 1 : i32
        %get3A_1254 = arith.constant 1 : i32
        %get3A_1255 = arith.index_cast %get3A_1253 : i32 to index
        %get3A_1256 = arith.index_cast %get3A_1254 : i32 to index
        %get3A_1257 = arith.index_cast %scan3A_1036 : i32 to index
        %get3A_1258 = arith.constant 32 : index
        %get3A_1259 = tpu.vector_load %arg14[%get3A_1255, %get3A_1256, %get3A_1257, %get3A_1258] {strides = array<i32>} : memref<2x3x32x128xf32, #tpu.memory_space<vmem>>, vector<1x1x1x16xf32>,
        %get3A_1260 = vector.shape_cast %get3A_1259 : vector<1x1x1x16xf32> to vector<16xf32>
        %mul3A_1261 = arith.constant 5.000000e-01 : f32
        %mul3A_1262 = vector.broadcast %mul3A_1261 : f32 to vector<16xf32>
        %mul3A_1263 = arith.mulf %get3A_1260, %mul3A_1262 : vector<16xf32>
        %mul3A_1264 = vector.broadcast %squeeze3A_1047 : f32 to vector<16xf32>
        %mul3A_1265 = arith.mulf %mul3A_1264, %sub3A_1229 : vector<16xf32>
        %add3A_1266 = arith.addf %mul3A_1263, %mul3A_1265 : vector<16xf32>
        %swap3A_1267 = arith.constant 1 : i32
        %swap3A_1268 = arith.constant 1 : i32
        %swap3A_1269 = arith.index_cast %swap3A_1267 : i32 to index
        %swap3A_1270 = arith.index_cast %swap3A_1268 : i32 to index
        %swap3A_1271 = arith.index_cast %scan3A_1036 : i32 to index
        %swap3A_1272 = arith.constant 32 : index
        %swap3A_1273 = tpu.vector_load %arg14[%swap3A_1269, %swap3A_1270, %swap3A_1271, %swap3A_1272] {strides = array<i32>} : memref<2x3x32x128xf32, #tpu.memory_space<vmem>>, vector<1x1x1x16xf32>,
        %swap3A_1274 = vector.shape_cast %swap3A_1273 : vector<1x1x1x16xf32> to vector<16xf32>
        %swap3A_1275 = vector.shape_cast %add3A_1266 : vector<16xf32> to vector<1x1x1x16xf32>
        tpu.vector_store %arg14[%swap3A_1269, %swap3A_1270, %swap3A_1271, %swap3A_1272], %swap3A_1275 {strides = array<i32>} : memref<2x3x32x128xf32, #tpu.memory_space<vmem>>, vector<1x1x1x16xf32>,
        %get3A_1276 = arith.constant 1 : i32
        %get3A_1277 = arith.constant 2 : i32
        %get3A_1278 = arith.index_cast %get3A_1276 : i32 to index
        %get3A_1279 = arith.index_cast %get3A_1277 : i32 to index
        %get3A_1280 = arith.index_cast %scan3A_1036 : i32 to index
        %get3A_1281 = arith.constant 32 : index
        %get3A_1282 = tpu.vector_load %arg14[%get3A_1278, %get3A_1279, %get3A_1280, %get3A_1281] {strides = array<i32>} : memref<2x3x32x128xf32, #tpu.memory_space<vmem>>, vector<1x1x1x16xf32>,
        %get3A_1283 = vector.shape_cast %get3A_1282 : vector<1x1x1x16xf32> to vector<16xf32>
        %mul3A_1284 = arith.constant 5.000000e-01 : f32
        %mul3A_1285 = vector.broadcast %mul3A_1284 : f32 to vector<16xf32>
        %mul3A_1286 = arith.mulf %get3A_1283, %mul3A_1285 : vector<16xf32>
        %mul3A_1287 = vector.broadcast %squeeze3A_1054 : f32 to vector<16xf32>
        %mul3A_1288 = arith.mulf %mul3A_1287, %sub3A_1229 : vector<16xf32>
        %add3A_1289 = arith.addf %mul3A_1286, %mul3A_1288 : vector<16xf32>
        %swap3A_1290 = arith.constant 1 : i32
        %swap3A_1291 = arith.constant 2 : i32
        %swap3A_1292 = arith.index_cast %swap3A_1290 : i32 to index
        %swap3A_1293 = arith.index_cast %swap3A_1291 : i32 to index
        %swap3A_1294 = arith.index_cast %scan3A_1036 : i32 to index
        %swap3A_1295 = arith.constant 32 : index
        %swap3A_1296 = tpu.vector_load %arg14[%swap3A_1292, %swap3A_1293, %swap3A_1294, %swap3A_1295] {strides = array<i32>} : memref<2x3x32x128xf32, #tpu.memory_space<vmem>>, vector<1x1x1x16xf32>,
        %swap3A_1297 = vector.shape_cast %swap3A_1296 : vector<1x1x1x16xf32> to vector<16xf32>
        %swap3A_1298 = vector.shape_cast %add3A_1289 : vector<16xf32> to vector<1x1x1x16xf32>
        tpu.vector_store %arg14[%swap3A_1292, %swap3A_1293, %swap3A_1294, %swap3A_1295], %swap3A_1298 {strides = array<i32>} : memref<2x3x32x128xf32, #tpu.memory_space<vmem>>, vector<1x1x1x16xf32>,
        %get3A_1299 = arith.constant 1 : i32
        %get3A_1300 = arith.index_cast %get3A_1299 : i32 to index
        %get3A_1301 = arith.index_cast %scan3A_1036 : i32 to index
        %get3A_1302 = arith.constant 48 : index
        %get3A_1303 = tpu.vector_load %arg12[%get3A_1300, %get3A_1301, %get3A_1302] {strides = array<i32>} : memref<2x32x128xf32, #tpu.memory_space<vmem>>, vector<1x1x16xf32>,
        %get3A_1304 = vector.shape_cast %get3A_1303 : vector<1x1x16xf32> to vector<16xf32>
        %get3A_1305 = arith.constant 1 : i32
        %get3A_1306 = arith.index_cast %get3A_1305 : i32 to index
        %get3A_1307 = arith.index_cast %scan3A_1036 : i32 to index
        %get3A_1308 = arith.constant 48 : index
        %get3A_1309 = tpu.vector_load %arg13[%get3A_1306, %get3A_1307, %get3A_1308] {strides = array<i32>} : memref<2x32x128xf32, #tpu.memory_space<vmem>>, vector<1x1x16xf32>,
        %get3A_1310 = vector.shape_cast %get3A_1309 : vector<1x1x16xf32> to vector<16xf32>
        %sub3A_1311 = arith.subf %get3A_1304, %get3A_1310 : vector<16xf32>
        %get3A_1312 = arith.constant 1 : i32
        %get3A_1313 = arith.constant 0 : i32
        %get3A_1314 = arith.index_cast %get3A_1312 : i32 to index
        %get3A_1315 = arith.index_cast %get3A_1313 : i32 to index
        %get3A_1316 = arith.index_cast %scan3A_1036 : i32 to index
        %get3A_1317 = arith.constant 48 : index
        %get3A_1318 = tpu.vector_load %arg14[%get3A_1314, %get3A_1315, %get3A_1316, %get3A_1317] {strides = array<i32>} : memref<2x3x32x128xf32, #tpu.memory_space<vmem>>, vector<1x1x1x16xf32>,
        %get3A_1319 = vector.shape_cast %get3A_1318 : vector<1x1x1x16xf32> to vector<16xf32>
        %mul3A_1320 = arith.constant 5.000000e-01 : f32
        %mul3A_1321 = vector.broadcast %mul3A_1320 : f32 to vector<16xf32>
        %mul3A_1322 = arith.mulf %get3A_1319, %mul3A_1321 : vector<16xf32>
        %mul3A_1323 = vector.broadcast %squeeze3A : f32 to vector<16xf32>
        %mul3A_1324 = arith.mulf %mul3A_1323, %sub3A_1311 : vector<16xf32>
        %add3A_1325 = arith.addf %mul3A_1322, %mul3A_1324 : vector<16xf32>
        %swap3A_1326 = arith.constant 1 : i32
        %swap3A_1327 = arith.constant 0 : i32
        %swap3A_1328 = arith.index_cast %swap3A_1326 : i32 to index
        %swap3A_1329 = arith.index_cast %swap3A_1327 : i32 to index
        %swap3A_1330 = arith.index_cast %scan3A_1036 : i32 to index
        %swap3A_1331 = arith.constant 48 : index
        %swap3A_1332 = tpu.vector_load %arg14[%swap3A_1328, %swap3A_1329, %swap3A_1330, %swap3A_1331] {strides = array<i32>} : memref<2x3x32x128xf32, #tpu.memory_space<vmem>>, vector<1x1x1x16xf32>,
        %swap3A_1333 = vector.shape_cast %swap3A_1332 : vector<1x1x1x16xf32> to vector<16xf32>
        %swap3A_1334 = vector.shape_cast %add3A_1325 : vector<16xf32> to vector<1x1x1x16xf32>
        tpu.vector_store %arg14[%swap3A_1328, %swap3A_1329, %swap3A_1330, %swap3A_1331], %swap3A_1334 {strides = array<i32>} : memref<2x3x32x128xf32, #tpu.memory_space<vmem>>, vector<1x1x1x16xf32>,
        %get3A_1335 = arith.constant 1 : i32
        %get3A_1336 = arith.constant 1 : i32
        %get3A_1337 = arith.index_cast %get3A_1335 : i32 to index
        %get3A_1338 = arith.index_cast %get3A_1336 : i32 to index
        %get3A_1339 = arith.index_cast %scan3A_1036 : i32 to index
        %get3A_1340 = arith.constant 48 : index
        %get3A_1341 = tpu.vector_load %arg14[%get3A_1337, %get3A_1338, %get3A_1339, %get3A_1340] {strides = array<i32>} : memref<2x3x32x128xf32, #tpu.memory_space<vmem>>, vector<1x1x1x16xf32>,
        %get3A_1342 = vector.shape_cast %get3A_1341 : vector<1x1x1x16xf32> to vector<16xf32>
        %mul3A_1343 = arith.constant 5.000000e-01 : f32
        %mul3A_1344 = vector.broadcast %mul3A_1343 : f32 to vector<16xf32>
        %mul3A_1345 = arith.mulf %get3A_1342, %mul3A_1344 : vector<16xf32>
        %mul3A_1346 = vector.broadcast %squeeze3A_1047 : f32 to vector<16xf32>
        %mul3A_1347 = arith.mulf %mul3A_1346, %sub3A_1311 : vector<16xf32>
        %add3A_1348 = arith.addf %mul3A_1345, %mul3A_1347 : vector<16xf32>
        %swap3A_1349 = arith.constant 1 : i32
        %swap3A_1350 = arith.constant 1 : i32
        %swap3A_1351 = arith.index_cast %swap3A_1349 : i32 to index
        %swap3A_1352 = arith.index_cast %swap3A_1350 : i32 to index
        %swap3A_1353 = arith.index_cast %scan3A_1036 : i32 to index
        %swap3A_1354 = arith.constant 48 : index
        %swap3A_1355 = tpu.vector_load %arg14[%swap3A_1351, %swap3A_1352, %swap3A_1353, %swap3A_1354] {strides = array<i32>} : memref<2x3x32x128xf32, #tpu.memory_space<vmem>>, vector<1x1x1x16xf32>,
        %swap3A_1356 = vector.shape_cast %swap3A_1355 : vector<1x1x1x16xf32> to vector<16xf32>
        %swap3A_1357 = vector.shape_cast %add3A_1348 : vector<16xf32> to vector<1x1x1x16xf32>
        tpu.vector_store %arg14[%swap3A_1351, %swap3A_1352, %swap3A_1353, %swap3A_1354], %swap3A_1357 {strides = array<i32>} : memref<2x3x32x128xf32, #tpu.memory_space<vmem>>, vector<1x1x1x16xf32>,
        %get3A_1358 = arith.constant 1 : i32
        %get3A_1359 = arith.constant 2 : i32
        %get3A_1360 = arith.index_cast %get3A_1358 : i32 to index
        %get3A_1361 = arith.index_cast %get3A_1359 : i32 to index
        %get3A_1362 = arith.index_cast %scan3A_1036 : i32 to index
        %get3A_1363 = arith.constant 48 : index
        %get3A_1364 = tpu.vector_load %arg14[%get3A_1360, %get3A_1361, %get3A_1362, %get3A_1363] {strides = array<i32>} : memref<2x3x32x128xf32, #tpu.memory_space<vmem>>, vector<1x1x1x16xf32>,
        %get3A_1365 = vector.shape_cast %get3A_1364 : vector<1x1x1x16xf32> to vector<16xf32>
        %mul3A_1366 = arith.constant 5.000000e-01 : f32
        %mul3A_1367 = vector.broadcast %mul3A_1366 : f32 to vector<16xf32>
        %mul3A_1368 = arith.mulf %get3A_1365, %mul3A_1367 : vector<16xf32>
        %mul3A_1369 = vector.broadcast %squeeze3A_1054 : f32 to vector<16xf32>
        %mul3A_1370 = arith.mulf %mul3A_1369, %sub3A_1311 : vector<16xf32>
        %add3A_1371 = arith.addf %mul3A_1368, %mul3A_1370 : vector<16xf32>
        %swap3A_1372 = arith.constant 1 : i32
        %swap3A_1373 = arith.constant 2 : i32
        %swap3A_1374 = arith.index_cast %swap3A_1372 : i32 to index
        %swap3A_1375 = arith.index_cast %swap3A_1373 : i32 to index
        %swap3A_1376 = arith.index_cast %scan3A_1036 : i32 to index
        %swap3A_1377 = arith.constant 48 : index
        %swap3A_1378 = tpu.vector_load %arg14[%swap3A_1374, %swap3A_1375, %swap3A_1376, %swap3A_1377] {strides = array<i32>} : memref<2x3x32x128xf32, #tpu.memory_space<vmem>>, vector<1x1x1x16xf32>,
        %swap3A_1379 = vector.shape_cast %swap3A_1378 : vector<1x1x1x16xf32> to vector<16xf32>
        %swap3A_1380 = vector.shape_cast %add3A_1371 : vector<16xf32> to vector<1x1x1x16xf32>
        tpu.vector_store %arg14[%swap3A_1374, %swap3A_1375, %swap3A_1376, %swap3A_1377], %swap3A_1380 {strides = array<i32>} : memref<2x3x32x128xf32, #tpu.memory_space<vmem>>, vector<1x1x1x16xf32>,
        %get3A_1381 = arith.constant 1 : i32
        %get3A_1382 = arith.index_cast %get3A_1381 : i32 to index
        %get3A_1383 = arith.index_cast %scan3A_1036 : i32 to index
        %get3A_1384 = arith.constant 64 : index
        %get3A_1385 = tpu.vector_load %arg12[%get3A_1382, %get3A_1383, %get3A_1384] {strides = array<i32>} : memref<2x32x128xf32, #tpu.memory_space<vmem>>, vector<1x1x16xf32>,
        %get3A_1386 = vector.shape_cast %get3A_1385 : vector<1x1x16xf32> to vector<16xf32>
        %get3A_1387 = arith.constant 1 : i32
        %get3A_1388 = arith.index_cast %get3A_1387 : i32 to index
        %get3A_1389 = arith.index_cast %scan3A_1036 : i32 to index
        %get3A_1390 = arith.constant 64 : index
        %get3A_1391 = tpu.vector_load %arg13[%get3A_1388, %get3A_1389, %get3A_1390] {strides = array<i32>} : memref<2x32x128xf32, #tpu.memory_space<vmem>>, vector<1x1x16xf32>,
        %get3A_1392 = vector.shape_cast %get3A_1391 : vector<1x1x16xf32> to vector<16xf32>
        %sub3A_1393 = arith.subf %get3A_1386, %get3A_1392 : vector<16xf32>
        %get3A_1394 = arith.constant 1 : i32
        %get3A_1395 = arith.constant 0 : i32
        %get3A_1396 = arith.index_cast %get3A_1394 : i32 to index
        %get3A_1397 = arith.index_cast %get3A_1395 : i32 to index
        %get3A_1398 = arith.index_cast %scan3A_1036 : i32 to index
        %get3A_1399 = arith.constant 64 : index
        %get3A_1400 = tpu.vector_load %arg14[%get3A_1396, %get3A_1397, %get3A_1398, %get3A_1399] {strides = array<i32>} : memref<2x3x32x128xf32, #tpu.memory_space<vmem>>, vector<1x1x1x16xf32>,
        %get3A_1401 = vector.shape_cast %get3A_1400 : vector<1x1x1x16xf32> to vector<16xf32>
        %mul3A_1402 = arith.constant 5.000000e-01 : f32
        %mul3A_1403 = vector.broadcast %mul3A_1402 : f32 to vector<16xf32>
        %mul3A_1404 = arith.mulf %get3A_1401, %mul3A_1403 : vector<16xf32>
        %mul3A_1405 = vector.broadcast %squeeze3A : f32 to vector<16xf32>
        %mul3A_1406 = arith.mulf %mul3A_1405, %sub3A_1393 : vector<16xf32>
        %add3A_1407 = arith.addf %mul3A_1404, %mul3A_1406 : vector<16xf32>
        %swap3A_1408 = arith.constant 1 : i32
        %swap3A_1409 = arith.constant 0 : i32
        %swap3A_1410 = arith.index_cast %swap3A_1408 : i32 to index
        %swap3A_1411 = arith.index_cast %swap3A_1409 : i32 to index
        %swap3A_1412 = arith.index_cast %scan3A_1036 : i32 to index
        %swap3A_1413 = arith.constant 64 : index
        %swap3A_1414 = tpu.vector_load %arg14[%swap3A_1410, %swap3A_1411, %swap3A_1412, %swap3A_1413] {strides = array<i32>} : memref<2x3x32x128xf32, #tpu.memory_space<vmem>>, vector<1x1x1x16xf32>,
        %swap3A_1415 = vector.shape_cast %swap3A_1414 : vector<1x1x1x16xf32> to vector<16xf32>
        %swap3A_1416 = vector.shape_cast %add3A_1407 : vector<16xf32> to vector<1x1x1x16xf32>
        tpu.vector_store %arg14[%swap3A_1410, %swap3A_1411, %swap3A_1412, %swap3A_1413], %swap3A_1416 {strides = array<i32>} : memref<2x3x32x128xf32, #tpu.memory_space<vmem>>, vector<1x1x1x16xf32>,
        %get3A_1417 = arith.constant 1 : i32
        %get3A_1418 = arith.constant 1 : i32
        %get3A_1419 = arith.index_cast %get3A_1417 : i32 to index
        %get3A_1420 = arith.index_cast %get3A_1418 : i32 to index
        %get3A_1421 = arith.index_cast %scan3A_1036 : i32 to index
        %get3A_1422 = arith.constant 64 : index
        %get3A_1423 = tpu.vector_load %arg14[%get3A_1419, %get3A_1420, %get3A_1421, %get3A_1422] {strides = array<i32>} : memref<2x3x32x128xf32, #tpu.memory_space<vmem>>, vector<1x1x1x16xf32>,
        %get3A_1424 = vector.shape_cast %get3A_1423 : vector<1x1x1x16xf32> to vector<16xf32>
        %mul3A_1425 = arith.constant 5.000000e-01 : f32
        %mul3A_1426 = vector.broadcast %mul3A_1425 : f32 to vector<16xf32>
        %mul3A_1427 = arith.mulf %get3A_1424, %mul3A_1426 : vector<16xf32>
        %mul3A_1428 = vector.broadcast %squeeze3A_1047 : f32 to vector<16xf32>
        %mul3A_1429 = arith.mulf %mul3A_1428, %sub3A_1393 : vector<16xf32>
        %add3A_1430 = arith.addf %mul3A_1427, %mul3A_1429 : vector<16xf32>
        %swap3A_1431 = arith.constant 1 : i32
        %swap3A_1432 = arith.constant 1 : i32
        %swap3A_1433 = arith.index_cast %swap3A_1431 : i32 to index
        %swap3A_1434 = arith.index_cast %swap3A_1432 : i32 to index
        %swap3A_1435 = arith.index_cast %scan3A_1036 : i32 to index
        %swap3A_1436 = arith.constant 64 : index
        %swap3A_1437 = tpu.vector_load %arg14[%swap3A_1433, %swap3A_1434, %swap3A_1435, %swap3A_1436] {strides = array<i32>} : memref<2x3x32x128xf32, #tpu.memory_space<vmem>>, vector<1x1x1x16xf32>,
        %swap3A_1438 = vector.shape_cast %swap3A_1437 : vector<1x1x1x16xf32> to vector<16xf32>
        %swap3A_1439 = vector.shape_cast %add3A_1430 : vector<16xf32> to vector<1x1x1x16xf32>
        tpu.vector_store %arg14[%swap3A_1433, %swap3A_1434, %swap3A_1435, %swap3A_1436], %swap3A_1439 {strides = array<i32>} : memref<2x3x32x128xf32, #tpu.memory_space<vmem>>, vector<1x1x1x16xf32>,
        %get3A_1440 = arith.constant 1 : i32
        %get3A_1441 = arith.constant 2 : i32
        %get3A_1442 = arith.index_cast %get3A_1440 : i32 to index
        %get3A_1443 = arith.index_cast %get3A_1441 : i32 to index
        %get3A_1444 = arith.index_cast %scan3A_1036 : i32 to index
        %get3A_1445 = arith.constant 64 : index
        %get3A_1446 = tpu.vector_load %arg14[%get3A_1442, %get3A_1443, %get3A_1444, %get3A_1445] {strides = array<i32>} : memref<2x3x32x128xf32, #tpu.memory_space<vmem>>, vector<1x1x1x16xf32>,
        %get3A_1447 = vector.shape_cast %get3A_1446 : vector<1x1x1x16xf32> to vector<16xf32>
        %mul3A_1448 = arith.constant 5.000000e-01 : f32
        %mul3A_1449 = vector.broadcast %mul3A_1448 : f32 to vector<16xf32>
        %mul3A_1450 = arith.mulf %get3A_1447, %mul3A_1449 : vector<16xf32>
        %mul3A_1451 = vector.broadcast %squeeze3A_1054 : f32 to vector<16xf32>
        %mul3A_1452 = arith.mulf %mul3A_1451, %sub3A_1393 : vector<16xf32>
        %add3A_1453 = arith.addf %mul3A_1450, %mul3A_1452 : vector<16xf32>
        %swap3A_1454 = arith.constant 1 : i32
        %swap3A_1455 = arith.constant 2 : i32
        %swap3A_1456 = arith.index_cast %swap3A_1454 : i32 to index
        %swap3A_1457 = arith.index_cast %swap3A_1455 : i32 to index
        %swap3A_1458 = arith.index_cast %scan3A_1036 : i32 to index
        %swap3A_1459 = arith.constant 64 : index
        %swap3A_1460 = tpu.vector_load %arg14[%swap3A_1456, %swap3A_1457, %swap3A_1458, %swap3A_1459] {strides = array<i32>} : memref<2x3x32x128xf32, #tpu.memory_space<vmem>>, vector<1x1x1x16xf32>,
        %swap3A_1461 = vector.shape_cast %swap3A_1460 : vector<1x1x1x16xf32> to vector<16xf32>
        %swap3A_1462 = vector.shape_cast %add3A_1453 : vector<16xf32> to vector<1x1x1x16xf32>
        tpu.vector_store %arg14[%swap3A_1456, %swap3A_1457, %swap3A_1458, %swap3A_1459], %swap3A_1462 {strides = array<i32>} : memref<2x3x32x128xf32, #tpu.memory_space<vmem>>, vector<1x1x1x16xf32>,
        %get3A_1463 = arith.constant 1 : i32
        %get3A_1464 = arith.index_cast %get3A_1463 : i32 to index
        %get3A_1465 = arith.index_cast %scan3A_1036 : i32 to index
        %get3A_1466 = arith.constant 80 : index
        %get3A_1467 = tpu.vector_load %arg12[%get3A_1464, %get3A_1465, %get3A_1466] {strides = array<i32>} : memref<2x32x128xf32, #tpu.memory_space<vmem>>, vector<1x1x16xf32>,
        %get3A_1468 = vector.shape_cast %get3A_1467 : vector<1x1x16xf32> to vector<16xf32>
        %get3A_1469 = arith.constant 1 : i32
        %get3A_1470 = arith.index_cast %get3A_1469 : i32 to index
        %get3A_1471 = arith.index_cast %scan3A_1036 : i32 to index
        %get3A_1472 = arith.constant 80 : index
        %get3A_1473 = tpu.vector_load %arg13[%get3A_1470, %get3A_1471, %get3A_1472] {strides = array<i32>} : memref<2x32x128xf32, #tpu.memory_space<vmem>>, vector<1x1x16xf32>,
        %get3A_1474 = vector.shape_cast %get3A_1473 : vector<1x1x16xf32> to vector<16xf32>
        %sub3A_1475 = arith.subf %get3A_1468, %get3A_1474 : vector<16xf32>
        %get3A_1476 = arith.constant 1 : i32
        %get3A_1477 = arith.constant 0 : i32
        %get3A_1478 = arith.index_cast %get3A_1476 : i32 to index
        %get3A_1479 = arith.index_cast %get3A_1477 : i32 to index
        %get3A_1480 = arith.index_cast %scan3A_1036 : i32 to index
        %get3A_1481 = arith.constant 80 : index
        %get3A_1482 = tpu.vector_load %arg14[%get3A_1478, %get3A_1479, %get3A_1480, %get3A_1481] {strides = array<i32>} : memref<2x3x32x128xf32, #tpu.memory_space<vmem>>, vector<1x1x1x16xf32>,
        %get3A_1483 = vector.shape_cast %get3A_1482 : vector<1x1x1x16xf32> to vector<16xf32>
        %mul3A_1484 = arith.constant 5.000000e-01 : f32
        %mul3A_1485 = vector.broadcast %mul3A_1484 : f32 to vector<16xf32>
        %mul3A_1486 = arith.mulf %get3A_1483, %mul3A_1485 : vector<16xf32>
        %mul3A_1487 = vector.broadcast %squeeze3A : f32 to vector<16xf32>
        %mul3A_1488 = arith.mulf %mul3A_1487, %sub3A_1475 : vector<16xf32>
        %add3A_1489 = arith.addf %mul3A_1486, %mul3A_1488 : vector<16xf32>
        %swap3A_1490 = arith.constant 1 : i32
        %swap3A_1491 = arith.constant 0 : i32
        %swap3A_1492 = arith.index_cast %swap3A_1490 : i32 to index
        %swap3A_1493 = arith.index_cast %swap3A_1491 : i32 to index
        %swap3A_1494 = arith.index_cast %scan3A_1036 : i32 to index
        %swap3A_1495 = arith.constant 80 : index
        %swap3A_1496 = tpu.vector_load %arg14[%swap3A_1492, %swap3A_1493, %swap3A_1494, %swap3A_1495] {strides = array<i32>} : memref<2x3x32x128xf32, #tpu.memory_space<vmem>>, vector<1x1x1x16xf32>,
        %swap3A_1497 = vector.shape_cast %swap3A_1496 : vector<1x1x1x16xf32> to vector<16xf32>
        %swap3A_1498 = vector.shape_cast %add3A_1489 : vector<16xf32> to vector<1x1x1x16xf32>
        tpu.vector_store %arg14[%swap3A_1492, %swap3A_1493, %swap3A_1494, %swap3A_1495], %swap3A_1498 {strides = array<i32>} : memref<2x3x32x128xf32, #tpu.memory_space<vmem>>, vector<1x1x1x16xf32>,
        %get3A_1499 = arith.constant 1 : i32
        %get3A_1500 = arith.constant 1 : i32
        %get3A_1501 = arith.index_cast %get3A_1499 : i32 to index
        %get3A_1502 = arith.index_cast %get3A_1500 : i32 to index
        %get3A_1503 = arith.index_cast %scan3A_1036 : i32 to index
        %get3A_1504 = arith.constant 80 : index
        %get3A_1505 = tpu.vector_load %arg14[%get3A_1501, %get3A_1502, %get3A_1503, %get3A_1504] {strides = array<i32>} : memref<2x3x32x128xf32, #tpu.memory_space<vmem>>, vector<1x1x1x16xf32>,
        %get3A_1506 = vector.shape_cast %get3A_1505 : vector<1x1x1x16xf32> to vector<16xf32>
        %mul3A_1507 = arith.constant 5.000000e-01 : f32
        %mul3A_1508 = vector.broadcast %mul3A_1507 : f32 to vector<16xf32>
        %mul3A_1509 = arith.mulf %get3A_1506, %mul3A_1508 : vector<16xf32>
        %mul3A_1510 = vector.broadcast %squeeze3A_1047 : f32 to vector<16xf32>
        %mul3A_1511 = arith.mulf %mul3A_1510, %sub3A_1475 : vector<16xf32>
        %add3A_1512 = arith.addf %mul3A_1509, %mul3A_1511 : vector<16xf32>
        %swap3A_1513 = arith.constant 1 : i32
        %swap3A_1514 = arith.constant 1 : i32
        %swap3A_1515 = arith.index_cast %swap3A_1513 : i32 to index
        %swap3A_1516 = arith.index_cast %swap3A_1514 : i32 to index
        %swap3A_1517 = arith.index_cast %scan3A_1036 : i32 to index
        %swap3A_1518 = arith.constant 80 : index
        %swap3A_1519 = tpu.vector_load %arg14[%swap3A_1515, %swap3A_1516, %swap3A_1517, %swap3A_1518] {strides = array<i32>} : memref<2x3x32x128xf32, #tpu.memory_space<vmem>>, vector<1x1x1x16xf32>,
        %swap3A_1520 = vector.shape_cast %swap3A_1519 : vector<1x1x1x16xf32> to vector<16xf32>
        %swap3A_1521 = vector.shape_cast %add3A_1512 : vector<16xf32> to vector<1x1x1x16xf32>
        tpu.vector_store %arg14[%swap3A_1515, %swap3A_1516, %swap3A_1517, %swap3A_1518], %swap3A_1521 {strides = array<i32>} : memref<2x3x32x128xf32, #tpu.memory_space<vmem>>, vector<1x1x1x16xf32>,
        %get3A_1522 = arith.constant 1 : i32
        %get3A_1523 = arith.constant 2 : i32
        %get3A_1524 = arith.index_cast %get3A_1522 : i32 to index
        %get3A_1525 = arith.index_cast %get3A_1523 : i32 to index
        %get3A_1526 = arith.index_cast %scan3A_1036 : i32 to index
        %get3A_1527 = arith.constant 80 : index
        %get3A_1528 = tpu.vector_load %arg14[%get3A_1524, %get3A_1525, %get3A_1526, %get3A_1527] {strides = array<i32>} : memref<2x3x32x128xf32, #tpu.memory_space<vmem>>, vector<1x1x1x16xf32>,
        %get3A_1529 = vector.shape_cast %get3A_1528 : vector<1x1x1x16xf32> to vector<16xf32>
        %mul3A_1530 = arith.constant 5.000000e-01 : f32
        %mul3A_1531 = vector.broadcast %mul3A_1530 : f32 to vector<16xf32>
        %mul3A_1532 = arith.mulf %get3A_1529, %mul3A_1531 : vector<16xf32>
        %mul3A_1533 = vector.broadcast %squeeze3A_1054 : f32 to vector<16xf32>
        %mul3A_1534 = arith.mulf %mul3A_1533, %sub3A_1475 : vector<16xf32>
        %add3A_1535 = arith.addf %mul3A_1532, %mul3A_1534 : vector<16xf32>
        %swap3A_1536 = arith.constant 1 : i32
        %swap3A_1537 = arith.constant 2 : i32
        %swap3A_1538 = arith.index_cast %swap3A_1536 : i32 to index
        %swap3A_1539 = arith.index_cast %swap3A_1537 : i32 to index
        %swap3A_1540 = arith.index_cast %scan3A_1036 : i32 to index
        %swap3A_1541 = arith.constant 80 : index
        %swap3A_1542 = tpu.vector_load %arg14[%swap3A_1538, %swap3A_1539, %swap3A_1540, %swap3A_1541] {strides = array<i32>} : memref<2x3x32x128xf32, #tpu.memory_space<vmem>>, vector<1x1x1x16xf32>,
        %swap3A_1543 = vector.shape_cast %swap3A_1542 : vector<1x1x1x16xf32> to vector<16xf32>
        %swap3A_1544 = vector.shape_cast %add3A_1535 : vector<16xf32> to vector<1x1x1x16xf32>
        tpu.vector_store %arg14[%swap3A_1538, %swap3A_1539, %swap3A_1540, %swap3A_1541], %swap3A_1544 {strides = array<i32>} : memref<2x3x32x128xf32, #tpu.memory_space<vmem>>, vector<1x1x1x16xf32>,
        %get3A_1545 = arith.constant 1 : i32
        %get3A_1546 = arith.index_cast %get3A_1545 : i32 to index
        %get3A_1547 = arith.index_cast %scan3A_1036 : i32 to index
        %get3A_1548 = arith.constant 96 : index
        %get3A_1549 = tpu.vector_load %arg12[%get3A_1546, %get3A_1547, %get3A_1548] {strides = array<i32>} : memref<2x32x128xf32, #tpu.memory_space<vmem>>, vector<1x1x16xf32>,
        %get3A_1550 = vector.shape_cast %get3A_1549 : vector<1x1x16xf32> to vector<16xf32>
        %get3A_1551 = arith.constant 1 : i32
        %get3A_1552 = arith.index_cast %get3A_1551 : i32 to index
        %get3A_1553 = arith.index_cast %scan3A_1036 : i32 to index
        %get3A_1554 = arith.constant 96 : index
        %get3A_1555 = tpu.vector_load %arg13[%get3A_1552, %get3A_1553, %get3A_1554] {strides = array<i32>} : memref<2x32x128xf32, #tpu.memory_space<vmem>>, vector<1x1x16xf32>,
        %get3A_1556 = vector.shape_cast %get3A_1555 : vector<1x1x16xf32> to vector<16xf32>
        %sub3A_1557 = arith.subf %get3A_1550, %get3A_1556 : vector<16xf32>
        %get3A_1558 = arith.constant 1 : i32
        %get3A_1559 = arith.constant 0 : i32
        %get3A_1560 = arith.index_cast %get3A_1558 : i32 to index
        %get3A_1561 = arith.index_cast %get3A_1559 : i32 to index
        %get3A_1562 = arith.index_cast %scan3A_1036 : i32 to index
        %get3A_1563 = arith.constant 96 : index
        %get3A_1564 = tpu.vector_load %arg14[%get3A_1560, %get3A_1561, %get3A_1562, %get3A_1563] {strides = array<i32>} : memref<2x3x32x128xf32, #tpu.memory_space<vmem>>, vector<1x1x1x16xf32>,
        %get3A_1565 = vector.shape_cast %get3A_1564 : vector<1x1x1x16xf32> to vector<16xf32>
        %mul3A_1566 = arith.constant 5.000000e-01 : f32
        %mul3A_1567 = vector.broadcast %mul3A_1566 : f32 to vector<16xf32>
        %mul3A_1568 = arith.mulf %get3A_1565, %mul3A_1567 : vector<16xf32>
        %mul3A_1569 = vector.broadcast %squeeze3A : f32 to vector<16xf32>
        %mul3A_1570 = arith.mulf %mul3A_1569, %sub3A_1557 : vector<16xf32>
        %add3A_1571 = arith.addf %mul3A_1568, %mul3A_1570 : vector<16xf32>
        %swap3A_1572 = arith.constant 1 : i32
        %swap3A_1573 = arith.constant 0 : i32
        %swap3A_1574 = arith.index_cast %swap3A_1572 : i32 to index
        %swap3A_1575 = arith.index_cast %swap3A_1573 : i32 to index
        %swap3A_1576 = arith.index_cast %scan3A_1036 : i32 to index
        %swap3A_1577 = arith.constant 96 : index
        %swap3A_1578 = tpu.vector_load %arg14[%swap3A_1574, %swap3A_1575, %swap3A_1576, %swap3A_1577] {strides = array<i32>} : memref<2x3x32x128xf32, #tpu.memory_space<vmem>>, vector<1x1x1x16xf32>,
        %swap3A_1579 = vector.shape_cast %swap3A_1578 : vector<1x1x1x16xf32> to vector<16xf32>
        %swap3A_1580 = vector.shape_cast %add3A_1571 : vector<16xf32> to vector<1x1x1x16xf32>
        tpu.vector_store %arg14[%swap3A_1574, %swap3A_1575, %swap3A_1576, %swap3A_1577], %swap3A_1580 {strides = array<i32>} : memref<2x3x32x128xf32, #tpu.memory_space<vmem>>, vector<1x1x1x16xf32>,
        %get3A_1581 = arith.constant 1 : i32
        %get3A_1582 = arith.constant 1 : i32
        %get3A_1583 = arith.index_cast %get3A_1581 : i32 to index
        %get3A_1584 = arith.index_cast %get3A_1582 : i32 to index
        %get3A_1585 = arith.index_cast %scan3A_1036 : i32 to index
        %get3A_1586 = arith.constant 96 : index
        %get3A_1587 = tpu.vector_load %arg14[%get3A_1583, %get3A_1584, %get3A_1585, %get3A_1586] {strides = array<i32>} : memref<2x3x32x128xf32, #tpu.memory_space<vmem>>, vector<1x1x1x16xf32>,
        %get3A_1588 = vector.shape_cast %get3A_1587 : vector<1x1x1x16xf32> to vector<16xf32>
        %mul3A_1589 = arith.constant 5.000000e-01 : f32
        %mul3A_1590 = vector.broadcast %mul3A_1589 : f32 to vector<16xf32>
        %mul3A_1591 = arith.mulf %get3A_1588, %mul3A_1590 : vector<16xf32>
        %mul3A_1592 = vector.broadcast %squeeze3A_1047 : f32 to vector<16xf32>
        %mul3A_1593 = arith.mulf %mul3A_1592, %sub3A_1557 : vector<16xf32>
        %add3A_1594 = arith.addf %mul3A_1591, %mul3A_1593 : vector<16xf32>
        %swap3A_1595 = arith.constant 1 : i32
        %swap3A_1596 = arith.constant 1 : i32
        %swap3A_1597 = arith.index_cast %swap3A_1595 : i32 to index
        %swap3A_1598 = arith.index_cast %swap3A_1596 : i32 to index
        %swap3A_1599 = arith.index_cast %scan3A_1036 : i32 to index
        %swap3A_1600 = arith.constant 96 : index
        %swap3A_1601 = tpu.vector_load %arg14[%swap3A_1597, %swap3A_1598, %swap3A_1599, %swap3A_1600] {strides = array<i32>} : memref<2x3x32x128xf32, #tpu.memory_space<vmem>>, vector<1x1x1x16xf32>,
        %swap3A_1602 = vector.shape_cast %swap3A_1601 : vector<1x1x1x16xf32> to vector<16xf32>
        %swap3A_1603 = vector.shape_cast %add3A_1594 : vector<16xf32> to vector<1x1x1x16xf32>
        tpu.vector_store %arg14[%swap3A_1597, %swap3A_1598, %swap3A_1599, %swap3A_1600], %swap3A_1603 {strides = array<i32>} : memref<2x3x32x128xf32, #tpu.memory_space<vmem>>, vector<1x1x1x16xf32>,
        %get3A_1604 = arith.constant 1 : i32
        %get3A_1605 = arith.constant 2 : i32
        %get3A_1606 = arith.index_cast %get3A_1604 : i32 to index
        %get3A_1607 = arith.index_cast %get3A_1605 : i32 to index
        %get3A_1608 = arith.index_cast %scan3A_1036 : i32 to index
        %get3A_1609 = arith.constant 96 : index
        %get3A_1610 = tpu.vector_load %arg14[%get3A_1606, %get3A_1607, %get3A_1608, %get3A_1609] {strides = array<i32>} : memref<2x3x32x128xf32, #tpu.memory_space<vmem>>, vector<1x1x1x16xf32>,
        %get3A_1611 = vector.shape_cast %get3A_1610 : vector<1x1x1x16xf32> to vector<16xf32>
        %mul3A_1612 = arith.constant 5.000000e-01 : f32
        %mul3A_1613 = vector.broadcast %mul3A_1612 : f32 to vector<16xf32>
        %mul3A_1614 = arith.mulf %get3A_1611, %mul3A_1613 : vector<16xf32>
        %mul3A_1615 = vector.broadcast %squeeze3A_1054 : f32 to vector<16xf32>
        %mul3A_1616 = arith.mulf %mul3A_1615, %sub3A_1557 : vector<16xf32>
        %add3A_1617 = arith.addf %mul3A_1614, %mul3A_1616 : vector<16xf32>
        %swap3A_1618 = arith.constant 1 : i32
        %swap3A_1619 = arith.constant 2 : i32
        %swap3A_1620 = arith.index_cast %swap3A_1618 : i32 to index
        %swap3A_1621 = arith.index_cast %swap3A_1619 : i32 to index
        %swap3A_1622 = arith.index_cast %scan3A_1036 : i32 to index
        %swap3A_1623 = arith.constant 96 : index
        %swap3A_1624 = tpu.vector_load %arg14[%swap3A_1620, %swap3A_1621, %swap3A_1622, %swap3A_1623] {strides = array<i32>} : memref<2x3x32x128xf32, #tpu.memory_space<vmem>>, vector<1x1x1x16xf32>,
        %swap3A_1625 = vector.shape_cast %swap3A_1624 : vector<1x1x1x16xf32> to vector<16xf32>
        %swap3A_1626 = vector.shape_cast %add3A_1617 : vector<16xf32> to vector<1x1x1x16xf32>
        tpu.vector_store %arg14[%swap3A_1620, %swap3A_1621, %swap3A_1622, %swap3A_1623], %swap3A_1626 {strides = array<i32>} : memref<2x3x32x128xf32, #tpu.memory_space<vmem>>, vector<1x1x1x16xf32>,
        %get3A_1627 = arith.constant 1 : i32
        %get3A_1628 = arith.index_cast %get3A_1627 : i32 to index
        %get3A_1629 = arith.index_cast %scan3A_1036 : i32 to index
        %get3A_1630 = arith.constant 112 : index
        %get3A_1631 = tpu.vector_load %arg12[%get3A_1628, %get3A_1629, %get3A_1630] {strides = array<i32>} : memref<2x32x128xf32, #tpu.memory_space<vmem>>, vector<1x1x16xf32>,
        %get3A_1632 = vector.shape_cast %get3A_1631 : vector<1x1x16xf32> to vector<16xf32>
        %get3A_1633 = arith.constant 1 : i32
        %get3A_1634 = arith.index_cast %get3A_1633 : i32 to index
        %get3A_1635 = arith.index_cast %scan3A_1036 : i32 to index
        %get3A_1636 = arith.constant 112 : index
        %get3A_1637 = tpu.vector_load %arg13[%get3A_1634, %get3A_1635, %get3A_1636] {strides = array<i32>} : memref<2x32x128xf32, #tpu.memory_space<vmem>>, vector<1x1x16xf32>,
        %get3A_1638 = vector.shape_cast %get3A_1637 : vector<1x1x16xf32> to vector<16xf32>
        %sub3A_1639 = arith.subf %get3A_1632, %get3A_1638 : vector<16xf32>
        %get3A_1640 = arith.constant 1 : i32
        %get3A_1641 = arith.constant 0 : i32
        %get3A_1642 = arith.index_cast %get3A_1640 : i32 to index
        %get3A_1643 = arith.index_cast %get3A_1641 : i32 to index
        %get3A_1644 = arith.index_cast %scan3A_1036 : i32 to index
        %get3A_1645 = arith.constant 112 : index
        %get3A_1646 = tpu.vector_load %arg14[%get3A_1642, %get3A_1643, %get3A_1644, %get3A_1645] {strides = array<i32>} : memref<2x3x32x128xf32, #tpu.memory_space<vmem>>, vector<1x1x1x16xf32>,
        %get3A_1647 = vector.shape_cast %get3A_1646 : vector<1x1x1x16xf32> to vector<16xf32>
        %mul3A_1648 = arith.constant 5.000000e-01 : f32
        %mul3A_1649 = vector.broadcast %mul3A_1648 : f32 to vector<16xf32>
        %mul3A_1650 = arith.mulf %get3A_1647, %mul3A_1649 : vector<16xf32>
        %mul3A_1651 = vector.broadcast %squeeze3A : f32 to vector<16xf32>
        %mul3A_1652 = arith.mulf %mul3A_1651, %sub3A_1639 : vector<16xf32>
        %add3A_1653 = arith.addf %mul3A_1650, %mul3A_1652 : vector<16xf32>
        %swap3A_1654 = arith.constant 1 : i32
        %swap3A_1655 = arith.constant 0 : i32
        %swap3A_1656 = arith.index_cast %swap3A_1654 : i32 to index
        %swap3A_1657 = arith.index_cast %swap3A_1655 : i32 to index
        %swap3A_1658 = arith.index_cast %scan3A_1036 : i32 to index
        %swap3A_1659 = arith.constant 112 : index
        %swap3A_1660 = tpu.vector_load %arg14[%swap3A_1656, %swap3A_1657, %swap3A_1658, %swap3A_1659] {strides = array<i32>} : memref<2x3x32x128xf32, #tpu.memory_space<vmem>>, vector<1x1x1x16xf32>,
        %swap3A_1661 = vector.shape_cast %swap3A_1660 : vector<1x1x1x16xf32> to vector<16xf32>
        %swap3A_1662 = vector.shape_cast %add3A_1653 : vector<16xf32> to vector<1x1x1x16xf32>
        tpu.vector_store %arg14[%swap3A_1656, %swap3A_1657, %swap3A_1658, %swap3A_1659], %swap3A_1662 {strides = array<i32>} : memref<2x3x32x128xf32, #tpu.memory_space<vmem>>, vector<1x1x1x16xf32>,
        %get3A_1663 = arith.constant 1 : i32
        %get3A_1664 = arith.constant 1 : i32
        %get3A_1665 = arith.index_cast %get3A_1663 : i32 to index
        %get3A_1666 = arith.index_cast %get3A_1664 : i32 to index
        %get3A_1667 = arith.index_cast %scan3A_1036 : i32 to index
        %get3A_1668 = arith.constant 112 : index
        %get3A_1669 = tpu.vector_load %arg14[%get3A_1665, %get3A_1666, %get3A_1667, %get3A_1668] {strides = array<i32>} : memref<2x3x32x128xf32, #tpu.memory_space<vmem>>, vector<1x1x1x16xf32>,
        %get3A_1670 = vector.shape_cast %get3A_1669 : vector<1x1x1x16xf32> to vector<16xf32>
        %mul3A_1671 = arith.constant 5.000000e-01 : f32
        %mul3A_1672 = vector.broadcast %mul3A_1671 : f32 to vector<16xf32>
        %mul3A_1673 = arith.mulf %get3A_1670, %mul3A_1672 : vector<16xf32>
        %mul3A_1674 = vector.broadcast %squeeze3A_1047 : f32 to vector<16xf32>
        %mul3A_1675 = arith.mulf %mul3A_1674, %sub3A_1639 : vector<16xf32>
        %add3A_1676 = arith.addf %mul3A_1673, %mul3A_1675 : vector<16xf32>
        %swap3A_1677 = arith.constant 1 : i32
        %swap3A_1678 = arith.constant 1 : i32
        %swap3A_1679 = arith.index_cast %swap3A_1677 : i32 to index
        %swap3A_1680 = arith.index_cast %swap3A_1678 : i32 to index
        %swap3A_1681 = arith.index_cast %scan3A_1036 : i32 to index
        %swap3A_1682 = arith.constant 112 : index
        %swap3A_1683 = tpu.vector_load %arg14[%swap3A_1679, %swap3A_1680, %swap3A_1681, %swap3A_1682] {strides = array<i32>} : memref<2x3x32x128xf32, #tpu.memory_space<vmem>>, vector<1x1x1x16xf32>,
        %swap3A_1684 = vector.shape_cast %swap3A_1683 : vector<1x1x1x16xf32> to vector<16xf32>
        %swap3A_1685 = vector.shape_cast %add3A_1676 : vector<16xf32> to vector<1x1x1x16xf32>
        tpu.vector_store %arg14[%swap3A_1679, %swap3A_1680, %swap3A_1681, %swap3A_1682], %swap3A_1685 {strides = array<i32>} : memref<2x3x32x128xf32, #tpu.memory_space<vmem>>, vector<1x1x1x16xf32>,
        %get3A_1686 = arith.constant 1 : i32
        %get3A_1687 = arith.constant 2 : i32
        %get3A_1688 = arith.index_cast %get3A_1686 : i32 to index
        %get3A_1689 = arith.index_cast %get3A_1687 : i32 to index
        %get3A_1690 = arith.index_cast %scan3A_1036 : i32 to index
        %get3A_1691 = arith.constant 112 : index
        %get3A_1692 = tpu.vector_load %arg14[%get3A_1688, %get3A_1689, %get3A_1690, %get3A_1691] {strides = array<i32>} : memref<2x3x32x128xf32, #tpu.memory_space<vmem>>, vector<1x1x1x16xf32>,
        %get3A_1693 = vector.shape_cast %get3A_1692 : vector<1x1x1x16xf32> to vector<16xf32>
        %mul3A_1694 = arith.constant 5.000000e-01 : f32
        %mul3A_1695 = vector.broadcast %mul3A_1694 : f32 to vector<16xf32>
        %mul3A_1696 = arith.mulf %get3A_1693, %mul3A_1695 : vector<16xf32>
        %mul3A_1697 = vector.broadcast %squeeze3A_1054 : f32 to vector<16xf32>
        %mul3A_1698 = arith.mulf %mul3A_1697, %sub3A_1639 : vector<16xf32>
        %add3A_1699 = arith.addf %mul3A_1696, %mul3A_1698 : vector<16xf32>
        %swap3A_1700 = arith.constant 1 : i32
        %swap3A_1701 = arith.constant 2 : i32
        %swap3A_1702 = arith.index_cast %swap3A_1700 : i32 to index
        %swap3A_1703 = arith.index_cast %swap3A_1701 : i32 to index
        %swap3A_1704 = arith.index_cast %scan3A_1036 : i32 to index
        %swap3A_1705 = arith.constant 112 : index
        %swap3A_1706 = tpu.vector_load %arg14[%swap3A_1702, %swap3A_1703, %swap3A_1704, %swap3A_1705] {strides = array<i32>} : memref<2x3x32x128xf32, #tpu.memory_space<vmem>>, vector<1x1x1x16xf32>,
        %swap3A_1707 = vector.shape_cast %swap3A_1706 : vector<1x1x1x16xf32> to vector<16xf32>
        %swap3A_1708 = vector.shape_cast %add3A_1699 : vector<16xf32> to vector<1x1x1x16xf32>
        tpu.vector_store %arg14[%swap3A_1702, %swap3A_1703, %swap3A_1704, %swap3A_1705], %swap3A_1708 {strides = array<i32>} : memref<2x3x32x128xf32, #tpu.memory_space<vmem>>, vector<1x1x1x16xf32>,
      }
      %scan3A_972 = arith.constant 32 : i32
      %add3A_973 = arith.constant 3 : i32
      %add3A_974 = arith.addi %mul3A_627, %add3A_973 : i32
      %mul3A_975 = arith.constant 32 : i32
      %mul3A_976 = arith.muli %add3A_974, %mul3A_975 : i32
      %add3A_977 = arith.addi %mul3A_2, %mul3A_976 : i32
      %dma_start3A_978 = arith.constant 32 : i32
      %dma_start3A_979 = tpu.memref_slice %arg9[%dma_start3A_978] : memref<64xi32, #tpu.memory_space<vmem>> -> memref<32xi32, #tpu.memory_space<vmem>>
      %dma_start3A_980 = tpu.memref_slice %arg3[%add3A_977] : memref<160000xi32, #tpu.memory_space<hbm>> -> memref<32xi32, #tpu.memory_space<hbm>>
      %dma_start3A_981 = arith.constant 32 : i32
      %dma_start3A_982 = tpu.memref_slice %arg9[%dma_start3A_981] : memref<64xi32, #tpu.memory_space<vmem>> -> memref<32xi32, #tpu.memory_space<vmem>>
      %dma_start3A_983 = tpu.memref_slice %arg3[%add3A_977] : memref<160000xi32, #tpu.memory_space<hbm>> -> memref<32xi32, #tpu.memory_space<hbm>>
      tpu.enqueue_dma source(%dma_start3A_983 : memref<32xi32, #tpu.memory_space<hbm>>) target(%dma_start3A_982 : memref<32xi32, #tpu.memory_space<vmem>>) target_semaphore(%arg16 : memref<!tpu.dma_semaphore, #tpu.memory_space<semaphore_mem>>)
      %dma_start3A_984 = arith.constant 32 : i32
      %dma_start3A_985 = tpu.memref_slice %arg10[%dma_start3A_984] : memref<64xi32, #tpu.memory_space<vmem>> -> memref<32xi32, #tpu.memory_space<vmem>>
      %dma_start3A_986 = tpu.memref_slice %arg4[%add3A_977] : memref<160000xi32, #tpu.memory_space<hbm>> -> memref<32xi32, #tpu.memory_space<hbm>>
      %dma_start3A_987 = arith.constant 32 : i32
      %dma_start3A_988 = tpu.memref_slice %arg10[%dma_start3A_987] : memref<64xi32, #tpu.memory_space<vmem>> -> memref<32xi32, #tpu.memory_space<vmem>>
      %dma_start3A_989 = tpu.memref_slice %arg4[%add3A_977] : memref<160000xi32, #tpu.memory_space<hbm>> -> memref<32xi32, #tpu.memory_space<hbm>>
      tpu.enqueue_dma source(%dma_start3A_989 : memref<32xi32, #tpu.memory_space<hbm>>) target(%dma_start3A_988 : memref<32xi32, #tpu.memory_space<vmem>>) target_semaphore(%arg16 : memref<!tpu.dma_semaphore, #tpu.memory_space<semaphore_mem>>)
      %add3A_990 = arith.constant 0 : i32
      %add3A_991 = arith.addi %add3A_990, %add3A_977 : i32
      %dma_start3A_992 = arith.constant 144 : i32
      %dma_start3A_993 = tpu.memref_slice %arg11[%dma_start3A_992] : memref<288xf32, #tpu.memory_space<vmem>> -> memref<32xf32, #tpu.memory_space<vmem>>
      %dma_start3A_994 = tpu.memref_slice %arg5[%add3A_991] : memref<480000xf32, #tpu.memory_space<hbm>> -> memref<32xf32, #tpu.memory_space<hbm>>
      %dma_start3A_995 = arith.constant 144 : i32
      %dma_start3A_996 = tpu.memref_slice %arg11[%dma_start3A_995] : memref<288xf32, #tpu.memory_space<vmem>> -> memref<32xf32, #tpu.memory_space<vmem>>
      %dma_start3A_997 = tpu.memref_slice %arg5[%add3A_991] : memref<480000xf32, #tpu.memory_space<hbm>> -> memref<32xf32, #tpu.memory_space<hbm>>
      tpu.enqueue_dma source(%dma_start3A_997 : memref<32xf32, #tpu.memory_space<hbm>>) target(%dma_start3A_996 : memref<32xf32, #tpu.memory_space<vmem>>) target_semaphore(%arg16 : memref<!tpu.dma_semaphore, #tpu.memory_space<semaphore_mem>>)
      %add3A_998 = arith.constant 160000 : i32
      %add3A_999 = arith.addi %add3A_998, %add3A_977 : i32
      %dma_start3A_1000 = arith.constant 192 : i32
      %dma_start3A_1001 = tpu.memref_slice %arg11[%dma_start3A_1000] : memref<288xf32, #tpu.memory_space<vmem>> -> memref<32xf32, #tpu.memory_space<vmem>>
      %dma_start3A_1002 = tpu.memref_slice %arg5[%add3A_999] : memref<480000xf32, #tpu.memory_space<hbm>> -> memref<32xf32, #tpu.memory_space<hbm>>
      %dma_start3A_1003 = arith.constant 192 : i32
      %dma_start3A_1004 = tpu.memref_slice %arg11[%dma_start3A_1003] : memref<288xf32, #tpu.memory_space<vmem>> -> memref<32xf32, #tpu.memory_space<vmem>>
      %dma_start3A_1005 = tpu.memref_slice %arg5[%add3A_999] : memref<480000xf32, #tpu.memory_space<hbm>> -> memref<32xf32, #tpu.memory_space<hbm>>
      tpu.enqueue_dma source(%dma_start3A_1005 : memref<32xf32, #tpu.memory_space<hbm>>) target(%dma_start3A_1004 : memref<32xf32, #tpu.memory_space<vmem>>) target_semaphore(%arg16 : memref<!tpu.dma_semaphore, #tpu.memory_space<semaphore_mem>>)
      %add3A_1006 = arith.constant 320000 : i32
      %add3A_1007 = arith.addi %add3A_1006, %add3A_977 : i32
      %dma_start3A_1008 = arith.constant 240 : i32
      %dma_start3A_1009 = tpu.memref_slice %arg11[%dma_start3A_1008] : memref<288xf32, #tpu.memory_space<vmem>> -> memref<32xf32, #tpu.memory_space<vmem>>
      %dma_start3A_1010 = tpu.memref_slice %arg5[%add3A_1007] : memref<480000xf32, #tpu.memory_space<hbm>> -> memref<32xf32, #tpu.memory_space<hbm>>
      %dma_start3A_1011 = arith.constant 240 : i32
      %dma_start3A_1012 = tpu.memref_slice %arg11[%dma_start3A_1011] : memref<288xf32, #tpu.memory_space<vmem>> -> memref<32xf32, #tpu.memory_space<vmem>>
      %dma_start3A_1013 = tpu.memref_slice %arg5[%add3A_1007] : memref<480000xf32, #tpu.memory_space<hbm>> -> memref<32xf32, #tpu.memory_space<hbm>>
      tpu.enqueue_dma source(%dma_start3A_1013 : memref<32xf32, #tpu.memory_space<hbm>>) target(%dma_start3A_1012 : memref<32xf32, #tpu.memory_space<vmem>>) target_semaphore(%arg16 : memref<!tpu.dma_semaphore, #tpu.memory_space<semaphore_mem>>)
      %add3A_1014 = arith.constant 1 : i32
      %add3A_1015 = arith.addi %mul3A_627, %add3A_1014 : i32
      %mul3A_1016 = arith.constant 32 : i32
      %mul3A_1017 = arith.muli %add3A_1015, %mul3A_1016 : i32
      %add3A_1018 = arith.addi %mul3A_2, %mul3A_1017 : i32
      %dma_start3A_1019 = arith.constant 1 : i32
      %dma_start3A_1020 = arith.constant 0 : i32
      %dma_start3A_1021 = arith.constant 0 : i32
      %dma_start3A_1022 = arith.constant 0 : i32
      %dma_start3A_1023 = tpu.memref_slice %arg14[%dma_start3A_1019, %dma_start3A_1020, %dma_start3A_1021, %dma_start3A_1022] : memref<2x3x32x128xf32, #tpu.memory_space<vmem>> -> memref<1x3x32x128xf32, #tpu.memory_space<vmem>>
      %dma_start3A_1024 = tpu.memref_squeeze %dma_start3A_1023 : memref<1x3x32x128xf32, #tpu.memory_space<vmem>> -> memref<3x32x128xf32, #tpu.memory_space<vmem>>
      %dma_start3A_1025 = arith.constant 0 : i32
      %dma_start3A_1026 = arith.constant 0 : i32
      %dma_start3A_1027 = tpu.memref_slice %arg7[%dma_start3A_1025, %add3A_1018, %dma_start3A_1026] : memref<3x160000x128xf32, #tpu.memory_space<hbm>> -> memref<3x32x128xf32, #tpu.memory_space<hbm>>
      %dma_start3A_1028 = arith.constant 0 : i32
      %dma_start3A_1029 = arith.constant 0 : i32
      %dma_start3A_1030 = tpu.memref_slice %arg7[%dma_start3A_1028, %add3A_1018, %dma_start3A_1029] : memref<3x160000x128xf32, #tpu.memory_space<hbm>> -> memref<3x32x128xf32, #tpu.memory_space<hbm>>
      %dma_start3A_1031 = arith.constant 0 : i32
      %dma_start3A_1032 = arith.constant 0 : i32
      %dma_start3A_1033 = arith.constant 0 : i32
      %dma_start3A_1034 = tpu.memref_slice %arg14[%dma_start3A_1019, %dma_start3A_1031, %dma_start3A_1032, %dma_start3A_1033] : memref<2x3x32x128xf32, #tpu.memory_space<vmem>> -> memref<1x3x32x128xf32, #tpu.memory_space<vmem>>
      %dma_start3A_1035 = tpu.memref_squeeze %dma_start3A_1034 : memref<1x3x32x128xf32, #tpu.memory_space<vmem>> -> memref<3x32x128xf32, #tpu.memory_space<vmem>>
      tpu.enqueue_dma source(%dma_start3A_1035 : memref<3x32x128xf32, #tpu.memory_space<vmem>>) target(%dma_start3A_1030 : memref<3x32x128xf32, #tpu.memory_space<hbm>>) target_semaphore(%arg22 : memref<!tpu.dma_semaphore, #tpu.memory_space<semaphore_mem>>)
    }
    %scan3A_164 = arith.constant 77 : i32
    %add3A_165 = arith.constant 4896 : i32
    %add3A_166 = arith.addi %mul3A_2, %add3A_165 : i32
    %dma_wait3A_167 = arith.constant 1 : i32
    %dma_wait3A_168 = arith.constant 0 : i32
    %dma_wait3A_169 = arith.constant 0 : i32
    %dma_wait3A_170 = arith.constant 0 : i32
    %dma_wait3A_171 = tpu.memref_slice %arg14[%dma_wait3A_167, %dma_wait3A_168, %dma_wait3A_169, %dma_wait3A_170] : memref<2x3x32x128xf32, #tpu.memory_space<vmem>> -> memref<1x3x32x128xf32, #tpu.memory_space<vmem>>
    %dma_wait3A_172 = tpu.memref_squeeze %dma_wait3A_171 : memref<1x3x32x128xf32, #tpu.memory_space<vmem>> -> memref<3x32x128xf32, #tpu.memory_space<vmem>>
    %dma_wait3A_173 = arith.constant 0 : i32
    %dma_wait3A_174 = arith.constant 0 : i32
    %dma_wait3A_175 = tpu.memref_slice %arg7[%dma_wait3A_173, %add3A_166, %dma_wait3A_174] : memref<3x160000x128xf32, #tpu.memory_space<hbm>> -> memref<3x32x128xf32, #tpu.memory_space<hbm>>
    %dma_wait3A_176 = arith.constant 0 : i32
    %dma_wait3A_177 = arith.constant 0 : i32
    %dma_wait3A_178 = tpu.memref_slice %arg7[%dma_wait3A_176, %add3A_166, %dma_wait3A_177] : memref<3x160000x128xf32, #tpu.memory_space<hbm>> -> memref<3x32x128xf32, #tpu.memory_space<hbm>>
    %dma_wait3A_179 = arith.constant 0 : i32
    %dma_wait3A_180 = arith.constant 0 : i32
    %dma_wait3A_181 = arith.constant 0 : i32
    %dma_wait3A_182 = tpu.memref_slice %arg14[%dma_wait3A_167, %dma_wait3A_179, %dma_wait3A_180, %dma_wait3A_181] : memref<2x3x32x128xf32, #tpu.memory_space<vmem>> -> memref<1x3x32x128xf32, #tpu.memory_space<vmem>>
    %dma_wait3A_183 = tpu.memref_squeeze %dma_wait3A_182 : memref<1x3x32x128xf32, #tpu.memory_space<vmem>> -> memref<3x32x128xf32, #tpu.memory_space<vmem>>
    tpu.wait_dma2 semaphore(%arg22 : memref<!tpu.dma_semaphore, #tpu.memory_space<semaphore_mem>>) src(%dma_wait3A_183 : memref<3x32x128xf32, #tpu.memory_space<vmem>>) dst(%dma_wait3A_178 : memref<3x32x128xf32, #tpu.memory_space<hbm>>)
    %add3A_184 = arith.constant 4960 : i32
    %add3A_185 = arith.addi %mul3A_2, %add3A_184 : i32
    %dma_start3A_186 = arith.constant 1 : i32
    %dma_start3A_187 = arith.constant 0 : i32
    %dma_start3A_188 = arith.constant 0 : i32
    %dma_start3A_189 = arith.constant 0 : i32
    %dma_start3A_190 = tpu.memref_slice %arg14[%dma_start3A_186, %dma_start3A_187, %dma_start3A_188, %dma_start3A_189] : memref<2x3x32x128xf32, #tpu.memory_space<vmem>> -> memref<1x3x32x128xf32, #tpu.memory_space<vmem>>
    %dma_start3A_191 = tpu.memref_squeeze %dma_start3A_190 : memref<1x3x32x128xf32, #tpu.memory_space<vmem>> -> memref<3x32x128xf32, #tpu.memory_space<vmem>>
    %dma_start3A_192 = arith.constant 0 : i32
    %dma_start3A_193 = arith.constant 0 : i32
    %dma_start3A_194 = tpu.memref_slice %arg6[%dma_start3A_192, %add3A_185, %dma_start3A_193] : memref<3x160000x128xf32, #tpu.memory_space<hbm>> -> memref<3x32x128xf32, #tpu.memory_space<hbm>>
    %dma_start3A_195 = arith.constant 0 : i32
    %dma_start3A_196 = arith.constant 0 : i32
    %dma_start3A_197 = arith.constant 0 : i32
    %dma_start3A_198 = tpu.memref_slice %arg14[%dma_start3A_186, %dma_start3A_195, %dma_start3A_196, %dma_start3A_197] : memref<2x3x32x128xf32, #tpu.memory_space<vmem>> -> memref<1x3x32x128xf32, #tpu.memory_space<vmem>>
    %dma_start3A_199 = tpu.memref_squeeze %dma_start3A_198 : memref<1x3x32x128xf32, #tpu.memory_space<vmem>> -> memref<3x32x128xf32, #tpu.memory_space<vmem>>
    %dma_start3A_200 = arith.constant 0 : i32
    %dma_start3A_201 = arith.constant 0 : i32
    %dma_start3A_202 = tpu.memref_slice %arg6[%dma_start3A_200, %add3A_185, %dma_start3A_201] : memref<3x160000x128xf32, #tpu.memory_space<hbm>> -> memref<3x32x128xf32, #tpu.memory_space<hbm>>
    tpu.enqueue_dma source(%dma_start3A_202 : memref<3x32x128xf32, #tpu.memory_space<hbm>>) target(%dma_start3A_199 : memref<3x32x128xf32, #tpu.memory_space<vmem>>) target_semaphore(%arg20 : memref<!tpu.dma_semaphore, #tpu.memory_space<semaphore_mem>>)
    %add3A_203 = arith.constant 4928 : i32
    %add3A_204 = arith.addi %mul3A_2, %add3A_203 : i32
    %dma_wait3A_205 = arith.constant 0 : i32
    %dma_wait3A_206 = arith.constant 0 : i32
    %dma_wait3A_207 = arith.constant 0 : i32
    %dma_wait3A_208 = arith.constant 0 : i32
    %dma_wait3A_209 = tpu.memref_slice %arg14[%dma_wait3A_205, %dma_wait3A_206, %dma_wait3A_207, %dma_wait3A_208] : memref<2x3x32x128xf32, #tpu.memory_space<vmem>> -> memref<1x3x32x128xf32, #tpu.memory_space<vmem>>
    %dma_wait3A_210 = tpu.memref_squeeze %dma_wait3A_209 : memref<1x3x32x128xf32, #tpu.memory_space<vmem>> -> memref<3x32x128xf32, #tpu.memory_space<vmem>>
    %dma_wait3A_211 = arith.constant 0 : i32
    %dma_wait3A_212 = arith.constant 0 : i32
    %dma_wait3A_213 = tpu.memref_slice %arg6[%dma_wait3A_211, %add3A_204, %dma_wait3A_212] : memref<3x160000x128xf32, #tpu.memory_space<hbm>> -> memref<3x32x128xf32, #tpu.memory_space<hbm>>
    %dma_wait3A_214 = arith.constant 0 : i32
    %dma_wait3A_215 = arith.constant 0 : i32
    %dma_wait3A_216 = arith.constant 0 : i32
    %dma_wait3A_217 = tpu.memref_slice %arg14[%dma_wait3A_205, %dma_wait3A_214, %dma_wait3A_215, %dma_wait3A_216] : memref<2x3x32x128xf32, #tpu.memory_space<vmem>> -> memref<1x3x32x128xf32, #tpu.memory_space<vmem>>
    %dma_wait3A_218 = tpu.memref_squeeze %dma_wait3A_217 : memref<1x3x32x128xf32, #tpu.memory_space<vmem>> -> memref<3x32x128xf32, #tpu.memory_space<vmem>>
    %dma_wait3A_219 = arith.constant 0 : i32
    %dma_wait3A_220 = arith.constant 0 : i32
    %dma_wait3A_221 = tpu.memref_slice %arg6[%dma_wait3A_219, %add3A_204, %dma_wait3A_220] : memref<3x160000x128xf32, #tpu.memory_space<hbm>> -> memref<3x32x128xf32, #tpu.memory_space<hbm>>
    tpu.wait_dma2 semaphore(%arg19 : memref<!tpu.dma_semaphore, #tpu.memory_space<semaphore_mem>>) src(%dma_wait3A_221 : memref<3x32x128xf32, #tpu.memory_space<hbm>>) dst(%dma_wait3A_218 : memref<3x32x128xf32, #tpu.memory_space<vmem>>)
    %dma_wait3A_222 = arith.constant 0 : i32
    %dma_wait3A_223 = arith.constant 0 : i32
    %dma_wait3A_224 = arith.constant 0 : i32
    %dma_wait3A_225 = tpu.memref_slice %arg12[%dma_wait3A_222, %dma_wait3A_223, %dma_wait3A_224] : memref<2x32x128xf32, #tpu.memory_space<vmem>> -> memref<1x32x128xf32, #tpu.memory_space<vmem>>
    %dma_wait3A_226 = tpu.memref_squeeze %dma_wait3A_225 : memref<1x32x128xf32, #tpu.memory_space<vmem>> -> memref<32x128xf32, #tpu.memory_space<vmem>>
    %dma_wait3A_227 = arith.constant 0 : i32
    %dma_wait3A_228 = tpu.memref_slice %arg9[%dma_wait3A_227] : memref<64xi32, #tpu.memory_space<vmem>> -> memref<32xi32, #tpu.memory_space<vmem>>
    %dma_wait3A_229 = arith.constant 0 : i32
    %dma_wait3A_230 = arith.constant 0 : i32
    %dma_wait3A_231 = tpu.memref_slice %arg8[%dma_wait3A_229, %dma_wait3A_230] : memref<10000x128xf32, #tpu.memory_space<vmem_shared>> -> memref<10000x128xf32, #tpu.memory_space<vmem_shared>>
    tpu.wait_indirect_dma semaphore(%arg17 : memref<!tpu.dma_semaphore, #tpu.memory_space<semaphore_mem>>) src(%dma_wait3A_231 : memref<10000x128xf32, #tpu.memory_space<vmem_shared>>) dst(%dma_wait3A_226 : memref<32x128xf32, #tpu.memory_space<vmem>>)
    %dma_wait3A_232 = arith.constant 0 : i32
    %dma_wait3A_233 = arith.constant 0 : i32
    %dma_wait3A_234 = arith.constant 0 : i32
    %dma_wait3A_235 = tpu.memref_slice %arg13[%dma_wait3A_232, %dma_wait3A_233, %dma_wait3A_234] : memref<2x32x128xf32, #tpu.memory_space<vmem>> -> memref<1x32x128xf32, #tpu.memory_space<vmem>>
    %dma_wait3A_236 = tpu.memref_squeeze %dma_wait3A_235 : memref<1x32x128xf32, #tpu.memory_space<vmem>> -> memref<32x128xf32, #tpu.memory_space<vmem>>
    %dma_wait3A_237 = arith.constant 0 : i32
    %dma_wait3A_238 = tpu.memref_slice %arg10[%dma_wait3A_237] : memref<64xi32, #tpu.memory_space<vmem>> -> memref<32xi32, #tpu.memory_space<vmem>>
    %dma_wait3A_239 = arith.constant 0 : i32
    %dma_wait3A_240 = arith.constant 0 : i32
    %dma_wait3A_241 = tpu.memref_slice %arg8[%dma_wait3A_239, %dma_wait3A_240] : memref<10000x128xf32, #tpu.memory_space<vmem_shared>> -> memref<10000x128xf32, #tpu.memory_space<vmem_shared>>
    tpu.wait_indirect_dma semaphore(%arg17 : memref<!tpu.dma_semaphore, #tpu.memory_space<semaphore_mem>>) src(%dma_wait3A_241 : memref<10000x128xf32, #tpu.memory_space<vmem_shared>>) dst(%dma_wait3A_236 : memref<32x128xf32, #tpu.memory_space<vmem>>)
    %add3A_242 = arith.constant 4960 : i32
    %add3A_243 = arith.addi %mul3A_2, %add3A_242 : i32
    %dma_wait3A_244 = arith.constant 32 : i32
    %dma_wait3A_245 = tpu.memref_slice %arg9[%dma_wait3A_244] : memref<64xi32, #tpu.memory_space<vmem>> -> memref<32xi32, #tpu.memory_space<vmem>>
    %dma_wait3A_246 = tpu.memref_slice %arg3[%add3A_243] : memref<160000xi32, #tpu.memory_space<hbm>> -> memref<32xi32, #tpu.memory_space<hbm>>
    %dma_wait3A_247 = arith.constant 32 : i32
    %dma_wait3A_248 = tpu.memref_slice %arg9[%dma_wait3A_247] : memref<64xi32, #tpu.memory_space<vmem>> -> memref<32xi32, #tpu.memory_space<vmem>>
    %dma_wait3A_249 = tpu.memref_slice %arg3[%add3A_243] : memref<160000xi32, #tpu.memory_space<hbm>> -> memref<32xi32, #tpu.memory_space<hbm>>
    tpu.wait_dma2 semaphore(%arg16 : memref<!tpu.dma_semaphore, #tpu.memory_space<semaphore_mem>>) src(%dma_wait3A_249 : memref<32xi32, #tpu.memory_space<hbm>>) dst(%dma_wait3A_248 : memref<32xi32, #tpu.memory_space<vmem>>)
    %dma_wait3A_250 = arith.constant 32 : i32
    %dma_wait3A_251 = tpu.memref_slice %arg10[%dma_wait3A_250] : memref<64xi32, #tpu.memory_space<vmem>> -> memref<32xi32, #tpu.memory_space<vmem>>
    %dma_wait3A_252 = tpu.memref_slice %arg4[%add3A_243] : memref<160000xi32, #tpu.memory_space<hbm>> -> memref<32xi32, #tpu.memory_space<hbm>>
    %dma_wait3A_253 = arith.constant 32 : i32
    %dma_wait3A_254 = tpu.memref_slice %arg10[%dma_wait3A_253] : memref<64xi32, #tpu.memory_space<vmem>> -> memref<32xi32, #tpu.memory_space<vmem>>
    %dma_wait3A_255 = tpu.memref_slice %arg4[%add3A_243] : memref<160000xi32, #tpu.memory_space<hbm>> -> memref<32xi32, #tpu.memory_space<hbm>>
    tpu.wait_dma2 semaphore(%arg16 : memref<!tpu.dma_semaphore, #tpu.memory_space<semaphore_mem>>) src(%dma_wait3A_255 : memref<32xi32, #tpu.memory_space<hbm>>) dst(%dma_wait3A_254 : memref<32xi32, #tpu.memory_space<vmem>>)
    %add3A_256 = arith.constant 0 : i32
    %add3A_257 = arith.addi %add3A_256, %add3A_243 : i32
    %dma_wait3A_258 = arith.constant 144 : i32
    %dma_wait3A_259 = tpu.memref_slice %arg11[%dma_wait3A_258] : memref<288xf32, #tpu.memory_space<vmem>> -> memref<32xf32, #tpu.memory_space<vmem>>
    %dma_wait3A_260 = tpu.memref_slice %arg5[%add3A_257] : memref<480000xf32, #tpu.memory_space<hbm>> -> memref<32xf32, #tpu.memory_space<hbm>>
    %dma_wait3A_261 = arith.constant 144 : i32
    %dma_wait3A_262 = tpu.memref_slice %arg11[%dma_wait3A_261] : memref<288xf32, #tpu.memory_space<vmem>> -> memref<32xf32, #tpu.memory_space<vmem>>
    %dma_wait3A_263 = tpu.memref_slice %arg5[%add3A_257] : memref<480000xf32, #tpu.memory_space<hbm>> -> memref<32xf32, #tpu.memory_space<hbm>>
    tpu.wait_dma2 semaphore(%arg16 : memref<!tpu.dma_semaphore, #tpu.memory_space<semaphore_mem>>) src(%dma_wait3A_263 : memref<32xf32, #tpu.memory_space<hbm>>) dst(%dma_wait3A_262 : memref<32xf32, #tpu.memory_space<vmem>>)
    %add3A_264 = arith.constant 160000 : i32
    %add3A_265 = arith.addi %add3A_264, %add3A_243 : i32
    %dma_wait3A_266 = arith.constant 192 : i32
    %dma_wait3A_267 = tpu.memref_slice %arg11[%dma_wait3A_266] : memref<288xf32, #tpu.memory_space<vmem>> -> memref<32xf32, #tpu.memory_space<vmem>>
    %dma_wait3A_268 = tpu.memref_slice %arg5[%add3A_265] : memref<480000xf32, #tpu.memory_space<hbm>> -> memref<32xf32, #tpu.memory_space<hbm>>
    %dma_wait3A_269 = arith.constant 192 : i32
    %dma_wait3A_270 = tpu.memref_slice %arg11[%dma_wait3A_269] : memref<288xf32, #tpu.memory_space<vmem>> -> memref<32xf32, #tpu.memory_space<vmem>>
    %dma_wait3A_271 = tpu.memref_slice %arg5[%add3A_265] : memref<480000xf32, #tpu.memory_space<hbm>> -> memref<32xf32, #tpu.memory_space<hbm>>
    tpu.wait_dma2 semaphore(%arg16 : memref<!tpu.dma_semaphore, #tpu.memory_space<semaphore_mem>>) src(%dma_wait3A_271 : memref<32xf32, #tpu.memory_space<hbm>>) dst(%dma_wait3A_270 : memref<32xf32, #tpu.memory_space<vmem>>)
    %add3A_272 = arith.constant 320000 : i32
    %add3A_273 = arith.addi %add3A_272, %add3A_243 : i32
    %dma_wait3A_274 = arith.constant 240 : i32
    %dma_wait3A_275 = tpu.memref_slice %arg11[%dma_wait3A_274] : memref<288xf32, #tpu.memory_space<vmem>> -> memref<32xf32, #tpu.memory_space<vmem>>
    %dma_wait3A_276 = tpu.memref_slice %arg5[%add3A_273] : memref<480000xf32, #tpu.memory_space<hbm>> -> memref<32xf32, #tpu.memory_space<hbm>>
    %dma_wait3A_277 = arith.constant 240 : i32
    %dma_wait3A_278 = tpu.memref_slice %arg11[%dma_wait3A_277] : memref<288xf32, #tpu.memory_space<vmem>> -> memref<32xf32, #tpu.memory_space<vmem>>
    %dma_wait3A_279 = tpu.memref_slice %arg5[%add3A_273] : memref<480000xf32, #tpu.memory_space<hbm>> -> memref<32xf32, #tpu.memory_space<hbm>>
    tpu.wait_dma2 semaphore(%arg16 : memref<!tpu.dma_semaphore, #tpu.memory_space<semaphore_mem>>) src(%dma_wait3A_279 : memref<32xf32, #tpu.memory_space<hbm>>) dst(%dma_wait3A_278 : memref<32xf32, #tpu.memory_space<vmem>>)
    %dma_start3A_280 = arith.constant 1 : i32
    %dma_start3A_281 = arith.constant 0 : i32
    %dma_start3A_282 = arith.constant 0 : i32
    %dma_start3A_283 = tpu.memref_slice %arg12[%dma_start3A_280, %dma_start3A_281, %dma_start3A_282] : memref<2x32x128xf32, #tpu.memory_space<vmem>> -> memref<1x32x128xf32, #tpu.memory_space<vmem>>
    %dma_start3A_284 = tpu.memref_squeeze %dma_start3A_283 : memref<1x32x128xf32, #tpu.memory_space<vmem>> -> memref<32x128xf32, #tpu.memory_space<vmem>>
    %dma_start3A_285 = arith.constant 32 : i32
    %dma_start3A_286 = tpu.memref_slice %arg9[%dma_start3A_285] : memref<64xi32, #tpu.memory_space<vmem>> -> memref<32xi32, #tpu.memory_space<vmem>>
    %dma_start3A_287 = arith.constant 0 : i32
    %dma_start3A_288 = arith.constant 0 : i32
    %dma_start3A_289 = tpu.memref_slice %arg8[%dma_start3A_287, %dma_start3A_288] : memref<10000x128xf32, #tpu.memory_space<vmem_shared>> -> memref<10000x128xf32, #tpu.memory_space<vmem_shared>>
    tpu.enqueue_indirect_dma source(%dma_start3A_289 : memref<10000x128xf32, #tpu.memory_space<vmem_shared>>) target(%dma_start3A_284 : memref<32x128xf32, #tpu.memory_space<vmem>>) offsets(%dma_start3A_286 : memref<32xi32, #tpu.memory_space<vmem>>) semaphore(%arg18 : memref<!tpu.dma_semaphore, #tpu.memory_space<semaphore_mem>>)
    %dma_start3A_290 = arith.constant 1 : i32
    %dma_start3A_291 = arith.constant 0 : i32
    %dma_start3A_292 = arith.constant 0 : i32
    %dma_start3A_293 = tpu.memref_slice %arg13[%dma_start3A_290, %dma_start3A_291, %dma_start3A_292] : memref<2x32x128xf32, #tpu.memory_space<vmem>> -> memref<1x32x128xf32, #tpu.memory_space<vmem>>
    %dma_start3A_294 = tpu.memref_squeeze %dma_start3A_293 : memref<1x32x128xf32, #tpu.memory_space<vmem>> -> memref<32x128xf32, #tpu.memory_space<vmem>>
    %dma_start3A_295 = arith.constant 32 : i32
    %dma_start3A_296 = tpu.memref_slice %arg10[%dma_start3A_295] : memref<64xi32, #tpu.memory_space<vmem>> -> memref<32xi32, #tpu.memory_space<vmem>>
    %dma_start3A_297 = arith.constant 0 : i32
    %dma_start3A_298 = arith.constant 0 : i32
    %dma_start3A_299 = tpu.memref_slice %arg8[%dma_start3A_297, %dma_start3A_298] : memref<10000x128xf32, #tpu.memory_space<vmem_shared>> -> memref<10000x128xf32, #tpu.memory_space<vmem_shared>>
    tpu.enqueue_indirect_dma source(%dma_start3A_299 : memref<10000x128xf32, #tpu.memory_space<vmem_shared>>) target(%dma_start3A_294 : memref<32x128xf32, #tpu.memory_space<vmem>>) offsets(%dma_start3A_296 : memref<32xi32, #tpu.memory_space<vmem>>) semaphore(%arg18 : memref<!tpu.dma_semaphore, #tpu.memory_space<semaphore_mem>>)
    %scan3A_300 = arith.constant 0 : i32
    %scan3A_301 = arith.constant 0 : i32
    %scan3A_302 = arith.constant 32 : i32
    %scan3A_303 = arith.addi %scan3A_301, %scan3A_302 : i32
    %scan3A_304 = arith.constant 1 : i32
    scf.for %scan3A_625 = %scan3A_301 to %scan3A_303 step %scan3A_304  : i32 {
      %add3A_626 = arith.constant 0 : i32
      %add3A_627 = arith.addi %add3A_626, %scan3A_625 : i32
      %get3A = arith.index_cast %add3A_627 : i32 to index
      %get3A_628 = tpu.vector_load %arg11[%get3A] {strides = array<i32>} : memref<288xf32, #tpu.memory_space<vmem>>, vector<16xf32>,
      %get3A_629 = vector.shape_cast %get3A_628 : vector<16xf32> to vector<16xf32>
      %slice3A = vector.extract_strided_slice %get3A_629 {offsets = [0], sizes = [1], strides = [1]} : vector<16xf32> to vector<1xf32>
      %squeeze3A = vector.extract %slice3A[0] : f32 from vector<1xf32>
      %add3A_630 = arith.constant 48 : i32
      %add3A_631 = arith.addi %add3A_630, %scan3A_625 : i32
      %get3A_632 = arith.index_cast %add3A_631 : i32 to index
      %get3A_633 = tpu.vector_load %arg11[%get3A_632] {strides = array<i32>} : memref<288xf32, #tpu.memory_space<vmem>>, vector<16xf32>,
      %get3A_634 = vector.shape_cast %get3A_633 : vector<16xf32> to vector<16xf32>
      %slice3A_635 = vector.extract_strided_slice %get3A_634 {offsets = [0], sizes = [1], strides = [1]} : vector<16xf32> to vector<1xf32>
      %squeeze3A_636 = vector.extract %slice3A_635[0] : f32 from vector<1xf32>
      %add3A_637 = arith.constant 96 : i32
      %add3A_638 = arith.addi %add3A_637, %scan3A_625 : i32
      %get3A_639 = arith.index_cast %add3A_638 : i32 to index
      %get3A_640 = tpu.vector_load %arg11[%get3A_639] {strides = array<i32>} : memref<288xf32, #tpu.memory_space<vmem>>, vector<16xf32>,
      %get3A_641 = vector.shape_cast %get3A_640 : vector<16xf32> to vector<16xf32>
      %slice3A_642 = vector.extract_strided_slice %get3A_641 {offsets = [0], sizes = [1], strides = [1]} : vector<16xf32> to vector<1xf32>
      %squeeze3A_643 = vector.extract %slice3A_642[0] : f32 from vector<1xf32>
      %get3A_644 = arith.constant 0 : i32
      %get3A_645 = arith.index_cast %get3A_644 : i32 to index
      %get3A_646 = arith.index_cast %scan3A_625 : i32 to index
      %get3A_647 = arith.constant 0 : index
      %get3A_648 = tpu.vector_load %arg12[%get3A_645, %get3A_646, %get3A_647] {strides = array<i32>} : memref<2x32x128xf32, #tpu.memory_space<vmem>>, vector<1x1x16xf32>,
      %get3A_649 = vector.shape_cast %get3A_648 : vector<1x1x16xf32> to vector<16xf32>
      %get3A_650 = arith.constant 0 : i32
      %get3A_651 = arith.index_cast %get3A_650 : i32 to index
      %get3A_652 = arith.index_cast %scan3A_625 : i32 to index
      %get3A_653 = arith.constant 0 : index
      %get3A_654 = tpu.vector_load %arg13[%get3A_651, %get3A_652, %get3A_653] {strides = array<i32>} : memref<2x32x128xf32, #tpu.memory_space<vmem>>, vector<1x1x16xf32>,
      %get3A_655 = vector.shape_cast %get3A_654 : vector<1x1x16xf32> to vector<16xf32>
      %sub3A = arith.subf %get3A_649, %get3A_655 : vector<16xf32>
      %get3A_656 = arith.constant 0 : i32
      %get3A_657 = arith.constant 0 : i32
      %get3A_658 = arith.index_cast %get3A_656 : i32 to index
      %get3A_659 = arith.index_cast %get3A_657 : i32 to index
      %get3A_660 = arith.index_cast %scan3A_625 : i32 to index
      %get3A_661 = arith.constant 0 : index
      %get3A_662 = tpu.vector_load %arg14[%get3A_658, %get3A_659, %get3A_660, %get3A_661] {strides = array<i32>} : memref<2x3x32x128xf32, #tpu.memory_space<vmem>>, vector<1x1x1x16xf32>,
      %get3A_663 = vector.shape_cast %get3A_662 : vector<1x1x1x16xf32> to vector<16xf32>
      %mul3A_664 = arith.constant 5.000000e-01 : f32
      %mul3A_665 = vector.broadcast %mul3A_664 : f32 to vector<16xf32>
      %mul3A_666 = arith.mulf %get3A_663, %mul3A_665 : vector<16xf32>
      %mul3A_667 = vector.broadcast %squeeze3A : f32 to vector<16xf32>
      %mul3A_668 = arith.mulf %mul3A_667, %sub3A : vector<16xf32>
      %add3A_669 = arith.addf %mul3A_666, %mul3A_668 : vector<16xf32>
      %swap3A = arith.constant 0 : i32
      %swap3A_670 = arith.constant 0 : i32
      %swap3A_671 = arith.index_cast %swap3A : i32 to index
      %swap3A_672 = arith.index_cast %swap3A_670 : i32 to index
      %swap3A_673 = arith.index_cast %scan3A_625 : i32 to index
      %swap3A_674 = arith.constant 0 : index
      %swap3A_675 = tpu.vector_load %arg14[%swap3A_671, %swap3A_672, %swap3A_673, %swap3A_674] {strides = array<i32>} : memref<2x3x32x128xf32, #tpu.memory_space<vmem>>, vector<1x1x1x16xf32>,
      %swap3A_676 = vector.shape_cast %swap3A_675 : vector<1x1x1x16xf32> to vector<16xf32>
      %swap3A_677 = vector.shape_cast %add3A_669 : vector<16xf32> to vector<1x1x1x16xf32>
      tpu.vector_store %arg14[%swap3A_671, %swap3A_672, %swap3A_673, %swap3A_674], %swap3A_677 {strides = array<i32>} : memref<2x3x32x128xf32, #tpu.memory_space<vmem>>, vector<1x1x1x16xf32>,
      %get3A_678 = arith.constant 0 : i32
      %get3A_679 = arith.constant 1 : i32
      %get3A_680 = arith.index_cast %get3A_678 : i32 to index
      %get3A_681 = arith.index_cast %get3A_679 : i32 to index
      %get3A_682 = arith.index_cast %scan3A_625 : i32 to index
      %get3A_683 = arith.constant 0 : index
      %get3A_684 = tpu.vector_load %arg14[%get3A_680, %get3A_681, %get3A_682, %get3A_683] {strides = array<i32>} : memref<2x3x32x128xf32, #tpu.memory_space<vmem>>, vector<1x1x1x16xf32>,
      %get3A_685 = vector.shape_cast %get3A_684 : vector<1x1x1x16xf32> to vector<16xf32>
      %mul3A_686 = arith.constant 5.000000e-01 : f32
      %mul3A_687 = vector.broadcast %mul3A_686 : f32 to vector<16xf32>
      %mul3A_688 = arith.mulf %get3A_685, %mul3A_687 : vector<16xf32>
      %mul3A_689 = vector.broadcast %squeeze3A_636 : f32 to vector<16xf32>
      %mul3A_690 = arith.mulf %mul3A_689, %sub3A : vector<16xf32>
      %add3A_691 = arith.addf %mul3A_688, %mul3A_690 : vector<16xf32>
      %swap3A_692 = arith.constant 0 : i32
      %swap3A_693 = arith.constant 1 : i32
      %swap3A_694 = arith.index_cast %swap3A_692 : i32 to index
      %swap3A_695 = arith.index_cast %swap3A_693 : i32 to index
      %swap3A_696 = arith.index_cast %scan3A_625 : i32 to index
      %swap3A_697 = arith.constant 0 : index
      %swap3A_698 = tpu.vector_load %arg14[%swap3A_694, %swap3A_695, %swap3A_696, %swap3A_697] {strides = array<i32>} : memref<2x3x32x128xf32, #tpu.memory_space<vmem>>, vector<1x1x1x16xf32>,
      %swap3A_699 = vector.shape_cast %swap3A_698 : vector<1x1x1x16xf32> to vector<16xf32>
      %swap3A_700 = vector.shape_cast %add3A_691 : vector<16xf32> to vector<1x1x1x16xf32>
      tpu.vector_store %arg14[%swap3A_694, %swap3A_695, %swap3A_696, %swap3A_697], %swap3A_700 {strides = array<i32>} : memref<2x3x32x128xf32, #tpu.memory_space<vmem>>, vector<1x1x1x16xf32>,
      %get3A_701 = arith.constant 0 : i32
      %get3A_702 = arith.constant 2 : i32
      %get3A_703 = arith.index_cast %get3A_701 : i32 to index
      %get3A_704 = arith.index_cast %get3A_702 : i32 to index
      %get3A_705 = arith.index_cast %scan3A_625 : i32 to index
      %get3A_706 = arith.constant 0 : index
      %get3A_707 = tpu.vector_load %arg14[%get3A_703, %get3A_704, %get3A_705, %get3A_706] {strides = array<i32>} : memref<2x3x32x128xf32, #tpu.memory_space<vmem>>, vector<1x1x1x16xf32>,
      %get3A_708 = vector.shape_cast %get3A_707 : vector<1x1x1x16xf32> to vector<16xf32>
      %mul3A_709 = arith.constant 5.000000e-01 : f32
      %mul3A_710 = vector.broadcast %mul3A_709 : f32 to vector<16xf32>
      %mul3A_711 = arith.mulf %get3A_708, %mul3A_710 : vector<16xf32>
      %mul3A_712 = vector.broadcast %squeeze3A_643 : f32 to vector<16xf32>
      %mul3A_713 = arith.mulf %mul3A_712, %sub3A : vector<16xf32>
      %add3A_714 = arith.addf %mul3A_711, %mul3A_713 : vector<16xf32>
      %swap3A_715 = arith.constant 0 : i32
      %swap3A_716 = arith.constant 2 : i32
      %swap3A_717 = arith.index_cast %swap3A_715 : i32 to index
      %swap3A_718 = arith.index_cast %swap3A_716 : i32 to index
      %swap3A_719 = arith.index_cast %scan3A_625 : i32 to index
      %swap3A_720 = arith.constant 0 : index
      %swap3A_721 = tpu.vector_load %arg14[%swap3A_717, %swap3A_718, %swap3A_719, %swap3A_720] {strides = array<i32>} : memref<2x3x32x128xf32, #tpu.memory_space<vmem>>, vector<1x1x1x16xf32>,
      %swap3A_722 = vector.shape_cast %swap3A_721 : vector<1x1x1x16xf32> to vector<16xf32>
      %swap3A_723 = vector.shape_cast %add3A_714 : vector<16xf32> to vector<1x1x1x16xf32>
      tpu.vector_store %arg14[%swap3A_717, %swap3A_718, %swap3A_719, %swap3A_720], %swap3A_723 {strides = array<i32>} : memref<2x3x32x128xf32, #tpu.memory_space<vmem>>, vector<1x1x1x16xf32>,
      %get3A_724 = arith.constant 0 : i32
      %get3A_725 = arith.index_cast %get3A_724 : i32 to index
      %get3A_726 = arith.index_cast %scan3A_625 : i32 to index
      %get3A_727 = arith.constant 16 : index
      %get3A_728 = tpu.vector_load %arg12[%get3A_725, %get3A_726, %get3A_727] {strides = array<i32>} : memref<2x32x128xf32, #tpu.memory_space<vmem>>, vector<1x1x16xf32>,
      %get3A_729 = vector.shape_cast %get3A_728 : vector<1x1x16xf32> to vector<16xf32>
      %get3A_730 = arith.constant 0 : i32
      %get3A_731 = arith.index_cast %get3A_730 : i32 to index
      %get3A_732 = arith.index_cast %scan3A_625 : i32 to index
      %get3A_733 = arith.constant 16 : index
      %get3A_734 = tpu.vector_load %arg13[%get3A_731, %get3A_732, %get3A_733] {strides = array<i32>} : memref<2x32x128xf32, #tpu.memory_space<vmem>>, vector<1x1x16xf32>,
      %get3A_735 = vector.shape_cast %get3A_734 : vector<1x1x16xf32> to vector<16xf32>
      %sub3A_736 = arith.subf %get3A_729, %get3A_735 : vector<16xf32>
      %get3A_737 = arith.constant 0 : i32
      %get3A_738 = arith.constant 0 : i32
      %get3A_739 = arith.index_cast %get3A_737 : i32 to index
      %get3A_740 = arith.index_cast %get3A_738 : i32 to index
      %get3A_741 = arith.index_cast %scan3A_625 : i32 to index
      %get3A_742 = arith.constant 16 : index
      %get3A_743 = tpu.vector_load %arg14[%get3A_739, %get3A_740, %get3A_741, %get3A_742] {strides = array<i32>} : memref<2x3x32x128xf32, #tpu.memory_space<vmem>>, vector<1x1x1x16xf32>,
      %get3A_744 = vector.shape_cast %get3A_743 : vector<1x1x1x16xf32> to vector<16xf32>
      %mul3A_745 = arith.constant 5.000000e-01 : f32
      %mul3A_746 = vector.broadcast %mul3A_745 : f32 to vector<16xf32>
      %mul3A_747 = arith.mulf %get3A_744, %mul3A_746 : vector<16xf32>
      %mul3A_748 = vector.broadcast %squeeze3A : f32 to vector<16xf32>
      %mul3A_749 = arith.mulf %mul3A_748, %sub3A_736 : vector<16xf32>
      %add3A_750 = arith.addf %mul3A_747, %mul3A_749 : vector<16xf32>
      %swap3A_751 = arith.constant 0 : i32
      %swap3A_752 = arith.constant 0 : i32
      %swap3A_753 = arith.index_cast %swap3A_751 : i32 to index
      %swap3A_754 = arith.index_cast %swap3A_752 : i32 to index
      %swap3A_755 = arith.index_cast %scan3A_625 : i32 to index
      %swap3A_756 = arith.constant 16 : index
      %swap3A_757 = tpu.vector_load %arg14[%swap3A_753, %swap3A_754, %swap3A_755, %swap3A_756] {strides = array<i32>} : memref<2x3x32x128xf32, #tpu.memory_space<vmem>>, vector<1x1x1x16xf32>,
      %swap3A_758 = vector.shape_cast %swap3A_757 : vector<1x1x1x16xf32> to vector<16xf32>
      %swap3A_759 = vector.shape_cast %add3A_750 : vector<16xf32> to vector<1x1x1x16xf32>
      tpu.vector_store %arg14[%swap3A_753, %swap3A_754, %swap3A_755, %swap3A_756], %swap3A_759 {strides = array<i32>} : memref<2x3x32x128xf32, #tpu.memory_space<vmem>>, vector<1x1x1x16xf32>,
      %get3A_760 = arith.constant 0 : i32
      %get3A_761 = arith.constant 1 : i32
      %get3A_762 = arith.index_cast %get3A_760 : i32 to index
      %get3A_763 = arith.index_cast %get3A_761 : i32 to index
      %get3A_764 = arith.index_cast %scan3A_625 : i32 to index
      %get3A_765 = arith.constant 16 : index
      %get3A_766 = tpu.vector_load %arg14[%get3A_762, %get3A_763, %get3A_764, %get3A_765] {strides = array<i32>} : memref<2x3x32x128xf32, #tpu.memory_space<vmem>>, vector<1x1x1x16xf32>,
      %get3A_767 = vector.shape_cast %get3A_766 : vector<1x1x1x16xf32> to vector<16xf32>
      %mul3A_768 = arith.constant 5.000000e-01 : f32
      %mul3A_769 = vector.broadcast %mul3A_768 : f32 to vector<16xf32>
      %mul3A_770 = arith.mulf %get3A_767, %mul3A_769 : vector<16xf32>
      %mul3A_771 = vector.broadcast %squeeze3A_636 : f32 to vector<16xf32>
      %mul3A_772 = arith.mulf %mul3A_771, %sub3A_736 : vector<16xf32>
      %add3A_773 = arith.addf %mul3A_770, %mul3A_772 : vector<16xf32>
      %swap3A_774 = arith.constant 0 : i32
      %swap3A_775 = arith.constant 1 : i32
      %swap3A_776 = arith.index_cast %swap3A_774 : i32 to index
      %swap3A_777 = arith.index_cast %swap3A_775 : i32 to index
      %swap3A_778 = arith.index_cast %scan3A_625 : i32 to index
      %swap3A_779 = arith.constant 16 : index
      %swap3A_780 = tpu.vector_load %arg14[%swap3A_776, %swap3A_777, %swap3A_778, %swap3A_779] {strides = array<i32>} : memref<2x3x32x128xf32, #tpu.memory_space<vmem>>, vector<1x1x1x16xf32>,
      %swap3A_781 = vector.shape_cast %swap3A_780 : vector<1x1x1x16xf32> to vector<16xf32>
      %swap3A_782 = vector.shape_cast %add3A_773 : vector<16xf32> to vector<1x1x1x16xf32>
      tpu.vector_store %arg14[%swap3A_776, %swap3A_777, %swap3A_778, %swap3A_779], %swap3A_782 {strides = array<i32>} : memref<2x3x32x128xf32, #tpu.memory_space<vmem>>, vector<1x1x1x16xf32>,
      %get3A_783 = arith.constant 0 : i32
      %get3A_784 = arith.constant 2 : i32
      %get3A_785 = arith.index_cast %get3A_783 : i32 to index
      %get3A_786 = arith.index_cast %get3A_784 : i32 to index
      %get3A_787 = arith.index_cast %scan3A_625 : i32 to index
      %get3A_788 = arith.constant 16 : index
      %get3A_789 = tpu.vector_load %arg14[%get3A_785, %get3A_786, %get3A_787, %get3A_788] {strides = array<i32>} : memref<2x3x32x128xf32, #tpu.memory_space<vmem>>, vector<1x1x1x16xf32>,
      %get3A_790 = vector.shape_cast %get3A_789 : vector<1x1x1x16xf32> to vector<16xf32>
      %mul3A_791 = arith.constant 5.000000e-01 : f32
      %mul3A_792 = vector.broadcast %mul3A_791 : f32 to vector<16xf32>
      %mul3A_793 = arith.mulf %get3A_790, %mul3A_792 : vector<16xf32>
      %mul3A_794 = vector.broadcast %squeeze3A_643 : f32 to vector<16xf32>
      %mul3A_795 = arith.mulf %mul3A_794, %sub3A_736 : vector<16xf32>
      %add3A_796 = arith.addf %mul3A_793, %mul3A_795 : vector<16xf32>
      %swap3A_797 = arith.constant 0 : i32
      %swap3A_798 = arith.constant 2 : i32
      %swap3A_799 = arith.index_cast %swap3A_797 : i32 to index
      %swap3A_800 = arith.index_cast %swap3A_798 : i32 to index
      %swap3A_801 = arith.index_cast %scan3A_625 : i32 to index
      %swap3A_802 = arith.constant 16 : index
      %swap3A_803 = tpu.vector_load %arg14[%swap3A_799, %swap3A_800, %swap3A_801, %swap3A_802] {strides = array<i32>} : memref<2x3x32x128xf32, #tpu.memory_space<vmem>>, vector<1x1x1x16xf32>,
      %swap3A_804 = vector.shape_cast %swap3A_803 : vector<1x1x1x16xf32> to vector<16xf32>
      %swap3A_805 = vector.shape_cast %add3A_796 : vector<16xf32> to vector<1x1x1x16xf32>
      tpu.vector_store %arg14[%swap3A_799, %swap3A_800, %swap3A_801, %swap3A_802], %swap3A_805 {strides = array<i32>} : memref<2x3x32x128xf32, #tpu.memory_space<vmem>>, vector<1x1x1x16xf32>,
      %get3A_806 = arith.constant 0 : i32
      %get3A_807 = arith.index_cast %get3A_806 : i32 to index
      %get3A_808 = arith.index_cast %scan3A_625 : i32 to index
      %get3A_809 = arith.constant 32 : index
      %get3A_810 = tpu.vector_load %arg12[%get3A_807, %get3A_808, %get3A_809] {strides = array<i32>} : memref<2x32x128xf32, #tpu.memory_space<vmem>>, vector<1x1x16xf32>,
      %get3A_811 = vector.shape_cast %get3A_810 : vector<1x1x16xf32> to vector<16xf32>
      %get3A_812 = arith.constant 0 : i32
      %get3A_813 = arith.index_cast %get3A_812 : i32 to index
      %get3A_814 = arith.index_cast %scan3A_625 : i32 to index
      %get3A_815 = arith.constant 32 : index
      %get3A_816 = tpu.vector_load %arg13[%get3A_813, %get3A_814, %get3A_815] {strides = array<i32>} : memref<2x32x128xf32, #tpu.memory_space<vmem>>, vector<1x1x16xf32>,
      %get3A_817 = vector.shape_cast %get3A_816 : vector<1x1x16xf32> to vector<16xf32>
      %sub3A_818 = arith.subf %get3A_811, %get3A_817 : vector<16xf32>
      %get3A_819 = arith.constant 0 : i32
      %get3A_820 = arith.constant 0 : i32
      %get3A_821 = arith.index_cast %get3A_819 : i32 to index
      %get3A_822 = arith.index_cast %get3A_820 : i32 to index
      %get3A_823 = arith.index_cast %scan3A_625 : i32 to index
      %get3A_824 = arith.constant 32 : index
      %get3A_825 = tpu.vector_load %arg14[%get3A_821, %get3A_822, %get3A_823, %get3A_824] {strides = array<i32>} : memref<2x3x32x128xf32, #tpu.memory_space<vmem>>, vector<1x1x1x16xf32>,
      %get3A_826 = vector.shape_cast %get3A_825 : vector<1x1x1x16xf32> to vector<16xf32>
      %mul3A_827 = arith.constant 5.000000e-01 : f32
      %mul3A_828 = vector.broadcast %mul3A_827 : f32 to vector<16xf32>
      %mul3A_829 = arith.mulf %get3A_826, %mul3A_828 : vector<16xf32>
      %mul3A_830 = vector.broadcast %squeeze3A : f32 to vector<16xf32>
      %mul3A_831 = arith.mulf %mul3A_830, %sub3A_818 : vector<16xf32>
      %add3A_832 = arith.addf %mul3A_829, %mul3A_831 : vector<16xf32>
      %swap3A_833 = arith.constant 0 : i32
      %swap3A_834 = arith.constant 0 : i32
      %swap3A_835 = arith.index_cast %swap3A_833 : i32 to index
      %swap3A_836 = arith.index_cast %swap3A_834 : i32 to index
      %swap3A_837 = arith.index_cast %scan3A_625 : i32 to index
      %swap3A_838 = arith.constant 32 : index
      %swap3A_839 = tpu.vector_load %arg14[%swap3A_835, %swap3A_836, %swap3A_837, %swap3A_838] {strides = array<i32>} : memref<2x3x32x128xf32, #tpu.memory_space<vmem>>, vector<1x1x1x16xf32>,
      %swap3A_840 = vector.shape_cast %swap3A_839 : vector<1x1x1x16xf32> to vector<16xf32>
      %swap3A_841 = vector.shape_cast %add3A_832 : vector<16xf32> to vector<1x1x1x16xf32>
      tpu.vector_store %arg14[%swap3A_835, %swap3A_836, %swap3A_837, %swap3A_838], %swap3A_841 {strides = array<i32>} : memref<2x3x32x128xf32, #tpu.memory_space<vmem>>, vector<1x1x1x16xf32>,
      %get3A_842 = arith.constant 0 : i32
      %get3A_843 = arith.constant 1 : i32
      %get3A_844 = arith.index_cast %get3A_842 : i32 to index
      %get3A_845 = arith.index_cast %get3A_843 : i32 to index
      %get3A_846 = arith.index_cast %scan3A_625 : i32 to index
      %get3A_847 = arith.constant 32 : index
      %get3A_848 = tpu.vector_load %arg14[%get3A_844, %get3A_845, %get3A_846, %get3A_847] {strides = array<i32>} : memref<2x3x32x128xf32, #tpu.memory_space<vmem>>, vector<1x1x1x16xf32>,
      %get3A_849 = vector.shape_cast %get3A_848 : vector<1x1x1x16xf32> to vector<16xf32>
      %mul3A_850 = arith.constant 5.000000e-01 : f32
      %mul3A_851 = vector.broadcast %mul3A_850 : f32 to vector<16xf32>
      %mul3A_852 = arith.mulf %get3A_849, %mul3A_851 : vector<16xf32>
      %mul3A_853 = vector.broadcast %squeeze3A_636 : f32 to vector<16xf32>
      %mul3A_854 = arith.mulf %mul3A_853, %sub3A_818 : vector<16xf32>
      %add3A_855 = arith.addf %mul3A_852, %mul3A_854 : vector<16xf32>
      %swap3A_856 = arith.constant 0 : i32
      %swap3A_857 = arith.constant 1 : i32
      %swap3A_858 = arith.index_cast %swap3A_856 : i32 to index
      %swap3A_859 = arith.index_cast %swap3A_857 : i32 to index
      %swap3A_860 = arith.index_cast %scan3A_625 : i32 to index
      %swap3A_861 = arith.constant 32 : index
      %swap3A_862 = tpu.vector_load %arg14[%swap3A_858, %swap3A_859, %swap3A_860, %swap3A_861] {strides = array<i32>} : memref<2x3x32x128xf32, #tpu.memory_space<vmem>>, vector<1x1x1x16xf32>,
      %swap3A_863 = vector.shape_cast %swap3A_862 : vector<1x1x1x16xf32> to vector<16xf32>
      %swap3A_864 = vector.shape_cast %add3A_855 : vector<16xf32> to vector<1x1x1x16xf32>
      tpu.vector_store %arg14[%swap3A_858, %swap3A_859, %swap3A_860, %swap3A_861], %swap3A_864 {strides = array<i32>} : memref<2x3x32x128xf32, #tpu.memory_space<vmem>>, vector<1x1x1x16xf32>,
      %get3A_865 = arith.constant 0 : i32
      %get3A_866 = arith.constant 2 : i32
      %get3A_867 = arith.index_cast %get3A_865 : i32 to index
      %get3A_868 = arith.index_cast %get3A_866 : i32 to index
      %get3A_869 = arith.index_cast %scan3A_625 : i32 to index
      %get3A_870 = arith.constant 32 : index
      %get3A_871 = tpu.vector_load %arg14[%get3A_867, %get3A_868, %get3A_869, %get3A_870] {strides = array<i32>} : memref<2x3x32x128xf32, #tpu.memory_space<vmem>>, vector<1x1x1x16xf32>,
      %get3A_872 = vector.shape_cast %get3A_871 : vector<1x1x1x16xf32> to vector<16xf32>
      %mul3A_873 = arith.constant 5.000000e-01 : f32
      %mul3A_874 = vector.broadcast %mul3A_873 : f32 to vector<16xf32>
      %mul3A_875 = arith.mulf %get3A_872, %mul3A_874 : vector<16xf32>
      %mul3A_876 = vector.broadcast %squeeze3A_643 : f32 to vector<16xf32>
      %mul3A_877 = arith.mulf %mul3A_876, %sub3A_818 : vector<16xf32>
      %add3A_878 = arith.addf %mul3A_875, %mul3A_877 : vector<16xf32>
      %swap3A_879 = arith.constant 0 : i32
      %swap3A_880 = arith.constant 2 : i32
      %swap3A_881 = arith.index_cast %swap3A_879 : i32 to index
      %swap3A_882 = arith.index_cast %swap3A_880 : i32 to index
      %swap3A_883 = arith.index_cast %scan3A_625 : i32 to index
      %swap3A_884 = arith.constant 32 : index
      %swap3A_885 = tpu.vector_load %arg14[%swap3A_881, %swap3A_882, %swap3A_883, %swap3A_884] {strides = array<i32>} : memref<2x3x32x128xf32, #tpu.memory_space<vmem>>, vector<1x1x1x16xf32>,
      %swap3A_886 = vector.shape_cast %swap3A_885 : vector<1x1x1x16xf32> to vector<16xf32>
      %swap3A_887 = vector.shape_cast %add3A_878 : vector<16xf32> to vector<1x1x1x16xf32>
      tpu.vector_store %arg14[%swap3A_881, %swap3A_882, %swap3A_883, %swap3A_884], %swap3A_887 {strides = array<i32>} : memref<2x3x32x128xf32, #tpu.memory_space<vmem>>, vector<1x1x1x16xf32>,
      %get3A_888 = arith.constant 0 : i32
      %get3A_889 = arith.index_cast %get3A_888 : i32 to index
      %get3A_890 = arith.index_cast %scan3A_625 : i32 to index
      %get3A_891 = arith.constant 48 : index
      %get3A_892 = tpu.vector_load %arg12[%get3A_889, %get3A_890, %get3A_891] {strides = array<i32>} : memref<2x32x128xf32, #tpu.memory_space<vmem>>, vector<1x1x16xf32>,
      %get3A_893 = vector.shape_cast %get3A_892 : vector<1x1x16xf32> to vector<16xf32>
      %get3A_894 = arith.constant 0 : i32
      %get3A_895 = arith.index_cast %get3A_894 : i32 to index
      %get3A_896 = arith.index_cast %scan3A_625 : i32 to index
      %get3A_897 = arith.constant 48 : index
      %get3A_898 = tpu.vector_load %arg13[%get3A_895, %get3A_896, %get3A_897] {strides = array<i32>} : memref<2x32x128xf32, #tpu.memory_space<vmem>>, vector<1x1x16xf32>,
      %get3A_899 = vector.shape_cast %get3A_898 : vector<1x1x16xf32> to vector<16xf32>
      %sub3A_900 = arith.subf %get3A_893, %get3A_899 : vector<16xf32>
      %get3A_901 = arith.constant 0 : i32
      %get3A_902 = arith.constant 0 : i32
      %get3A_903 = arith.index_cast %get3A_901 : i32 to index
      %get3A_904 = arith.index_cast %get3A_902 : i32 to index
      %get3A_905 = arith.index_cast %scan3A_625 : i32 to index
      %get3A_906 = arith.constant 48 : index
      %get3A_907 = tpu.vector_load %arg14[%get3A_903, %get3A_904, %get3A_905, %get3A_906] {strides = array<i32>} : memref<2x3x32x128xf32, #tpu.memory_space<vmem>>, vector<1x1x1x16xf32>,
      %get3A_908 = vector.shape_cast %get3A_907 : vector<1x1x1x16xf32> to vector<16xf32>
      %mul3A_909 = arith.constant 5.000000e-01 : f32
      %mul3A_910 = vector.broadcast %mul3A_909 : f32 to vector<16xf32>
      %mul3A_911 = arith.mulf %get3A_908, %mul3A_910 : vector<16xf32>
      %mul3A_912 = vector.broadcast %squeeze3A : f32 to vector<16xf32>
      %mul3A_913 = arith.mulf %mul3A_912, %sub3A_900 : vector<16xf32>
      %add3A_914 = arith.addf %mul3A_911, %mul3A_913 : vector<16xf32>
      %swap3A_915 = arith.constant 0 : i32
      %swap3A_916 = arith.constant 0 : i32
      %swap3A_917 = arith.index_cast %swap3A_915 : i32 to index
      %swap3A_918 = arith.index_cast %swap3A_916 : i32 to index
      %swap3A_919 = arith.index_cast %scan3A_625 : i32 to index
      %swap3A_920 = arith.constant 48 : index
      %swap3A_921 = tpu.vector_load %arg14[%swap3A_917, %swap3A_918, %swap3A_919, %swap3A_920] {strides = array<i32>} : memref<2x3x32x128xf32, #tpu.memory_space<vmem>>, vector<1x1x1x16xf32>,
      %swap3A_922 = vector.shape_cast %swap3A_921 : vector<1x1x1x16xf32> to vector<16xf32>
      %swap3A_923 = vector.shape_cast %add3A_914 : vector<16xf32> to vector<1x1x1x16xf32>
      tpu.vector_store %arg14[%swap3A_917, %swap3A_918, %swap3A_919, %swap3A_920], %swap3A_923 {strides = array<i32>} : memref<2x3x32x128xf32, #tpu.memory_space<vmem>>, vector<1x1x1x16xf32>,
      %get3A_924 = arith.constant 0 : i32
      %get3A_925 = arith.constant 1 : i32
      %get3A_926 = arith.index_cast %get3A_924 : i32 to index
      %get3A_927 = arith.index_cast %get3A_925 : i32 to index
      %get3A_928 = arith.index_cast %scan3A_625 : i32 to index
      %get3A_929 = arith.constant 48 : index
      %get3A_930 = tpu.vector_load %arg14[%get3A_926, %get3A_927, %get3A_928, %get3A_929] {strides = array<i32>} : memref<2x3x32x128xf32, #tpu.memory_space<vmem>>, vector<1x1x1x16xf32>,
      %get3A_931 = vector.shape_cast %get3A_930 : vector<1x1x1x16xf32> to vector<16xf32>
      %mul3A_932 = arith.constant 5.000000e-01 : f32
      %mul3A_933 = vector.broadcast %mul3A_932 : f32 to vector<16xf32>
      %mul3A_934 = arith.mulf %get3A_931, %mul3A_933 : vector<16xf32>
      %mul3A_935 = vector.broadcast %squeeze3A_636 : f32 to vector<16xf32>
      %mul3A_936 = arith.mulf %mul3A_935, %sub3A_900 : vector<16xf32>
      %add3A_937 = arith.addf %mul3A_934, %mul3A_936 : vector<16xf32>
      %swap3A_938 = arith.constant 0 : i32
      %swap3A_939 = arith.constant 1 : i32
      %swap3A_940 = arith.index_cast %swap3A_938 : i32 to index
      %swap3A_941 = arith.index_cast %swap3A_939 : i32 to index
      %swap3A_942 = arith.index_cast %scan3A_625 : i32 to index
      %swap3A_943 = arith.constant 48 : index
      %swap3A_944 = tpu.vector_load %arg14[%swap3A_940, %swap3A_941, %swap3A_942, %swap3A_943] {strides = array<i32>} : memref<2x3x32x128xf32, #tpu.memory_space<vmem>>, vector<1x1x1x16xf32>,
      %swap3A_945 = vector.shape_cast %swap3A_944 : vector<1x1x1x16xf32> to vector<16xf32>
      %swap3A_946 = vector.shape_cast %add3A_937 : vector<16xf32> to vector<1x1x1x16xf32>
      tpu.vector_store %arg14[%swap3A_940, %swap3A_941, %swap3A_942, %swap3A_943], %swap3A_946 {strides = array<i32>} : memref<2x3x32x128xf32, #tpu.memory_space<vmem>>, vector<1x1x1x16xf32>,
      %get3A_947 = arith.constant 0 : i32
      %get3A_948 = arith.constant 2 : i32
      %get3A_949 = arith.index_cast %get3A_947 : i32 to index
      %get3A_950 = arith.index_cast %get3A_948 : i32 to index
      %get3A_951 = arith.index_cast %scan3A_625 : i32 to index
      %get3A_952 = arith.constant 48 : index
      %get3A_953 = tpu.vector_load %arg14[%get3A_949, %get3A_950, %get3A_951, %get3A_952] {strides = array<i32>} : memref<2x3x32x128xf32, #tpu.memory_space<vmem>>, vector<1x1x1x16xf32>,
      %get3A_954 = vector.shape_cast %get3A_953 : vector<1x1x1x16xf32> to vector<16xf32>
      %mul3A_955 = arith.constant 5.000000e-01 : f32
      %mul3A_956 = vector.broadcast %mul3A_955 : f32 to vector<16xf32>
      %mul3A_957 = arith.mulf %get3A_954, %mul3A_956 : vector<16xf32>
      %mul3A_958 = vector.broadcast %squeeze3A_643 : f32 to vector<16xf32>
      %mul3A_959 = arith.mulf %mul3A_958, %sub3A_900 : vector<16xf32>
      %add3A_960 = arith.addf %mul3A_957, %mul3A_959 : vector<16xf32>
      %swap3A_961 = arith.constant 0 : i32
      %swap3A_962 = arith.constant 2 : i32
      %swap3A_963 = arith.index_cast %swap3A_961 : i32 to index
      %swap3A_964 = arith.index_cast %swap3A_962 : i32 to index
      %swap3A_965 = arith.index_cast %scan3A_625 : i32 to index
      %swap3A_966 = arith.constant 48 : index
      %swap3A_967 = tpu.vector_load %arg14[%swap3A_963, %swap3A_964, %swap3A_965, %swap3A_966] {strides = array<i32>} : memref<2x3x32x128xf32, #tpu.memory_space<vmem>>, vector<1x1x1x16xf32>,
      %swap3A_968 = vector.shape_cast %swap3A_967 : vector<1x1x1x16xf32> to vector<16xf32>
      %swap3A_969 = vector.shape_cast %add3A_960 : vector<16xf32> to vector<1x1x1x16xf32>
      tpu.vector_store %arg14[%swap3A_963, %swap3A_964, %swap3A_965, %swap3A_966], %swap3A_969 {strides = array<i32>} : memref<2x3x32x128xf32, #tpu.memory_space<vmem>>, vector<1x1x1x16xf32>,
      %get3A_970 = arith.constant 0 : i32
      %get3A_971 = arith.index_cast %get3A_970 : i32 to index
      %get3A_972 = arith.index_cast %scan3A_625 : i32 to index
      %get3A_973 = arith.constant 64 : index
      %get3A_974 = tpu.vector_load %arg12[%get3A_971, %get3A_972, %get3A_973] {strides = array<i32>} : memref<2x32x128xf32, #tpu.memory_space<vmem>>, vector<1x1x16xf32>,
      %get3A_975 = vector.shape_cast %get3A_974 : vector<1x1x16xf32> to vector<16xf32>
      %get3A_976 = arith.constant 0 : i32
      %get3A_977 = arith.index_cast %get3A_976 : i32 to index
      %get3A_978 = arith.index_cast %scan3A_625 : i32 to index
      %get3A_979 = arith.constant 64 : index
      %get3A_980 = tpu.vector_load %arg13[%get3A_977, %get3A_978, %get3A_979] {strides = array<i32>} : memref<2x32x128xf32, #tpu.memory_space<vmem>>, vector<1x1x16xf32>,
      %get3A_981 = vector.shape_cast %get3A_980 : vector<1x1x16xf32> to vector<16xf32>
      %sub3A_982 = arith.subf %get3A_975, %get3A_981 : vector<16xf32>
      %get3A_983 = arith.constant 0 : i32
      %get3A_984 = arith.constant 0 : i32
      %get3A_985 = arith.index_cast %get3A_983 : i32 to index
      %get3A_986 = arith.index_cast %get3A_984 : i32 to index
      %get3A_987 = arith.index_cast %scan3A_625 : i32 to index
      %get3A_988 = arith.constant 64 : index
      %get3A_989 = tpu.vector_load %arg14[%get3A_985, %get3A_986, %get3A_987, %get3A_988] {strides = array<i32>} : memref<2x3x32x128xf32, #tpu.memory_space<vmem>>, vector<1x1x1x16xf32>,
      %get3A_990 = vector.shape_cast %get3A_989 : vector<1x1x1x16xf32> to vector<16xf32>
      %mul3A_991 = arith.constant 5.000000e-01 : f32
      %mul3A_992 = vector.broadcast %mul3A_991 : f32 to vector<16xf32>
      %mul3A_993 = arith.mulf %get3A_990, %mul3A_992 : vector<16xf32>
      %mul3A_994 = vector.broadcast %squeeze3A : f32 to vector<16xf32>
      %mul3A_995 = arith.mulf %mul3A_994, %sub3A_982 : vector<16xf32>
      %add3A_996 = arith.addf %mul3A_993, %mul3A_995 : vector<16xf32>
      %swap3A_997 = arith.constant 0 : i32
      %swap3A_998 = arith.constant 0 : i32
      %swap3A_999 = arith.index_cast %swap3A_997 : i32 to index
      %swap3A_1000 = arith.index_cast %swap3A_998 : i32 to index
      %swap3A_1001 = arith.index_cast %scan3A_625 : i32 to index
      %swap3A_1002 = arith.constant 64 : index
      %swap3A_1003 = tpu.vector_load %arg14[%swap3A_999, %swap3A_1000, %swap3A_1001, %swap3A_1002] {strides = array<i32>} : memref<2x3x32x128xf32, #tpu.memory_space<vmem>>, vector<1x1x1x16xf32>,
      %swap3A_1004 = vector.shape_cast %swap3A_1003 : vector<1x1x1x16xf32> to vector<16xf32>
      %swap3A_1005 = vector.shape_cast %add3A_996 : vector<16xf32> to vector<1x1x1x16xf32>
      tpu.vector_store %arg14[%swap3A_999, %swap3A_1000, %swap3A_1001, %swap3A_1002], %swap3A_1005 {strides = array<i32>} : memref<2x3x32x128xf32, #tpu.memory_space<vmem>>, vector<1x1x1x16xf32>,
      %get3A_1006 = arith.constant 0 : i32
      %get3A_1007 = arith.constant 1 : i32
      %get3A_1008 = arith.index_cast %get3A_1006 : i32 to index
      %get3A_1009 = arith.index_cast %get3A_1007 : i32 to index
      %get3A_1010 = arith.index_cast %scan3A_625 : i32 to index
      %get3A_1011 = arith.constant 64 : index
      %get3A_1012 = tpu.vector_load %arg14[%get3A_1008, %get3A_1009, %get3A_1010, %get3A_1011] {strides = array<i32>} : memref<2x3x32x128xf32, #tpu.memory_space<vmem>>, vector<1x1x1x16xf32>,
      %get3A_1013 = vector.shape_cast %get3A_1012 : vector<1x1x1x16xf32> to vector<16xf32>
      %mul3A_1014 = arith.constant 5.000000e-01 : f32
      %mul3A_1015 = vector.broadcast %mul3A_1014 : f32 to vector<16xf32>
      %mul3A_1016 = arith.mulf %get3A_1013, %mul3A_1015 : vector<16xf32>
      %mul3A_1017 = vector.broadcast %squeeze3A_636 : f32 to vector<16xf32>
      %mul3A_1018 = arith.mulf %mul3A_1017, %sub3A_982 : vector<16xf32>
      %add3A_1019 = arith.addf %mul3A_1016, %mul3A_1018 : vector<16xf32>
      %swap3A_1020 = arith.constant 0 : i32
      %swap3A_1021 = arith.constant 1 : i32
      %swap3A_1022 = arith.index_cast %swap3A_1020 : i32 to index
      %swap3A_1023 = arith.index_cast %swap3A_1021 : i32 to index
      %swap3A_1024 = arith.index_cast %scan3A_625 : i32 to index
      %swap3A_1025 = arith.constant 64 : index
      %swap3A_1026 = tpu.vector_load %arg14[%swap3A_1022, %swap3A_1023, %swap3A_1024, %swap3A_1025] {strides = array<i32>} : memref<2x3x32x128xf32, #tpu.memory_space<vmem>>, vector<1x1x1x16xf32>,
      %swap3A_1027 = vector.shape_cast %swap3A_1026 : vector<1x1x1x16xf32> to vector<16xf32>
      %swap3A_1028 = vector.shape_cast %add3A_1019 : vector<16xf32> to vector<1x1x1x16xf32>
      tpu.vector_store %arg14[%swap3A_1022, %swap3A_1023, %swap3A_1024, %swap3A_1025], %swap3A_1028 {strides = array<i32>} : memref<2x3x32x128xf32, #tpu.memory_space<vmem>>, vector<1x1x1x16xf32>,
      %get3A_1029 = arith.constant 0 : i32
      %get3A_1030 = arith.constant 2 : i32
      %get3A_1031 = arith.index_cast %get3A_1029 : i32 to index
      %get3A_1032 = arith.index_cast %get3A_1030 : i32 to index
      %get3A_1033 = arith.index_cast %scan3A_625 : i32 to index
      %get3A_1034 = arith.constant 64 : index
      %get3A_1035 = tpu.vector_load %arg14[%get3A_1031, %get3A_1032, %get3A_1033, %get3A_1034] {strides = array<i32>} : memref<2x3x32x128xf32, #tpu.memory_space<vmem>>, vector<1x1x1x16xf32>,
      %get3A_1036 = vector.shape_cast %get3A_1035 : vector<1x1x1x16xf32> to vector<16xf32>
      %mul3A_1037 = arith.constant 5.000000e-01 : f32
      %mul3A_1038 = vector.broadcast %mul3A_1037 : f32 to vector<16xf32>
      %mul3A_1039 = arith.mulf %get3A_1036, %mul3A_1038 : vector<16xf32>
      %mul3A_1040 = vector.broadcast %squeeze3A_643 : f32 to vector<16xf32>
      %mul3A_1041 = arith.mulf %mul3A_1040, %sub3A_982 : vector<16xf32>
      %add3A_1042 = arith.addf %mul3A_1039, %mul3A_1041 : vector<16xf32>
      %swap3A_1043 = arith.constant 0 : i32
      %swap3A_1044 = arith.constant 2 : i32
      %swap3A_1045 = arith.index_cast %swap3A_1043 : i32 to index
      %swap3A_1046 = arith.index_cast %swap3A_1044 : i32 to index
      %swap3A_1047 = arith.index_cast %scan3A_625 : i32 to index
      %swap3A_1048 = arith.constant 64 : index
      %swap3A_1049 = tpu.vector_load %arg14[%swap3A_1045, %swap3A_1046, %swap3A_1047, %swap3A_1048] {strides = array<i32>} : memref<2x3x32x128xf32, #tpu.memory_space<vmem>>, vector<1x1x1x16xf32>,
      %swap3A_1050 = vector.shape_cast %swap3A_1049 : vector<1x1x1x16xf32> to vector<16xf32>
      %swap3A_1051 = vector.shape_cast %add3A_1042 : vector<16xf32> to vector<1x1x1x16xf32>
      tpu.vector_store %arg14[%swap3A_1045, %swap3A_1046, %swap3A_1047, %swap3A_1048], %swap3A_1051 {strides = array<i32>} : memref<2x3x32x128xf32, #tpu.memory_space<vmem>>, vector<1x1x1x16xf32>,
      %get3A_1052 = arith.constant 0 : i32
      %get3A_1053 = arith.index_cast %get3A_1052 : i32 to index
      %get3A_1054 = arith.index_cast %scan3A_625 : i32 to index
      %get3A_1055 = arith.constant 80 : index
      %get3A_1056 = tpu.vector_load %arg12[%get3A_1053, %get3A_1054, %get3A_1055] {strides = array<i32>} : memref<2x32x128xf32, #tpu.memory_space<vmem>>, vector<1x1x16xf32>,
      %get3A_1057 = vector.shape_cast %get3A_1056 : vector<1x1x16xf32> to vector<16xf32>
      %get3A_1058 = arith.constant 0 : i32
      %get3A_1059 = arith.index_cast %get3A_1058 : i32 to index
      %get3A_1060 = arith.index_cast %scan3A_625 : i32 to index
      %get3A_1061 = arith.constant 80 : index
      %get3A_1062 = tpu.vector_load %arg13[%get3A_1059, %get3A_1060, %get3A_1061] {strides = array<i32>} : memref<2x32x128xf32, #tpu.memory_space<vmem>>, vector<1x1x16xf32>,
      %get3A_1063 = vector.shape_cast %get3A_1062 : vector<1x1x16xf32> to vector<16xf32>
      %sub3A_1064 = arith.subf %get3A_1057, %get3A_1063 : vector<16xf32>
      %get3A_1065 = arith.constant 0 : i32
      %get3A_1066 = arith.constant 0 : i32
      %get3A_1067 = arith.index_cast %get3A_1065 : i32 to index
      %get3A_1068 = arith.index_cast %get3A_1066 : i32 to index
      %get3A_1069 = arith.index_cast %scan3A_625 : i32 to index
      %get3A_1070 = arith.constant 80 : index
      %get3A_1071 = tpu.vector_load %arg14[%get3A_1067, %get3A_1068, %get3A_1069, %get3A_1070] {strides = array<i32>} : memref<2x3x32x128xf32, #tpu.memory_space<vmem>>, vector<1x1x1x16xf32>,
      %get3A_1072 = vector.shape_cast %get3A_1071 : vector<1x1x1x16xf32> to vector<16xf32>
      %mul3A_1073 = arith.constant 5.000000e-01 : f32
      %mul3A_1074 = vector.broadcast %mul3A_1073 : f32 to vector<16xf32>
      %mul3A_1075 = arith.mulf %get3A_1072, %mul3A_1074 : vector<16xf32>
      %mul3A_1076 = vector.broadcast %squeeze3A : f32 to vector<16xf32>
      %mul3A_1077 = arith.mulf %mul3A_1076, %sub3A_1064 : vector<16xf32>
      %add3A_1078 = arith.addf %mul3A_1075, %mul3A_1077 : vector<16xf32>
      %swap3A_1079 = arith.constant 0 : i32
      %swap3A_1080 = arith.constant 0 : i32
      %swap3A_1081 = arith.index_cast %swap3A_1079 : i32 to index
      %swap3A_1082 = arith.index_cast %swap3A_1080 : i32 to index
      %swap3A_1083 = arith.index_cast %scan3A_625 : i32 to index
      %swap3A_1084 = arith.constant 80 : index
      %swap3A_1085 = tpu.vector_load %arg14[%swap3A_1081, %swap3A_1082, %swap3A_1083, %swap3A_1084] {strides = array<i32>} : memref<2x3x32x128xf32, #tpu.memory_space<vmem>>, vector<1x1x1x16xf32>,
      %swap3A_1086 = vector.shape_cast %swap3A_1085 : vector<1x1x1x16xf32> to vector<16xf32>
      %swap3A_1087 = vector.shape_cast %add3A_1078 : vector<16xf32> to vector<1x1x1x16xf32>
      tpu.vector_store %arg14[%swap3A_1081, %swap3A_1082, %swap3A_1083, %swap3A_1084], %swap3A_1087 {strides = array<i32>} : memref<2x3x32x128xf32, #tpu.memory_space<vmem>>, vector<1x1x1x16xf32>,
      %get3A_1088 = arith.constant 0 : i32
      %get3A_1089 = arith.constant 1 : i32
      %get3A_1090 = arith.index_cast %get3A_1088 : i32 to index
      %get3A_1091 = arith.index_cast %get3A_1089 : i32 to index
      %get3A_1092 = arith.index_cast %scan3A_625 : i32 to index
      %get3A_1093 = arith.constant 80 : index
      %get3A_1094 = tpu.vector_load %arg14[%get3A_1090, %get3A_1091, %get3A_1092, %get3A_1093] {strides = array<i32>} : memref<2x3x32x128xf32, #tpu.memory_space<vmem>>, vector<1x1x1x16xf32>,
      %get3A_1095 = vector.shape_cast %get3A_1094 : vector<1x1x1x16xf32> to vector<16xf32>
      %mul3A_1096 = arith.constant 5.000000e-01 : f32
      %mul3A_1097 = vector.broadcast %mul3A_1096 : f32 to vector<16xf32>
      %mul3A_1098 = arith.mulf %get3A_1095, %mul3A_1097 : vector<16xf32>
      %mul3A_1099 = vector.broadcast %squeeze3A_636 : f32 to vector<16xf32>
      %mul3A_1100 = arith.mulf %mul3A_1099, %sub3A_1064 : vector<16xf32>
      %add3A_1101 = arith.addf %mul3A_1098, %mul3A_1100 : vector<16xf32>
      %swap3A_1102 = arith.constant 0 : i32
      %swap3A_1103 = arith.constant 1 : i32
      %swap3A_1104 = arith.index_cast %swap3A_1102 : i32 to index
      %swap3A_1105 = arith.index_cast %swap3A_1103 : i32 to index
      %swap3A_1106 = arith.index_cast %scan3A_625 : i32 to index
      %swap3A_1107 = arith.constant 80 : index
      %swap3A_1108 = tpu.vector_load %arg14[%swap3A_1104, %swap3A_1105, %swap3A_1106, %swap3A_1107] {strides = array<i32>} : memref<2x3x32x128xf32, #tpu.memory_space<vmem>>, vector<1x1x1x16xf32>,
      %swap3A_1109 = vector.shape_cast %swap3A_1108 : vector<1x1x1x16xf32> to vector<16xf32>
      %swap3A_1110 = vector.shape_cast %add3A_1101 : vector<16xf32> to vector<1x1x1x16xf32>
      tpu.vector_store %arg14[%swap3A_1104, %swap3A_1105, %swap3A_1106, %swap3A_1107], %swap3A_1110 {strides = array<i32>} : memref<2x3x32x128xf32, #tpu.memory_space<vmem>>, vector<1x1x1x16xf32>,
      %get3A_1111 = arith.constant 0 : i32
      %get3A_1112 = arith.constant 2 : i32
      %get3A_1113 = arith.index_cast %get3A_1111 : i32 to index
      %get3A_1114 = arith.index_cast %get3A_1112 : i32 to index
      %get3A_1115 = arith.index_cast %scan3A_625 : i32 to index
      %get3A_1116 = arith.constant 80 : index
      %get3A_1117 = tpu.vector_load %arg14[%get3A_1113, %get3A_1114, %get3A_1115, %get3A_1116] {strides = array<i32>} : memref<2x3x32x128xf32, #tpu.memory_space<vmem>>, vector<1x1x1x16xf32>,
      %get3A_1118 = vector.shape_cast %get3A_1117 : vector<1x1x1x16xf32> to vector<16xf32>
      %mul3A_1119 = arith.constant 5.000000e-01 : f32
      %mul3A_1120 = vector.broadcast %mul3A_1119 : f32 to vector<16xf32>
      %mul3A_1121 = arith.mulf %get3A_1118, %mul3A_1120 : vector<16xf32>
      %mul3A_1122 = vector.broadcast %squeeze3A_643 : f32 to vector<16xf32>
      %mul3A_1123 = arith.mulf %mul3A_1122, %sub3A_1064 : vector<16xf32>
      %add3A_1124 = arith.addf %mul3A_1121, %mul3A_1123 : vector<16xf32>
      %swap3A_1125 = arith.constant 0 : i32
      %swap3A_1126 = arith.constant 2 : i32
      %swap3A_1127 = arith.index_cast %swap3A_1125 : i32 to index
      %swap3A_1128 = arith.index_cast %swap3A_1126 : i32 to index
      %swap3A_1129 = arith.index_cast %scan3A_625 : i32 to index
      %swap3A_1130 = arith.constant 80 : index
      %swap3A_1131 = tpu.vector_load %arg14[%swap3A_1127, %swap3A_1128, %swap3A_1129, %swap3A_1130] {strides = array<i32>} : memref<2x3x32x128xf32, #tpu.memory_space<vmem>>, vector<1x1x1x16xf32>,
      %swap3A_1132 = vector.shape_cast %swap3A_1131 : vector<1x1x1x16xf32> to vector<16xf32>
      %swap3A_1133 = vector.shape_cast %add3A_1124 : vector<16xf32> to vector<1x1x1x16xf32>
      tpu.vector_store %arg14[%swap3A_1127, %swap3A_1128, %swap3A_1129, %swap3A_1130], %swap3A_1133 {strides = array<i32>} : memref<2x3x32x128xf32, #tpu.memory_space<vmem>>, vector<1x1x1x16xf32>,
      %get3A_1134 = arith.constant 0 : i32
      %get3A_1135 = arith.index_cast %get3A_1134 : i32 to index
      %get3A_1136 = arith.index_cast %scan3A_625 : i32 to index
      %get3A_1137 = arith.constant 96 : index
      %get3A_1138 = tpu.vector_load %arg12[%get3A_1135, %get3A_1136, %get3A_1137] {strides = array<i32>} : memref<2x32x128xf32, #tpu.memory_space<vmem>>, vector<1x1x16xf32>,
      %get3A_1139 = vector.shape_cast %get3A_1138 : vector<1x1x16xf32> to vector<16xf32>
      %get3A_1140 = arith.constant 0 : i32
      %get3A_1141 = arith.index_cast %get3A_1140 : i32 to index
      %get3A_1142 = arith.index_cast %scan3A_625 : i32 to index
      %get3A_1143 = arith.constant 96 : index
      %get3A_1144 = tpu.vector_load %arg13[%get3A_1141, %get3A_1142, %get3A_1143] {strides = array<i32>} : memref<2x32x128xf32, #tpu.memory_space<vmem>>, vector<1x1x16xf32>,
      %get3A_1145 = vector.shape_cast %get3A_1144 : vector<1x1x16xf32> to vector<16xf32>
      %sub3A_1146 = arith.subf %get3A_1139, %get3A_1145 : vector<16xf32>
      %get3A_1147 = arith.constant 0 : i32
      %get3A_1148 = arith.constant 0 : i32
      %get3A_1149 = arith.index_cast %get3A_1147 : i32 to index
      %get3A_1150 = arith.index_cast %get3A_1148 : i32 to index
      %get3A_1151 = arith.index_cast %scan3A_625 : i32 to index
      %get3A_1152 = arith.constant 96 : index
      %get3A_1153 = tpu.vector_load %arg14[%get3A_1149, %get3A_1150, %get3A_1151, %get3A_1152] {strides = array<i32>} : memref<2x3x32x128xf32, #tpu.memory_space<vmem>>, vector<1x1x1x16xf32>,
      %get3A_1154 = vector.shape_cast %get3A_1153 : vector<1x1x1x16xf32> to vector<16xf32>
      %mul3A_1155 = arith.constant 5.000000e-01 : f32
      %mul3A_1156 = vector.broadcast %mul3A_1155 : f32 to vector<16xf32>
      %mul3A_1157 = arith.mulf %get3A_1154, %mul3A_1156 : vector<16xf32>
      %mul3A_1158 = vector.broadcast %squeeze3A : f32 to vector<16xf32>
      %mul3A_1159 = arith.mulf %mul3A_1158, %sub3A_1146 : vector<16xf32>
      %add3A_1160 = arith.addf %mul3A_1157, %mul3A_1159 : vector<16xf32>
      %swap3A_1161 = arith.constant 0 : i32
      %swap3A_1162 = arith.constant 0 : i32
      %swap3A_1163 = arith.index_cast %swap3A_1161 : i32 to index
      %swap3A_1164 = arith.index_cast %swap3A_1162 : i32 to index
      %swap3A_1165 = arith.index_cast %scan3A_625 : i32 to index
      %swap3A_1166 = arith.constant 96 : index
      %swap3A_1167 = tpu.vector_load %arg14[%swap3A_1163, %swap3A_1164, %swap3A_1165, %swap3A_1166] {strides = array<i32>} : memref<2x3x32x128xf32, #tpu.memory_space<vmem>>, vector<1x1x1x16xf32>,
      %swap3A_1168 = vector.shape_cast %swap3A_1167 : vector<1x1x1x16xf32> to vector<16xf32>
      %swap3A_1169 = vector.shape_cast %add3A_1160 : vector<16xf32> to vector<1x1x1x16xf32>
      tpu.vector_store %arg14[%swap3A_1163, %swap3A_1164, %swap3A_1165, %swap3A_1166], %swap3A_1169 {strides = array<i32>} : memref<2x3x32x128xf32, #tpu.memory_space<vmem>>, vector<1x1x1x16xf32>,
      %get3A_1170 = arith.constant 0 : i32
      %get3A_1171 = arith.constant 1 : i32
      %get3A_1172 = arith.index_cast %get3A_1170 : i32 to index
      %get3A_1173 = arith.index_cast %get3A_1171 : i32 to index
      %get3A_1174 = arith.index_cast %scan3A_625 : i32 to index
      %get3A_1175 = arith.constant 96 : index
      %get3A_1176 = tpu.vector_load %arg14[%get3A_1172, %get3A_1173, %get3A_1174, %get3A_1175] {strides = array<i32>} : memref<2x3x32x128xf32, #tpu.memory_space<vmem>>, vector<1x1x1x16xf32>,
      %get3A_1177 = vector.shape_cast %get3A_1176 : vector<1x1x1x16xf32> to vector<16xf32>
      %mul3A_1178 = arith.constant 5.000000e-01 : f32
      %mul3A_1179 = vector.broadcast %mul3A_1178 : f32 to vector<16xf32>
      %mul3A_1180 = arith.mulf %get3A_1177, %mul3A_1179 : vector<16xf32>
      %mul3A_1181 = vector.broadcast %squeeze3A_636 : f32 to vector<16xf32>
      %mul3A_1182 = arith.mulf %mul3A_1181, %sub3A_1146 : vector<16xf32>
      %add3A_1183 = arith.addf %mul3A_1180, %mul3A_1182 : vector<16xf32>
      %swap3A_1184 = arith.constant 0 : i32
      %swap3A_1185 = arith.constant 1 : i32
      %swap3A_1186 = arith.index_cast %swap3A_1184 : i32 to index
      %swap3A_1187 = arith.index_cast %swap3A_1185 : i32 to index
      %swap3A_1188 = arith.index_cast %scan3A_625 : i32 to index
      %swap3A_1189 = arith.constant 96 : index
      %swap3A_1190 = tpu.vector_load %arg14[%swap3A_1186, %swap3A_1187, %swap3A_1188, %swap3A_1189] {strides = array<i32>} : memref<2x3x32x128xf32, #tpu.memory_space<vmem>>, vector<1x1x1x16xf32>,
      %swap3A_1191 = vector.shape_cast %swap3A_1190 : vector<1x1x1x16xf32> to vector<16xf32>
      %swap3A_1192 = vector.shape_cast %add3A_1183 : vector<16xf32> to vector<1x1x1x16xf32>
      tpu.vector_store %arg14[%swap3A_1186, %swap3A_1187, %swap3A_1188, %swap3A_1189], %swap3A_1192 {strides = array<i32>} : memref<2x3x32x128xf32, #tpu.memory_space<vmem>>, vector<1x1x1x16xf32>,
      %get3A_1193 = arith.constant 0 : i32
      %get3A_1194 = arith.constant 2 : i32
      %get3A_1195 = arith.index_cast %get3A_1193 : i32 to index
      %get3A_1196 = arith.index_cast %get3A_1194 : i32 to index
      %get3A_1197 = arith.index_cast %scan3A_625 : i32 to index
      %get3A_1198 = arith.constant 96 : index
      %get3A_1199 = tpu.vector_load %arg14[%get3A_1195, %get3A_1196, %get3A_1197, %get3A_1198] {strides = array<i32>} : memref<2x3x32x128xf32, #tpu.memory_space<vmem>>, vector<1x1x1x16xf32>,
      %get3A_1200 = vector.shape_cast %get3A_1199 : vector<1x1x1x16xf32> to vector<16xf32>
      %mul3A_1201 = arith.constant 5.000000e-01 : f32
      %mul3A_1202 = vector.broadcast %mul3A_1201 : f32 to vector<16xf32>
      %mul3A_1203 = arith.mulf %get3A_1200, %mul3A_1202 : vector<16xf32>
      %mul3A_1204 = vector.broadcast %squeeze3A_643 : f32 to vector<16xf32>
      %mul3A_1205 = arith.mulf %mul3A_1204, %sub3A_1146 : vector<16xf32>
      %add3A_1206 = arith.addf %mul3A_1203, %mul3A_1205 : vector<16xf32>
      %swap3A_1207 = arith.constant 0 : i32
      %swap3A_1208 = arith.constant 2 : i32
      %swap3A_1209 = arith.index_cast %swap3A_1207 : i32 to index
      %swap3A_1210 = arith.index_cast %swap3A_1208 : i32 to index
      %swap3A_1211 = arith.index_cast %scan3A_625 : i32 to index
      %swap3A_1212 = arith.constant 96 : index
      %swap3A_1213 = tpu.vector_load %arg14[%swap3A_1209, %swap3A_1210, %swap3A_1211, %swap3A_1212] {strides = array<i32>} : memref<2x3x32x128xf32, #tpu.memory_space<vmem>>, vector<1x1x1x16xf32>,
      %swap3A_1214 = vector.shape_cast %swap3A_1213 : vector<1x1x1x16xf32> to vector<16xf32>
      %swap3A_1215 = vector.shape_cast %add3A_1206 : vector<16xf32> to vector<1x1x1x16xf32>
      tpu.vector_store %arg14[%swap3A_1209, %swap3A_1210, %swap3A_1211, %swap3A_1212], %swap3A_1215 {strides = array<i32>} : memref<2x3x32x128xf32, #tpu.memory_space<vmem>>, vector<1x1x1x16xf32>,
      %get3A_1216 = arith.constant 0 : i32
      %get3A_1217 = arith.index_cast %get3A_1216 : i32 to index
      %get3A_1218 = arith.index_cast %scan3A_625 : i32 to index
      %get3A_1219 = arith.constant 112 : index
      %get3A_1220 = tpu.vector_load %arg12[%get3A_1217, %get3A_1218, %get3A_1219] {strides = array<i32>} : memref<2x32x128xf32, #tpu.memory_space<vmem>>, vector<1x1x16xf32>,
      %get3A_1221 = vector.shape_cast %get3A_1220 : vector<1x1x16xf32> to vector<16xf32>
      %get3A_1222 = arith.constant 0 : i32
      %get3A_1223 = arith.index_cast %get3A_1222 : i32 to index
      %get3A_1224 = arith.index_cast %scan3A_625 : i32 to index
      %get3A_1225 = arith.constant 112 : index
      %get3A_1226 = tpu.vector_load %arg13[%get3A_1223, %get3A_1224, %get3A_1225] {strides = array<i32>} : memref<2x32x128xf32, #tpu.memory_space<vmem>>, vector<1x1x16xf32>,
      %get3A_1227 = vector.shape_cast %get3A_1226 : vector<1x1x16xf32> to vector<16xf32>
      %sub3A_1228 = arith.subf %get3A_1221, %get3A_1227 : vector<16xf32>
      %get3A_1229 = arith.constant 0 : i32
      %get3A_1230 = arith.constant 0 : i32
      %get3A_1231 = arith.index_cast %get3A_1229 : i32 to index
      %get3A_1232 = arith.index_cast %get3A_1230 : i32 to index
      %get3A_1233 = arith.index_cast %scan3A_625 : i32 to index
      %get3A_1234 = arith.constant 112 : index
      %get3A_1235 = tpu.vector_load %arg14[%get3A_1231, %get3A_1232, %get3A_1233, %get3A_1234] {strides = array<i32>} : memref<2x3x32x128xf32, #tpu.memory_space<vmem>>, vector<1x1x1x16xf32>,
      %get3A_1236 = vector.shape_cast %get3A_1235 : vector<1x1x1x16xf32> to vector<16xf32>
      %mul3A_1237 = arith.constant 5.000000e-01 : f32
      %mul3A_1238 = vector.broadcast %mul3A_1237 : f32 to vector<16xf32>
      %mul3A_1239 = arith.mulf %get3A_1236, %mul3A_1238 : vector<16xf32>
      %mul3A_1240 = vector.broadcast %squeeze3A : f32 to vector<16xf32>
      %mul3A_1241 = arith.mulf %mul3A_1240, %sub3A_1228 : vector<16xf32>
      %add3A_1242 = arith.addf %mul3A_1239, %mul3A_1241 : vector<16xf32>
      %swap3A_1243 = arith.constant 0 : i32
      %swap3A_1244 = arith.constant 0 : i32
      %swap3A_1245 = arith.index_cast %swap3A_1243 : i32 to index
      %swap3A_1246 = arith.index_cast %swap3A_1244 : i32 to index
      %swap3A_1247 = arith.index_cast %scan3A_625 : i32 to index
      %swap3A_1248 = arith.constant 112 : index
      %swap3A_1249 = tpu.vector_load %arg14[%swap3A_1245, %swap3A_1246, %swap3A_1247, %swap3A_1248] {strides = array<i32>} : memref<2x3x32x128xf32, #tpu.memory_space<vmem>>, vector<1x1x1x16xf32>,
      %swap3A_1250 = vector.shape_cast %swap3A_1249 : vector<1x1x1x16xf32> to vector<16xf32>
      %swap3A_1251 = vector.shape_cast %add3A_1242 : vector<16xf32> to vector<1x1x1x16xf32>
      tpu.vector_store %arg14[%swap3A_1245, %swap3A_1246, %swap3A_1247, %swap3A_1248], %swap3A_1251 {strides = array<i32>} : memref<2x3x32x128xf32, #tpu.memory_space<vmem>>, vector<1x1x1x16xf32>,
      %get3A_1252 = arith.constant 0 : i32
      %get3A_1253 = arith.constant 1 : i32
      %get3A_1254 = arith.index_cast %get3A_1252 : i32 to index
      %get3A_1255 = arith.index_cast %get3A_1253 : i32 to index
      %get3A_1256 = arith.index_cast %scan3A_625 : i32 to index
      %get3A_1257 = arith.constant 112 : index
      %get3A_1258 = tpu.vector_load %arg14[%get3A_1254, %get3A_1255, %get3A_1256, %get3A_1257] {strides = array<i32>} : memref<2x3x32x128xf32, #tpu.memory_space<vmem>>, vector<1x1x1x16xf32>,
      %get3A_1259 = vector.shape_cast %get3A_1258 : vector<1x1x1x16xf32> to vector<16xf32>
      %mul3A_1260 = arith.constant 5.000000e-01 : f32
      %mul3A_1261 = vector.broadcast %mul3A_1260 : f32 to vector<16xf32>
      %mul3A_1262 = arith.mulf %get3A_1259, %mul3A_1261 : vector<16xf32>
      %mul3A_1263 = vector.broadcast %squeeze3A_636 : f32 to vector<16xf32>
      %mul3A_1264 = arith.mulf %mul3A_1263, %sub3A_1228 : vector<16xf32>
      %add3A_1265 = arith.addf %mul3A_1262, %mul3A_1264 : vector<16xf32>
      %swap3A_1266 = arith.constant 0 : i32
      %swap3A_1267 = arith.constant 1 : i32
      %swap3A_1268 = arith.index_cast %swap3A_1266 : i32 to index
      %swap3A_1269 = arith.index_cast %swap3A_1267 : i32 to index
      %swap3A_1270 = arith.index_cast %scan3A_625 : i32 to index
      %swap3A_1271 = arith.constant 112 : index
      %swap3A_1272 = tpu.vector_load %arg14[%swap3A_1268, %swap3A_1269, %swap3A_1270, %swap3A_1271] {strides = array<i32>} : memref<2x3x32x128xf32, #tpu.memory_space<vmem>>, vector<1x1x1x16xf32>,
      %swap3A_1273 = vector.shape_cast %swap3A_1272 : vector<1x1x1x16xf32> to vector<16xf32>
      %swap3A_1274 = vector.shape_cast %add3A_1265 : vector<16xf32> to vector<1x1x1x16xf32>
      tpu.vector_store %arg14[%swap3A_1268, %swap3A_1269, %swap3A_1270, %swap3A_1271], %swap3A_1274 {strides = array<i32>} : memref<2x3x32x128xf32, #tpu.memory_space<vmem>>, vector<1x1x1x16xf32>,
      %get3A_1275 = arith.constant 0 : i32
      %get3A_1276 = arith.constant 2 : i32
      %get3A_1277 = arith.index_cast %get3A_1275 : i32 to index
      %get3A_1278 = arith.index_cast %get3A_1276 : i32 to index
      %get3A_1279 = arith.index_cast %scan3A_625 : i32 to index
      %get3A_1280 = arith.constant 112 : index
      %get3A_1281 = tpu.vector_load %arg14[%get3A_1277, %get3A_1278, %get3A_1279, %get3A_1280] {strides = array<i32>} : memref<2x3x32x128xf32, #tpu.memory_space<vmem>>, vector<1x1x1x16xf32>,
      %get3A_1282 = vector.shape_cast %get3A_1281 : vector<1x1x1x16xf32> to vector<16xf32>
      %mul3A_1283 = arith.constant 5.000000e-01 : f32
      %mul3A_1284 = vector.broadcast %mul3A_1283 : f32 to vector<16xf32>
      %mul3A_1285 = arith.mulf %get3A_1282, %mul3A_1284 : vector<16xf32>
      %mul3A_1286 = vector.broadcast %squeeze3A_643 : f32 to vector<16xf32>
      %mul3A_1287 = arith.mulf %mul3A_1286, %sub3A_1228 : vector<16xf32>
      %add3A_1288 = arith.addf %mul3A_1285, %mul3A_1287 : vector<16xf32>
      %swap3A_1289 = arith.constant 0 : i32
      %swap3A_1290 = arith.constant 2 : i32
      %swap3A_1291 = arith.index_cast %swap3A_1289 : i32 to index
      %swap3A_1292 = arith.index_cast %swap3A_1290 : i32 to index
      %swap3A_1293 = arith.index_cast %scan3A_625 : i32 to index
      %swap3A_1294 = arith.constant 112 : index
      %swap3A_1295 = tpu.vector_load %arg14[%swap3A_1291, %swap3A_1292, %swap3A_1293, %swap3A_1294] {strides = array<i32>} : memref<2x3x32x128xf32, #tpu.memory_space<vmem>>, vector<1x1x1x16xf32>,
      %swap3A_1296 = vector.shape_cast %swap3A_1295 : vector<1x1x1x16xf32> to vector<16xf32>
      %swap3A_1297 = vector.shape_cast %add3A_1288 : vector<16xf32> to vector<1x1x1x16xf32>
      tpu.vector_store %arg14[%swap3A_1291, %swap3A_1292, %swap3A_1293, %swap3A_1294], %swap3A_1297 {strides = array<i32>} : memref<2x3x32x128xf32, #tpu.memory_space<vmem>>, vector<1x1x1x16xf32>,
    }
    %scan3A_305 = arith.constant 32 : i32
    %add3A_306 = arith.constant 4992 : i32
    %add3A_307 = arith.addi %mul3A_2, %add3A_306 : i32
    %dma_start3A_308 = arith.constant 0 : i32
    %dma_start3A_309 = tpu.memref_slice %arg9[%dma_start3A_308] : memref<64xi32, #tpu.memory_space<vmem>> -> memref<8xi32, #tpu.memory_space<vmem>>
    %dma_start3A_310 = tpu.memref_slice %arg3[%add3A_307] : memref<160000xi32, #tpu.memory_space<hbm>> -> memref<8xi32, #tpu.memory_space<hbm>>
    %dma_start3A_311 = arith.constant 0 : i32
    %dma_start3A_312 = tpu.memref_slice %arg9[%dma_start3A_311] : memref<64xi32, #tpu.memory_space<vmem>> -> memref<8xi32, #tpu.memory_space<vmem>>
    %dma_start3A_313 = tpu.memref_slice %arg3[%add3A_307] : memref<160000xi32, #tpu.memory_space<hbm>> -> memref<8xi32, #tpu.memory_space<hbm>>
    tpu.enqueue_dma source(%dma_start3A_313 : memref<8xi32, #tpu.memory_space<hbm>>) target(%dma_start3A_312 : memref<8xi32, #tpu.memory_space<vmem>>) target_semaphore(%arg15 : memref<!tpu.dma_semaphore, #tpu.memory_space<semaphore_mem>>)
    %dma_start3A_314 = arith.constant 0 : i32
    %dma_start3A_315 = tpu.memref_slice %arg10[%dma_start3A_314] : memref<64xi32, #tpu.memory_space<vmem>> -> memref<8xi32, #tpu.memory_space<vmem>>
    %dma_start3A_316 = tpu.memref_slice %arg4[%add3A_307] : memref<160000xi32, #tpu.memory_space<hbm>> -> memref<8xi32, #tpu.memory_space<hbm>>
    %dma_start3A_317 = arith.constant 0 : i32
    %dma_start3A_318 = tpu.memref_slice %arg10[%dma_start3A_317] : memref<64xi32, #tpu.memory_space<vmem>> -> memref<8xi32, #tpu.memory_space<vmem>>
    %dma_start3A_319 = tpu.memref_slice %arg4[%add3A_307] : memref<160000xi32, #tpu.memory_space<hbm>> -> memref<8xi32, #tpu.memory_space<hbm>>
    tpu.enqueue_dma source(%dma_start3A_319 : memref<8xi32, #tpu.memory_space<hbm>>) target(%dma_start3A_318 : memref<8xi32, #tpu.memory_space<vmem>>) target_semaphore(%arg15 : memref<!tpu.dma_semaphore, #tpu.memory_space<semaphore_mem>>)
    %add3A_320 = arith.constant 0 : i32
    %add3A_321 = arith.addi %add3A_320, %add3A_307 : i32
    %dma_start3A_322 = arith.constant 0 : i32
    %dma_start3A_323 = tpu.memref_slice %arg11[%dma_start3A_322] : memref<288xf32, #tpu.memory_space<vmem>> -> memref<8xf32, #tpu.memory_space<vmem>>
    %dma_start3A_324 = tpu.memref_slice %arg5[%add3A_321] : memref<480000xf32, #tpu.memory_space<hbm>> -> memref<8xf32, #tpu.memory_space<hbm>>
    %dma_start3A_325 = arith.constant 0 : i32
    %dma_start3A_326 = tpu.memref_slice %arg11[%dma_start3A_325] : memref<288xf32, #tpu.memory_space<vmem>> -> memref<8xf32, #tpu.memory_space<vmem>>
    %dma_start3A_327 = tpu.memref_slice %arg5[%add3A_321] : memref<480000xf32, #tpu.memory_space<hbm>> -> memref<8xf32, #tpu.memory_space<hbm>>
    tpu.enqueue_dma source(%dma_start3A_327 : memref<8xf32, #tpu.memory_space<hbm>>) target(%dma_start3A_326 : memref<8xf32, #tpu.memory_space<vmem>>) target_semaphore(%arg15 : memref<!tpu.dma_semaphore, #tpu.memory_space<semaphore_mem>>)
    %add3A_328 = arith.constant 160000 : i32
    %add3A_329 = arith.addi %add3A_328, %add3A_307 : i32
    %dma_start3A_330 = arith.constant 48 : i32
    %dma_start3A_331 = tpu.memref_slice %arg11[%dma_start3A_330] : memref<288xf32, #tpu.memory_space<vmem>> -> memref<8xf32, #tpu.memory_space<vmem>>
    %dma_start3A_332 = tpu.memref_slice %arg5[%add3A_329] : memref<480000xf32, #tpu.memory_space<hbm>> -> memref<8xf32, #tpu.memory_space<hbm>>
    %dma_start3A_333 = arith.constant 48 : i32
    %dma_start3A_334 = tpu.memref_slice %arg11[%dma_start3A_333] : memref<288xf32, #tpu.memory_space<vmem>> -> memref<8xf32, #tpu.memory_space<vmem>>
    %dma_start3A_335 = tpu.memref_slice %arg5[%add3A_329] : memref<480000xf32, #tpu.memory_space<hbm>> -> memref<8xf32, #tpu.memory_space<hbm>>
    tpu.enqueue_dma source(%dma_start3A_335 : memref<8xf32, #tpu.memory_space<hbm>>) target(%dma_start3A_334 : memref<8xf32, #tpu.memory_space<vmem>>) target_semaphore(%arg15 : memref<!tpu.dma_semaphore, #tpu.memory_space<semaphore_mem>>)
    %add3A_336 = arith.constant 320000 : i32
    %add3A_337 = arith.addi %add3A_336, %add3A_307 : i32
    %dma_start3A_338 = arith.constant 96 : i32
    %dma_start3A_339 = tpu.memref_slice %arg11[%dma_start3A_338] : memref<288xf32, #tpu.memory_space<vmem>> -> memref<8xf32, #tpu.memory_space<vmem>>
    %dma_start3A_340 = tpu.memref_slice %arg5[%add3A_337] : memref<480000xf32, #tpu.memory_space<hbm>> -> memref<8xf32, #tpu.memory_space<hbm>>
    %dma_start3A_341 = arith.constant 96 : i32
    %dma_start3A_342 = tpu.memref_slice %arg11[%dma_start3A_341] : memref<288xf32, #tpu.memory_space<vmem>> -> memref<8xf32, #tpu.memory_space<vmem>>
    %dma_start3A_343 = tpu.memref_slice %arg5[%add3A_337] : memref<480000xf32, #tpu.memory_space<hbm>> -> memref<8xf32, #tpu.memory_space<hbm>>
    tpu.enqueue_dma source(%dma_start3A_343 : memref<8xf32, #tpu.memory_space<hbm>>) target(%dma_start3A_342 : memref<8xf32, #tpu.memory_space<vmem>>) target_semaphore(%arg15 : memref<!tpu.dma_semaphore, #tpu.memory_space<semaphore_mem>>)
    %add3A_344 = arith.constant 4928 : i32
    %add3A_345 = arith.addi %mul3A_2, %add3A_344 : i32
    %dma_start3A_346 = arith.constant 0 : i32
    %dma_start3A_347 = arith.constant 0 : i32
    %dma_start3A_348 = arith.constant 0 : i32
    %dma_start3A_349 = arith.constant 0 : i32
    %dma_start3A_350 = tpu.memref_slice %arg14[%dma_start3A_346, %dma_start3A_347, %dma_start3A_348, %dma_start3A_349] : memref<2x3x32x128xf32, #tpu.memory_space<vmem>> -> memref<1x3x32x128xf32, #tpu.memory_space<vmem>>
    %dma_start3A_351 = tpu.memref_squeeze %dma_start3A_350 : memref<1x3x32x128xf32, #tpu.memory_space<vmem>> -> memref<3x32x128xf32, #tpu.memory_space<vmem>>
    %dma_start3A_352 = arith.constant 0 : i32
    %dma_start3A_353 = arith.constant 0 : i32
    %dma_start3A_354 = tpu.memref_slice %arg7[%dma_start3A_352, %add3A_345, %dma_start3A_353] : memref<3x160000x128xf32, #tpu.memory_space<hbm>> -> memref<3x32x128xf32, #tpu.memory_space<hbm>>
    %dma_start3A_355 = arith.constant 0 : i32
    %dma_start3A_356 = arith.constant 0 : i32
    %dma_start3A_357 = tpu.memref_slice %arg7[%dma_start3A_355, %add3A_345, %dma_start3A_356] : memref<3x160000x128xf32, #tpu.memory_space<hbm>> -> memref<3x32x128xf32, #tpu.memory_space<hbm>>
    %dma_start3A_358 = arith.constant 0 : i32
    %dma_start3A_359 = arith.constant 0 : i32
    %dma_start3A_360 = arith.constant 0 : i32
    %dma_start3A_361 = tpu.memref_slice %arg14[%dma_start3A_346, %dma_start3A_358, %dma_start3A_359, %dma_start3A_360] : memref<2x3x32x128xf32, #tpu.memory_space<vmem>> -> memref<1x3x32x128xf32, #tpu.memory_space<vmem>>
    %dma_start3A_362 = tpu.memref_squeeze %dma_start3A_361 : memref<1x3x32x128xf32, #tpu.memory_space<vmem>> -> memref<3x32x128xf32, #tpu.memory_space<vmem>>
    tpu.enqueue_dma source(%dma_start3A_362 : memref<3x32x128xf32, #tpu.memory_space<vmem>>) target(%dma_start3A_357 : memref<3x32x128xf32, #tpu.memory_space<hbm>>) target_semaphore(%arg21 : memref<!tpu.dma_semaphore, #tpu.memory_space<semaphore_mem>>)
    %add3A_363 = arith.constant 4928 : i32
    %add3A_364 = arith.addi %mul3A_2, %add3A_363 : i32
    %dma_wait3A_365 = arith.constant 0 : i32
    %dma_wait3A_366 = arith.constant 0 : i32
    %dma_wait3A_367 = arith.constant 0 : i32
    %dma_wait3A_368 = arith.constant 0 : i32
    %dma_wait3A_369 = tpu.memref_slice %arg14[%dma_wait3A_365, %dma_wait3A_366, %dma_wait3A_367, %dma_wait3A_368] : memref<2x3x32x128xf32, #tpu.memory_space<vmem>> -> memref<1x3x32x128xf32, #tpu.memory_space<vmem>>
    %dma_wait3A_370 = tpu.memref_squeeze %dma_wait3A_369 : memref<1x3x32x128xf32, #tpu.memory_space<vmem>> -> memref<3x32x128xf32, #tpu.memory_space<vmem>>
    %dma_wait3A_371 = arith.constant 0 : i32
    %dma_wait3A_372 = arith.constant 0 : i32
    %dma_wait3A_373 = tpu.memref_slice %arg7[%dma_wait3A_371, %add3A_364, %dma_wait3A_372] : memref<3x160000x128xf32, #tpu.memory_space<hbm>> -> memref<3x32x128xf32, #tpu.memory_space<hbm>>
    %dma_wait3A_374 = arith.constant 0 : i32
    %dma_wait3A_375 = arith.constant 0 : i32
    %dma_wait3A_376 = tpu.memref_slice %arg7[%dma_wait3A_374, %add3A_364, %dma_wait3A_375] : memref<3x160000x128xf32, #tpu.memory_space<hbm>> -> memref<3x32x128xf32, #tpu.memory_space<hbm>>
    %dma_wait3A_377 = arith.constant 0 : i32
    %dma_wait3A_378 = arith.constant 0 : i32
    %dma_wait3A_379 = arith.constant 0 : i32
    %dma_wait3A_380 = tpu.memref_slice %arg14[%dma_wait3A_365, %dma_wait3A_377, %dma_wait3A_378, %dma_wait3A_379] : memref<2x3x32x128xf32, #tpu.memory_space<vmem>> -> memref<1x3x32x128xf32, #tpu.memory_space<vmem>>
    %dma_wait3A_381 = tpu.memref_squeeze %dma_wait3A_380 : memref<1x3x32x128xf32, #tpu.memory_space<vmem>> -> memref<3x32x128xf32, #tpu.memory_space<vmem>>
    tpu.wait_dma2 semaphore(%arg21 : memref<!tpu.dma_semaphore, #tpu.memory_space<semaphore_mem>>) src(%dma_wait3A_381 : memref<3x32x128xf32, #tpu.memory_space<vmem>>) dst(%dma_wait3A_376 : memref<3x32x128xf32, #tpu.memory_space<hbm>>)
    %add3A_382 = arith.constant 4992 : i32
    %add3A_383 = arith.addi %mul3A_2, %add3A_382 : i32
    %dma_start3A_384 = arith.constant 0 : i32
    %dma_start3A_385 = arith.constant 0 : i32
    %dma_start3A_386 = arith.constant 0 : i32
    %dma_start3A_387 = arith.constant 0 : i32
    %dma_start3A_388 = tpu.memref_slice %arg14[%dma_start3A_384, %dma_start3A_385, %dma_start3A_386, %dma_start3A_387] : memref<2x3x32x128xf32, #tpu.memory_space<vmem>> -> memref<1x3x8x128xf32, #tpu.memory_space<vmem>>
    %dma_start3A_389 = tpu.memref_squeeze %dma_start3A_388 : memref<1x3x8x128xf32, #tpu.memory_space<vmem>> -> memref<3x8x128xf32, #tpu.memory_space<vmem>>
    %dma_start3A_390 = arith.constant 0 : i32
    %dma_start3A_391 = arith.constant 0 : i32
    %dma_start3A_392 = tpu.memref_slice %arg6[%dma_start3A_390, %add3A_383, %dma_start3A_391] : memref<3x160000x128xf32, #tpu.memory_space<hbm>> -> memref<3x8x128xf32, #tpu.memory_space<hbm>>
    %dma_start3A_393 = arith.constant 0 : i32
    %dma_start3A_394 = arith.constant 0 : i32
    %dma_start3A_395 = arith.constant 0 : i32
    %dma_start3A_396 = tpu.memref_slice %arg14[%dma_start3A_384, %dma_start3A_393, %dma_start3A_394, %dma_start3A_395] : memref<2x3x32x128xf32, #tpu.memory_space<vmem>> -> memref<1x3x8x128xf32, #tpu.memory_space<vmem>>
    %dma_start3A_397 = tpu.memref_squeeze %dma_start3A_396 : memref<1x3x8x128xf32, #tpu.memory_space<vmem>> -> memref<3x8x128xf32, #tpu.memory_space<vmem>>
    %dma_start3A_398 = arith.constant 0 : i32
    %dma_start3A_399 = arith.constant 0 : i32
    %dma_start3A_400 = tpu.memref_slice %arg6[%dma_start3A_398, %add3A_383, %dma_start3A_399] : memref<3x160000x128xf32, #tpu.memory_space<hbm>> -> memref<3x8x128xf32, #tpu.memory_space<hbm>>
    tpu.enqueue_dma source(%dma_start3A_400 : memref<3x8x128xf32, #tpu.memory_space<hbm>>) target(%dma_start3A_397 : memref<3x8x128xf32, #tpu.memory_space<vmem>>) target_semaphore(%arg19 : memref<!tpu.dma_semaphore, #tpu.memory_space<semaphore_mem>>)
    %add3A_401 = arith.constant 4960 : i32
    %add3A_402 = arith.addi %mul3A_2, %add3A_401 : i32
    %dma_wait3A_403 = arith.constant 1 : i32
    %dma_wait3A_404 = arith.constant 0 : i32
    %dma_wait3A_405 = arith.constant 0 : i32
    %dma_wait3A_406 = arith.constant 0 : i32
    %dma_wait3A_407 = tpu.memref_slice %arg14[%dma_wait3A_403, %dma_wait3A_404, %dma_wait3A_405, %dma_wait3A_406] : memref<2x3x32x128xf32, #tpu.memory_space<vmem>> -> memref<1x3x32x128xf32, #tpu.memory_space<vmem>>
    %dma_wait3A_408 = tpu.memref_squeeze %dma_wait3A_407 : memref<1x3x32x128xf32, #tpu.memory_space<vmem>> -> memref<3x32x128xf32, #tpu.memory_space<vmem>>
    %dma_wait3A_409 = arith.constant 0 : i32
    %dma_wait3A_410 = arith.constant 0 : i32
    %dma_wait3A_411 = tpu.memref_slice %arg6[%dma_wait3A_409, %add3A_402, %dma_wait3A_410] : memref<3x160000x128xf32, #tpu.memory_space<hbm>> -> memref<3x32x128xf32, #tpu.memory_space<hbm>>
    %dma_wait3A_412 = arith.constant 0 : i32
    %dma_wait3A_413 = arith.constant 0 : i32
    %dma_wait3A_414 = arith.constant 0 : i32
    %dma_wait3A_415 = tpu.memref_slice %arg14[%dma_wait3A_403, %dma_wait3A_412, %dma_wait3A_413, %dma_wait3A_414] : memref<2x3x32x128xf32, #tpu.memory_space<vmem>> -> memref<1x3x32x128xf32, #tpu.memory_space<vmem>>
    %dma_wait3A_416 = tpu.memref_squeeze %dma_wait3A_415 : memref<1x3x32x128xf32, #tpu.memory_space<vmem>> -> memref<3x32x128xf32, #tpu.memory_space<vmem>>
    %dma_wait3A_417 = arith.constant 0 : i32
    %dma_wait3A_418 = arith.constant 0 : i32
    %dma_wait3A_419 = tpu.memref_slice %arg6[%dma_wait3A_417, %add3A_402, %dma_wait3A_418] : memref<3x160000x128xf32, #tpu.memory_space<hbm>> -> memref<3x32x128xf32, #tpu.memory_space<hbm>>
    tpu.wait_dma2 semaphore(%arg20 : memref<!tpu.dma_semaphore, #tpu.memory_space<semaphore_mem>>) src(%dma_wait3A_419 : memref<3x32x128xf32, #tpu.memory_space<hbm>>) dst(%dma_wait3A_416 : memref<3x32x128xf32, #tpu.memory_space<vmem>>)
    %dma_wait3A_420 = arith.constant 1 : i32
    %dma_wait3A_421 = arith.constant 0 : i32
    %dma_wait3A_422 = arith.constant 0 : i32
    %dma_wait3A_423 = tpu.memref_slice %arg12[%dma_wait3A_420, %dma_wait3A_421, %dma_wait3A_422] : memref<2x32x128xf32, #tpu.memory_space<vmem>> -> memref<1x32x128xf32, #tpu.memory_space<vmem>>
    %dma_wait3A_424 = tpu.memref_squeeze %dma_wait3A_423 : memref<1x32x128xf32, #tpu.memory_space<vmem>> -> memref<32x128xf32, #tpu.memory_space<vmem>>
    %dma_wait3A_425 = arith.constant 32 : i32
    %dma_wait3A_426 = tpu.memref_slice %arg9[%dma_wait3A_425] : memref<64xi32, #tpu.memory_space<vmem>> -> memref<32xi32, #tpu.memory_space<vmem>>
    %dma_wait3A_427 = arith.constant 0 : i32
    %dma_wait3A_428 = arith.constant 0 : i32
    %dma_wait3A_429 = tpu.memref_slice %arg8[%dma_wait3A_427, %dma_wait3A_428] : memref<10000x128xf32, #tpu.memory_space<vmem_shared>> -> memref<10000x128xf32, #tpu.memory_space<vmem_shared>>
    tpu.wait_indirect_dma semaphore(%arg18 : memref<!tpu.dma_semaphore, #tpu.memory_space<semaphore_mem>>) src(%dma_wait3A_429 : memref<10000x128xf32, #tpu.memory_space<vmem_shared>>) dst(%dma_wait3A_424 : memref<32x128xf32, #tpu.memory_space<vmem>>)
    %dma_wait3A_430 = arith.constant 1 : i32
    %dma_wait3A_431 = arith.constant 0 : i32
    %dma_wait3A_432 = arith.constant 0 : i32
    %dma_wait3A_433 = tpu.memref_slice %arg13[%dma_wait3A_430, %dma_wait3A_431, %dma_wait3A_432] : memref<2x32x128xf32, #tpu.memory_space<vmem>> -> memref<1x32x128xf32, #tpu.memory_space<vmem>>
    %dma_wait3A_434 = tpu.memref_squeeze %dma_wait3A_433 : memref<1x32x128xf32, #tpu.memory_space<vmem>> -> memref<32x128xf32, #tpu.memory_space<vmem>>
    %dma_wait3A_435 = arith.constant 32 : i32
    %dma_wait3A_436 = tpu.memref_slice %arg10[%dma_wait3A_435] : memref<64xi32, #tpu.memory_space<vmem>> -> memref<32xi32, #tpu.memory_space<vmem>>
    %dma_wait3A_437 = arith.constant 0 : i32
    %dma_wait3A_438 = arith.constant 0 : i32
    %dma_wait3A_439 = tpu.memref_slice %arg8[%dma_wait3A_437, %dma_wait3A_438] : memref<10000x128xf32, #tpu.memory_space<vmem_shared>> -> memref<10000x128xf32, #tpu.memory_space<vmem_shared>>
    tpu.wait_indirect_dma semaphore(%arg18 : memref<!tpu.dma_semaphore, #tpu.memory_space<semaphore_mem>>) src(%dma_wait3A_439 : memref<10000x128xf32, #tpu.memory_space<vmem_shared>>) dst(%dma_wait3A_434 : memref<32x128xf32, #tpu.memory_space<vmem>>)
    %add3A_440 = arith.constant 4992 : i32
    %add3A_441 = arith.addi %mul3A_2, %add3A_440 : i32
    %dma_wait3A_442 = arith.constant 0 : i32
    %dma_wait3A_443 = tpu.memref_slice %arg9[%dma_wait3A_442] : memref<64xi32, #tpu.memory_space<vmem>> -> memref<8xi32, #tpu.memory_space<vmem>>
    %dma_wait3A_444 = tpu.memref_slice %arg3[%add3A_441] : memref<160000xi32, #tpu.memory_space<hbm>> -> memref<8xi32, #tpu.memory_space<hbm>>
    %dma_wait3A_445 = arith.constant 0 : i32
    %dma_wait3A_446 = tpu.memref_slice %arg9[%dma_wait3A_445] : memref<64xi32, #tpu.memory_space<vmem>> -> memref<8xi32, #tpu.memory_space<vmem>>
    %dma_wait3A_447 = tpu.memref_slice %arg3[%add3A_441] : memref<160000xi32, #tpu.memory_space<hbm>> -> memref<8xi32, #tpu.memory_space<hbm>>
    tpu.wait_dma2 semaphore(%arg15 : memref<!tpu.dma_semaphore, #tpu.memory_space<semaphore_mem>>) src(%dma_wait3A_447 : memref<8xi32, #tpu.memory_space<hbm>>) dst(%dma_wait3A_446 : memref<8xi32, #tpu.memory_space<vmem>>)
    %dma_wait3A_448 = arith.constant 0 : i32
    %dma_wait3A_449 = tpu.memref_slice %arg10[%dma_wait3A_448] : memref<64xi32, #tpu.memory_space<vmem>> -> memref<8xi32, #tpu.memory_space<vmem>>
    %dma_wait3A_450 = tpu.memref_slice %arg4[%add3A_441] : memref<160000xi32, #tpu.memory_space<hbm>> -> memref<8xi32, #tpu.memory_space<hbm>>
    %dma_wait3A_451 = arith.constant 0 : i32
    %dma_wait3A_452 = tpu.memref_slice %arg10[%dma_wait3A_451] : memref<64xi32, #tpu.memory_space<vmem>> -> memref<8xi32, #tpu.memory_space<vmem>>
    %dma_wait3A_453 = tpu.memref_slice %arg4[%add3A_441] : memref<160000xi32, #tpu.memory_space<hbm>> -> memref<8xi32, #tpu.memory_space<hbm>>
    tpu.wait_dma2 semaphore(%arg15 : memref<!tpu.dma_semaphore, #tpu.memory_space<semaphore_mem>>) src(%dma_wait3A_453 : memref<8xi32, #tpu.memory_space<hbm>>) dst(%dma_wait3A_452 : memref<8xi32, #tpu.memory_space<vmem>>)
    %add3A_454 = arith.constant 0 : i32
    %add3A_455 = arith.addi %add3A_454, %add3A_441 : i32
    %dma_wait3A_456 = arith.constant 0 : i32
    %dma_wait3A_457 = tpu.memref_slice %arg11[%dma_wait3A_456] : memref<288xf32, #tpu.memory_space<vmem>> -> memref<8xf32, #tpu.memory_space<vmem>>
    %dma_wait3A_458 = tpu.memref_slice %arg5[%add3A_455] : memref<480000xf32, #tpu.memory_space<hbm>> -> memref<8xf32, #tpu.memory_space<hbm>>
    %dma_wait3A_459 = arith.constant 0 : i32
    %dma_wait3A_460 = tpu.memref_slice %arg11[%dma_wait3A_459] : memref<288xf32, #tpu.memory_space<vmem>> -> memref<8xf32, #tpu.memory_space<vmem>>
    %dma_wait3A_461 = tpu.memref_slice %arg5[%add3A_455] : memref<480000xf32, #tpu.memory_space<hbm>> -> memref<8xf32, #tpu.memory_space<hbm>>
    tpu.wait_dma2 semaphore(%arg15 : memref<!tpu.dma_semaphore, #tpu.memory_space<semaphore_mem>>) src(%dma_wait3A_461 : memref<8xf32, #tpu.memory_space<hbm>>) dst(%dma_wait3A_460 : memref<8xf32, #tpu.memory_space<vmem>>)
    %add3A_462 = arith.constant 160000 : i32
    %add3A_463 = arith.addi %add3A_462, %add3A_441 : i32
    %dma_wait3A_464 = arith.constant 48 : i32
    %dma_wait3A_465 = tpu.memref_slice %arg11[%dma_wait3A_464] : memref<288xf32, #tpu.memory_space<vmem>> -> memref<8xf32, #tpu.memory_space<vmem>>
    %dma_wait3A_466 = tpu.memref_slice %arg5[%add3A_463] : memref<480000xf32, #tpu.memory_space<hbm>> -> memref<8xf32, #tpu.memory_space<hbm>>
    %dma_wait3A_467 = arith.constant 48 : i32
    %dma_wait3A_468 = tpu.memref_slice %arg11[%dma_wait3A_467] : memref<288xf32, #tpu.memory_space<vmem>> -> memref<8xf32, #tpu.memory_space<vmem>>
    %dma_wait3A_469 = tpu.memref_slice %arg5[%add3A_463] : memref<480000xf32, #tpu.memory_space<hbm>> -> memref<8xf32, #tpu.memory_space<hbm>>
    tpu.wait_dma2 semaphore(%arg15 : memref<!tpu.dma_semaphore, #tpu.memory_space<semaphore_mem>>) src(%dma_wait3A_469 : memref<8xf32, #tpu.memory_space<hbm>>) dst(%dma_wait3A_468 : memref<8xf32, #tpu.memory_space<vmem>>)
    %add3A_470 = arith.constant 320000 : i32
    %add3A_471 = arith.addi %add3A_470, %add3A_441 : i32
    %dma_wait3A_472 = arith.constant 96 : i32
    %dma_wait3A_473 = tpu.memref_slice %arg11[%dma_wait3A_472] : memref<288xf32, #tpu.memory_space<vmem>> -> memref<8xf32, #tpu.memory_space<vmem>>
    %dma_wait3A_474 = tpu.memref_slice %arg5[%add3A_471] : memref<480000xf32, #tpu.memory_space<hbm>> -> memref<8xf32, #tpu.memory_space<hbm>>
    %dma_wait3A_475 = arith.constant 96 : i32
    %dma_wait3A_476 = tpu.memref_slice %arg11[%dma_wait3A_475] : memref<288xf32, #tpu.memory_space<vmem>> -> memref<8xf32, #tpu.memory_space<vmem>>
    %dma_wait3A_477 = tpu.memref_slice %arg5[%add3A_471] : memref<480000xf32, #tpu.memory_space<hbm>> -> memref<8xf32, #tpu.memory_space<hbm>>
    tpu.wait_dma2 semaphore(%arg15 : memref<!tpu.dma_semaphore, #tpu.memory_space<semaphore_mem>>) src(%dma_wait3A_477 : memref<8xf32, #tpu.memory_space<hbm>>) dst(%dma_wait3A_476 : memref<8xf32, #tpu.memory_space<vmem>>)
    %dma_start3A_478 = arith.constant 0 : i32
    %dma_start3A_479 = arith.constant 0 : i32
    %dma_start3A_480 = arith.constant 0 : i32
    %dma_start3A_481 = tpu.memref_slice %arg12[%dma_start3A_478, %dma_start3A_479, %dma_start3A_480] : memref<2x32x128xf32, #tpu.memory_space<vmem>> -> memref<1x8x128xf32, #tpu.memory_space<vmem>>
    %dma_start3A_482 = tpu.memref_squeeze %dma_start3A_481 : memref<1x8x128xf32, #tpu.memory_space<vmem>> -> memref<8x128xf32, #tpu.memory_space<vmem>>
    %dma_start3A_483 = arith.constant 0 : i32
    %dma_start3A_484 = tpu.memref_slice %arg9[%dma_start3A_483] : memref<64xi32, #tpu.memory_space<vmem>> -> memref<8xi32, #tpu.memory_space<vmem>>
    %dma_start3A_485 = arith.constant 0 : i32
    %dma_start3A_486 = arith.constant 0 : i32
    %dma_start3A_487 = tpu.memref_slice %arg8[%dma_start3A_485, %dma_start3A_486] : memref<10000x128xf32, #tpu.memory_space<vmem_shared>> -> memref<10000x128xf32, #tpu.memory_space<vmem_shared>>
    tpu.enqueue_indirect_dma source(%dma_start3A_487 : memref<10000x128xf32, #tpu.memory_space<vmem_shared>>) target(%dma_start3A_482 : memref<8x128xf32, #tpu.memory_space<vmem>>) offsets(%dma_start3A_484 : memref<8xi32, #tpu.memory_space<vmem>>) semaphore(%arg17 : memref<!tpu.dma_semaphore, #tpu.memory_space<semaphore_mem>>)
    %dma_start3A_488 = arith.constant 0 : i32
    %dma_start3A_489 = arith.constant 0 : i32
    %dma_start3A_490 = arith.constant 0 : i32
    %dma_start3A_491 = tpu.memref_slice %arg13[%dma_start3A_488, %dma_start3A_489, %dma_start3A_490] : memref<2x32x128xf32, #tpu.memory_space<vmem>> -> memref<1x8x128xf32, #tpu.memory_space<vmem>>
    %dma_start3A_492 = tpu.memref_squeeze %dma_start3A_491 : memref<1x8x128xf32, #tpu.memory_space<vmem>> -> memref<8x128xf32, #tpu.memory_space<vmem>>
    %dma_start3A_493 = arith.constant 0 : i32
    %dma_start3A_494 = tpu.memref_slice %arg10[%dma_start3A_493] : memref<64xi32, #tpu.memory_space<vmem>> -> memref<8xi32, #tpu.memory_space<vmem>>
    %dma_start3A_495 = arith.constant 0 : i32
    %dma_start3A_496 = arith.constant 0 : i32
    %dma_start3A_497 = tpu.memref_slice %arg8[%dma_start3A_495, %dma_start3A_496] : memref<10000x128xf32, #tpu.memory_space<vmem_shared>> -> memref<10000x128xf32, #tpu.memory_space<vmem_shared>>
    tpu.enqueue_indirect_dma source(%dma_start3A_497 : memref<10000x128xf32, #tpu.memory_space<vmem_shared>>) target(%dma_start3A_492 : memref<8x128xf32, #tpu.memory_space<vmem>>) offsets(%dma_start3A_494 : memref<8xi32, #tpu.memory_space<vmem>>) semaphore(%arg17 : memref<!tpu.dma_semaphore, #tpu.memory_space<semaphore_mem>>)
    %scan3A_498 = arith.constant 0 : i32
    %scan3A_499 = arith.constant 0 : i32
    %scan3A_500 = arith.constant 32 : i32
    %scan3A_501 = arith.addi %scan3A_499, %scan3A_500 : i32
    %scan3A_502 = arith.constant 1 : i32
    scf.for %scan3A_625 = %scan3A_499 to %scan3A_501 step %scan3A_502  : i32 {
      %add3A_626 = arith.constant 144 : i32
      %add3A_627 = arith.addi %add3A_626, %scan3A_625 : i32
      %get3A = arith.index_cast %add3A_627 : i32 to index
      %get3A_628 = tpu.vector_load %arg11[%get3A] {strides = array<i32>} : memref<288xf32, #tpu.memory_space<vmem>>, vector<16xf32>,
      %get3A_629 = vector.shape_cast %get3A_628 : vector<16xf32> to vector<16xf32>
      %slice3A = vector.extract_strided_slice %get3A_629 {offsets = [0], sizes = [1], strides = [1]} : vector<16xf32> to vector<1xf32>
      %squeeze3A = vector.extract %slice3A[0] : f32 from vector<1xf32>
      %add3A_630 = arith.constant 192 : i32
      %add3A_631 = arith.addi %add3A_630, %scan3A_625 : i32
      %get3A_632 = arith.index_cast %add3A_631 : i32 to index
      %get3A_633 = tpu.vector_load %arg11[%get3A_632] {strides = array<i32>} : memref<288xf32, #tpu.memory_space<vmem>>, vector<16xf32>,
      %get3A_634 = vector.shape_cast %get3A_633 : vector<16xf32> to vector<16xf32>
      %slice3A_635 = vector.extract_strided_slice %get3A_634 {offsets = [0], sizes = [1], strides = [1]} : vector<16xf32> to vector<1xf32>
      %squeeze3A_636 = vector.extract %slice3A_635[0] : f32 from vector<1xf32>
      %add3A_637 = arith.constant 240 : i32
      %add3A_638 = arith.addi %add3A_637, %scan3A_625 : i32
      %get3A_639 = arith.index_cast %add3A_638 : i32 to index
      %get3A_640 = tpu.vector_load %arg11[%get3A_639] {strides = array<i32>} : memref<288xf32, #tpu.memory_space<vmem>>, vector<16xf32>,
      %get3A_641 = vector.shape_cast %get3A_640 : vector<16xf32> to vector<16xf32>
      %slice3A_642 = vector.extract_strided_slice %get3A_641 {offsets = [0], sizes = [1], strides = [1]} : vector<16xf32> to vector<1xf32>
      %squeeze3A_643 = vector.extract %slice3A_642[0] : f32 from vector<1xf32>
      %get3A_644 = arith.constant 1 : i32
      %get3A_645 = arith.index_cast %get3A_644 : i32 to index
      %get3A_646 = arith.index_cast %scan3A_625 : i32 to index
      %get3A_647 = arith.constant 0 : index
      %get3A_648 = tpu.vector_load %arg12[%get3A_645, %get3A_646, %get3A_647] {strides = array<i32>} : memref<2x32x128xf32, #tpu.memory_space<vmem>>, vector<1x1x16xf32>,
      %get3A_649 = vector.shape_cast %get3A_648 : vector<1x1x16xf32> to vector<16xf32>
      %get3A_650 = arith.constant 1 : i32
      %get3A_651 = arith.index_cast %get3A_650 : i32 to index
      %get3A_652 = arith.index_cast %scan3A_625 : i32 to index
      %get3A_653 = arith.constant 0 : index
      %get3A_654 = tpu.vector_load %arg13[%get3A_651, %get3A_652, %get3A_653] {strides = array<i32>} : memref<2x32x128xf32, #tpu.memory_space<vmem>>, vector<1x1x16xf32>,
      %get3A_655 = vector.shape_cast %get3A_654 : vector<1x1x16xf32> to vector<16xf32>
      %sub3A = arith.subf %get3A_649, %get3A_655 : vector<16xf32>
      %get3A_656 = arith.constant 1 : i32
      %get3A_657 = arith.constant 0 : i32
      %get3A_658 = arith.index_cast %get3A_656 : i32 to index
      %get3A_659 = arith.index_cast %get3A_657 : i32 to index
      %get3A_660 = arith.index_cast %scan3A_625 : i32 to index
      %get3A_661 = arith.constant 0 : index
      %get3A_662 = tpu.vector_load %arg14[%get3A_658, %get3A_659, %get3A_660, %get3A_661] {strides = array<i32>} : memref<2x3x32x128xf32, #tpu.memory_space<vmem>>, vector<1x1x1x16xf32>,
      %get3A_663 = vector.shape_cast %get3A_662 : vector<1x1x1x16xf32> to vector<16xf32>
      %mul3A_664 = arith.constant 5.000000e-01 : f32
      %mul3A_665 = vector.broadcast %mul3A_664 : f32 to vector<16xf32>
      %mul3A_666 = arith.mulf %get3A_663, %mul3A_665 : vector<16xf32>
      %mul3A_667 = vector.broadcast %squeeze3A : f32 to vector<16xf32>
      %mul3A_668 = arith.mulf %mul3A_667, %sub3A : vector<16xf32>
      %add3A_669 = arith.addf %mul3A_666, %mul3A_668 : vector<16xf32>
      %swap3A = arith.constant 1 : i32
      %swap3A_670 = arith.constant 0 : i32
      %swap3A_671 = arith.index_cast %swap3A : i32 to index
      %swap3A_672 = arith.index_cast %swap3A_670 : i32 to index
      %swap3A_673 = arith.index_cast %scan3A_625 : i32 to index
      %swap3A_674 = arith.constant 0 : index
      %swap3A_675 = tpu.vector_load %arg14[%swap3A_671, %swap3A_672, %swap3A_673, %swap3A_674] {strides = array<i32>} : memref<2x3x32x128xf32, #tpu.memory_space<vmem>>, vector<1x1x1x16xf32>,
      %swap3A_676 = vector.shape_cast %swap3A_675 : vector<1x1x1x16xf32> to vector<16xf32>
      %swap3A_677 = vector.shape_cast %add3A_669 : vector<16xf32> to vector<1x1x1x16xf32>
      tpu.vector_store %arg14[%swap3A_671, %swap3A_672, %swap3A_673, %swap3A_674], %swap3A_677 {strides = array<i32>} : memref<2x3x32x128xf32, #tpu.memory_space<vmem>>, vector<1x1x1x16xf32>,
      %get3A_678 = arith.constant 1 : i32
      %get3A_679 = arith.constant 1 : i32
      %get3A_680 = arith.index_cast %get3A_678 : i32 to index
      %get3A_681 = arith.index_cast %get3A_679 : i32 to index
      %get3A_682 = arith.index_cast %scan3A_625 : i32 to index
      %get3A_683 = arith.constant 0 : index
      %get3A_684 = tpu.vector_load %arg14[%get3A_680, %get3A_681, %get3A_682, %get3A_683] {strides = array<i32>} : memref<2x3x32x128xf32, #tpu.memory_space<vmem>>, vector<1x1x1x16xf32>,
      %get3A_685 = vector.shape_cast %get3A_684 : vector<1x1x1x16xf32> to vector<16xf32>
      %mul3A_686 = arith.constant 5.000000e-01 : f32
      %mul3A_687 = vector.broadcast %mul3A_686 : f32 to vector<16xf32>
      %mul3A_688 = arith.mulf %get3A_685, %mul3A_687 : vector<16xf32>
      %mul3A_689 = vector.broadcast %squeeze3A_636 : f32 to vector<16xf32>
      %mul3A_690 = arith.mulf %mul3A_689, %sub3A : vector<16xf32>
      %add3A_691 = arith.addf %mul3A_688, %mul3A_690 : vector<16xf32>
      %swap3A_692 = arith.constant 1 : i32
      %swap3A_693 = arith.constant 1 : i32
      %swap3A_694 = arith.index_cast %swap3A_692 : i32 to index
      %swap3A_695 = arith.index_cast %swap3A_693 : i32 to index
      %swap3A_696 = arith.index_cast %scan3A_625 : i32 to index
      %swap3A_697 = arith.constant 0 : index
      %swap3A_698 = tpu.vector_load %arg14[%swap3A_694, %swap3A_695, %swap3A_696, %swap3A_697] {strides = array<i32>} : memref<2x3x32x128xf32, #tpu.memory_space<vmem>>, vector<1x1x1x16xf32>,
      %swap3A_699 = vector.shape_cast %swap3A_698 : vector<1x1x1x16xf32> to vector<16xf32>
      %swap3A_700 = vector.shape_cast %add3A_691 : vector<16xf32> to vector<1x1x1x16xf32>
      tpu.vector_store %arg14[%swap3A_694, %swap3A_695, %swap3A_696, %swap3A_697], %swap3A_700 {strides = array<i32>} : memref<2x3x32x128xf32, #tpu.memory_space<vmem>>, vector<1x1x1x16xf32>,
      %get3A_701 = arith.constant 1 : i32
      %get3A_702 = arith.constant 2 : i32
      %get3A_703 = arith.index_cast %get3A_701 : i32 to index
      %get3A_704 = arith.index_cast %get3A_702 : i32 to index
      %get3A_705 = arith.index_cast %scan3A_625 : i32 to index
      %get3A_706 = arith.constant 0 : index
      %get3A_707 = tpu.vector_load %arg14[%get3A_703, %get3A_704, %get3A_705, %get3A_706] {strides = array<i32>} : memref<2x3x32x128xf32, #tpu.memory_space<vmem>>, vector<1x1x1x16xf32>,
      %get3A_708 = vector.shape_cast %get3A_707 : vector<1x1x1x16xf32> to vector<16xf32>
      %mul3A_709 = arith.constant 5.000000e-01 : f32
      %mul3A_710 = vector.broadcast %mul3A_709 : f32 to vector<16xf32>
      %mul3A_711 = arith.mulf %get3A_708, %mul3A_710 : vector<16xf32>
      %mul3A_712 = vector.broadcast %squeeze3A_643 : f32 to vector<16xf32>
      %mul3A_713 = arith.mulf %mul3A_712, %sub3A : vector<16xf32>
      %add3A_714 = arith.addf %mul3A_711, %mul3A_713 : vector<16xf32>
      %swap3A_715 = arith.constant 1 : i32
      %swap3A_716 = arith.constant 2 : i32
      %swap3A_717 = arith.index_cast %swap3A_715 : i32 to index
      %swap3A_718 = arith.index_cast %swap3A_716 : i32 to index
      %swap3A_719 = arith.index_cast %scan3A_625 : i32 to index
      %swap3A_720 = arith.constant 0 : index
      %swap3A_721 = tpu.vector_load %arg14[%swap3A_717, %swap3A_718, %swap3A_719, %swap3A_720] {strides = array<i32>} : memref<2x3x32x128xf32, #tpu.memory_space<vmem>>, vector<1x1x1x16xf32>,
      %swap3A_722 = vector.shape_cast %swap3A_721 : vector<1x1x1x16xf32> to vector<16xf32>
      %swap3A_723 = vector.shape_cast %add3A_714 : vector<16xf32> to vector<1x1x1x16xf32>
      tpu.vector_store %arg14[%swap3A_717, %swap3A_718, %swap3A_719, %swap3A_720], %swap3A_723 {strides = array<i32>} : memref<2x3x32x128xf32, #tpu.memory_space<vmem>>, vector<1x1x1x16xf32>,
      %get3A_724 = arith.constant 1 : i32
      %get3A_725 = arith.index_cast %get3A_724 : i32 to index
      %get3A_726 = arith.index_cast %scan3A_625 : i32 to index
      %get3A_727 = arith.constant 16 : index
      %get3A_728 = tpu.vector_load %arg12[%get3A_725, %get3A_726, %get3A_727] {strides = array<i32>} : memref<2x32x128xf32, #tpu.memory_space<vmem>>, vector<1x1x16xf32>,
      %get3A_729 = vector.shape_cast %get3A_728 : vector<1x1x16xf32> to vector<16xf32>
      %get3A_730 = arith.constant 1 : i32
      %get3A_731 = arith.index_cast %get3A_730 : i32 to index
      %get3A_732 = arith.index_cast %scan3A_625 : i32 to index
      %get3A_733 = arith.constant 16 : index
      %get3A_734 = tpu.vector_load %arg13[%get3A_731, %get3A_732, %get3A_733] {strides = array<i32>} : memref<2x32x128xf32, #tpu.memory_space<vmem>>, vector<1x1x16xf32>,
      %get3A_735 = vector.shape_cast %get3A_734 : vector<1x1x16xf32> to vector<16xf32>
      %sub3A_736 = arith.subf %get3A_729, %get3A_735 : vector<16xf32>
      %get3A_737 = arith.constant 1 : i32
      %get3A_738 = arith.constant 0 : i32
      %get3A_739 = arith.index_cast %get3A_737 : i32 to index
      %get3A_740 = arith.index_cast %get3A_738 : i32 to index
      %get3A_741 = arith.index_cast %scan3A_625 : i32 to index
      %get3A_742 = arith.constant 16 : index
      %get3A_743 = tpu.vector_load %arg14[%get3A_739, %get3A_740, %get3A_741, %get3A_742] {strides = array<i32>} : memref<2x3x32x128xf32, #tpu.memory_space<vmem>>, vector<1x1x1x16xf32>,
      %get3A_744 = vector.shape_cast %get3A_743 : vector<1x1x1x16xf32> to vector<16xf32>
      %mul3A_745 = arith.constant 5.000000e-01 : f32
      %mul3A_746 = vector.broadcast %mul3A_745 : f32 to vector<16xf32>
      %mul3A_747 = arith.mulf %get3A_744, %mul3A_746 : vector<16xf32>
      %mul3A_748 = vector.broadcast %squeeze3A : f32 to vector<16xf32>
      %mul3A_749 = arith.mulf %mul3A_748, %sub3A_736 : vector<16xf32>
      %add3A_750 = arith.addf %mul3A_747, %mul3A_749 : vector<16xf32>
      %swap3A_751 = arith.constant 1 : i32
      %swap3A_752 = arith.constant 0 : i32
      %swap3A_753 = arith.index_cast %swap3A_751 : i32 to index
      %swap3A_754 = arith.index_cast %swap3A_752 : i32 to index
      %swap3A_755 = arith.index_cast %scan3A_625 : i32 to index
      %swap3A_756 = arith.constant 16 : index
      %swap3A_757 = tpu.vector_load %arg14[%swap3A_753, %swap3A_754, %swap3A_755, %swap3A_756] {strides = array<i32>} : memref<2x3x32x128xf32, #tpu.memory_space<vmem>>, vector<1x1x1x16xf32>,
      %swap3A_758 = vector.shape_cast %swap3A_757 : vector<1x1x1x16xf32> to vector<16xf32>
      %swap3A_759 = vector.shape_cast %add3A_750 : vector<16xf32> to vector<1x1x1x16xf32>
      tpu.vector_store %arg14[%swap3A_753, %swap3A_754, %swap3A_755, %swap3A_756], %swap3A_759 {strides = array<i32>} : memref<2x3x32x128xf32, #tpu.memory_space<vmem>>, vector<1x1x1x16xf32>,
      %get3A_760 = arith.constant 1 : i32
      %get3A_761 = arith.constant 1 : i32
      %get3A_762 = arith.index_cast %get3A_760 : i32 to index
      %get3A_763 = arith.index_cast %get3A_761 : i32 to index
      %get3A_764 = arith.index_cast %scan3A_625 : i32 to index
      %get3A_765 = arith.constant 16 : index
      %get3A_766 = tpu.vector_load %arg14[%get3A_762, %get3A_763, %get3A_764, %get3A_765] {strides = array<i32>} : memref<2x3x32x128xf32, #tpu.memory_space<vmem>>, vector<1x1x1x16xf32>,
      %get3A_767 = vector.shape_cast %get3A_766 : vector<1x1x1x16xf32> to vector<16xf32>
      %mul3A_768 = arith.constant 5.000000e-01 : f32
      %mul3A_769 = vector.broadcast %mul3A_768 : f32 to vector<16xf32>
      %mul3A_770 = arith.mulf %get3A_767, %mul3A_769 : vector<16xf32>
      %mul3A_771 = vector.broadcast %squeeze3A_636 : f32 to vector<16xf32>
      %mul3A_772 = arith.mulf %mul3A_771, %sub3A_736 : vector<16xf32>
      %add3A_773 = arith.addf %mul3A_770, %mul3A_772 : vector<16xf32>
      %swap3A_774 = arith.constant 1 : i32
      %swap3A_775 = arith.constant 1 : i32
      %swap3A_776 = arith.index_cast %swap3A_774 : i32 to index
      %swap3A_777 = arith.index_cast %swap3A_775 : i32 to index
      %swap3A_778 = arith.index_cast %scan3A_625 : i32 to index
      %swap3A_779 = arith.constant 16 : index
      %swap3A_780 = tpu.vector_load %arg14[%swap3A_776, %swap3A_777, %swap3A_778, %swap3A_779] {strides = array<i32>} : memref<2x3x32x128xf32, #tpu.memory_space<vmem>>, vector<1x1x1x16xf32>,
      %swap3A_781 = vector.shape_cast %swap3A_780 : vector<1x1x1x16xf32> to vector<16xf32>
      %swap3A_782 = vector.shape_cast %add3A_773 : vector<16xf32> to vector<1x1x1x16xf32>
      tpu.vector_store %arg14[%swap3A_776, %swap3A_777, %swap3A_778, %swap3A_779], %swap3A_782 {strides = array<i32>} : memref<2x3x32x128xf32, #tpu.memory_space<vmem>>, vector<1x1x1x16xf32>,
      %get3A_783 = arith.constant 1 : i32
      %get3A_784 = arith.constant 2 : i32
      %get3A_785 = arith.index_cast %get3A_783 : i32 to index
      %get3A_786 = arith.index_cast %get3A_784 : i32 to index
      %get3A_787 = arith.index_cast %scan3A_625 : i32 to index
      %get3A_788 = arith.constant 16 : index
      %get3A_789 = tpu.vector_load %arg14[%get3A_785, %get3A_786, %get3A_787, %get3A_788] {strides = array<i32>} : memref<2x3x32x128xf32, #tpu.memory_space<vmem>>, vector<1x1x1x16xf32>,
      %get3A_790 = vector.shape_cast %get3A_789 : vector<1x1x1x16xf32> to vector<16xf32>
      %mul3A_791 = arith.constant 5.000000e-01 : f32
      %mul3A_792 = vector.broadcast %mul3A_791 : f32 to vector<16xf32>
      %mul3A_793 = arith.mulf %get3A_790, %mul3A_792 : vector<16xf32>
      %mul3A_794 = vector.broadcast %squeeze3A_643 : f32 to vector<16xf32>
      %mul3A_795 = arith.mulf %mul3A_794, %sub3A_736 : vector<16xf32>
      %add3A_796 = arith.addf %mul3A_793, %mul3A_795 : vector<16xf32>
      %swap3A_797 = arith.constant 1 : i32
      %swap3A_798 = arith.constant 2 : i32
      %swap3A_799 = arith.index_cast %swap3A_797 : i32 to index
      %swap3A_800 = arith.index_cast %swap3A_798 : i32 to index
      %swap3A_801 = arith.index_cast %scan3A_625 : i32 to index
      %swap3A_802 = arith.constant 16 : index
      %swap3A_803 = tpu.vector_load %arg14[%swap3A_799, %swap3A_800, %swap3A_801, %swap3A_802] {strides = array<i32>} : memref<2x3x32x128xf32, #tpu.memory_space<vmem>>, vector<1x1x1x16xf32>,
      %swap3A_804 = vector.shape_cast %swap3A_803 : vector<1x1x1x16xf32> to vector<16xf32>
      %swap3A_805 = vector.shape_cast %add3A_796 : vector<16xf32> to vector<1x1x1x16xf32>
      tpu.vector_store %arg14[%swap3A_799, %swap3A_800, %swap3A_801, %swap3A_802], %swap3A_805 {strides = array<i32>} : memref<2x3x32x128xf32, #tpu.memory_space<vmem>>, vector<1x1x1x16xf32>,
      %get3A_806 = arith.constant 1 : i32
      %get3A_807 = arith.index_cast %get3A_806 : i32 to index
      %get3A_808 = arith.index_cast %scan3A_625 : i32 to index
      %get3A_809 = arith.constant 32 : index
      %get3A_810 = tpu.vector_load %arg12[%get3A_807, %get3A_808, %get3A_809] {strides = array<i32>} : memref<2x32x128xf32, #tpu.memory_space<vmem>>, vector<1x1x16xf32>,
      %get3A_811 = vector.shape_cast %get3A_810 : vector<1x1x16xf32> to vector<16xf32>
      %get3A_812 = arith.constant 1 : i32
      %get3A_813 = arith.index_cast %get3A_812 : i32 to index
      %get3A_814 = arith.index_cast %scan3A_625 : i32 to index
      %get3A_815 = arith.constant 32 : index
      %get3A_816 = tpu.vector_load %arg13[%get3A_813, %get3A_814, %get3A_815] {strides = array<i32>} : memref<2x32x128xf32, #tpu.memory_space<vmem>>, vector<1x1x16xf32>,
      %get3A_817 = vector.shape_cast %get3A_816 : vector<1x1x16xf32> to vector<16xf32>
      %sub3A_818 = arith.subf %get3A_811, %get3A_817 : vector<16xf32>
      %get3A_819 = arith.constant 1 : i32
      %get3A_820 = arith.constant 0 : i32
      %get3A_821 = arith.index_cast %get3A_819 : i32 to index
      %get3A_822 = arith.index_cast %get3A_820 : i32 to index
      %get3A_823 = arith.index_cast %scan3A_625 : i32 to index
      %get3A_824 = arith.constant 32 : index
      %get3A_825 = tpu.vector_load %arg14[%get3A_821, %get3A_822, %get3A_823, %get3A_824] {strides = array<i32>} : memref<2x3x32x128xf32, #tpu.memory_space<vmem>>, vector<1x1x1x16xf32>,
      %get3A_826 = vector.shape_cast %get3A_825 : vector<1x1x1x16xf32> to vector<16xf32>
      %mul3A_827 = arith.constant 5.000000e-01 : f32
      %mul3A_828 = vector.broadcast %mul3A_827 : f32 to vector<16xf32>
      %mul3A_829 = arith.mulf %get3A_826, %mul3A_828 : vector<16xf32>
      %mul3A_830 = vector.broadcast %squeeze3A : f32 to vector<16xf32>
      %mul3A_831 = arith.mulf %mul3A_830, %sub3A_818 : vector<16xf32>
      %add3A_832 = arith.addf %mul3A_829, %mul3A_831 : vector<16xf32>
      %swap3A_833 = arith.constant 1 : i32
      %swap3A_834 = arith.constant 0 : i32
      %swap3A_835 = arith.index_cast %swap3A_833 : i32 to index
      %swap3A_836 = arith.index_cast %swap3A_834 : i32 to index
      %swap3A_837 = arith.index_cast %scan3A_625 : i32 to index
      %swap3A_838 = arith.constant 32 : index
      %swap3A_839 = tpu.vector_load %arg14[%swap3A_835, %swap3A_836, %swap3A_837, %swap3A_838] {strides = array<i32>} : memref<2x3x32x128xf32, #tpu.memory_space<vmem>>, vector<1x1x1x16xf32>,
      %swap3A_840 = vector.shape_cast %swap3A_839 : vector<1x1x1x16xf32> to vector<16xf32>
      %swap3A_841 = vector.shape_cast %add3A_832 : vector<16xf32> to vector<1x1x1x16xf32>
      tpu.vector_store %arg14[%swap3A_835, %swap3A_836, %swap3A_837, %swap3A_838], %swap3A_841 {strides = array<i32>} : memref<2x3x32x128xf32, #tpu.memory_space<vmem>>, vector<1x1x1x16xf32>,
      %get3A_842 = arith.constant 1 : i32
      %get3A_843 = arith.constant 1 : i32
      %get3A_844 = arith.index_cast %get3A_842 : i32 to index
      %get3A_845 = arith.index_cast %get3A_843 : i32 to index
      %get3A_846 = arith.index_cast %scan3A_625 : i32 to index
      %get3A_847 = arith.constant 32 : index
      %get3A_848 = tpu.vector_load %arg14[%get3A_844, %get3A_845, %get3A_846, %get3A_847] {strides = array<i32>} : memref<2x3x32x128xf32, #tpu.memory_space<vmem>>, vector<1x1x1x16xf32>,
      %get3A_849 = vector.shape_cast %get3A_848 : vector<1x1x1x16xf32> to vector<16xf32>
      %mul3A_850 = arith.constant 5.000000e-01 : f32
      %mul3A_851 = vector.broadcast %mul3A_850 : f32 to vector<16xf32>
      %mul3A_852 = arith.mulf %get3A_849, %mul3A_851 : vector<16xf32>
      %mul3A_853 = vector.broadcast %squeeze3A_636 : f32 to vector<16xf32>
      %mul3A_854 = arith.mulf %mul3A_853, %sub3A_818 : vector<16xf32>
      %add3A_855 = arith.addf %mul3A_852, %mul3A_854 : vector<16xf32>
      %swap3A_856 = arith.constant 1 : i32
      %swap3A_857 = arith.constant 1 : i32
      %swap3A_858 = arith.index_cast %swap3A_856 : i32 to index
      %swap3A_859 = arith.index_cast %swap3A_857 : i32 to index
      %swap3A_860 = arith.index_cast %scan3A_625 : i32 to index
      %swap3A_861 = arith.constant 32 : index
      %swap3A_862 = tpu.vector_load %arg14[%swap3A_858, %swap3A_859, %swap3A_860, %swap3A_861] {strides = array<i32>} : memref<2x3x32x128xf32, #tpu.memory_space<vmem>>, vector<1x1x1x16xf32>,
      %swap3A_863 = vector.shape_cast %swap3A_862 : vector<1x1x1x16xf32> to vector<16xf32>
      %swap3A_864 = vector.shape_cast %add3A_855 : vector<16xf32> to vector<1x1x1x16xf32>
      tpu.vector_store %arg14[%swap3A_858, %swap3A_859, %swap3A_860, %swap3A_861], %swap3A_864 {strides = array<i32>} : memref<2x3x32x128xf32, #tpu.memory_space<vmem>>, vector<1x1x1x16xf32>,
      %get3A_865 = arith.constant 1 : i32
      %get3A_866 = arith.constant 2 : i32
      %get3A_867 = arith.index_cast %get3A_865 : i32 to index
      %get3A_868 = arith.index_cast %get3A_866 : i32 to index
      %get3A_869 = arith.index_cast %scan3A_625 : i32 to index
      %get3A_870 = arith.constant 32 : index
      %get3A_871 = tpu.vector_load %arg14[%get3A_867, %get3A_868, %get3A_869, %get3A_870] {strides = array<i32>} : memref<2x3x32x128xf32, #tpu.memory_space<vmem>>, vector<1x1x1x16xf32>,
      %get3A_872 = vector.shape_cast %get3A_871 : vector<1x1x1x16xf32> to vector<16xf32>
      %mul3A_873 = arith.constant 5.000000e-01 : f32
      %mul3A_874 = vector.broadcast %mul3A_873 : f32 to vector<16xf32>
      %mul3A_875 = arith.mulf %get3A_872, %mul3A_874 : vector<16xf32>
      %mul3A_876 = vector.broadcast %squeeze3A_643 : f32 to vector<16xf32>
      %mul3A_877 = arith.mulf %mul3A_876, %sub3A_818 : vector<16xf32>
      %add3A_878 = arith.addf %mul3A_875, %mul3A_877 : vector<16xf32>
      %swap3A_879 = arith.constant 1 : i32
      %swap3A_880 = arith.constant 2 : i32
      %swap3A_881 = arith.index_cast %swap3A_879 : i32 to index
      %swap3A_882 = arith.index_cast %swap3A_880 : i32 to index
      %swap3A_883 = arith.index_cast %scan3A_625 : i32 to index
      %swap3A_884 = arith.constant 32 : index
      %swap3A_885 = tpu.vector_load %arg14[%swap3A_881, %swap3A_882, %swap3A_883, %swap3A_884] {strides = array<i32>} : memref<2x3x32x128xf32, #tpu.memory_space<vmem>>, vector<1x1x1x16xf32>,
      %swap3A_886 = vector.shape_cast %swap3A_885 : vector<1x1x1x16xf32> to vector<16xf32>
      %swap3A_887 = vector.shape_cast %add3A_878 : vector<16xf32> to vector<1x1x1x16xf32>
      tpu.vector_store %arg14[%swap3A_881, %swap3A_882, %swap3A_883, %swap3A_884], %swap3A_887 {strides = array<i32>} : memref<2x3x32x128xf32, #tpu.memory_space<vmem>>, vector<1x1x1x16xf32>,
      %get3A_888 = arith.constant 1 : i32
      %get3A_889 = arith.index_cast %get3A_888 : i32 to index
      %get3A_890 = arith.index_cast %scan3A_625 : i32 to index
      %get3A_891 = arith.constant 48 : index
      %get3A_892 = tpu.vector_load %arg12[%get3A_889, %get3A_890, %get3A_891] {strides = array<i32>} : memref<2x32x128xf32, #tpu.memory_space<vmem>>, vector<1x1x16xf32>,
      %get3A_893 = vector.shape_cast %get3A_892 : vector<1x1x16xf32> to vector<16xf32>
      %get3A_894 = arith.constant 1 : i32
      %get3A_895 = arith.index_cast %get3A_894 : i32 to index
      %get3A_896 = arith.index_cast %scan3A_625 : i32 to index
      %get3A_897 = arith.constant 48 : index
      %get3A_898 = tpu.vector_load %arg13[%get3A_895, %get3A_896, %get3A_897] {strides = array<i32>} : memref<2x32x128xf32, #tpu.memory_space<vmem>>, vector<1x1x16xf32>,
      %get3A_899 = vector.shape_cast %get3A_898 : vector<1x1x16xf32> to vector<16xf32>
      %sub3A_900 = arith.subf %get3A_893, %get3A_899 : vector<16xf32>
      %get3A_901 = arith.constant 1 : i32
      %get3A_902 = arith.constant 0 : i32
      %get3A_903 = arith.index_cast %get3A_901 : i32 to index
      %get3A_904 = arith.index_cast %get3A_902 : i32 to index
      %get3A_905 = arith.index_cast %scan3A_625 : i32 to index
      %get3A_906 = arith.constant 48 : index
      %get3A_907 = tpu.vector_load %arg14[%get3A_903, %get3A_904, %get3A_905, %get3A_906] {strides = array<i32>} : memref<2x3x32x128xf32, #tpu.memory_space<vmem>>, vector<1x1x1x16xf32>,
      %get3A_908 = vector.shape_cast %get3A_907 : vector<1x1x1x16xf32> to vector<16xf32>
      %mul3A_909 = arith.constant 5.000000e-01 : f32
      %mul3A_910 = vector.broadcast %mul3A_909 : f32 to vector<16xf32>
      %mul3A_911 = arith.mulf %get3A_908, %mul3A_910 : vector<16xf32>
      %mul3A_912 = vector.broadcast %squeeze3A : f32 to vector<16xf32>
      %mul3A_913 = arith.mulf %mul3A_912, %sub3A_900 : vector<16xf32>
      %add3A_914 = arith.addf %mul3A_911, %mul3A_913 : vector<16xf32>
      %swap3A_915 = arith.constant 1 : i32
      %swap3A_916 = arith.constant 0 : i32
      %swap3A_917 = arith.index_cast %swap3A_915 : i32 to index
      %swap3A_918 = arith.index_cast %swap3A_916 : i32 to index
      %swap3A_919 = arith.index_cast %scan3A_625 : i32 to index
      %swap3A_920 = arith.constant 48 : index
      %swap3A_921 = tpu.vector_load %arg14[%swap3A_917, %swap3A_918, %swap3A_919, %swap3A_920] {strides = array<i32>} : memref<2x3x32x128xf32, #tpu.memory_space<vmem>>, vector<1x1x1x16xf32>,
      %swap3A_922 = vector.shape_cast %swap3A_921 : vector<1x1x1x16xf32> to vector<16xf32>
      %swap3A_923 = vector.shape_cast %add3A_914 : vector<16xf32> to vector<1x1x1x16xf32>
      tpu.vector_store %arg14[%swap3A_917, %swap3A_918, %swap3A_919, %swap3A_920], %swap3A_923 {strides = array<i32>} : memref<2x3x32x128xf32, #tpu.memory_space<vmem>>, vector<1x1x1x16xf32>,
      %get3A_924 = arith.constant 1 : i32
      %get3A_925 = arith.constant 1 : i32
      %get3A_926 = arith.index_cast %get3A_924 : i32 to index
      %get3A_927 = arith.index_cast %get3A_925 : i32 to index
      %get3A_928 = arith.index_cast %scan3A_625 : i32 to index
      %get3A_929 = arith.constant 48 : index
      %get3A_930 = tpu.vector_load %arg14[%get3A_926, %get3A_927, %get3A_928, %get3A_929] {strides = array<i32>} : memref<2x3x32x128xf32, #tpu.memory_space<vmem>>, vector<1x1x1x16xf32>,
      %get3A_931 = vector.shape_cast %get3A_930 : vector<1x1x1x16xf32> to vector<16xf32>
      %mul3A_932 = arith.constant 5.000000e-01 : f32
      %mul3A_933 = vector.broadcast %mul3A_932 : f32 to vector<16xf32>
      %mul3A_934 = arith.mulf %get3A_931, %mul3A_933 : vector<16xf32>
      %mul3A_935 = vector.broadcast %squeeze3A_636 : f32 to vector<16xf32>
      %mul3A_936 = arith.mulf %mul3A_935, %sub3A_900 : vector<16xf32>
      %add3A_937 = arith.addf %mul3A_934, %mul3A_936 : vector<16xf32>
      %swap3A_938 = arith.constant 1 : i32
      %swap3A_939 = arith.constant 1 : i32
      %swap3A_940 = arith.index_cast %swap3A_938 : i32 to index
      %swap3A_941 = arith.index_cast %swap3A_939 : i32 to index
      %swap3A_942 = arith.index_cast %scan3A_625 : i32 to index
      %swap3A_943 = arith.constant 48 : index
      %swap3A_944 = tpu.vector_load %arg14[%swap3A_940, %swap3A_941, %swap3A_942, %swap3A_943] {strides = array<i32>} : memref<2x3x32x128xf32, #tpu.memory_space<vmem>>, vector<1x1x1x16xf32>,
      %swap3A_945 = vector.shape_cast %swap3A_944 : vector<1x1x1x16xf32> to vector<16xf32>
      %swap3A_946 = vector.shape_cast %add3A_937 : vector<16xf32> to vector<1x1x1x16xf32>
      tpu.vector_store %arg14[%swap3A_940, %swap3A_941, %swap3A_942, %swap3A_943], %swap3A_946 {strides = array<i32>} : memref<2x3x32x128xf32, #tpu.memory_space<vmem>>, vector<1x1x1x16xf32>,
      %get3A_947 = arith.constant 1 : i32
      %get3A_948 = arith.constant 2 : i32
      %get3A_949 = arith.index_cast %get3A_947 : i32 to index
      %get3A_950 = arith.index_cast %get3A_948 : i32 to index
      %get3A_951 = arith.index_cast %scan3A_625 : i32 to index
      %get3A_952 = arith.constant 48 : index
      %get3A_953 = tpu.vector_load %arg14[%get3A_949, %get3A_950, %get3A_951, %get3A_952] {strides = array<i32>} : memref<2x3x32x128xf32, #tpu.memory_space<vmem>>, vector<1x1x1x16xf32>,
      %get3A_954 = vector.shape_cast %get3A_953 : vector<1x1x1x16xf32> to vector<16xf32>
      %mul3A_955 = arith.constant 5.000000e-01 : f32
      %mul3A_956 = vector.broadcast %mul3A_955 : f32 to vector<16xf32>
      %mul3A_957 = arith.mulf %get3A_954, %mul3A_956 : vector<16xf32>
      %mul3A_958 = vector.broadcast %squeeze3A_643 : f32 to vector<16xf32>
      %mul3A_959 = arith.mulf %mul3A_958, %sub3A_900 : vector<16xf32>
      %add3A_960 = arith.addf %mul3A_957, %mul3A_959 : vector<16xf32>
      %swap3A_961 = arith.constant 1 : i32
      %swap3A_962 = arith.constant 2 : i32
      %swap3A_963 = arith.index_cast %swap3A_961 : i32 to index
      %swap3A_964 = arith.index_cast %swap3A_962 : i32 to index
      %swap3A_965 = arith.index_cast %scan3A_625 : i32 to index
      %swap3A_966 = arith.constant 48 : index
      %swap3A_967 = tpu.vector_load %arg14[%swap3A_963, %swap3A_964, %swap3A_965, %swap3A_966] {strides = array<i32>} : memref<2x3x32x128xf32, #tpu.memory_space<vmem>>, vector<1x1x1x16xf32>,
      %swap3A_968 = vector.shape_cast %swap3A_967 : vector<1x1x1x16xf32> to vector<16xf32>
      %swap3A_969 = vector.shape_cast %add3A_960 : vector<16xf32> to vector<1x1x1x16xf32>
      tpu.vector_store %arg14[%swap3A_963, %swap3A_964, %swap3A_965, %swap3A_966], %swap3A_969 {strides = array<i32>} : memref<2x3x32x128xf32, #tpu.memory_space<vmem>>, vector<1x1x1x16xf32>,
      %get3A_970 = arith.constant 1 : i32
      %get3A_971 = arith.index_cast %get3A_970 : i32 to index
      %get3A_972 = arith.index_cast %scan3A_625 : i32 to index
      %get3A_973 = arith.constant 64 : index
      %get3A_974 = tpu.vector_load %arg12[%get3A_971, %get3A_972, %get3A_973] {strides = array<i32>} : memref<2x32x128xf32, #tpu.memory_space<vmem>>, vector<1x1x16xf32>,
      %get3A_975 = vector.shape_cast %get3A_974 : vector<1x1x16xf32> to vector<16xf32>
      %get3A_976 = arith.constant 1 : i32
      %get3A_977 = arith.index_cast %get3A_976 : i32 to index
      %get3A_978 = arith.index_cast %scan3A_625 : i32 to index
      %get3A_979 = arith.constant 64 : index
      %get3A_980 = tpu.vector_load %arg13[%get3A_977, %get3A_978, %get3A_979] {strides = array<i32>} : memref<2x32x128xf32, #tpu.memory_space<vmem>>, vector<1x1x16xf32>,
      %get3A_981 = vector.shape_cast %get3A_980 : vector<1x1x16xf32> to vector<16xf32>
      %sub3A_982 = arith.subf %get3A_975, %get3A_981 : vector<16xf32>
      %get3A_983 = arith.constant 1 : i32
      %get3A_984 = arith.constant 0 : i32
      %get3A_985 = arith.index_cast %get3A_983 : i32 to index
      %get3A_986 = arith.index_cast %get3A_984 : i32 to index
      %get3A_987 = arith.index_cast %scan3A_625 : i32 to index
      %get3A_988 = arith.constant 64 : index
      %get3A_989 = tpu.vector_load %arg14[%get3A_985, %get3A_986, %get3A_987, %get3A_988] {strides = array<i32>} : memref<2x3x32x128xf32, #tpu.memory_space<vmem>>, vector<1x1x1x16xf32>,
      %get3A_990 = vector.shape_cast %get3A_989 : vector<1x1x1x16xf32> to vector<16xf32>
      %mul3A_991 = arith.constant 5.000000e-01 : f32
      %mul3A_992 = vector.broadcast %mul3A_991 : f32 to vector<16xf32>
      %mul3A_993 = arith.mulf %get3A_990, %mul3A_992 : vector<16xf32>
      %mul3A_994 = vector.broadcast %squeeze3A : f32 to vector<16xf32>
      %mul3A_995 = arith.mulf %mul3A_994, %sub3A_982 : vector<16xf32>
      %add3A_996 = arith.addf %mul3A_993, %mul3A_995 : vector<16xf32>
      %swap3A_997 = arith.constant 1 : i32
      %swap3A_998 = arith.constant 0 : i32
      %swap3A_999 = arith.index_cast %swap3A_997 : i32 to index
      %swap3A_1000 = arith.index_cast %swap3A_998 : i32 to index
      %swap3A_1001 = arith.index_cast %scan3A_625 : i32 to index
      %swap3A_1002 = arith.constant 64 : index
      %swap3A_1003 = tpu.vector_load %arg14[%swap3A_999, %swap3A_1000, %swap3A_1001, %swap3A_1002] {strides = array<i32>} : memref<2x3x32x128xf32, #tpu.memory_space<vmem>>, vector<1x1x1x16xf32>,
      %swap3A_1004 = vector.shape_cast %swap3A_1003 : vector<1x1x1x16xf32> to vector<16xf32>
      %swap3A_1005 = vector.shape_cast %add3A_996 : vector<16xf32> to vector<1x1x1x16xf32>
      tpu.vector_store %arg14[%swap3A_999, %swap3A_1000, %swap3A_1001, %swap3A_1002], %swap3A_1005 {strides = array<i32>} : memref<2x3x32x128xf32, #tpu.memory_space<vmem>>, vector<1x1x1x16xf32>,
      %get3A_1006 = arith.constant 1 : i32
      %get3A_1007 = arith.constant 1 : i32
      %get3A_1008 = arith.index_cast %get3A_1006 : i32 to index
      %get3A_1009 = arith.index_cast %get3A_1007 : i32 to index
      %get3A_1010 = arith.index_cast %scan3A_625 : i32 to index
      %get3A_1011 = arith.constant 64 : index
      %get3A_1012 = tpu.vector_load %arg14[%get3A_1008, %get3A_1009, %get3A_1010, %get3A_1011] {strides = array<i32>} : memref<2x3x32x128xf32, #tpu.memory_space<vmem>>, vector<1x1x1x16xf32>,
      %get3A_1013 = vector.shape_cast %get3A_1012 : vector<1x1x1x16xf32> to vector<16xf32>
      %mul3A_1014 = arith.constant 5.000000e-01 : f32
      %mul3A_1015 = vector.broadcast %mul3A_1014 : f32 to vector<16xf32>
      %mul3A_1016 = arith.mulf %get3A_1013, %mul3A_1015 : vector<16xf32>
      %mul3A_1017 = vector.broadcast %squeeze3A_636 : f32 to vector<16xf32>
      %mul3A_1018 = arith.mulf %mul3A_1017, %sub3A_982 : vector<16xf32>
      %add3A_1019 = arith.addf %mul3A_1016, %mul3A_1018 : vector<16xf32>
      %swap3A_1020 = arith.constant 1 : i32
      %swap3A_1021 = arith.constant 1 : i32
      %swap3A_1022 = arith.index_cast %swap3A_1020 : i32 to index
      %swap3A_1023 = arith.index_cast %swap3A_1021 : i32 to index
      %swap3A_1024 = arith.index_cast %scan3A_625 : i32 to index
      %swap3A_1025 = arith.constant 64 : index
      %swap3A_1026 = tpu.vector_load %arg14[%swap3A_1022, %swap3A_1023, %swap3A_1024, %swap3A_1025] {strides = array<i32>} : memref<2x3x32x128xf32, #tpu.memory_space<vmem>>, vector<1x1x1x16xf32>,
      %swap3A_1027 = vector.shape_cast %swap3A_1026 : vector<1x1x1x16xf32> to vector<16xf32>
      %swap3A_1028 = vector.shape_cast %add3A_1019 : vector<16xf32> to vector<1x1x1x16xf32>
      tpu.vector_store %arg14[%swap3A_1022, %swap3A_1023, %swap3A_1024, %swap3A_1025], %swap3A_1028 {strides = array<i32>} : memref<2x3x32x128xf32, #tpu.memory_space<vmem>>, vector<1x1x1x16xf32>,
      %get3A_1029 = arith.constant 1 : i32
      %get3A_1030 = arith.constant 2 : i32
      %get3A_1031 = arith.index_cast %get3A_1029 : i32 to index
      %get3A_1032 = arith.index_cast %get3A_1030 : i32 to index
      %get3A_1033 = arith.index_cast %scan3A_625 : i32 to index
      %get3A_1034 = arith.constant 64 : index
      %get3A_1035 = tpu.vector_load %arg14[%get3A_1031, %get3A_1032, %get3A_1033, %get3A_1034] {strides = array<i32>} : memref<2x3x32x128xf32, #tpu.memory_space<vmem>>, vector<1x1x1x16xf32>,
      %get3A_1036 = vector.shape_cast %get3A_1035 : vector<1x1x1x16xf32> to vector<16xf32>
      %mul3A_1037 = arith.constant 5.000000e-01 : f32
      %mul3A_1038 = vector.broadcast %mul3A_1037 : f32 to vector<16xf32>
      %mul3A_1039 = arith.mulf %get3A_1036, %mul3A_1038 : vector<16xf32>
      %mul3A_1040 = vector.broadcast %squeeze3A_643 : f32 to vector<16xf32>
      %mul3A_1041 = arith.mulf %mul3A_1040, %sub3A_982 : vector<16xf32>
      %add3A_1042 = arith.addf %mul3A_1039, %mul3A_1041 : vector<16xf32>
      %swap3A_1043 = arith.constant 1 : i32
      %swap3A_1044 = arith.constant 2 : i32
      %swap3A_1045 = arith.index_cast %swap3A_1043 : i32 to index
      %swap3A_1046 = arith.index_cast %swap3A_1044 : i32 to index
      %swap3A_1047 = arith.index_cast %scan3A_625 : i32 to index
      %swap3A_1048 = arith.constant 64 : index
      %swap3A_1049 = tpu.vector_load %arg14[%swap3A_1045, %swap3A_1046, %swap3A_1047, %swap3A_1048] {strides = array<i32>} : memref<2x3x32x128xf32, #tpu.memory_space<vmem>>, vector<1x1x1x16xf32>,
      %swap3A_1050 = vector.shape_cast %swap3A_1049 : vector<1x1x1x16xf32> to vector<16xf32>
      %swap3A_1051 = vector.shape_cast %add3A_1042 : vector<16xf32> to vector<1x1x1x16xf32>
      tpu.vector_store %arg14[%swap3A_1045, %swap3A_1046, %swap3A_1047, %swap3A_1048], %swap3A_1051 {strides = array<i32>} : memref<2x3x32x128xf32, #tpu.memory_space<vmem>>, vector<1x1x1x16xf32>,
      %get3A_1052 = arith.constant 1 : i32
      %get3A_1053 = arith.index_cast %get3A_1052 : i32 to index
      %get3A_1054 = arith.index_cast %scan3A_625 : i32 to index
      %get3A_1055 = arith.constant 80 : index
      %get3A_1056 = tpu.vector_load %arg12[%get3A_1053, %get3A_1054, %get3A_1055] {strides = array<i32>} : memref<2x32x128xf32, #tpu.memory_space<vmem>>, vector<1x1x16xf32>,
      %get3A_1057 = vector.shape_cast %get3A_1056 : vector<1x1x16xf32> to vector<16xf32>
      %get3A_1058 = arith.constant 1 : i32
      %get3A_1059 = arith.index_cast %get3A_1058 : i32 to index
      %get3A_1060 = arith.index_cast %scan3A_625 : i32 to index
      %get3A_1061 = arith.constant 80 : index
      %get3A_1062 = tpu.vector_load %arg13[%get3A_1059, %get3A_1060, %get3A_1061] {strides = array<i32>} : memref<2x32x128xf32, #tpu.memory_space<vmem>>, vector<1x1x16xf32>,
      %get3A_1063 = vector.shape_cast %get3A_1062 : vector<1x1x16xf32> to vector<16xf32>
      %sub3A_1064 = arith.subf %get3A_1057, %get3A_1063 : vector<16xf32>
      %get3A_1065 = arith.constant 1 : i32
      %get3A_1066 = arith.constant 0 : i32
      %get3A_1067 = arith.index_cast %get3A_1065 : i32 to index
      %get3A_1068 = arith.index_cast %get3A_1066 : i32 to index
      %get3A_1069 = arith.index_cast %scan3A_625 : i32 to index
      %get3A_1070 = arith.constant 80 : index
      %get3A_1071 = tpu.vector_load %arg14[%get3A_1067, %get3A_1068, %get3A_1069, %get3A_1070] {strides = array<i32>} : memref<2x3x32x128xf32, #tpu.memory_space<vmem>>, vector<1x1x1x16xf32>,
      %get3A_1072 = vector.shape_cast %get3A_1071 : vector<1x1x1x16xf32> to vector<16xf32>
      %mul3A_1073 = arith.constant 5.000000e-01 : f32
      %mul3A_1074 = vector.broadcast %mul3A_1073 : f32 to vector<16xf32>
      %mul3A_1075 = arith.mulf %get3A_1072, %mul3A_1074 : vector<16xf32>
      %mul3A_1076 = vector.broadcast %squeeze3A : f32 to vector<16xf32>
      %mul3A_1077 = arith.mulf %mul3A_1076, %sub3A_1064 : vector<16xf32>
      %add3A_1078 = arith.addf %mul3A_1075, %mul3A_1077 : vector<16xf32>
      %swap3A_1079 = arith.constant 1 : i32
      %swap3A_1080 = arith.constant 0 : i32
      %swap3A_1081 = arith.index_cast %swap3A_1079 : i32 to index
      %swap3A_1082 = arith.index_cast %swap3A_1080 : i32 to index
      %swap3A_1083 = arith.index_cast %scan3A_625 : i32 to index
      %swap3A_1084 = arith.constant 80 : index
      %swap3A_1085 = tpu.vector_load %arg14[%swap3A_1081, %swap3A_1082, %swap3A_1083, %swap3A_1084] {strides = array<i32>} : memref<2x3x32x128xf32, #tpu.memory_space<vmem>>, vector<1x1x1x16xf32>,
      %swap3A_1086 = vector.shape_cast %swap3A_1085 : vector<1x1x1x16xf32> to vector<16xf32>
      %swap3A_1087 = vector.shape_cast %add3A_1078 : vector<16xf32> to vector<1x1x1x16xf32>
      tpu.vector_store %arg14[%swap3A_1081, %swap3A_1082, %swap3A_1083, %swap3A_1084], %swap3A_1087 {strides = array<i32>} : memref<2x3x32x128xf32, #tpu.memory_space<vmem>>, vector<1x1x1x16xf32>,
      %get3A_1088 = arith.constant 1 : i32
      %get3A_1089 = arith.constant 1 : i32
      %get3A_1090 = arith.index_cast %get3A_1088 : i32 to index
      %get3A_1091 = arith.index_cast %get3A_1089 : i32 to index
      %get3A_1092 = arith.index_cast %scan3A_625 : i32 to index
      %get3A_1093 = arith.constant 80 : index
      %get3A_1094 = tpu.vector_load %arg14[%get3A_1090, %get3A_1091, %get3A_1092, %get3A_1093] {strides = array<i32>} : memref<2x3x32x128xf32, #tpu.memory_space<vmem>>, vector<1x1x1x16xf32>,
      %get3A_1095 = vector.shape_cast %get3A_1094 : vector<1x1x1x16xf32> to vector<16xf32>
      %mul3A_1096 = arith.constant 5.000000e-01 : f32
      %mul3A_1097 = vector.broadcast %mul3A_1096 : f32 to vector<16xf32>
      %mul3A_1098 = arith.mulf %get3A_1095, %mul3A_1097 : vector<16xf32>
      %mul3A_1099 = vector.broadcast %squeeze3A_636 : f32 to vector<16xf32>
      %mul3A_1100 = arith.mulf %mul3A_1099, %sub3A_1064 : vector<16xf32>
      %add3A_1101 = arith.addf %mul3A_1098, %mul3A_1100 : vector<16xf32>
      %swap3A_1102 = arith.constant 1 : i32
      %swap3A_1103 = arith.constant 1 : i32
      %swap3A_1104 = arith.index_cast %swap3A_1102 : i32 to index
      %swap3A_1105 = arith.index_cast %swap3A_1103 : i32 to index
      %swap3A_1106 = arith.index_cast %scan3A_625 : i32 to index
      %swap3A_1107 = arith.constant 80 : index
      %swap3A_1108 = tpu.vector_load %arg14[%swap3A_1104, %swap3A_1105, %swap3A_1106, %swap3A_1107] {strides = array<i32>} : memref<2x3x32x128xf32, #tpu.memory_space<vmem>>, vector<1x1x1x16xf32>,
      %swap3A_1109 = vector.shape_cast %swap3A_1108 : vector<1x1x1x16xf32> to vector<16xf32>
      %swap3A_1110 = vector.shape_cast %add3A_1101 : vector<16xf32> to vector<1x1x1x16xf32>
      tpu.vector_store %arg14[%swap3A_1104, %swap3A_1105, %swap3A_1106, %swap3A_1107], %swap3A_1110 {strides = array<i32>} : memref<2x3x32x128xf32, #tpu.memory_space<vmem>>, vector<1x1x1x16xf32>,
      %get3A_1111 = arith.constant 1 : i32
      %get3A_1112 = arith.constant 2 : i32
      %get3A_1113 = arith.index_cast %get3A_1111 : i32 to index
      %get3A_1114 = arith.index_cast %get3A_1112 : i32 to index
      %get3A_1115 = arith.index_cast %scan3A_625 : i32 to index
      %get3A_1116 = arith.constant 80 : index
      %get3A_1117 = tpu.vector_load %arg14[%get3A_1113, %get3A_1114, %get3A_1115, %get3A_1116] {strides = array<i32>} : memref<2x3x32x128xf32, #tpu.memory_space<vmem>>, vector<1x1x1x16xf32>,
      %get3A_1118 = vector.shape_cast %get3A_1117 : vector<1x1x1x16xf32> to vector<16xf32>
      %mul3A_1119 = arith.constant 5.000000e-01 : f32
      %mul3A_1120 = vector.broadcast %mul3A_1119 : f32 to vector<16xf32>
      %mul3A_1121 = arith.mulf %get3A_1118, %mul3A_1120 : vector<16xf32>
      %mul3A_1122 = vector.broadcast %squeeze3A_643 : f32 to vector<16xf32>
      %mul3A_1123 = arith.mulf %mul3A_1122, %sub3A_1064 : vector<16xf32>
      %add3A_1124 = arith.addf %mul3A_1121, %mul3A_1123 : vector<16xf32>
      %swap3A_1125 = arith.constant 1 : i32
      %swap3A_1126 = arith.constant 2 : i32
      %swap3A_1127 = arith.index_cast %swap3A_1125 : i32 to index
      %swap3A_1128 = arith.index_cast %swap3A_1126 : i32 to index
      %swap3A_1129 = arith.index_cast %scan3A_625 : i32 to index
      %swap3A_1130 = arith.constant 80 : index
      %swap3A_1131 = tpu.vector_load %arg14[%swap3A_1127, %swap3A_1128, %swap3A_1129, %swap3A_1130] {strides = array<i32>} : memref<2x3x32x128xf32, #tpu.memory_space<vmem>>, vector<1x1x1x16xf32>,
      %swap3A_1132 = vector.shape_cast %swap3A_1131 : vector<1x1x1x16xf32> to vector<16xf32>
      %swap3A_1133 = vector.shape_cast %add3A_1124 : vector<16xf32> to vector<1x1x1x16xf32>
      tpu.vector_store %arg14[%swap3A_1127, %swap3A_1128, %swap3A_1129, %swap3A_1130], %swap3A_1133 {strides = array<i32>} : memref<2x3x32x128xf32, #tpu.memory_space<vmem>>, vector<1x1x1x16xf32>,
      %get3A_1134 = arith.constant 1 : i32
      %get3A_1135 = arith.index_cast %get3A_1134 : i32 to index
      %get3A_1136 = arith.index_cast %scan3A_625 : i32 to index
      %get3A_1137 = arith.constant 96 : index
      %get3A_1138 = tpu.vector_load %arg12[%get3A_1135, %get3A_1136, %get3A_1137] {strides = array<i32>} : memref<2x32x128xf32, #tpu.memory_space<vmem>>, vector<1x1x16xf32>,
      %get3A_1139 = vector.shape_cast %get3A_1138 : vector<1x1x16xf32> to vector<16xf32>
      %get3A_1140 = arith.constant 1 : i32
      %get3A_1141 = arith.index_cast %get3A_1140 : i32 to index
      %get3A_1142 = arith.index_cast %scan3A_625 : i32 to index
      %get3A_1143 = arith.constant 96 : index
      %get3A_1144 = tpu.vector_load %arg13[%get3A_1141, %get3A_1142, %get3A_1143] {strides = array<i32>} : memref<2x32x128xf32, #tpu.memory_space<vmem>>, vector<1x1x16xf32>,
      %get3A_1145 = vector.shape_cast %get3A_1144 : vector<1x1x16xf32> to vector<16xf32>
      %sub3A_1146 = arith.subf %get3A_1139, %get3A_1145 : vector<16xf32>
      %get3A_1147 = arith.constant 1 : i32
      %get3A_1148 = arith.constant 0 : i32
      %get3A_1149 = arith.index_cast %get3A_1147 : i32 to index
      %get3A_1150 = arith.index_cast %get3A_1148 : i32 to index
      %get3A_1151 = arith.index_cast %scan3A_625 : i32 to index
      %get3A_1152 = arith.constant 96 : index
      %get3A_1153 = tpu.vector_load %arg14[%get3A_1149, %get3A_1150, %get3A_1151, %get3A_1152] {strides = array<i32>} : memref<2x3x32x128xf32, #tpu.memory_space<vmem>>, vector<1x1x1x16xf32>,
      %get3A_1154 = vector.shape_cast %get3A_1153 : vector<1x1x1x16xf32> to vector<16xf32>
      %mul3A_1155 = arith.constant 5.000000e-01 : f32
      %mul3A_1156 = vector.broadcast %mul3A_1155 : f32 to vector<16xf32>
      %mul3A_1157 = arith.mulf %get3A_1154, %mul3A_1156 : vector<16xf32>
      %mul3A_1158 = vector.broadcast %squeeze3A : f32 to vector<16xf32>
      %mul3A_1159 = arith.mulf %mul3A_1158, %sub3A_1146 : vector<16xf32>
      %add3A_1160 = arith.addf %mul3A_1157, %mul3A_1159 : vector<16xf32>
      %swap3A_1161 = arith.constant 1 : i32
      %swap3A_1162 = arith.constant 0 : i32
      %swap3A_1163 = arith.index_cast %swap3A_1161 : i32 to index
      %swap3A_1164 = arith.index_cast %swap3A_1162 : i32 to index
      %swap3A_1165 = arith.index_cast %scan3A_625 : i32 to index
      %swap3A_1166 = arith.constant 96 : index
      %swap3A_1167 = tpu.vector_load %arg14[%swap3A_1163, %swap3A_1164, %swap3A_1165, %swap3A_1166] {strides = array<i32>} : memref<2x3x32x128xf32, #tpu.memory_space<vmem>>, vector<1x1x1x16xf32>,
      %swap3A_1168 = vector.shape_cast %swap3A_1167 : vector<1x1x1x16xf32> to vector<16xf32>
      %swap3A_1169 = vector.shape_cast %add3A_1160 : vector<16xf32> to vector<1x1x1x16xf32>
      tpu.vector_store %arg14[%swap3A_1163, %swap3A_1164, %swap3A_1165, %swap3A_1166], %swap3A_1169 {strides = array<i32>} : memref<2x3x32x128xf32, #tpu.memory_space<vmem>>, vector<1x1x1x16xf32>,
      %get3A_1170 = arith.constant 1 : i32
      %get3A_1171 = arith.constant 1 : i32
      %get3A_1172 = arith.index_cast %get3A_1170 : i32 to index
      %get3A_1173 = arith.index_cast %get3A_1171 : i32 to index
      %get3A_1174 = arith.index_cast %scan3A_625 : i32 to index
      %get3A_1175 = arith.constant 96 : index
      %get3A_1176 = tpu.vector_load %arg14[%get3A_1172, %get3A_1173, %get3A_1174, %get3A_1175] {strides = array<i32>} : memref<2x3x32x128xf32, #tpu.memory_space<vmem>>, vector<1x1x1x16xf32>,
      %get3A_1177 = vector.shape_cast %get3A_1176 : vector<1x1x1x16xf32> to vector<16xf32>
      %mul3A_1178 = arith.constant 5.000000e-01 : f32
      %mul3A_1179 = vector.broadcast %mul3A_1178 : f32 to vector<16xf32>
      %mul3A_1180 = arith.mulf %get3A_1177, %mul3A_1179 : vector<16xf32>
      %mul3A_1181 = vector.broadcast %squeeze3A_636 : f32 to vector<16xf32>
      %mul3A_1182 = arith.mulf %mul3A_1181, %sub3A_1146 : vector<16xf32>
      %add3A_1183 = arith.addf %mul3A_1180, %mul3A_1182 : vector<16xf32>
      %swap3A_1184 = arith.constant 1 : i32
      %swap3A_1185 = arith.constant 1 : i32
      %swap3A_1186 = arith.index_cast %swap3A_1184 : i32 to index
      %swap3A_1187 = arith.index_cast %swap3A_1185 : i32 to index
      %swap3A_1188 = arith.index_cast %scan3A_625 : i32 to index
      %swap3A_1189 = arith.constant 96 : index
      %swap3A_1190 = tpu.vector_load %arg14[%swap3A_1186, %swap3A_1187, %swap3A_1188, %swap3A_1189] {strides = array<i32>} : memref<2x3x32x128xf32, #tpu.memory_space<vmem>>, vector<1x1x1x16xf32>,
      %swap3A_1191 = vector.shape_cast %swap3A_1190 : vector<1x1x1x16xf32> to vector<16xf32>
      %swap3A_1192 = vector.shape_cast %add3A_1183 : vector<16xf32> to vector<1x1x1x16xf32>
      tpu.vector_store %arg14[%swap3A_1186, %swap3A_1187, %swap3A_1188, %swap3A_1189], %swap3A_1192 {strides = array<i32>} : memref<2x3x32x128xf32, #tpu.memory_space<vmem>>, vector<1x1x1x16xf32>,
      %get3A_1193 = arith.constant 1 : i32
      %get3A_1194 = arith.constant 2 : i32
      %get3A_1195 = arith.index_cast %get3A_1193 : i32 to index
      %get3A_1196 = arith.index_cast %get3A_1194 : i32 to index
      %get3A_1197 = arith.index_cast %scan3A_625 : i32 to index
      %get3A_1198 = arith.constant 96 : index
      %get3A_1199 = tpu.vector_load %arg14[%get3A_1195, %get3A_1196, %get3A_1197, %get3A_1198] {strides = array<i32>} : memref<2x3x32x128xf32, #tpu.memory_space<vmem>>, vector<1x1x1x16xf32>,
      %get3A_1200 = vector.shape_cast %get3A_1199 : vector<1x1x1x16xf32> to vector<16xf32>
      %mul3A_1201 = arith.constant 5.000000e-01 : f32
      %mul3A_1202 = vector.broadcast %mul3A_1201 : f32 to vector<16xf32>
      %mul3A_1203 = arith.mulf %get3A_1200, %mul3A_1202 : vector<16xf32>
      %mul3A_1204 = vector.broadcast %squeeze3A_643 : f32 to vector<16xf32>
      %mul3A_1205 = arith.mulf %mul3A_1204, %sub3A_1146 : vector<16xf32>
      %add3A_1206 = arith.addf %mul3A_1203, %mul3A_1205 : vector<16xf32>
      %swap3A_1207 = arith.constant 1 : i32
      %swap3A_1208 = arith.constant 2 : i32
      %swap3A_1209 = arith.index_cast %swap3A_1207 : i32 to index
      %swap3A_1210 = arith.index_cast %swap3A_1208 : i32 to index
      %swap3A_1211 = arith.index_cast %scan3A_625 : i32 to index
      %swap3A_1212 = arith.constant 96 : index
      %swap3A_1213 = tpu.vector_load %arg14[%swap3A_1209, %swap3A_1210, %swap3A_1211, %swap3A_1212] {strides = array<i32>} : memref<2x3x32x128xf32, #tpu.memory_space<vmem>>, vector<1x1x1x16xf32>,
      %swap3A_1214 = vector.shape_cast %swap3A_1213 : vector<1x1x1x16xf32> to vector<16xf32>
      %swap3A_1215 = vector.shape_cast %add3A_1206 : vector<16xf32> to vector<1x1x1x16xf32>
      tpu.vector_store %arg14[%swap3A_1209, %swap3A_1210, %swap3A_1211, %swap3A_1212], %swap3A_1215 {strides = array<i32>} : memref<2x3x32x128xf32, #tpu.memory_space<vmem>>, vector<1x1x1x16xf32>,
      %get3A_1216 = arith.constant 1 : i32
      %get3A_1217 = arith.index_cast %get3A_1216 : i32 to index
      %get3A_1218 = arith.index_cast %scan3A_625 : i32 to index
      %get3A_1219 = arith.constant 112 : index
      %get3A_1220 = tpu.vector_load %arg12[%get3A_1217, %get3A_1218, %get3A_1219] {strides = array<i32>} : memref<2x32x128xf32, #tpu.memory_space<vmem>>, vector<1x1x16xf32>,
      %get3A_1221 = vector.shape_cast %get3A_1220 : vector<1x1x16xf32> to vector<16xf32>
      %get3A_1222 = arith.constant 1 : i32
      %get3A_1223 = arith.index_cast %get3A_1222 : i32 to index
      %get3A_1224 = arith.index_cast %scan3A_625 : i32 to index
      %get3A_1225 = arith.constant 112 : index
      %get3A_1226 = tpu.vector_load %arg13[%get3A_1223, %get3A_1224, %get3A_1225] {strides = array<i32>} : memref<2x32x128xf32, #tpu.memory_space<vmem>>, vector<1x1x16xf32>,
      %get3A_1227 = vector.shape_cast %get3A_1226 : vector<1x1x16xf32> to vector<16xf32>
      %sub3A_1228 = arith.subf %get3A_1221, %get3A_1227 : vector<16xf32>
      %get3A_1229 = arith.constant 1 : i32
      %get3A_1230 = arith.constant 0 : i32
      %get3A_1231 = arith.index_cast %get3A_1229 : i32 to index
      %get3A_1232 = arith.index_cast %get3A_1230 : i32 to index
      %get3A_1233 = arith.index_cast %scan3A_625 : i32 to index
      %get3A_1234 = arith.constant 112 : index
      %get3A_1235 = tpu.vector_load %arg14[%get3A_1231, %get3A_1232, %get3A_1233, %get3A_1234] {strides = array<i32>} : memref<2x3x32x128xf32, #tpu.memory_space<vmem>>, vector<1x1x1x16xf32>,
      %get3A_1236 = vector.shape_cast %get3A_1235 : vector<1x1x1x16xf32> to vector<16xf32>
      %mul3A_1237 = arith.constant 5.000000e-01 : f32
      %mul3A_1238 = vector.broadcast %mul3A_1237 : f32 to vector<16xf32>
      %mul3A_1239 = arith.mulf %get3A_1236, %mul3A_1238 : vector<16xf32>
      %mul3A_1240 = vector.broadcast %squeeze3A : f32 to vector<16xf32>
      %mul3A_1241 = arith.mulf %mul3A_1240, %sub3A_1228 : vector<16xf32>
      %add3A_1242 = arith.addf %mul3A_1239, %mul3A_1241 : vector<16xf32>
      %swap3A_1243 = arith.constant 1 : i32
      %swap3A_1244 = arith.constant 0 : i32
      %swap3A_1245 = arith.index_cast %swap3A_1243 : i32 to index
      %swap3A_1246 = arith.index_cast %swap3A_1244 : i32 to index
      %swap3A_1247 = arith.index_cast %scan3A_625 : i32 to index
      %swap3A_1248 = arith.constant 112 : index
      %swap3A_1249 = tpu.vector_load %arg14[%swap3A_1245, %swap3A_1246, %swap3A_1247, %swap3A_1248] {strides = array<i32>} : memref<2x3x32x128xf32, #tpu.memory_space<vmem>>, vector<1x1x1x16xf32>,
      %swap3A_1250 = vector.shape_cast %swap3A_1249 : vector<1x1x1x16xf32> to vector<16xf32>
      %swap3A_1251 = vector.shape_cast %add3A_1242 : vector<16xf32> to vector<1x1x1x16xf32>
      tpu.vector_store %arg14[%swap3A_1245, %swap3A_1246, %swap3A_1247, %swap3A_1248], %swap3A_1251 {strides = array<i32>} : memref<2x3x32x128xf32, #tpu.memory_space<vmem>>, vector<1x1x1x16xf32>,
      %get3A_1252 = arith.constant 1 : i32
      %get3A_1253 = arith.constant 1 : i32
      %get3A_1254 = arith.index_cast %get3A_1252 : i32 to index
      %get3A_1255 = arith.index_cast %get3A_1253 : i32 to index
      %get3A_1256 = arith.index_cast %scan3A_625 : i32 to index
      %get3A_1257 = arith.constant 112 : index
      %get3A_1258 = tpu.vector_load %arg14[%get3A_1254, %get3A_1255, %get3A_1256, %get3A_1257] {strides = array<i32>} : memref<2x3x32x128xf32, #tpu.memory_space<vmem>>, vector<1x1x1x16xf32>,
      %get3A_1259 = vector.shape_cast %get3A_1258 : vector<1x1x1x16xf32> to vector<16xf32>
      %mul3A_1260 = arith.constant 5.000000e-01 : f32
      %mul3A_1261 = vector.broadcast %mul3A_1260 : f32 to vector<16xf32>
      %mul3A_1262 = arith.mulf %get3A_1259, %mul3A_1261 : vector<16xf32>
      %mul3A_1263 = vector.broadcast %squeeze3A_636 : f32 to vector<16xf32>
      %mul3A_1264 = arith.mulf %mul3A_1263, %sub3A_1228 : vector<16xf32>
      %add3A_1265 = arith.addf %mul3A_1262, %mul3A_1264 : vector<16xf32>
      %swap3A_1266 = arith.constant 1 : i32
      %swap3A_1267 = arith.constant 1 : i32
      %swap3A_1268 = arith.index_cast %swap3A_1266 : i32 to index
      %swap3A_1269 = arith.index_cast %swap3A_1267 : i32 to index
      %swap3A_1270 = arith.index_cast %scan3A_625 : i32 to index
      %swap3A_1271 = arith.constant 112 : index
      %swap3A_1272 = tpu.vector_load %arg14[%swap3A_1268, %swap3A_1269, %swap3A_1270, %swap3A_1271] {strides = array<i32>} : memref<2x3x32x128xf32, #tpu.memory_space<vmem>>, vector<1x1x1x16xf32>,
      %swap3A_1273 = vector.shape_cast %swap3A_1272 : vector<1x1x1x16xf32> to vector<16xf32>
      %swap3A_1274 = vector.shape_cast %add3A_1265 : vector<16xf32> to vector<1x1x1x16xf32>
      tpu.vector_store %arg14[%swap3A_1268, %swap3A_1269, %swap3A_1270, %swap3A_1271], %swap3A_1274 {strides = array<i32>} : memref<2x3x32x128xf32, #tpu.memory_space<vmem>>, vector<1x1x1x16xf32>,
      %get3A_1275 = arith.constant 1 : i32
      %get3A_1276 = arith.constant 2 : i32
      %get3A_1277 = arith.index_cast %get3A_1275 : i32 to index
      %get3A_1278 = arith.index_cast %get3A_1276 : i32 to index
      %get3A_1279 = arith.index_cast %scan3A_625 : i32 to index
      %get3A_1280 = arith.constant 112 : index
      %get3A_1281 = tpu.vector_load %arg14[%get3A_1277, %get3A_1278, %get3A_1279, %get3A_1280] {strides = array<i32>} : memref<2x3x32x128xf32, #tpu.memory_space<vmem>>, vector<1x1x1x16xf32>,
      %get3A_1282 = vector.shape_cast %get3A_1281 : vector<1x1x1x16xf32> to vector<16xf32>
      %mul3A_1283 = arith.constant 5.000000e-01 : f32
      %mul3A_1284 = vector.broadcast %mul3A_1283 : f32 to vector<16xf32>
      %mul3A_1285 = arith.mulf %get3A_1282, %mul3A_1284 : vector<16xf32>
      %mul3A_1286 = vector.broadcast %squeeze3A_643 : f32 to vector<16xf32>
      %mul3A_1287 = arith.mulf %mul3A_1286, %sub3A_1228 : vector<16xf32>
      %add3A_1288 = arith.addf %mul3A_1285, %mul3A_1287 : vector<16xf32>
      %swap3A_1289 = arith.constant 1 : i32
      %swap3A_1290 = arith.constant 2 : i32
      %swap3A_1291 = arith.index_cast %swap3A_1289 : i32 to index
      %swap3A_1292 = arith.index_cast %swap3A_1290 : i32 to index
      %swap3A_1293 = arith.index_cast %scan3A_625 : i32 to index
      %swap3A_1294 = arith.constant 112 : index
      %swap3A_1295 = tpu.vector_load %arg14[%swap3A_1291, %swap3A_1292, %swap3A_1293, %swap3A_1294] {strides = array<i32>} : memref<2x3x32x128xf32, #tpu.memory_space<vmem>>, vector<1x1x1x16xf32>,
      %swap3A_1296 = vector.shape_cast %swap3A_1295 : vector<1x1x1x16xf32> to vector<16xf32>
      %swap3A_1297 = vector.shape_cast %add3A_1288 : vector<16xf32> to vector<1x1x1x16xf32>
      tpu.vector_store %arg14[%swap3A_1291, %swap3A_1292, %swap3A_1293, %swap3A_1294], %swap3A_1297 {strides = array<i32>} : memref<2x3x32x128xf32, #tpu.memory_space<vmem>>, vector<1x1x1x16xf32>,
    }
    %scan3A_503 = arith.constant 32 : i32
    %add3A_504 = arith.constant 4960 : i32
    %add3A_505 = arith.addi %mul3A_2, %add3A_504 : i32
    %dma_start3A_506 = arith.constant 1 : i32
    %dma_start3A_507 = arith.constant 0 : i32
    %dma_start3A_508 = arith.constant 0 : i32
    %dma_start3A_509 = arith.constant 0 : i32
    %dma_start3A_510 = tpu.memref_slice %arg14[%dma_start3A_506, %dma_start3A_507, %dma_start3A_508, %dma_start3A_509] : memref<2x3x32x128xf32, #tpu.memory_space<vmem>> -> memref<1x3x32x128xf32, #tpu.memory_space<vmem>>
    %dma_start3A_511 = tpu.memref_squeeze %dma_start3A_510 : memref<1x3x32x128xf32, #tpu.memory_space<vmem>> -> memref<3x32x128xf32, #tpu.memory_space<vmem>>
    %dma_start3A_512 = arith.constant 0 : i32
    %dma_start3A_513 = arith.constant 0 : i32
    %dma_start3A_514 = tpu.memref_slice %arg7[%dma_start3A_512, %add3A_505, %dma_start3A_513] : memref<3x160000x128xf32, #tpu.memory_space<hbm>> -> memref<3x32x128xf32, #tpu.memory_space<hbm>>
    %dma_start3A_515 = arith.constant 0 : i32
    %dma_start3A_516 = arith.constant 0 : i32
    %dma_start3A_517 = tpu.memref_slice %arg7[%dma_start3A_515, %add3A_505, %dma_start3A_516] : memref<3x160000x128xf32, #tpu.memory_space<hbm>> -> memref<3x32x128xf32, #tpu.memory_space<hbm>>
    %dma_start3A_518 = arith.constant 0 : i32
    %dma_start3A_519 = arith.constant 0 : i32
    %dma_start3A_520 = arith.constant 0 : i32
    %dma_start3A_521 = tpu.memref_slice %arg14[%dma_start3A_506, %dma_start3A_518, %dma_start3A_519, %dma_start3A_520] : memref<2x3x32x128xf32, #tpu.memory_space<vmem>> -> memref<1x3x32x128xf32, #tpu.memory_space<vmem>>
    %dma_start3A_522 = tpu.memref_squeeze %dma_start3A_521 : memref<1x3x32x128xf32, #tpu.memory_space<vmem>> -> memref<3x32x128xf32, #tpu.memory_space<vmem>>
    tpu.enqueue_dma source(%dma_start3A_522 : memref<3x32x128xf32, #tpu.memory_space<vmem>>) target(%dma_start3A_517 : memref<3x32x128xf32, #tpu.memory_space<hbm>>) target_semaphore(%arg22 : memref<!tpu.dma_semaphore, #tpu.memory_space<semaphore_mem>>)
    %add3A_523 = arith.constant 4960 : i32
    %add3A_524 = arith.addi %mul3A_2, %add3A_523 : i32
    %dma_wait3A_525 = arith.constant 1 : i32
    %dma_wait3A_526 = arith.constant 0 : i32
    %dma_wait3A_527 = arith.constant 0 : i32
    %dma_wait3A_528 = arith.constant 0 : i32
    %dma_wait3A_529 = tpu.memref_slice %arg14[%dma_wait3A_525, %dma_wait3A_526, %dma_wait3A_527, %dma_wait3A_528] : memref<2x3x32x128xf32, #tpu.memory_space<vmem>> -> memref<1x3x32x128xf32, #tpu.memory_space<vmem>>
    %dma_wait3A_530 = tpu.memref_squeeze %dma_wait3A_529 : memref<1x3x32x128xf32, #tpu.memory_space<vmem>> -> memref<3x32x128xf32, #tpu.memory_space<vmem>>
    %dma_wait3A_531 = arith.constant 0 : i32
    %dma_wait3A_532 = arith.constant 0 : i32
    %dma_wait3A_533 = tpu.memref_slice %arg7[%dma_wait3A_531, %add3A_524, %dma_wait3A_532] : memref<3x160000x128xf32, #tpu.memory_space<hbm>> -> memref<3x32x128xf32, #tpu.memory_space<hbm>>
    %dma_wait3A_534 = arith.constant 0 : i32
    %dma_wait3A_535 = arith.constant 0 : i32
    %dma_wait3A_536 = tpu.memref_slice %arg7[%dma_wait3A_534, %add3A_524, %dma_wait3A_535] : memref<3x160000x128xf32, #tpu.memory_space<hbm>> -> memref<3x32x128xf32, #tpu.memory_space<hbm>>
    %dma_wait3A_537 = arith.constant 0 : i32
    %dma_wait3A_538 = arith.constant 0 : i32
    %dma_wait3A_539 = arith.constant 0 : i32
    %dma_wait3A_540 = tpu.memref_slice %arg14[%dma_wait3A_525, %dma_wait3A_537, %dma_wait3A_538, %dma_wait3A_539] : memref<2x3x32x128xf32, #tpu.memory_space<vmem>> -> memref<1x3x32x128xf32, #tpu.memory_space<vmem>>
    %dma_wait3A_541 = tpu.memref_squeeze %dma_wait3A_540 : memref<1x3x32x128xf32, #tpu.memory_space<vmem>> -> memref<3x32x128xf32, #tpu.memory_space<vmem>>
    tpu.wait_dma2 semaphore(%arg22 : memref<!tpu.dma_semaphore, #tpu.memory_space<semaphore_mem>>) src(%dma_wait3A_541 : memref<3x32x128xf32, #tpu.memory_space<vmem>>) dst(%dma_wait3A_536 : memref<3x32x128xf32, #tpu.memory_space<hbm>>)
    %add3A_542 = arith.constant 4992 : i32
    %add3A_543 = arith.addi %mul3A_2, %add3A_542 : i32
    %dma_wait3A_544 = arith.constant 0 : i32
    %dma_wait3A_545 = arith.constant 0 : i32
    %dma_wait3A_546 = arith.constant 0 : i32
    %dma_wait3A_547 = arith.constant 0 : i32
    %dma_wait3A_548 = tpu.memref_slice %arg14[%dma_wait3A_544, %dma_wait3A_545, %dma_wait3A_546, %dma_wait3A_547] : memref<2x3x32x128xf32, #tpu.memory_space<vmem>> -> memref<1x3x8x128xf32, #tpu.memory_space<vmem>>
    %dma_wait3A_549 = tpu.memref_squeeze %dma_wait3A_548 : memref<1x3x8x128xf32, #tpu.memory_space<vmem>> -> memref<3x8x128xf32, #tpu.memory_space<vmem>>
    %dma_wait3A_550 = arith.constant 0 : i32
    %dma_wait3A_551 = arith.constant 0 : i32
    %dma_wait3A_552 = tpu.memref_slice %arg6[%dma_wait3A_550, %add3A_543, %dma_wait3A_551] : memref<3x160000x128xf32, #tpu.memory_space<hbm>> -> memref<3x8x128xf32, #tpu.memory_space<hbm>>
    %dma_wait3A_553 = arith.constant 0 : i32
    %dma_wait3A_554 = arith.constant 0 : i32
    %dma_wait3A_555 = arith.constant 0 : i32
    %dma_wait3A_556 = tpu.memref_slice %arg14[%dma_wait3A_544, %dma_wait3A_553, %dma_wait3A_554, %dma_wait3A_555] : memref<2x3x32x128xf32, #tpu.memory_space<vmem>> -> memref<1x3x8x128xf32, #tpu.memory_space<vmem>>
    %dma_wait3A_557 = tpu.memref_squeeze %dma_wait3A_556 : memref<1x3x8x128xf32, #tpu.memory_space<vmem>> -> memref<3x8x128xf32, #tpu.memory_space<vmem>>
    %dma_wait3A_558 = arith.constant 0 : i32
    %dma_wait3A_559 = arith.constant 0 : i32
    %dma_wait3A_560 = tpu.memref_slice %arg6[%dma_wait3A_558, %add3A_543, %dma_wait3A_559] : memref<3x160000x128xf32, #tpu.memory_space<hbm>> -> memref<3x8x128xf32, #tpu.memory_space<hbm>>
    tpu.wait_dma2 semaphore(%arg19 : memref<!tpu.dma_semaphore, #tpu.memory_space<semaphore_mem>>) src(%dma_wait3A_560 : memref<3x8x128xf32, #tpu.memory_space<hbm>>) dst(%dma_wait3A_557 : memref<3x8x128xf32, #tpu.memory_space<vmem>>)
    %dma_wait3A_561 = arith.constant 0 : i32
    %dma_wait3A_562 = arith.constant 0 : i32
    %dma_wait3A_563 = arith.constant 0 : i32
    %dma_wait3A_564 = tpu.memref_slice %arg12[%dma_wait3A_561, %dma_wait3A_562, %dma_wait3A_563] : memref<2x32x128xf32, #tpu.memory_space<vmem>> -> memref<1x8x128xf32, #tpu.memory_space<vmem>>
    %dma_wait3A_565 = tpu.memref_squeeze %dma_wait3A_564 : memref<1x8x128xf32, #tpu.memory_space<vmem>> -> memref<8x128xf32, #tpu.memory_space<vmem>>
    %dma_wait3A_566 = arith.constant 0 : i32
    %dma_wait3A_567 = tpu.memref_slice %arg9[%dma_wait3A_566] : memref<64xi32, #tpu.memory_space<vmem>> -> memref<8xi32, #tpu.memory_space<vmem>>
    %dma_wait3A_568 = arith.constant 0 : i32
    %dma_wait3A_569 = arith.constant 0 : i32
    %dma_wait3A_570 = tpu.memref_slice %arg8[%dma_wait3A_568, %dma_wait3A_569] : memref<10000x128xf32, #tpu.memory_space<vmem_shared>> -> memref<10000x128xf32, #tpu.memory_space<vmem_shared>>
    tpu.wait_indirect_dma semaphore(%arg17 : memref<!tpu.dma_semaphore, #tpu.memory_space<semaphore_mem>>) src(%dma_wait3A_570 : memref<10000x128xf32, #tpu.memory_space<vmem_shared>>) dst(%dma_wait3A_565 : memref<8x128xf32, #tpu.memory_space<vmem>>)
    %dma_wait3A_571 = arith.constant 0 : i32
    %dma_wait3A_572 = arith.constant 0 : i32
    %dma_wait3A_573 = arith.constant 0 : i32
    %dma_wait3A_574 = tpu.memref_slice %arg13[%dma_wait3A_571, %dma_wait3A_572, %dma_wait3A_573] : memref<2x32x128xf32, #tpu.memory_space<vmem>> -> memref<1x8x128xf32, #tpu.memory_space<vmem>>
    %dma_wait3A_575 = tpu.memref_squeeze %dma_wait3A_574 : memref<1x8x128xf32, #tpu.memory_space<vmem>> -> memref<8x128xf32, #tpu.memory_space<vmem>>
    %dma_wait3A_576 = arith.constant 0 : i32
    %dma_wait3A_577 = tpu.memref_slice %arg10[%dma_wait3A_576] : memref<64xi32, #tpu.memory_space<vmem>> -> memref<8xi32, #tpu.memory_space<vmem>>
    %dma_wait3A_578 = arith.constant 0 : i32
    %dma_wait3A_579 = arith.constant 0 : i32
    %dma_wait3A_580 = tpu.memref_slice %arg8[%dma_wait3A_578, %dma_wait3A_579] : memref<10000x128xf32, #tpu.memory_space<vmem_shared>> -> memref<10000x128xf32, #tpu.memory_space<vmem_shared>>
    tpu.wait_indirect_dma semaphore(%arg17 : memref<!tpu.dma_semaphore, #tpu.memory_space<semaphore_mem>>) src(%dma_wait3A_580 : memref<10000x128xf32, #tpu.memory_space<vmem_shared>>) dst(%dma_wait3A_575 : memref<8x128xf32, #tpu.memory_space<vmem>>)
    %scan3A_581 = arith.constant 0 : i32
    %scan3A_582 = arith.constant 0 : i32
    %scan3A_583 = arith.constant 8 : i32
    %scan3A_584 = arith.addi %scan3A_582, %scan3A_583 : i32
    %scan3A_585 = arith.constant 1 : i32
    scf.for %scan3A_625 = %scan3A_582 to %scan3A_584 step %scan3A_585  : i32 {
      %add3A_626 = arith.constant 0 : i32
      %add3A_627 = arith.addi %add3A_626, %scan3A_625 : i32
      %get3A = arith.index_cast %add3A_627 : i32 to index
      %get3A_628 = tpu.vector_load %arg11[%get3A] {strides = array<i32>} : memref<288xf32, #tpu.memory_space<vmem>>, vector<16xf32>,
      %get3A_629 = vector.shape_cast %get3A_628 : vector<16xf32> to vector<16xf32>
      %slice3A = vector.extract_strided_slice %get3A_629 {offsets = [0], sizes = [1], strides = [1]} : vector<16xf32> to vector<1xf32>
      %squeeze3A = vector.extract %slice3A[0] : f32 from vector<1xf32>
      %add3A_630 = arith.constant 48 : i32
      %add3A_631 = arith.addi %add3A_630, %scan3A_625 : i32
      %get3A_632 = arith.index_cast %add3A_631 : i32 to index
      %get3A_633 = tpu.vector_load %arg11[%get3A_632] {strides = array<i32>} : memref<288xf32, #tpu.memory_space<vmem>>, vector<16xf32>,
      %get3A_634 = vector.shape_cast %get3A_633 : vector<16xf32> to vector<16xf32>
      %slice3A_635 = vector.extract_strided_slice %get3A_634 {offsets = [0], sizes = [1], strides = [1]} : vector<16xf32> to vector<1xf32>
      %squeeze3A_636 = vector.extract %slice3A_635[0] : f32 from vector<1xf32>
      %add3A_637 = arith.constant 96 : i32
      %add3A_638 = arith.addi %add3A_637, %scan3A_625 : i32
      %get3A_639 = arith.index_cast %add3A_638 : i32 to index
      %get3A_640 = tpu.vector_load %arg11[%get3A_639] {strides = array<i32>} : memref<288xf32, #tpu.memory_space<vmem>>, vector<16xf32>,
      %get3A_641 = vector.shape_cast %get3A_640 : vector<16xf32> to vector<16xf32>
      %slice3A_642 = vector.extract_strided_slice %get3A_641 {offsets = [0], sizes = [1], strides = [1]} : vector<16xf32> to vector<1xf32>
      %squeeze3A_643 = vector.extract %slice3A_642[0] : f32 from vector<1xf32>
      %get3A_644 = arith.constant 0 : i32
      %get3A_645 = arith.index_cast %get3A_644 : i32 to index
      %get3A_646 = arith.index_cast %scan3A_625 : i32 to index
      %get3A_647 = arith.constant 0 : index
      %get3A_648 = tpu.vector_load %arg12[%get3A_645, %get3A_646, %get3A_647] {strides = array<i32>} : memref<2x32x128xf32, #tpu.memory_space<vmem>>, vector<1x1x16xf32>,
      %get3A_649 = vector.shape_cast %get3A_648 : vector<1x1x16xf32> to vector<16xf32>
      %get3A_650 = arith.constant 0 : i32
      %get3A_651 = arith.index_cast %get3A_650 : i32 to index
      %get3A_652 = arith.index_cast %scan3A_625 : i32 to index
      %get3A_653 = arith.constant 0 : index
      %get3A_654 = tpu.vector_load %arg13[%get3A_651, %get3A_652, %get3A_653] {strides = array<i32>} : memref<2x32x128xf32, #tpu.memory_space<vmem>>, vector<1x1x16xf32>,
      %get3A_655 = vector.shape_cast %get3A_654 : vector<1x1x16xf32> to vector<16xf32>
      %sub3A = arith.subf %get3A_649, %get3A_655 : vector<16xf32>
      %get3A_656 = arith.constant 0 : i32
      %get3A_657 = arith.constant 0 : i32
      %get3A_658 = arith.index_cast %get3A_656 : i32 to index
      %get3A_659 = arith.index_cast %get3A_657 : i32 to index
      %get3A_660 = arith.index_cast %scan3A_625 : i32 to index
      %get3A_661 = arith.constant 0 : index
      %get3A_662 = tpu.vector_load %arg14[%get3A_658, %get3A_659, %get3A_660, %get3A_661] {strides = array<i32>} : memref<2x3x32x128xf32, #tpu.memory_space<vmem>>, vector<1x1x1x16xf32>,
      %get3A_663 = vector.shape_cast %get3A_662 : vector<1x1x1x16xf32> to vector<16xf32>
      %mul3A_664 = arith.constant 5.000000e-01 : f32
      %mul3A_665 = vector.broadcast %mul3A_664 : f32 to vector<16xf32>
      %mul3A_666 = arith.mulf %get3A_663, %mul3A_665 : vector<16xf32>
      %mul3A_667 = vector.broadcast %squeeze3A : f32 to vector<16xf32>
      %mul3A_668 = arith.mulf %mul3A_667, %sub3A : vector<16xf32>
      %add3A_669 = arith.addf %mul3A_666, %mul3A_668 : vector<16xf32>
      %swap3A = arith.constant 0 : i32
      %swap3A_670 = arith.constant 0 : i32
      %swap3A_671 = arith.index_cast %swap3A : i32 to index
      %swap3A_672 = arith.index_cast %swap3A_670 : i32 to index
      %swap3A_673 = arith.index_cast %scan3A_625 : i32 to index
      %swap3A_674 = arith.constant 0 : index
      %swap3A_675 = tpu.vector_load %arg14[%swap3A_671, %swap3A_672, %swap3A_673, %swap3A_674] {strides = array<i32>} : memref<2x3x32x128xf32, #tpu.memory_space<vmem>>, vector<1x1x1x16xf32>,
      %swap3A_676 = vector.shape_cast %swap3A_675 : vector<1x1x1x16xf32> to vector<16xf32>
      %swap3A_677 = vector.shape_cast %add3A_669 : vector<16xf32> to vector<1x1x1x16xf32>
      tpu.vector_store %arg14[%swap3A_671, %swap3A_672, %swap3A_673, %swap3A_674], %swap3A_677 {strides = array<i32>} : memref<2x3x32x128xf32, #tpu.memory_space<vmem>>, vector<1x1x1x16xf32>,
      %get3A_678 = arith.constant 0 : i32
      %get3A_679 = arith.constant 1 : i32
      %get3A_680 = arith.index_cast %get3A_678 : i32 to index
      %get3A_681 = arith.index_cast %get3A_679 : i32 to index
      %get3A_682 = arith.index_cast %scan3A_625 : i32 to index
      %get3A_683 = arith.constant 0 : index
      %get3A_684 = tpu.vector_load %arg14[%get3A_680, %get3A_681, %get3A_682, %get3A_683] {strides = array<i32>} : memref<2x3x32x128xf32, #tpu.memory_space<vmem>>, vector<1x1x1x16xf32>,
      %get3A_685 = vector.shape_cast %get3A_684 : vector<1x1x1x16xf32> to vector<16xf32>
      %mul3A_686 = arith.constant 5.000000e-01 : f32
      %mul3A_687 = vector.broadcast %mul3A_686 : f32 to vector<16xf32>
      %mul3A_688 = arith.mulf %get3A_685, %mul3A_687 : vector<16xf32>
      %mul3A_689 = vector.broadcast %squeeze3A_636 : f32 to vector<16xf32>
      %mul3A_690 = arith.mulf %mul3A_689, %sub3A : vector<16xf32>
      %add3A_691 = arith.addf %mul3A_688, %mul3A_690 : vector<16xf32>
      %swap3A_692 = arith.constant 0 : i32
      %swap3A_693 = arith.constant 1 : i32
      %swap3A_694 = arith.index_cast %swap3A_692 : i32 to index
      %swap3A_695 = arith.index_cast %swap3A_693 : i32 to index
      %swap3A_696 = arith.index_cast %scan3A_625 : i32 to index
      %swap3A_697 = arith.constant 0 : index
      %swap3A_698 = tpu.vector_load %arg14[%swap3A_694, %swap3A_695, %swap3A_696, %swap3A_697] {strides = array<i32>} : memref<2x3x32x128xf32, #tpu.memory_space<vmem>>, vector<1x1x1x16xf32>,
      %swap3A_699 = vector.shape_cast %swap3A_698 : vector<1x1x1x16xf32> to vector<16xf32>
      %swap3A_700 = vector.shape_cast %add3A_691 : vector<16xf32> to vector<1x1x1x16xf32>
      tpu.vector_store %arg14[%swap3A_694, %swap3A_695, %swap3A_696, %swap3A_697], %swap3A_700 {strides = array<i32>} : memref<2x3x32x128xf32, #tpu.memory_space<vmem>>, vector<1x1x1x16xf32>,
      %get3A_701 = arith.constant 0 : i32
      %get3A_702 = arith.constant 2 : i32
      %get3A_703 = arith.index_cast %get3A_701 : i32 to index
      %get3A_704 = arith.index_cast %get3A_702 : i32 to index
      %get3A_705 = arith.index_cast %scan3A_625 : i32 to index
      %get3A_706 = arith.constant 0 : index
      %get3A_707 = tpu.vector_load %arg14[%get3A_703, %get3A_704, %get3A_705, %get3A_706] {strides = array<i32>} : memref<2x3x32x128xf32, #tpu.memory_space<vmem>>, vector<1x1x1x16xf32>,
      %get3A_708 = vector.shape_cast %get3A_707 : vector<1x1x1x16xf32> to vector<16xf32>
      %mul3A_709 = arith.constant 5.000000e-01 : f32
      %mul3A_710 = vector.broadcast %mul3A_709 : f32 to vector<16xf32>
      %mul3A_711 = arith.mulf %get3A_708, %mul3A_710 : vector<16xf32>
      %mul3A_712 = vector.broadcast %squeeze3A_643 : f32 to vector<16xf32>
      %mul3A_713 = arith.mulf %mul3A_712, %sub3A : vector<16xf32>
      %add3A_714 = arith.addf %mul3A_711, %mul3A_713 : vector<16xf32>
      %swap3A_715 = arith.constant 0 : i32
      %swap3A_716 = arith.constant 2 : i32
      %swap3A_717 = arith.index_cast %swap3A_715 : i32 to index
      %swap3A_718 = arith.index_cast %swap3A_716 : i32 to index
      %swap3A_719 = arith.index_cast %scan3A_625 : i32 to index
      %swap3A_720 = arith.constant 0 : index
      %swap3A_721 = tpu.vector_load %arg14[%swap3A_717, %swap3A_718, %swap3A_719, %swap3A_720] {strides = array<i32>} : memref<2x3x32x128xf32, #tpu.memory_space<vmem>>, vector<1x1x1x16xf32>,
      %swap3A_722 = vector.shape_cast %swap3A_721 : vector<1x1x1x16xf32> to vector<16xf32>
      %swap3A_723 = vector.shape_cast %add3A_714 : vector<16xf32> to vector<1x1x1x16xf32>
      tpu.vector_store %arg14[%swap3A_717, %swap3A_718, %swap3A_719, %swap3A_720], %swap3A_723 {strides = array<i32>} : memref<2x3x32x128xf32, #tpu.memory_space<vmem>>, vector<1x1x1x16xf32>,
      %get3A_724 = arith.constant 0 : i32
      %get3A_725 = arith.index_cast %get3A_724 : i32 to index
      %get3A_726 = arith.index_cast %scan3A_625 : i32 to index
      %get3A_727 = arith.constant 16 : index
      %get3A_728 = tpu.vector_load %arg12[%get3A_725, %get3A_726, %get3A_727] {strides = array<i32>} : memref<2x32x128xf32, #tpu.memory_space<vmem>>, vector<1x1x16xf32>,
      %get3A_729 = vector.shape_cast %get3A_728 : vector<1x1x16xf32> to vector<16xf32>
      %get3A_730 = arith.constant 0 : i32
      %get3A_731 = arith.index_cast %get3A_730 : i32 to index
      %get3A_732 = arith.index_cast %scan3A_625 : i32 to index
      %get3A_733 = arith.constant 16 : index
      %get3A_734 = tpu.vector_load %arg13[%get3A_731, %get3A_732, %get3A_733] {strides = array<i32>} : memref<2x32x128xf32, #tpu.memory_space<vmem>>, vector<1x1x16xf32>,
      %get3A_735 = vector.shape_cast %get3A_734 : vector<1x1x16xf32> to vector<16xf32>
      %sub3A_736 = arith.subf %get3A_729, %get3A_735 : vector<16xf32>
      %get3A_737 = arith.constant 0 : i32
      %get3A_738 = arith.constant 0 : i32
      %get3A_739 = arith.index_cast %get3A_737 : i32 to index
      %get3A_740 = arith.index_cast %get3A_738 : i32 to index
      %get3A_741 = arith.index_cast %scan3A_625 : i32 to index
      %get3A_742 = arith.constant 16 : index
      %get3A_743 = tpu.vector_load %arg14[%get3A_739, %get3A_740, %get3A_741, %get3A_742] {strides = array<i32>} : memref<2x3x32x128xf32, #tpu.memory_space<vmem>>, vector<1x1x1x16xf32>,
      %get3A_744 = vector.shape_cast %get3A_743 : vector<1x1x1x16xf32> to vector<16xf32>
      %mul3A_745 = arith.constant 5.000000e-01 : f32
      %mul3A_746 = vector.broadcast %mul3A_745 : f32 to vector<16xf32>
      %mul3A_747 = arith.mulf %get3A_744, %mul3A_746 : vector<16xf32>
      %mul3A_748 = vector.broadcast %squeeze3A : f32 to vector<16xf32>
      %mul3A_749 = arith.mulf %mul3A_748, %sub3A_736 : vector<16xf32>
      %add3A_750 = arith.addf %mul3A_747, %mul3A_749 : vector<16xf32>
      %swap3A_751 = arith.constant 0 : i32
      %swap3A_752 = arith.constant 0 : i32
      %swap3A_753 = arith.index_cast %swap3A_751 : i32 to index
      %swap3A_754 = arith.index_cast %swap3A_752 : i32 to index
      %swap3A_755 = arith.index_cast %scan3A_625 : i32 to index
      %swap3A_756 = arith.constant 16 : index
      %swap3A_757 = tpu.vector_load %arg14[%swap3A_753, %swap3A_754, %swap3A_755, %swap3A_756] {strides = array<i32>} : memref<2x3x32x128xf32, #tpu.memory_space<vmem>>, vector<1x1x1x16xf32>,
      %swap3A_758 = vector.shape_cast %swap3A_757 : vector<1x1x1x16xf32> to vector<16xf32>
      %swap3A_759 = vector.shape_cast %add3A_750 : vector<16xf32> to vector<1x1x1x16xf32>
      tpu.vector_store %arg14[%swap3A_753, %swap3A_754, %swap3A_755, %swap3A_756], %swap3A_759 {strides = array<i32>} : memref<2x3x32x128xf32, #tpu.memory_space<vmem>>, vector<1x1x1x16xf32>,
      %get3A_760 = arith.constant 0 : i32
      %get3A_761 = arith.constant 1 : i32
      %get3A_762 = arith.index_cast %get3A_760 : i32 to index
      %get3A_763 = arith.index_cast %get3A_761 : i32 to index
      %get3A_764 = arith.index_cast %scan3A_625 : i32 to index
      %get3A_765 = arith.constant 16 : index
      %get3A_766 = tpu.vector_load %arg14[%get3A_762, %get3A_763, %get3A_764, %get3A_765] {strides = array<i32>} : memref<2x3x32x128xf32, #tpu.memory_space<vmem>>, vector<1x1x1x16xf32>,
      %get3A_767 = vector.shape_cast %get3A_766 : vector<1x1x1x16xf32> to vector<16xf32>
      %mul3A_768 = arith.constant 5.000000e-01 : f32
      %mul3A_769 = vector.broadcast %mul3A_768 : f32 to vector<16xf32>
      %mul3A_770 = arith.mulf %get3A_767, %mul3A_769 : vector<16xf32>
      %mul3A_771 = vector.broadcast %squeeze3A_636 : f32 to vector<16xf32>
      %mul3A_772 = arith.mulf %mul3A_771, %sub3A_736 : vector<16xf32>
      %add3A_773 = arith.addf %mul3A_770, %mul3A_772 : vector<16xf32>
      %swap3A_774 = arith.constant 0 : i32
      %swap3A_775 = arith.constant 1 : i32
      %swap3A_776 = arith.index_cast %swap3A_774 : i32 to index
      %swap3A_777 = arith.index_cast %swap3A_775 : i32 to index
      %swap3A_778 = arith.index_cast %scan3A_625 : i32 to index
      %swap3A_779 = arith.constant 16 : index
      %swap3A_780 = tpu.vector_load %arg14[%swap3A_776, %swap3A_777, %swap3A_778, %swap3A_779] {strides = array<i32>} : memref<2x3x32x128xf32, #tpu.memory_space<vmem>>, vector<1x1x1x16xf32>,
      %swap3A_781 = vector.shape_cast %swap3A_780 : vector<1x1x1x16xf32> to vector<16xf32>
      %swap3A_782 = vector.shape_cast %add3A_773 : vector<16xf32> to vector<1x1x1x16xf32>
      tpu.vector_store %arg14[%swap3A_776, %swap3A_777, %swap3A_778, %swap3A_779], %swap3A_782 {strides = array<i32>} : memref<2x3x32x128xf32, #tpu.memory_space<vmem>>, vector<1x1x1x16xf32>,
      %get3A_783 = arith.constant 0 : i32
      %get3A_784 = arith.constant 2 : i32
      %get3A_785 = arith.index_cast %get3A_783 : i32 to index
      %get3A_786 = arith.index_cast %get3A_784 : i32 to index
      %get3A_787 = arith.index_cast %scan3A_625 : i32 to index
      %get3A_788 = arith.constant 16 : index
      %get3A_789 = tpu.vector_load %arg14[%get3A_785, %get3A_786, %get3A_787, %get3A_788] {strides = array<i32>} : memref<2x3x32x128xf32, #tpu.memory_space<vmem>>, vector<1x1x1x16xf32>,
      %get3A_790 = vector.shape_cast %get3A_789 : vector<1x1x1x16xf32> to vector<16xf32>
      %mul3A_791 = arith.constant 5.000000e-01 : f32
      %mul3A_792 = vector.broadcast %mul3A_791 : f32 to vector<16xf32>
      %mul3A_793 = arith.mulf %get3A_790, %mul3A_792 : vector<16xf32>
      %mul3A_794 = vector.broadcast %squeeze3A_643 : f32 to vector<16xf32>
      %mul3A_795 = arith.mulf %mul3A_794, %sub3A_736 : vector<16xf32>
      %add3A_796 = arith.addf %mul3A_793, %mul3A_795 : vector<16xf32>
      %swap3A_797 = arith.constant 0 : i32
      %swap3A_798 = arith.constant 2 : i32
      %swap3A_799 = arith.index_cast %swap3A_797 : i32 to index
      %swap3A_800 = arith.index_cast %swap3A_798 : i32 to index
      %swap3A_801 = arith.index_cast %scan3A_625 : i32 to index
      %swap3A_802 = arith.constant 16 : index
      %swap3A_803 = tpu.vector_load %arg14[%swap3A_799, %swap3A_800, %swap3A_801, %swap3A_802] {strides = array<i32>} : memref<2x3x32x128xf32, #tpu.memory_space<vmem>>, vector<1x1x1x16xf32>,
      %swap3A_804 = vector.shape_cast %swap3A_803 : vector<1x1x1x16xf32> to vector<16xf32>
      %swap3A_805 = vector.shape_cast %add3A_796 : vector<16xf32> to vector<1x1x1x16xf32>
      tpu.vector_store %arg14[%swap3A_799, %swap3A_800, %swap3A_801, %swap3A_802], %swap3A_805 {strides = array<i32>} : memref<2x3x32x128xf32, #tpu.memory_space<vmem>>, vector<1x1x1x16xf32>,
      %get3A_806 = arith.constant 0 : i32
      %get3A_807 = arith.index_cast %get3A_806 : i32 to index
      %get3A_808 = arith.index_cast %scan3A_625 : i32 to index
      %get3A_809 = arith.constant 32 : index
      %get3A_810 = tpu.vector_load %arg12[%get3A_807, %get3A_808, %get3A_809] {strides = array<i32>} : memref<2x32x128xf32, #tpu.memory_space<vmem>>, vector<1x1x16xf32>,
      %get3A_811 = vector.shape_cast %get3A_810 : vector<1x1x16xf32> to vector<16xf32>
      %get3A_812 = arith.constant 0 : i32
      %get3A_813 = arith.index_cast %get3A_812 : i32 to index
      %get3A_814 = arith.index_cast %scan3A_625 : i32 to index
      %get3A_815 = arith.constant 32 : index
      %get3A_816 = tpu.vector_load %arg13[%get3A_813, %get3A_814, %get3A_815] {strides = array<i32>} : memref<2x32x128xf32, #tpu.memory_space<vmem>>, vector<1x1x16xf32>,
      %get3A_817 = vector.shape_cast %get3A_816 : vector<1x1x16xf32> to vector<16xf32>
      %sub3A_818 = arith.subf %get3A_811, %get3A_817 : vector<16xf32>
      %get3A_819 = arith.constant 0 : i32
      %get3A_820 = arith.constant 0 : i32
      %get3A_821 = arith.index_cast %get3A_819 : i32 to index
      %get3A_822 = arith.index_cast %get3A_820 : i32 to index
      %get3A_823 = arith.index_cast %scan3A_625 : i32 to index
      %get3A_824 = arith.constant 32 : index
      %get3A_825 = tpu.vector_load %arg14[%get3A_821, %get3A_822, %get3A_823, %get3A_824] {strides = array<i32>} : memref<2x3x32x128xf32, #tpu.memory_space<vmem>>, vector<1x1x1x16xf32>,
      %get3A_826 = vector.shape_cast %get3A_825 : vector<1x1x1x16xf32> to vector<16xf32>
      %mul3A_827 = arith.constant 5.000000e-01 : f32
      %mul3A_828 = vector.broadcast %mul3A_827 : f32 to vector<16xf32>
      %mul3A_829 = arith.mulf %get3A_826, %mul3A_828 : vector<16xf32>
      %mul3A_830 = vector.broadcast %squeeze3A : f32 to vector<16xf32>
      %mul3A_831 = arith.mulf %mul3A_830, %sub3A_818 : vector<16xf32>
      %add3A_832 = arith.addf %mul3A_829, %mul3A_831 : vector<16xf32>
      %swap3A_833 = arith.constant 0 : i32
      %swap3A_834 = arith.constant 0 : i32
      %swap3A_835 = arith.index_cast %swap3A_833 : i32 to index
      %swap3A_836 = arith.index_cast %swap3A_834 : i32 to index
      %swap3A_837 = arith.index_cast %scan3A_625 : i32 to index
      %swap3A_838 = arith.constant 32 : index
      %swap3A_839 = tpu.vector_load %arg14[%swap3A_835, %swap3A_836, %swap3A_837, %swap3A_838] {strides = array<i32>} : memref<2x3x32x128xf32, #tpu.memory_space<vmem>>, vector<1x1x1x16xf32>,
      %swap3A_840 = vector.shape_cast %swap3A_839 : vector<1x1x1x16xf32> to vector<16xf32>
      %swap3A_841 = vector.shape_cast %add3A_832 : vector<16xf32> to vector<1x1x1x16xf32>
      tpu.vector_store %arg14[%swap3A_835, %swap3A_836, %swap3A_837, %swap3A_838], %swap3A_841 {strides = array<i32>} : memref<2x3x32x128xf32, #tpu.memory_space<vmem>>, vector<1x1x1x16xf32>,
      %get3A_842 = arith.constant 0 : i32
      %get3A_843 = arith.constant 1 : i32
      %get3A_844 = arith.index_cast %get3A_842 : i32 to index
      %get3A_845 = arith.index_cast %get3A_843 : i32 to index
      %get3A_846 = arith.index_cast %scan3A_625 : i32 to index
      %get3A_847 = arith.constant 32 : index
      %get3A_848 = tpu.vector_load %arg14[%get3A_844, %get3A_845, %get3A_846, %get3A_847] {strides = array<i32>} : memref<2x3x32x128xf32, #tpu.memory_space<vmem>>, vector<1x1x1x16xf32>,
      %get3A_849 = vector.shape_cast %get3A_848 : vector<1x1x1x16xf32> to vector<16xf32>
      %mul3A_850 = arith.constant 5.000000e-01 : f32
      %mul3A_851 = vector.broadcast %mul3A_850 : f32 to vector<16xf32>
      %mul3A_852 = arith.mulf %get3A_849, %mul3A_851 : vector<16xf32>
      %mul3A_853 = vector.broadcast %squeeze3A_636 : f32 to vector<16xf32>
      %mul3A_854 = arith.mulf %mul3A_853, %sub3A_818 : vector<16xf32>
      %add3A_855 = arith.addf %mul3A_852, %mul3A_854 : vector<16xf32>
      %swap3A_856 = arith.constant 0 : i32
      %swap3A_857 = arith.constant 1 : i32
      %swap3A_858 = arith.index_cast %swap3A_856 : i32 to index
      %swap3A_859 = arith.index_cast %swap3A_857 : i32 to index
      %swap3A_860 = arith.index_cast %scan3A_625 : i32 to index
      %swap3A_861 = arith.constant 32 : index
      %swap3A_862 = tpu.vector_load %arg14[%swap3A_858, %swap3A_859, %swap3A_860, %swap3A_861] {strides = array<i32>} : memref<2x3x32x128xf32, #tpu.memory_space<vmem>>, vector<1x1x1x16xf32>,
      %swap3A_863 = vector.shape_cast %swap3A_862 : vector<1x1x1x16xf32> to vector<16xf32>
      %swap3A_864 = vector.shape_cast %add3A_855 : vector<16xf32> to vector<1x1x1x16xf32>
      tpu.vector_store %arg14[%swap3A_858, %swap3A_859, %swap3A_860, %swap3A_861], %swap3A_864 {strides = array<i32>} : memref<2x3x32x128xf32, #tpu.memory_space<vmem>>, vector<1x1x1x16xf32>,
      %get3A_865 = arith.constant 0 : i32
      %get3A_866 = arith.constant 2 : i32
      %get3A_867 = arith.index_cast %get3A_865 : i32 to index
      %get3A_868 = arith.index_cast %get3A_866 : i32 to index
      %get3A_869 = arith.index_cast %scan3A_625 : i32 to index
      %get3A_870 = arith.constant 32 : index
      %get3A_871 = tpu.vector_load %arg14[%get3A_867, %get3A_868, %get3A_869, %get3A_870] {strides = array<i32>} : memref<2x3x32x128xf32, #tpu.memory_space<vmem>>, vector<1x1x1x16xf32>,
      %get3A_872 = vector.shape_cast %get3A_871 : vector<1x1x1x16xf32> to vector<16xf32>
      %mul3A_873 = arith.constant 5.000000e-01 : f32
      %mul3A_874 = vector.broadcast %mul3A_873 : f32 to vector<16xf32>
      %mul3A_875 = arith.mulf %get3A_872, %mul3A_874 : vector<16xf32>
      %mul3A_876 = vector.broadcast %squeeze3A_643 : f32 to vector<16xf32>
      %mul3A_877 = arith.mulf %mul3A_876, %sub3A_818 : vector<16xf32>
      %add3A_878 = arith.addf %mul3A_875, %mul3A_877 : vector<16xf32>
      %swap3A_879 = arith.constant 0 : i32
      %swap3A_880 = arith.constant 2 : i32
      %swap3A_881 = arith.index_cast %swap3A_879 : i32 to index
      %swap3A_882 = arith.index_cast %swap3A_880 : i32 to index
      %swap3A_883 = arith.index_cast %scan3A_625 : i32 to index
      %swap3A_884 = arith.constant 32 : index
      %swap3A_885 = tpu.vector_load %arg14[%swap3A_881, %swap3A_882, %swap3A_883, %swap3A_884] {strides = array<i32>} : memref<2x3x32x128xf32, #tpu.memory_space<vmem>>, vector<1x1x1x16xf32>,
      %swap3A_886 = vector.shape_cast %swap3A_885 : vector<1x1x1x16xf32> to vector<16xf32>
      %swap3A_887 = vector.shape_cast %add3A_878 : vector<16xf32> to vector<1x1x1x16xf32>
      tpu.vector_store %arg14[%swap3A_881, %swap3A_882, %swap3A_883, %swap3A_884], %swap3A_887 {strides = array<i32>} : memref<2x3x32x128xf32, #tpu.memory_space<vmem>>, vector<1x1x1x16xf32>,
      %get3A_888 = arith.constant 0 : i32
      %get3A_889 = arith.index_cast %get3A_888 : i32 to index
      %get3A_890 = arith.index_cast %scan3A_625 : i32 to index
      %get3A_891 = arith.constant 48 : index
      %get3A_892 = tpu.vector_load %arg12[%get3A_889, %get3A_890, %get3A_891] {strides = array<i32>} : memref<2x32x128xf32, #tpu.memory_space<vmem>>, vector<1x1x16xf32>,
      %get3A_893 = vector.shape_cast %get3A_892 : vector<1x1x16xf32> to vector<16xf32>
      %get3A_894 = arith.constant 0 : i32
      %get3A_895 = arith.index_cast %get3A_894 : i32 to index
      %get3A_896 = arith.index_cast %scan3A_625 : i32 to index
      %get3A_897 = arith.constant 48 : index
      %get3A_898 = tpu.vector_load %arg13[%get3A_895, %get3A_896, %get3A_897] {strides = array<i32>} : memref<2x32x128xf32, #tpu.memory_space<vmem>>, vector<1x1x16xf32>,
      %get3A_899 = vector.shape_cast %get3A_898 : vector<1x1x16xf32> to vector<16xf32>
      %sub3A_900 = arith.subf %get3A_893, %get3A_899 : vector<16xf32>
      %get3A_901 = arith.constant 0 : i32
      %get3A_902 = arith.constant 0 : i32
      %get3A_903 = arith.index_cast %get3A_901 : i32 to index
      %get3A_904 = arith.index_cast %get3A_902 : i32 to index
      %get3A_905 = arith.index_cast %scan3A_625 : i32 to index
      %get3A_906 = arith.constant 48 : index
      %get3A_907 = tpu.vector_load %arg14[%get3A_903, %get3A_904, %get3A_905, %get3A_906] {strides = array<i32>} : memref<2x3x32x128xf32, #tpu.memory_space<vmem>>, vector<1x1x1x16xf32>,
      %get3A_908 = vector.shape_cast %get3A_907 : vector<1x1x1x16xf32> to vector<16xf32>
      %mul3A_909 = arith.constant 5.000000e-01 : f32
      %mul3A_910 = vector.broadcast %mul3A_909 : f32 to vector<16xf32>
      %mul3A_911 = arith.mulf %get3A_908, %mul3A_910 : vector<16xf32>
      %mul3A_912 = vector.broadcast %squeeze3A : f32 to vector<16xf32>
      %mul3A_913 = arith.mulf %mul3A_912, %sub3A_900 : vector<16xf32>
      %add3A_914 = arith.addf %mul3A_911, %mul3A_913 : vector<16xf32>
      %swap3A_915 = arith.constant 0 : i32
      %swap3A_916 = arith.constant 0 : i32
      %swap3A_917 = arith.index_cast %swap3A_915 : i32 to index
      %swap3A_918 = arith.index_cast %swap3A_916 : i32 to index
      %swap3A_919 = arith.index_cast %scan3A_625 : i32 to index
      %swap3A_920 = arith.constant 48 : index
      %swap3A_921 = tpu.vector_load %arg14[%swap3A_917, %swap3A_918, %swap3A_919, %swap3A_920] {strides = array<i32>} : memref<2x3x32x128xf32, #tpu.memory_space<vmem>>, vector<1x1x1x16xf32>,
      %swap3A_922 = vector.shape_cast %swap3A_921 : vector<1x1x1x16xf32> to vector<16xf32>
      %swap3A_923 = vector.shape_cast %add3A_914 : vector<16xf32> to vector<1x1x1x16xf32>
      tpu.vector_store %arg14[%swap3A_917, %swap3A_918, %swap3A_919, %swap3A_920], %swap3A_923 {strides = array<i32>} : memref<2x3x32x128xf32, #tpu.memory_space<vmem>>, vector<1x1x1x16xf32>,
      %get3A_924 = arith.constant 0 : i32
      %get3A_925 = arith.constant 1 : i32
      %get3A_926 = arith.index_cast %get3A_924 : i32 to index
      %get3A_927 = arith.index_cast %get3A_925 : i32 to index
      %get3A_928 = arith.index_cast %scan3A_625 : i32 to index
      %get3A_929 = arith.constant 48 : index
      %get3A_930 = tpu.vector_load %arg14[%get3A_926, %get3A_927, %get3A_928, %get3A_929] {strides = array<i32>} : memref<2x3x32x128xf32, #tpu.memory_space<vmem>>, vector<1x1x1x16xf32>,
      %get3A_931 = vector.shape_cast %get3A_930 : vector<1x1x1x16xf32> to vector<16xf32>
      %mul3A_932 = arith.constant 5.000000e-01 : f32
      %mul3A_933 = vector.broadcast %mul3A_932 : f32 to vector<16xf32>
      %mul3A_934 = arith.mulf %get3A_931, %mul3A_933 : vector<16xf32>
      %mul3A_935 = vector.broadcast %squeeze3A_636 : f32 to vector<16xf32>
      %mul3A_936 = arith.mulf %mul3A_935, %sub3A_900 : vector<16xf32>
      %add3A_937 = arith.addf %mul3A_934, %mul3A_936 : vector<16xf32>
      %swap3A_938 = arith.constant 0 : i32
      %swap3A_939 = arith.constant 1 : i32
      %swap3A_940 = arith.index_cast %swap3A_938 : i32 to index
      %swap3A_941 = arith.index_cast %swap3A_939 : i32 to index
      %swap3A_942 = arith.index_cast %scan3A_625 : i32 to index
      %swap3A_943 = arith.constant 48 : index
      %swap3A_944 = tpu.vector_load %arg14[%swap3A_940, %swap3A_941, %swap3A_942, %swap3A_943] {strides = array<i32>} : memref<2x3x32x128xf32, #tpu.memory_space<vmem>>, vector<1x1x1x16xf32>,
      %swap3A_945 = vector.shape_cast %swap3A_944 : vector<1x1x1x16xf32> to vector<16xf32>
      %swap3A_946 = vector.shape_cast %add3A_937 : vector<16xf32> to vector<1x1x1x16xf32>
      tpu.vector_store %arg14[%swap3A_940, %swap3A_941, %swap3A_942, %swap3A_943], %swap3A_946 {strides = array<i32>} : memref<2x3x32x128xf32, #tpu.memory_space<vmem>>, vector<1x1x1x16xf32>,
      %get3A_947 = arith.constant 0 : i32
      %get3A_948 = arith.constant 2 : i32
      %get3A_949 = arith.index_cast %get3A_947 : i32 to index
      %get3A_950 = arith.index_cast %get3A_948 : i32 to index
      %get3A_951 = arith.index_cast %scan3A_625 : i32 to index
      %get3A_952 = arith.constant 48 : index
      %get3A_953 = tpu.vector_load %arg14[%get3A_949, %get3A_950, %get3A_951, %get3A_952] {strides = array<i32>} : memref<2x3x32x128xf32, #tpu.memory_space<vmem>>, vector<1x1x1x16xf32>,
      %get3A_954 = vector.shape_cast %get3A_953 : vector<1x1x1x16xf32> to vector<16xf32>
      %mul3A_955 = arith.constant 5.000000e-01 : f32
      %mul3A_956 = vector.broadcast %mul3A_955 : f32 to vector<16xf32>
      %mul3A_957 = arith.mulf %get3A_954, %mul3A_956 : vector<16xf32>
      %mul3A_958 = vector.broadcast %squeeze3A_643 : f32 to vector<16xf32>
      %mul3A_959 = arith.mulf %mul3A_958, %sub3A_900 : vector<16xf32>
      %add3A_960 = arith.addf %mul3A_957, %mul3A_959 : vector<16xf32>
      %swap3A_961 = arith.constant 0 : i32
      %swap3A_962 = arith.constant 2 : i32
      %swap3A_963 = arith.index_cast %swap3A_961 : i32 to index
      %swap3A_964 = arith.index_cast %swap3A_962 : i32 to index
      %swap3A_965 = arith.index_cast %scan3A_625 : i32 to index
      %swap3A_966 = arith.constant 48 : index
      %swap3A_967 = tpu.vector_load %arg14[%swap3A_963, %swap3A_964, %swap3A_965, %swap3A_966] {strides = array<i32>} : memref<2x3x32x128xf32, #tpu.memory_space<vmem>>, vector<1x1x1x16xf32>,
      %swap3A_968 = vector.shape_cast %swap3A_967 : vector<1x1x1x16xf32> to vector<16xf32>
      %swap3A_969 = vector.shape_cast %add3A_960 : vector<16xf32> to vector<1x1x1x16xf32>
      tpu.vector_store %arg14[%swap3A_963, %swap3A_964, %swap3A_965, %swap3A_966], %swap3A_969 {strides = array<i32>} : memref<2x3x32x128xf32, #tpu.memory_space<vmem>>, vector<1x1x1x16xf32>,
      %get3A_970 = arith.constant 0 : i32
      %get3A_971 = arith.index_cast %get3A_970 : i32 to index
      %get3A_972 = arith.index_cast %scan3A_625 : i32 to index
      %get3A_973 = arith.constant 64 : index
      %get3A_974 = tpu.vector_load %arg12[%get3A_971, %get3A_972, %get3A_973] {strides = array<i32>} : memref<2x32x128xf32, #tpu.memory_space<vmem>>, vector<1x1x16xf32>,
      %get3A_975 = vector.shape_cast %get3A_974 : vector<1x1x16xf32> to vector<16xf32>
      %get3A_976 = arith.constant 0 : i32
      %get3A_977 = arith.index_cast %get3A_976 : i32 to index
      %get3A_978 = arith.index_cast %scan3A_625 : i32 to index
      %get3A_979 = arith.constant 64 : index
      %get3A_980 = tpu.vector_load %arg13[%get3A_977, %get3A_978, %get3A_979] {strides = array<i32>} : memref<2x32x128xf32, #tpu.memory_space<vmem>>, vector<1x1x16xf32>,
      %get3A_981 = vector.shape_cast %get3A_980 : vector<1x1x16xf32> to vector<16xf32>
      %sub3A_982 = arith.subf %get3A_975, %get3A_981 : vector<16xf32>
      %get3A_983 = arith.constant 0 : i32
      %get3A_984 = arith.constant 0 : i32
      %get3A_985 = arith.index_cast %get3A_983 : i32 to index
      %get3A_986 = arith.index_cast %get3A_984 : i32 to index
      %get3A_987 = arith.index_cast %scan3A_625 : i32 to index
      %get3A_988 = arith.constant 64 : index
      %get3A_989 = tpu.vector_load %arg14[%get3A_985, %get3A_986, %get3A_987, %get3A_988] {strides = array<i32>} : memref<2x3x32x128xf32, #tpu.memory_space<vmem>>, vector<1x1x1x16xf32>,
      %get3A_990 = vector.shape_cast %get3A_989 : vector<1x1x1x16xf32> to vector<16xf32>
      %mul3A_991 = arith.constant 5.000000e-01 : f32
      %mul3A_992 = vector.broadcast %mul3A_991 : f32 to vector<16xf32>
      %mul3A_993 = arith.mulf %get3A_990, %mul3A_992 : vector<16xf32>
      %mul3A_994 = vector.broadcast %squeeze3A : f32 to vector<16xf32>
      %mul3A_995 = arith.mulf %mul3A_994, %sub3A_982 : vector<16xf32>
      %add3A_996 = arith.addf %mul3A_993, %mul3A_995 : vector<16xf32>
      %swap3A_997 = arith.constant 0 : i32
      %swap3A_998 = arith.constant 0 : i32
      %swap3A_999 = arith.index_cast %swap3A_997 : i32 to index
      %swap3A_1000 = arith.index_cast %swap3A_998 : i32 to index
      %swap3A_1001 = arith.index_cast %scan3A_625 : i32 to index
      %swap3A_1002 = arith.constant 64 : index
      %swap3A_1003 = tpu.vector_load %arg14[%swap3A_999, %swap3A_1000, %swap3A_1001, %swap3A_1002] {strides = array<i32>} : memref<2x3x32x128xf32, #tpu.memory_space<vmem>>, vector<1x1x1x16xf32>,
      %swap3A_1004 = vector.shape_cast %swap3A_1003 : vector<1x1x1x16xf32> to vector<16xf32>
      %swap3A_1005 = vector.shape_cast %add3A_996 : vector<16xf32> to vector<1x1x1x16xf32>
      tpu.vector_store %arg14[%swap3A_999, %swap3A_1000, %swap3A_1001, %swap3A_1002], %swap3A_1005 {strides = array<i32>} : memref<2x3x32x128xf32, #tpu.memory_space<vmem>>, vector<1x1x1x16xf32>,
      %get3A_1006 = arith.constant 0 : i32
      %get3A_1007 = arith.constant 1 : i32
      %get3A_1008 = arith.index_cast %get3A_1006 : i32 to index
      %get3A_1009 = arith.index_cast %get3A_1007 : i32 to index
      %get3A_1010 = arith.index_cast %scan3A_625 : i32 to index
      %get3A_1011 = arith.constant 64 : index
      %get3A_1012 = tpu.vector_load %arg14[%get3A_1008, %get3A_1009, %get3A_1010, %get3A_1011] {strides = array<i32>} : memref<2x3x32x128xf32, #tpu.memory_space<vmem>>, vector<1x1x1x16xf32>,
      %get3A_1013 = vector.shape_cast %get3A_1012 : vector<1x1x1x16xf32> to vector<16xf32>
      %mul3A_1014 = arith.constant 5.000000e-01 : f32
      %mul3A_1015 = vector.broadcast %mul3A_1014 : f32 to vector<16xf32>
      %mul3A_1016 = arith.mulf %get3A_1013, %mul3A_1015 : vector<16xf32>
      %mul3A_1017 = vector.broadcast %squeeze3A_636 : f32 to vector<16xf32>
      %mul3A_1018 = arith.mulf %mul3A_1017, %sub3A_982 : vector<16xf32>
      %add3A_1019 = arith.addf %mul3A_1016, %mul3A_1018 : vector<16xf32>
      %swap3A_1020 = arith.constant 0 : i32
      %swap3A_1021 = arith.constant 1 : i32
      %swap3A_1022 = arith.index_cast %swap3A_1020 : i32 to index
      %swap3A_1023 = arith.index_cast %swap3A_1021 : i32 to index
      %swap3A_1024 = arith.index_cast %scan3A_625 : i32 to index
      %swap3A_1025 = arith.constant 64 : index
      %swap3A_1026 = tpu.vector_load %arg14[%swap3A_1022, %swap3A_1023, %swap3A_1024, %swap3A_1025] {strides = array<i32>} : memref<2x3x32x128xf32, #tpu.memory_space<vmem>>, vector<1x1x1x16xf32>,
      %swap3A_1027 = vector.shape_cast %swap3A_1026 : vector<1x1x1x16xf32> to vector<16xf32>
      %swap3A_1028 = vector.shape_cast %add3A_1019 : vector<16xf32> to vector<1x1x1x16xf32>
      tpu.vector_store %arg14[%swap3A_1022, %swap3A_1023, %swap3A_1024, %swap3A_1025], %swap3A_1028 {strides = array<i32>} : memref<2x3x32x128xf32, #tpu.memory_space<vmem>>, vector<1x1x1x16xf32>,
      %get3A_1029 = arith.constant 0 : i32
      %get3A_1030 = arith.constant 2 : i32
      %get3A_1031 = arith.index_cast %get3A_1029 : i32 to index
      %get3A_1032 = arith.index_cast %get3A_1030 : i32 to index
      %get3A_1033 = arith.index_cast %scan3A_625 : i32 to index
      %get3A_1034 = arith.constant 64 : index
      %get3A_1035 = tpu.vector_load %arg14[%get3A_1031, %get3A_1032, %get3A_1033, %get3A_1034] {strides = array<i32>} : memref<2x3x32x128xf32, #tpu.memory_space<vmem>>, vector<1x1x1x16xf32>,
      %get3A_1036 = vector.shape_cast %get3A_1035 : vector<1x1x1x16xf32> to vector<16xf32>
      %mul3A_1037 = arith.constant 5.000000e-01 : f32
      %mul3A_1038 = vector.broadcast %mul3A_1037 : f32 to vector<16xf32>
      %mul3A_1039 = arith.mulf %get3A_1036, %mul3A_1038 : vector<16xf32>
      %mul3A_1040 = vector.broadcast %squeeze3A_643 : f32 to vector<16xf32>
      %mul3A_1041 = arith.mulf %mul3A_1040, %sub3A_982 : vector<16xf32>
      %add3A_1042 = arith.addf %mul3A_1039, %mul3A_1041 : vector<16xf32>
      %swap3A_1043 = arith.constant 0 : i32
      %swap3A_1044 = arith.constant 2 : i32
      %swap3A_1045 = arith.index_cast %swap3A_1043 : i32 to index
      %swap3A_1046 = arith.index_cast %swap3A_1044 : i32 to index
      %swap3A_1047 = arith.index_cast %scan3A_625 : i32 to index
      %swap3A_1048 = arith.constant 64 : index
      %swap3A_1049 = tpu.vector_load %arg14[%swap3A_1045, %swap3A_1046, %swap3A_1047, %swap3A_1048] {strides = array<i32>} : memref<2x3x32x128xf32, #tpu.memory_space<vmem>>, vector<1x1x1x16xf32>,
      %swap3A_1050 = vector.shape_cast %swap3A_1049 : vector<1x1x1x16xf32> to vector<16xf32>
      %swap3A_1051 = vector.shape_cast %add3A_1042 : vector<16xf32> to vector<1x1x1x16xf32>
      tpu.vector_store %arg14[%swap3A_1045, %swap3A_1046, %swap3A_1047, %swap3A_1048], %swap3A_1051 {strides = array<i32>} : memref<2x3x32x128xf32, #tpu.memory_space<vmem>>, vector<1x1x1x16xf32>,
      %get3A_1052 = arith.constant 0 : i32
      %get3A_1053 = arith.index_cast %get3A_1052 : i32 to index
      %get3A_1054 = arith.index_cast %scan3A_625 : i32 to index
      %get3A_1055 = arith.constant 80 : index
      %get3A_1056 = tpu.vector_load %arg12[%get3A_1053, %get3A_1054, %get3A_1055] {strides = array<i32>} : memref<2x32x128xf32, #tpu.memory_space<vmem>>, vector<1x1x16xf32>,
      %get3A_1057 = vector.shape_cast %get3A_1056 : vector<1x1x16xf32> to vector<16xf32>
      %get3A_1058 = arith.constant 0 : i32
      %get3A_1059 = arith.index_cast %get3A_1058 : i32 to index
      %get3A_1060 = arith.index_cast %scan3A_625 : i32 to index
      %get3A_1061 = arith.constant 80 : index
      %get3A_1062 = tpu.vector_load %arg13[%get3A_1059, %get3A_1060, %get3A_1061] {strides = array<i32>} : memref<2x32x128xf32, #tpu.memory_space<vmem>>, vector<1x1x16xf32>,
      %get3A_1063 = vector.shape_cast %get3A_1062 : vector<1x1x16xf32> to vector<16xf32>
      %sub3A_1064 = arith.subf %get3A_1057, %get3A_1063 : vector<16xf32>
      %get3A_1065 = arith.constant 0 : i32
      %get3A_1066 = arith.constant 0 : i32
      %get3A_1067 = arith.index_cast %get3A_1065 : i32 to index
      %get3A_1068 = arith.index_cast %get3A_1066 : i32 to index
      %get3A_1069 = arith.index_cast %scan3A_625 : i32 to index
      %get3A_1070 = arith.constant 80 : index
      %get3A_1071 = tpu.vector_load %arg14[%get3A_1067, %get3A_1068, %get3A_1069, %get3A_1070] {strides = array<i32>} : memref<2x3x32x128xf32, #tpu.memory_space<vmem>>, vector<1x1x1x16xf32>,
      %get3A_1072 = vector.shape_cast %get3A_1071 : vector<1x1x1x16xf32> to vector<16xf32>
      %mul3A_1073 = arith.constant 5.000000e-01 : f32
      %mul3A_1074 = vector.broadcast %mul3A_1073 : f32 to vector<16xf32>
      %mul3A_1075 = arith.mulf %get3A_1072, %mul3A_1074 : vector<16xf32>
      %mul3A_1076 = vector.broadcast %squeeze3A : f32 to vector<16xf32>
      %mul3A_1077 = arith.mulf %mul3A_1076, %sub3A_1064 : vector<16xf32>
      %add3A_1078 = arith.addf %mul3A_1075, %mul3A_1077 : vector<16xf32>
      %swap3A_1079 = arith.constant 0 : i32
      %swap3A_1080 = arith.constant 0 : i32
      %swap3A_1081 = arith.index_cast %swap3A_1079 : i32 to index
      %swap3A_1082 = arith.index_cast %swap3A_1080 : i32 to index
      %swap3A_1083 = arith.index_cast %scan3A_625 : i32 to index
      %swap3A_1084 = arith.constant 80 : index
      %swap3A_1085 = tpu.vector_load %arg14[%swap3A_1081, %swap3A_1082, %swap3A_1083, %swap3A_1084] {strides = array<i32>} : memref<2x3x32x128xf32, #tpu.memory_space<vmem>>, vector<1x1x1x16xf32>,
      %swap3A_1086 = vector.shape_cast %swap3A_1085 : vector<1x1x1x16xf32> to vector<16xf32>
      %swap3A_1087 = vector.shape_cast %add3A_1078 : vector<16xf32> to vector<1x1x1x16xf32>
      tpu.vector_store %arg14[%swap3A_1081, %swap3A_1082, %swap3A_1083, %swap3A_1084], %swap3A_1087 {strides = array<i32>} : memref<2x3x32x128xf32, #tpu.memory_space<vmem>>, vector<1x1x1x16xf32>,
      %get3A_1088 = arith.constant 0 : i32
      %get3A_1089 = arith.constant 1 : i32
      %get3A_1090 = arith.index_cast %get3A_1088 : i32 to index
      %get3A_1091 = arith.index_cast %get3A_1089 : i32 to index
      %get3A_1092 = arith.index_cast %scan3A_625 : i32 to index
      %get3A_1093 = arith.constant 80 : index
      %get3A_1094 = tpu.vector_load %arg14[%get3A_1090, %get3A_1091, %get3A_1092, %get3A_1093] {strides = array<i32>} : memref<2x3x32x128xf32, #tpu.memory_space<vmem>>, vector<1x1x1x16xf32>,
      %get3A_1095 = vector.shape_cast %get3A_1094 : vector<1x1x1x16xf32> to vector<16xf32>
      %mul3A_1096 = arith.constant 5.000000e-01 : f32
      %mul3A_1097 = vector.broadcast %mul3A_1096 : f32 to vector<16xf32>
      %mul3A_1098 = arith.mulf %get3A_1095, %mul3A_1097 : vector<16xf32>
      %mul3A_1099 = vector.broadcast %squeeze3A_636 : f32 to vector<16xf32>
      %mul3A_1100 = arith.mulf %mul3A_1099, %sub3A_1064 : vector<16xf32>
      %add3A_1101 = arith.addf %mul3A_1098, %mul3A_1100 : vector<16xf32>
      %swap3A_1102 = arith.constant 0 : i32
      %swap3A_1103 = arith.constant 1 : i32
      %swap3A_1104 = arith.index_cast %swap3A_1102 : i32 to index
      %swap3A_1105 = arith.index_cast %swap3A_1103 : i32 to index
      %swap3A_1106 = arith.index_cast %scan3A_625 : i32 to index
      %swap3A_1107 = arith.constant 80 : index
      %swap3A_1108 = tpu.vector_load %arg14[%swap3A_1104, %swap3A_1105, %swap3A_1106, %swap3A_1107] {strides = array<i32>} : memref<2x3x32x128xf32, #tpu.memory_space<vmem>>, vector<1x1x1x16xf32>,
      %swap3A_1109 = vector.shape_cast %swap3A_1108 : vector<1x1x1x16xf32> to vector<16xf32>
      %swap3A_1110 = vector.shape_cast %add3A_1101 : vector<16xf32> to vector<1x1x1x16xf32>
      tpu.vector_store %arg14[%swap3A_1104, %swap3A_1105, %swap3A_1106, %swap3A_1107], %swap3A_1110 {strides = array<i32>} : memref<2x3x32x128xf32, #tpu.memory_space<vmem>>, vector<1x1x1x16xf32>,
      %get3A_1111 = arith.constant 0 : i32
      %get3A_1112 = arith.constant 2 : i32
      %get3A_1113 = arith.index_cast %get3A_1111 : i32 to index
      %get3A_1114 = arith.index_cast %get3A_1112 : i32 to index
      %get3A_1115 = arith.index_cast %scan3A_625 : i32 to index
      %get3A_1116 = arith.constant 80 : index
      %get3A_1117 = tpu.vector_load %arg14[%get3A_1113, %get3A_1114, %get3A_1115, %get3A_1116] {strides = array<i32>} : memref<2x3x32x128xf32, #tpu.memory_space<vmem>>, vector<1x1x1x16xf32>,
      %get3A_1118 = vector.shape_cast %get3A_1117 : vector<1x1x1x16xf32> to vector<16xf32>
      %mul3A_1119 = arith.constant 5.000000e-01 : f32
      %mul3A_1120 = vector.broadcast %mul3A_1119 : f32 to vector<16xf32>
      %mul3A_1121 = arith.mulf %get3A_1118, %mul3A_1120 : vector<16xf32>
      %mul3A_1122 = vector.broadcast %squeeze3A_643 : f32 to vector<16xf32>
      %mul3A_1123 = arith.mulf %mul3A_1122, %sub3A_1064 : vector<16xf32>
      %add3A_1124 = arith.addf %mul3A_1121, %mul3A_1123 : vector<16xf32>
      %swap3A_1125 = arith.constant 0 : i32
      %swap3A_1126 = arith.constant 2 : i32
      %swap3A_1127 = arith.index_cast %swap3A_1125 : i32 to index
      %swap3A_1128 = arith.index_cast %swap3A_1126 : i32 to index
      %swap3A_1129 = arith.index_cast %scan3A_625 : i32 to index
      %swap3A_1130 = arith.constant 80 : index
      %swap3A_1131 = tpu.vector_load %arg14[%swap3A_1127, %swap3A_1128, %swap3A_1129, %swap3A_1130] {strides = array<i32>} : memref<2x3x32x128xf32, #tpu.memory_space<vmem>>, vector<1x1x1x16xf32>,
      %swap3A_1132 = vector.shape_cast %swap3A_1131 : vector<1x1x1x16xf32> to vector<16xf32>
      %swap3A_1133 = vector.shape_cast %add3A_1124 : vector<16xf32> to vector<1x1x1x16xf32>
      tpu.vector_store %arg14[%swap3A_1127, %swap3A_1128, %swap3A_1129, %swap3A_1130], %swap3A_1133 {strides = array<i32>} : memref<2x3x32x128xf32, #tpu.memory_space<vmem>>, vector<1x1x1x16xf32>,
      %get3A_1134 = arith.constant 0 : i32
      %get3A_1135 = arith.index_cast %get3A_1134 : i32 to index
      %get3A_1136 = arith.index_cast %scan3A_625 : i32 to index
      %get3A_1137 = arith.constant 96 : index
      %get3A_1138 = tpu.vector_load %arg12[%get3A_1135, %get3A_1136, %get3A_1137] {strides = array<i32>} : memref<2x32x128xf32, #tpu.memory_space<vmem>>, vector<1x1x16xf32>,
      %get3A_1139 = vector.shape_cast %get3A_1138 : vector<1x1x16xf32> to vector<16xf32>
      %get3A_1140 = arith.constant 0 : i32
      %get3A_1141 = arith.index_cast %get3A_1140 : i32 to index
      %get3A_1142 = arith.index_cast %scan3A_625 : i32 to index
      %get3A_1143 = arith.constant 96 : index
      %get3A_1144 = tpu.vector_load %arg13[%get3A_1141, %get3A_1142, %get3A_1143] {strides = array<i32>} : memref<2x32x128xf32, #tpu.memory_space<vmem>>, vector<1x1x16xf32>,
      %get3A_1145 = vector.shape_cast %get3A_1144 : vector<1x1x16xf32> to vector<16xf32>
      %sub3A_1146 = arith.subf %get3A_1139, %get3A_1145 : vector<16xf32>
      %get3A_1147 = arith.constant 0 : i32
      %get3A_1148 = arith.constant 0 : i32
      %get3A_1149 = arith.index_cast %get3A_1147 : i32 to index
      %get3A_1150 = arith.index_cast %get3A_1148 : i32 to index
      %get3A_1151 = arith.index_cast %scan3A_625 : i32 to index
      %get3A_1152 = arith.constant 96 : index
      %get3A_1153 = tpu.vector_load %arg14[%get3A_1149, %get3A_1150, %get3A_1151, %get3A_1152] {strides = array<i32>} : memref<2x3x32x128xf32, #tpu.memory_space<vmem>>, vector<1x1x1x16xf32>,
      %get3A_1154 = vector.shape_cast %get3A_1153 : vector<1x1x1x16xf32> to vector<16xf32>
      %mul3A_1155 = arith.constant 5.000000e-01 : f32
      %mul3A_1156 = vector.broadcast %mul3A_1155 : f32 to vector<16xf32>
      %mul3A_1157 = arith.mulf %get3A_1154, %mul3A_1156 : vector<16xf32>
      %mul3A_1158 = vector.broadcast %squeeze3A : f32 to vector<16xf32>
      %mul3A_1159 = arith.mulf %mul3A_1158, %sub3A_1146 : vector<16xf32>
      %add3A_1160 = arith.addf %mul3A_1157, %mul3A_1159 : vector<16xf32>
      %swap3A_1161 = arith.constant 0 : i32
      %swap3A_1162 = arith.constant 0 : i32
      %swap3A_1163 = arith.index_cast %swap3A_1161 : i32 to index
      %swap3A_1164 = arith.index_cast %swap3A_1162 : i32 to index
      %swap3A_1165 = arith.index_cast %scan3A_625 : i32 to index
      %swap3A_1166 = arith.constant 96 : index
      %swap3A_1167 = tpu.vector_load %arg14[%swap3A_1163, %swap3A_1164, %swap3A_1165, %swap3A_1166] {strides = array<i32>} : memref<2x3x32x128xf32, #tpu.memory_space<vmem>>, vector<1x1x1x16xf32>,
      %swap3A_1168 = vector.shape_cast %swap3A_1167 : vector<1x1x1x16xf32> to vector<16xf32>
      %swap3A_1169 = vector.shape_cast %add3A_1160 : vector<16xf32> to vector<1x1x1x16xf32>
      tpu.vector_store %arg14[%swap3A_1163, %swap3A_1164, %swap3A_1165, %swap3A_1166], %swap3A_1169 {strides = array<i32>} : memref<2x3x32x128xf32, #tpu.memory_space<vmem>>, vector<1x1x1x16xf32>,
      %get3A_1170 = arith.constant 0 : i32
      %get3A_1171 = arith.constant 1 : i32
      %get3A_1172 = arith.index_cast %get3A_1170 : i32 to index
      %get3A_1173 = arith.index_cast %get3A_1171 : i32 to index
      %get3A_1174 = arith.index_cast %scan3A_625 : i32 to index
      %get3A_1175 = arith.constant 96 : index
      %get3A_1176 = tpu.vector_load %arg14[%get3A_1172, %get3A_1173, %get3A_1174, %get3A_1175] {strides = array<i32>} : memref<2x3x32x128xf32, #tpu.memory_space<vmem>>, vector<1x1x1x16xf32>,
      %get3A_1177 = vector.shape_cast %get3A_1176 : vector<1x1x1x16xf32> to vector<16xf32>
      %mul3A_1178 = arith.constant 5.000000e-01 : f32
      %mul3A_1179 = vector.broadcast %mul3A_1178 : f32 to vector<16xf32>
      %mul3A_1180 = arith.mulf %get3A_1177, %mul3A_1179 : vector<16xf32>
      %mul3A_1181 = vector.broadcast %squeeze3A_636 : f32 to vector<16xf32>
      %mul3A_1182 = arith.mulf %mul3A_1181, %sub3A_1146 : vector<16xf32>
      %add3A_1183 = arith.addf %mul3A_1180, %mul3A_1182 : vector<16xf32>
      %swap3A_1184 = arith.constant 0 : i32
      %swap3A_1185 = arith.constant 1 : i32
      %swap3A_1186 = arith.index_cast %swap3A_1184 : i32 to index
      %swap3A_1187 = arith.index_cast %swap3A_1185 : i32 to index
      %swap3A_1188 = arith.index_cast %scan3A_625 : i32 to index
      %swap3A_1189 = arith.constant 96 : index
      %swap3A_1190 = tpu.vector_load %arg14[%swap3A_1186, %swap3A_1187, %swap3A_1188, %swap3A_1189] {strides = array<i32>} : memref<2x3x32x128xf32, #tpu.memory_space<vmem>>, vector<1x1x1x16xf32>,
      %swap3A_1191 = vector.shape_cast %swap3A_1190 : vector<1x1x1x16xf32> to vector<16xf32>
      %swap3A_1192 = vector.shape_cast %add3A_1183 : vector<16xf32> to vector<1x1x1x16xf32>
      tpu.vector_store %arg14[%swap3A_1186, %swap3A_1187, %swap3A_1188, %swap3A_1189], %swap3A_1192 {strides = array<i32>} : memref<2x3x32x128xf32, #tpu.memory_space<vmem>>, vector<1x1x1x16xf32>,
      %get3A_1193 = arith.constant 0 : i32
      %get3A_1194 = arith.constant 2 : i32
      %get3A_1195 = arith.index_cast %get3A_1193 : i32 to index
      %get3A_1196 = arith.index_cast %get3A_1194 : i32 to index
      %get3A_1197 = arith.index_cast %scan3A_625 : i32 to index
      %get3A_1198 = arith.constant 96 : index
      %get3A_1199 = tpu.vector_load %arg14[%get3A_1195, %get3A_1196, %get3A_1197, %get3A_1198] {strides = array<i32>} : memref<2x3x32x128xf32, #tpu.memory_space<vmem>>, vector<1x1x1x16xf32>,
      %get3A_1200 = vector.shape_cast %get3A_1199 : vector<1x1x1x16xf32> to vector<16xf32>
      %mul3A_1201 = arith.constant 5.000000e-01 : f32
      %mul3A_1202 = vector.broadcast %mul3A_1201 : f32 to vector<16xf32>
      %mul3A_1203 = arith.mulf %get3A_1200, %mul3A_1202 : vector<16xf32>
      %mul3A_1204 = vector.broadcast %squeeze3A_643 : f32 to vector<16xf32>
      %mul3A_1205 = arith.mulf %mul3A_1204, %sub3A_1146 : vector<16xf32>
      %add3A_1206 = arith.addf %mul3A_1203, %mul3A_1205 : vector<16xf32>
      %swap3A_1207 = arith.constant 0 : i32
      %swap3A_1208 = arith.constant 2 : i32
      %swap3A_1209 = arith.index_cast %swap3A_1207 : i32 to index
      %swap3A_1210 = arith.index_cast %swap3A_1208 : i32 to index
      %swap3A_1211 = arith.index_cast %scan3A_625 : i32 to index
      %swap3A_1212 = arith.constant 96 : index
      %swap3A_1213 = tpu.vector_load %arg14[%swap3A_1209, %swap3A_1210, %swap3A_1211, %swap3A_1212] {strides = array<i32>} : memref<2x3x32x128xf32, #tpu.memory_space<vmem>>, vector<1x1x1x16xf32>,
      %swap3A_1214 = vector.shape_cast %swap3A_1213 : vector<1x1x1x16xf32> to vector<16xf32>
      %swap3A_1215 = vector.shape_cast %add3A_1206 : vector<16xf32> to vector<1x1x1x16xf32>
      tpu.vector_store %arg14[%swap3A_1209, %swap3A_1210, %swap3A_1211, %swap3A_1212], %swap3A_1215 {strides = array<i32>} : memref<2x3x32x128xf32, #tpu.memory_space<vmem>>, vector<1x1x1x16xf32>,
      %get3A_1216 = arith.constant 0 : i32
      %get3A_1217 = arith.index_cast %get3A_1216 : i32 to index
      %get3A_1218 = arith.index_cast %scan3A_625 : i32 to index
      %get3A_1219 = arith.constant 112 : index
      %get3A_1220 = tpu.vector_load %arg12[%get3A_1217, %get3A_1218, %get3A_1219] {strides = array<i32>} : memref<2x32x128xf32, #tpu.memory_space<vmem>>, vector<1x1x16xf32>,
      %get3A_1221 = vector.shape_cast %get3A_1220 : vector<1x1x16xf32> to vector<16xf32>
      %get3A_1222 = arith.constant 0 : i32
      %get3A_1223 = arith.index_cast %get3A_1222 : i32 to index
      %get3A_1224 = arith.index_cast %scan3A_625 : i32 to index
      %get3A_1225 = arith.constant 112 : index
      %get3A_1226 = tpu.vector_load %arg13[%get3A_1223, %get3A_1224, %get3A_1225] {strides = array<i32>} : memref<2x32x128xf32, #tpu.memory_space<vmem>>, vector<1x1x16xf32>,
      %get3A_1227 = vector.shape_cast %get3A_1226 : vector<1x1x16xf32> to vector<16xf32>
      %sub3A_1228 = arith.subf %get3A_1221, %get3A_1227 : vector<16xf32>
      %get3A_1229 = arith.constant 0 : i32
      %get3A_1230 = arith.constant 0 : i32
      %get3A_1231 = arith.index_cast %get3A_1229 : i32 to index
      %get3A_1232 = arith.index_cast %get3A_1230 : i32 to index
      %get3A_1233 = arith.index_cast %scan3A_625 : i32 to index
      %get3A_1234 = arith.constant 112 : index
      %get3A_1235 = tpu.vector_load %arg14[%get3A_1231, %get3A_1232, %get3A_1233, %get3A_1234] {strides = array<i32>} : memref<2x3x32x128xf32, #tpu.memory_space<vmem>>, vector<1x1x1x16xf32>,
      %get3A_1236 = vector.shape_cast %get3A_1235 : vector<1x1x1x16xf32> to vector<16xf32>
      %mul3A_1237 = arith.constant 5.000000e-01 : f32
      %mul3A_1238 = vector.broadcast %mul3A_1237 : f32 to vector<16xf32>
      %mul3A_1239 = arith.mulf %get3A_1236, %mul3A_1238 : vector<16xf32>
      %mul3A_1240 = vector.broadcast %squeeze3A : f32 to vector<16xf32>
      %mul3A_1241 = arith.mulf %mul3A_1240, %sub3A_1228 : vector<16xf32>
      %add3A_1242 = arith.addf %mul3A_1239, %mul3A_1241 : vector<16xf32>
      %swap3A_1243 = arith.constant 0 : i32
      %swap3A_1244 = arith.constant 0 : i32
      %swap3A_1245 = arith.index_cast %swap3A_1243 : i32 to index
      %swap3A_1246 = arith.index_cast %swap3A_1244 : i32 to index
      %swap3A_1247 = arith.index_cast %scan3A_625 : i32 to index
      %swap3A_1248 = arith.constant 112 : index
      %swap3A_1249 = tpu.vector_load %arg14[%swap3A_1245, %swap3A_1246, %swap3A_1247, %swap3A_1248] {strides = array<i32>} : memref<2x3x32x128xf32, #tpu.memory_space<vmem>>, vector<1x1x1x16xf32>,
      %swap3A_1250 = vector.shape_cast %swap3A_1249 : vector<1x1x1x16xf32> to vector<16xf32>
      %swap3A_1251 = vector.shape_cast %add3A_1242 : vector<16xf32> to vector<1x1x1x16xf32>
      tpu.vector_store %arg14[%swap3A_1245, %swap3A_1246, %swap3A_1247, %swap3A_1248], %swap3A_1251 {strides = array<i32>} : memref<2x3x32x128xf32, #tpu.memory_space<vmem>>, vector<1x1x1x16xf32>,
      %get3A_1252 = arith.constant 0 : i32
      %get3A_1253 = arith.constant 1 : i32
      %get3A_1254 = arith.index_cast %get3A_1252 : i32 to index
      %get3A_1255 = arith.index_cast %get3A_1253 : i32 to index
      %get3A_1256 = arith.index_cast %scan3A_625 : i32 to index
      %get3A_1257 = arith.constant 112 : index
      %get3A_1258 = tpu.vector_load %arg14[%get3A_1254, %get3A_1255, %get3A_1256, %get3A_1257] {strides = array<i32>} : memref<2x3x32x128xf32, #tpu.memory_space<vmem>>, vector<1x1x1x16xf32>,
      %get3A_1259 = vector.shape_cast %get3A_1258 : vector<1x1x1x16xf32> to vector<16xf32>
      %mul3A_1260 = arith.constant 5.000000e-01 : f32
      %mul3A_1261 = vector.broadcast %mul3A_1260 : f32 to vector<16xf32>
      %mul3A_1262 = arith.mulf %get3A_1259, %mul3A_1261 : vector<16xf32>
      %mul3A_1263 = vector.broadcast %squeeze3A_636 : f32 to vector<16xf32>
      %mul3A_1264 = arith.mulf %mul3A_1263, %sub3A_1228 : vector<16xf32>
      %add3A_1265 = arith.addf %mul3A_1262, %mul3A_1264 : vector<16xf32>
      %swap3A_1266 = arith.constant 0 : i32
      %swap3A_1267 = arith.constant 1 : i32
      %swap3A_1268 = arith.index_cast %swap3A_1266 : i32 to index
      %swap3A_1269 = arith.index_cast %swap3A_1267 : i32 to index
      %swap3A_1270 = arith.index_cast %scan3A_625 : i32 to index
      %swap3A_1271 = arith.constant 112 : index
      %swap3A_1272 = tpu.vector_load %arg14[%swap3A_1268, %swap3A_1269, %swap3A_1270, %swap3A_1271] {strides = array<i32>} : memref<2x3x32x128xf32, #tpu.memory_space<vmem>>, vector<1x1x1x16xf32>,
      %swap3A_1273 = vector.shape_cast %swap3A_1272 : vector<1x1x1x16xf32> to vector<16xf32>
      %swap3A_1274 = vector.shape_cast %add3A_1265 : vector<16xf32> to vector<1x1x1x16xf32>
      tpu.vector_store %arg14[%swap3A_1268, %swap3A_1269, %swap3A_1270, %swap3A_1271], %swap3A_1274 {strides = array<i32>} : memref<2x3x32x128xf32, #tpu.memory_space<vmem>>, vector<1x1x1x16xf32>,
      %get3A_1275 = arith.constant 0 : i32
      %get3A_1276 = arith.constant 2 : i32
      %get3A_1277 = arith.index_cast %get3A_1275 : i32 to index
      %get3A_1278 = arith.index_cast %get3A_1276 : i32 to index
      %get3A_1279 = arith.index_cast %scan3A_625 : i32 to index
      %get3A_1280 = arith.constant 112 : index
      %get3A_1281 = tpu.vector_load %arg14[%get3A_1277, %get3A_1278, %get3A_1279, %get3A_1280] {strides = array<i32>} : memref<2x3x32x128xf32, #tpu.memory_space<vmem>>, vector<1x1x1x16xf32>,
      %get3A_1282 = vector.shape_cast %get3A_1281 : vector<1x1x1x16xf32> to vector<16xf32>
      %mul3A_1283 = arith.constant 5.000000e-01 : f32
      %mul3A_1284 = vector.broadcast %mul3A_1283 : f32 to vector<16xf32>
      %mul3A_1285 = arith.mulf %get3A_1282, %mul3A_1284 : vector<16xf32>
      %mul3A_1286 = vector.broadcast %squeeze3A_643 : f32 to vector<16xf32>
      %mul3A_1287 = arith.mulf %mul3A_1286, %sub3A_1228 : vector<16xf32>
      %add3A_1288 = arith.addf %mul3A_1285, %mul3A_1287 : vector<16xf32>
      %swap3A_1289 = arith.constant 0 : i32
      %swap3A_1290 = arith.constant 2 : i32
      %swap3A_1291 = arith.index_cast %swap3A_1289 : i32 to index
      %swap3A_1292 = arith.index_cast %swap3A_1290 : i32 to index
      %swap3A_1293 = arith.index_cast %scan3A_625 : i32 to index
      %swap3A_1294 = arith.constant 112 : index
      %swap3A_1295 = tpu.vector_load %arg14[%swap3A_1291, %swap3A_1292, %swap3A_1293, %swap3A_1294] {strides = array<i32>} : memref<2x3x32x128xf32, #tpu.memory_space<vmem>>, vector<1x1x1x16xf32>,
      %swap3A_1296 = vector.shape_cast %swap3A_1295 : vector<1x1x1x16xf32> to vector<16xf32>
      %swap3A_1297 = vector.shape_cast %add3A_1288 : vector<16xf32> to vector<1x1x1x16xf32>
      tpu.vector_store %arg14[%swap3A_1291, %swap3A_1292, %swap3A_1293, %swap3A_1294], %swap3A_1297 {strides = array<i32>} : memref<2x3x32x128xf32, #tpu.memory_space<vmem>>, vector<1x1x1x16xf32>,
    }
    %scan3A_586 = arith.constant 8 : i32
    %add3A_587 = arith.constant 4992 : i32
    %add3A_588 = arith.addi %mul3A_2, %add3A_587 : i32
    %dma_start3A_589 = arith.constant 0 : i32
    %dma_start3A_590 = arith.constant 0 : i32
    %dma_start3A_591 = arith.constant 0 : i32
    %dma_start3A_592 = arith.constant 0 : i32
    %dma_start3A_593 = tpu.memref_slice %arg14[%dma_start3A_589, %dma_start3A_590, %dma_start3A_591, %dma_start3A_592] : memref<2x3x32x128xf32, #tpu.memory_space<vmem>> -> memref<1x3x8x128xf32, #tpu.memory_space<vmem>>
    %dma_start3A_594 = tpu.memref_squeeze %dma_start3A_593 : memref<1x3x8x128xf32, #tpu.memory_space<vmem>> -> memref<3x8x128xf32, #tpu.memory_space<vmem>>
    %dma_start3A_595 = arith.constant 0 : i32
    %dma_start3A_596 = arith.constant 0 : i32
    %dma_start3A_597 = tpu.memref_slice %arg7[%dma_start3A_595, %add3A_588, %dma_start3A_596] : memref<3x160000x128xf32, #tpu.memory_space<hbm>> -> memref<3x8x128xf32, #tpu.memory_space<hbm>>
    %dma_start3A_598 = arith.constant 0 : i32
    %dma_start3A_599 = arith.constant 0 : i32
    %dma_start3A_600 = tpu.memref_slice %arg7[%dma_start3A_598, %add3A_588, %dma_start3A_599] : memref<3x160000x128xf32, #tpu.memory_space<hbm>> -> memref<3x8x128xf32, #tpu.memory_space<hbm>>
    %dma_start3A_601 = arith.constant 0 : i32
    %dma_start3A_602 = arith.constant 0 : i32
    %dma_start3A_603 = arith.constant 0 : i32
    %dma_start3A_604 = tpu.memref_slice %arg14[%dma_start3A_589, %dma_start3A_601, %dma_start3A_602, %dma_start3A_603] : memref<2x3x32x128xf32, #tpu.memory_space<vmem>> -> memref<1x3x8x128xf32, #tpu.memory_space<vmem>>
    %dma_start3A_605 = tpu.memref_squeeze %dma_start3A_604 : memref<1x3x8x128xf32, #tpu.memory_space<vmem>> -> memref<3x8x128xf32, #tpu.memory_space<vmem>>
    tpu.enqueue_dma source(%dma_start3A_605 : memref<3x8x128xf32, #tpu.memory_space<vmem>>) target(%dma_start3A_600 : memref<3x8x128xf32, #tpu.memory_space<hbm>>) target_semaphore(%arg21 : memref<!tpu.dma_semaphore, #tpu.memory_space<semaphore_mem>>)
    %add3A_606 = arith.constant 4992 : i32
    %add3A_607 = arith.addi %mul3A_2, %add3A_606 : i32
    %dma_wait3A_608 = arith.constant 0 : i32
    %dma_wait3A_609 = arith.constant 0 : i32
    %dma_wait3A_610 = arith.constant 0 : i32
    %dma_wait3A_611 = arith.constant 0 : i32
    %dma_wait3A_612 = tpu.memref_slice %arg14[%dma_wait3A_608, %dma_wait3A_609, %dma_wait3A_610, %dma_wait3A_611] : memref<2x3x32x128xf32, #tpu.memory_space<vmem>> -> memref<1x3x8x128xf32, #tpu.memory_space<vmem>>
    %dma_wait3A_613 = tpu.memref_squeeze %dma_wait3A_612 : memref<1x3x8x128xf32, #tpu.memory_space<vmem>> -> memref<3x8x128xf32, #tpu.memory_space<vmem>>
    %dma_wait3A_614 = arith.constant 0 : i32
    %dma_wait3A_615 = arith.constant 0 : i32
    %dma_wait3A_616 = tpu.memref_slice %arg7[%dma_wait3A_614, %add3A_607, %dma_wait3A_615] : memref<3x160000x128xf32, #tpu.memory_space<hbm>> -> memref<3x8x128xf32, #tpu.memory_space<hbm>>
    %dma_wait3A_617 = arith.constant 0 : i32
    %dma_wait3A_618 = arith.constant 0 : i32
    %dma_wait3A_619 = tpu.memref_slice %arg7[%dma_wait3A_617, %add3A_607, %dma_wait3A_618] : memref<3x160000x128xf32, #tpu.memory_space<hbm>> -> memref<3x8x128xf32, #tpu.memory_space<hbm>>
    %dma_wait3A_620 = arith.constant 0 : i32
    %dma_wait3A_621 = arith.constant 0 : i32
    %dma_wait3A_622 = arith.constant 0 : i32
    %dma_wait3A_623 = tpu.memref_slice %arg14[%dma_wait3A_608, %dma_wait3A_620, %dma_wait3A_621, %dma_wait3A_622] : memref<2x3x32x128xf32, #tpu.memory_space<vmem>> -> memref<1x3x8x128xf32, #tpu.memory_space<vmem>>
    %dma_wait3A_624 = tpu.memref_squeeze %dma_wait3A_623 : memref<1x3x8x128xf32, #tpu.memory_space<vmem>> -> memref<3x8x128xf32, #tpu.memory_space<vmem>>
    tpu.wait_dma2 semaphore(%arg21 : memref<!tpu.dma_semaphore, #tpu.memory_space<semaphore_mem>>) src(%dma_wait3A_624 : memref<3x8x128xf32, #tpu.memory_space<vmem>>) dst(%dma_wait3A_619 : memref<3x8x128xf32, #tpu.memory_space<hbm>>)
    return
  }
}

module attributes {stable_mosaic.version = 14 : i64} {
  func.func @_h_body(%arg0: memref<10000x128xf32, #tpu.memory_space<vmem>>, %arg1: memref<128x128xf32, #tpu.memory_space<vmem>>, %arg2: memref<1x128xf32, #tpu.memory_space<vmem>>, %arg3: memref<10000x128xf32, #tpu.memory_space<vmem>>) attributes {dimension_semantics = [], scalar_prefetch = 0 : i64, scratch_operands = 0 : i64, tpu.core_type = #tpu.core_type<tc>} {
    %get3A = arith.constant 0 : index
    %get3A_0 = arith.constant 0 : index
    %get3A_1 = vector.load %arg0[%get3A, %get3A_0] : memref<10000x128xf32, #tpu.memory_space<vmem>>, vector<10000x128xf32>
    %get3A_2 = arith.constant 0 : index
    %get3A_3 = arith.constant 0 : index
    %get3A_4 = vector.load %arg1[%get3A_2, %get3A_3] : memref<128x128xf32, #tpu.memory_space<vmem>>, vector<128x128xf32>
    %dot_general3A = arith.constant dense<0.000000e+00> : vector<10000x128xf32>
    %dot_general3A_5 = tpu.matmul %get3A_1, %get3A_4, %dot_general3A {dimension_numbers = #tpu.dot_dimension_numbers<[1], [1], [0], [0], [0, 0, 1, 0], [], []>, transpose_lhs_hint = false} : vector<10000x128xf32>, vector<128x128xf32>, vector<10000x128xf32> -> vector<10000x128xf32>
    %get3A_6 = arith.constant 0 : index
    %get3A_7 = arith.constant 0 : index
    %get3A_8 = vector.load %arg2[%get3A_6, %get3A_7] : memref<1x128xf32, #tpu.memory_space<vmem>>, vector<1x128xf32>
    %add3A = vector.broadcast %get3A_8 : vector<1x128xf32> to vector<10000x128xf32>
    %add3A_9 = arith.addf %dot_general3A_5, %add3A : vector<10000x128xf32>
    %mul3A = arith.constant 0.001953125 : f32
    %mul3A_10 = vector.broadcast %mul3A : f32 to vector<10000x128xf32>
    %mul3A_11 = arith.mulf %add3A_9, %mul3A_10 : vector<10000x128xf32>
    %swap3A = arith.constant 0 : index
    %swap3A_12 = arith.constant 0 : index
    %swap3A_13 = vector.load %arg3[%swap3A, %swap3A_12] : memref<10000x128xf32, #tpu.memory_space<vmem>>, vector<10000x128xf32>
    tpu.vector_store %arg3[%swap3A, %swap3A_12], %mul3A_11 {strides = array<i32>} : memref<10000x128xf32, #tpu.memory_space<vmem>>, vector<10000x128xf32>,
    return
  }
}

</mosaic_0001>

<sc_bundles>
// kernel: kernel.4.cloned.1.call-start
scs
__scs_entry_jumppad:
0x0: {  	(pc) =	sbr.rel $0x88, $3  }
0x1: {  	(tag) =	ssettag $0x0;
	lr =	simm.s32 $0x1  }
0x2: {  	[smem:$0x3F9B] =	sst lr;
	_ =	strace $0xD0000000  }
0x3: {  	_ = 	snop  }
0x4: {  	_ = 	snop  }
0x5: {  	_ = 	snop  }
0x6: {  	_ = 	snop  }
0x7: {  	_ = 	snop  }
__scs_overlays_trampoline_lowered:
0x8: {  	[smem:$0x3FAA] =	sst s0  }
0x9: {  	[smem:$0x3FAB] =	sst s1  }
0xa: {  	[smem:$0x3FAC] =	sst s2  }
0xb: {  	[smem:$0x3FAD] =	sst s3  }
0xc: {  	[smem:$0x3FAE] =	sst s4  }
0xd: {  	[smem:$0x3FAF] =	sst s5  }
0xe: {  	[smem:$0x3FB0] =	sst s6  }
0xf: {  	[smem:$0x3FB1] =	sst s7  }
0x10: {  	[smem:$0x3FB2] =	sst s8  }
0x11: {  	[smem:$0x3FB3] =	sst s9;
	s0 =	simm.s32 @!p0 $0x0  }
0x12: {  	s1 =	sld [smem:$0x3F99];
	s0 =	simm.s32 @p0 $0x1  }
0x13: {  	[smem:$0x3FB4] =	sst s0;
	s0 =	simm.s32 @!p1 $0x0  }
0x14: {  	s2 =	sld [smem:$0x3F98];
	s0 =	simm.s32 @p1 $0x1  }
0x15: {  	[smem:$0x3FB5] =	sst s0;
	s0 =	simm.s32 @!p2 $0x0  }
0x16: {  	s3 =	sld [smem:$0x3FDB];
	s0 =	simm.s32 @p2 $0x1  }
0x17: {  	s4 =	simm.s32 $0x1BF5;
	[smem:$0x3FB7] =	sst s0  }
0x18: {  	s0 =	sld [smem:$0x3F9A];
	_ =	swait.ge [sflag:s4], $0x0  }
0x19: {  	s7 =	sld [smem:$0x3F9B]  }
0x1a: {  	s8 =	sadd.s32 $0xFFFFE003, lr  }
0x1b: {  	s9 =	sadd.s32 $0xFFFFFEF7, lr;
	s5 =	simm.s32 $0xFFFFFFFF;
	p2 =	slt.u32 s8, $0xFFFFF086  }
0x1c: {  	p1 =	slt.u32 s9, $0xF7A;
	s5 =	simm.s32 @!p2 $0x0  }
0x1d: {  	s5 =	simm.s32 @p1 $0x1;
	p0 =	seq.s32 s7, s2  }
0x1e: {  	s7 =	smul.u32 @!p0 $0xF7A, s2;
	p2 =	seq.s32 @!p0 s5, $0x0  }
0x1f: {  	s9 =	smul.u32 $0xF7A, s1;
	s8 =	simm.s32 @!p0 $0x1BF5;
	p2 =	por !p2, p0  }
0x20: {  	[sflag:s8] =	ssyncset.s32 @!p0 $0xFFFFF086;
	s6 =	sadd.s32 @!p0 s3, s7;
	s7 =	simm.s32 @!p0 $0x108  }
0x21: {  	s3 =	sadd.s32 s3, s9;
	s6 =	sadd.s32 @!p0 $0x88, s6;
	s7 =	simm.s32 @p2 $0x1082  }
0x22: {  	[simem:s7], [sflag:s8] =	dma.local @!p0 [hbm:s6], $0xF7A  }
0x23: {  	s9 =	sor.u32 $0xD0000000, s2;
	s6 =	simm.s32 $0x108;
	_ =	swait.ge @!p0 [sflag:s8], $0x0  }
0x24: {  	s3 =	sadd.s32 $0x88, s3;
	s6 =	simm.s32 @!p1 $0x1082;
	[sflag:s4] =	ssyncset.s32 $0xFFFFF086  }
0x25: {  	[simem:s6], [sflag:s4] =	dma.local [hbm:s3], $0xF7A  }
0x26: {  	[smem:$0x3F9B] =	sst s1;
	(tag) =	ssettag s2;
	_ =	strace s9  }
0x27: {  	s1 =	sld [smem:$0x3FAB]  }
0x28: {  	s2 =	sld [smem:$0x3FAC]  }
0x29: {  	s4 =	sld [smem:$0x3FAE]  }
0x2a: {  	p0 =	seq.s32 s5, $0x0;
	s5 =	sld [smem:$0x3FAF]  }
0x2b: {  	s6 =	sld [smem:$0x3FB0]  }
0x2c: {  	s7 =	sld [smem:$0x3FB1]  }
0x2d: {  	s3 =	simm.s32 $0x108;
	s8 =	sld [smem:$0x3FB2]  }
0x2e: {  	s3 =	simm.s32 @!p0 $0x1082;
	s9 =	sld [smem:$0x3FB3]  }
0x2f: {  	lr =	sadd.s32 s0, s3;
	s0 =	sld [smem:$0x3FAA]  }
0x30: {  	s3 =	sld [smem:$0x3FAD]  }
0x31: {  	[smem:$0x3FB6] =	sst s10  }
0x32: {  	s10 =	sld [smem:$0x3FB4];
	_ =	sdelay $0x3  }
0x33: {  	p0 =	seq.s32 s10, $0x1;
	s10 =	sld [smem:$0x3FB6];
	_ =	sdelay $0x3  }
0x34: {  	[smem:$0x3FB6] =	sst s10  }
0x35: {  	s10 =	sld [smem:$0x3FB5];
	_ =	sdelay $0x3  }
0x36: {  	p1 =	seq.s32 s10, $0x1;
	s10 =	sld [smem:$0x3FB6];
	_ =	sdelay $0x3  }
0x37: {  	[smem:$0x3FB6] =	sst s10  }
0x38: {  	s10 =	sld [smem:$0x3FB7]  }
0x39: {  	_ = 	snop;
	(pc) =	sbr.ind lr, $3  }
0x3a: {  	_ = 	snop  }
0x3b: {  	_ = 	snop  }
0x3c: {  	p2 =	seq.s32 s10, $0x1;
	s10 =	sld [smem:$0x3FB6]  }
0x3d: {  	_ =	shalt  }
0x3e: {  	_ =	shalt  }
0x3f: {  	_ =	shalt  }
0x40: {  	_ =	shalt  }
0x41: {  	_ =	shalt  }
0x42: {  	_ =	shalt  }
0x43: {  	_ =	shalt  }
0x44: {  	_ =	shalt  }
0x45: {  	_ =	shalt  }
0x46: {  	_ =	shalt  }
0x47: {  	_ =	shalt  }
0x48: {  	_ =	shalt  }
0x49: {  	_ =	shalt  }
0x4a: {  	_ =	shalt  }
0x4b: {  	_ =	shalt  }
0x4c: {  	_ =	shalt  }
0x4d: {  	_ =	shalt  }
0x4e: {  	_ =	shalt  }
0x4f: {  	_ =	shalt  }
0x50: {  	_ =	shalt  }
0x51: {  	_ =	shalt  }
0x52: {  	_ =	shalt  }
0x53: {  	_ =	shalt  }
0x54: {  	_ =	shalt  }
0x55: {  	_ =	shalt  }
0x56: {  	_ =	shalt  }
0x57: {  	_ =	shalt  }
0x58: {  	_ =	shalt  }
0x59: {  	_ =	shalt  }
0x5a: {  	_ =	shalt  }
0x5b: {  	_ =	shalt  }
0x5c: {  	_ =	shalt  }
0x5d: {  	_ =	shalt  }
0x5e: {  	_ =	shalt  }
0x5f: {  	_ =	shalt  }
0x60: {  	_ =	shalt  }
0x61: {  	_ =	shalt  }
0x62: {  	_ =	shalt  }
0x63: {  	_ =	shalt  }
0x64: {  	_ =	shalt  }
0x65: {  	_ =	shalt  }
0x66: {  	_ =	shalt  }
0x67: {  	_ =	shalt  }
0x68: {  	_ =	shalt  }
0x69: {  	_ =	shalt  }
0x6a: {  	_ =	shalt  }
0x6b: {  	_ =	shalt  }
0x6c: {  	_ =	shalt  }
0x6d: {  	_ =	shalt  }
0x6e: {  	_ =	shalt  }
0x6f: {  	_ =	shalt  }
0x70: {  	_ =	shalt  }
0x71: {  	_ =	shalt  }
0x72: {  	_ =	shalt  }
0x73: {  	_ =	shalt  }
0x74: {  	_ =	shalt  }
0x75: {  	_ =	shalt  }
0x76: {  	_ =	shalt  }
0x77: {  	_ =	shalt  }
0x78: {  	_ =	shalt  }
0x79: {  	_ =	shalt  }
0x7a: {  	_ =	shalt  }
0x7b: {  	_ =	shalt  }
0x7c: {  	_ =	shalt  }
0x7d: {  	_ =	shalt  }
0x7e: {  	_ =	shalt  }
0x7f: {  	_ =	shalt  }
0x80: {  	_ =	shalt  }
0x81: {  	_ =	shalt  }
0x82: {  	_ =	shalt  }
0x83: {  	_ =	shalt  }
0x84: {  	_ =	shalt  }
0x85: {  	_ =	shalt  }
0x86: {  	_ =	shalt  }
0x87: {  	_ =	shalt  }
.Lfunc_end0:
.L_simem_size_0:
called_computation_lowered:
.L_overlay_start_0:
0x88: {  	s2 =	sld [smem:$0x3FD9]  }
0x89: {  	s3 =	sld [smem:$0x3FFE];
	_ =	sdelay $0x1  }
0x8a: {  	s1 =	srdreg.scid  }
0x8b: {  	s0 =	sand.u32 $0x1, s1  }
0x8c: {  	s17 =	sshll.u32 s0, $0xA;
	s2 =	sadd.s32 s3, s2  }
0x8d: {  	s2 =	sadd.s32 s2, s17  }
0x8e: {  	[smem:$0x3FC2] =	sst s2  }
0x8f: {  	_ = 	snop  }
0x90: {  	s2 =	sld [smem:$0x3FC9]  }
0x91: {  	s18 =	sld [smem:$0x3FD0];
	(tm) =	ssettm $0x1  }
0x92: {  	s4 =	sld [smem:$0x3FFB];
	_ =	sdelay $0x3  }
0x93: {  	_ =	strace s4  }
0x94: {  	s4 =	sld [smem:$0x3FFC];
	_ =	sdelay $0x3  }
0x95: {  	_ =	strace s4  }
0x96: {  	s4 =	sld [smem:$0x3FFD];
	_ =	sdelay $0x3  }
0x97: {  	_ =	strace s4  }
0x98: {  	_ =	strace $0x8FFFFFFF  }
0x99: {  	s19 =	sld [smem:$0x3FDB];
	_ =	sdelay $0x1  }
0x9a: {  	s5 =	simm.s32 $_scs_section_size  }
0x9b: {  	s6 =	simm.s32 $_size__tile_overlayer_lowered;
	s7 =	simm.s32 $_tile_overlayer_lowered  }
0x9c: {  	s22 =	simm.s32 $0x1BFF;
	s21 =	sshll.u32 s7, $0x1;
	s4 =	sadd.s32 s5, s19  }
0x9d: {  	s8 =	simm.s32 $0x0;
	s20 =	sshll.u32 s6, $0x1;
	s6 =	sadd.s32 s21, s4  }
0x9e: {  	[timem:s8], [sflag:s22] =	dma.local [hbm:s6], s20  }
0x9f: {  	_ =	swait.ge [sflag:s22], s20  }
0xa0: {  	s5 =	ssub.s32 $0x0, s20;
	[sflag:s22] =	ssyncset.done $0x0  }
0xa1: {  	[sflag:s22] =	ssyncadd.s32 s5;
	_ =	sdelay $0x1  }
0xa2: {  	s23 =	simm.s32 $0x1B8B  }
0xa3: {  	_ =	swait.ge [sflag:s23], $0x1  }
0xa4: {  	[sflag:s23] =	ssyncset.done $0x0  }
0xa5: {  	s25 =	simm.s32 $0x1B8E;
	s24 =	sld [smem:$0x3FFE];
	[sflag:s23] =	ssyncadd.s32 $0xFFFFFFFF  }
0xa6: {  	s26 =	simm.s32 $execute0_lowered;
	[smem:$0x3FD2] =	sst s25  }
0xa7: {  	s6 =	sshll.u32 s26, $0x1;
	_ =	strace $0x80000046;
	[dreg:$0x1] =	wrdreg $0xFFFFFFFF  }
0xa8: {  	s28 =	simm.s32 $_size_execute0_lowered;
	s4 =	sadd.s32 s4, s6;
	[dreg:$0x0] =	wrdreg $0x0  }
0xa9: {  	s6 =	sshll.u32 s28, $0x1;
	[dreg:$0x2] =	wrdreg s4  }
0xaa: {  	[dreg:$0x3] =	wrdreg s6  }
0xab: {  	[dreg:$0x4] =	wrdreg $0xC0  }
0xac: {  	_ =	task [dreg:s8], $0x5FFFF  }
0xad: {  	[dreg:$0x1] =	wrdreg $0xFFFFFFFF  }
0xae: {  	[dreg:$0x0] =	wrdreg $0x60  }
0xaf: {  	[dreg:$0x2] =	wrdreg s24  }
0xb0: {  	[dreg:$0x3] =	wrdreg s2  }
0xb1: {  	[dreg:$0x4] =	wrdreg s18  }
0xb2: {  	[dreg:$0x5] =	wrdreg $0x0  }
0xb3: {  	[dreg:$0x6] =	wrdreg $0x9  }
0xb4: {  	_ =	task.clear_ibuf [dreg:s8], $0x7FFFF;
	_ =	strace $0x90000046  }
0xb5: {  	s29 =	simm.s32 $0x9;
	_ =	strace $0x80000048  }
0xb6: {  	_ =	swait.ge [sflag:s29], $0x1  }
0xb7: {  	[sflag:s29] =	ssyncadd.s32 $0xFFFFFFFF  }
0xb8: {  	_ =	strace $0x90000048  }
0xb9: {  	_ =	sfence  }
0xba: {  	s30 =	sld [smem:$0x0];
	_ =	sdelay $0x2  }
0xbb: {  	s31 =	sshll.u32 s1, $0xD;
	s1 =	sshrl.u32 s1, $0x2  }
0xbc: {  	s3 =	sand.u32 $0x4000, s31;
	s1 =	sadd.s32 s1, s30  }
0xbd: {  	s0 =	sor.u32 s3, s0;
	s1 =	sshll.u32 s1, $0x11  }
0xbe: {  	s0 =	sor.u32 s1, s0  }
0xbf: {  	s0 =	sadd.s32 $0x8F2B, s0  }
0xc0: {  	[sflag:s0] =	ssyncadd.remote.s32 $0x1  }
0xc1: {  	_ =	sfence.sel $0xFFFF  }
0xc2: {  	[dreg:$0x0] =	wrdreg $0xFFFFFFFF;
	(pc) =	sbr.abs _section_cstart, $3  }
0xc3: {  	[dreg:$0x1] =	wrdreg $0xFFFFFFFF  }
0xc4: {  	_ =	task.clear_ibuf [dreg:s8], $0x2FFFF;
	_ =	strace $0x9FFFFFFF  }
0xc5: {  	(tm) =	ssettm $0x7FFFFFFF  }
tec
execute0_lowered:
.L_overlay_start_1:
0x0: {  	(tag) =	ssettag $0x1  }
0x1: {  	s0 =	rddreg [dreg:$0x0]  }
0x2: {  	s13 =	rddreg [dreg:$0x1]  }
0x3: {  	s14 =	rddreg [dreg:$0x2]  }
0x4: {  	s4 =	rddreg [dreg:$0x3];
	s12 =	stileid.u32;
	s5 =	simm.s32 $0x0  }
0x5: {  	s2 =	srdreg.scid;
	s28 =	simm.s32 $0x17B00;
	s31 =	simm.s32 $0x1  }
0x6: {  	s29 =	simm.s32 $0x5;
	s1 =	smul.u32 $0x2780, s12;
	[smem:$0x7FF] =	sst s5  }
0x7: {  	s6 =	sadd.s32 $0x5400, s0;
	s2 =	sand.u32 $0x1, s2;
	s3 =	sshll.u32 s12, $0x1  }
0x8: {  	s21 =	smul.u32 $0x4F000, s12;
	s7 =	sadd.s32 $0x400, s0;
	s8 =	sadd.s32 $0xA400, s0  }
0x9: {  	_ =	strace $0x80000047;
	s9 =	ssub.s32 $0x2, s2;
	s2 =	sor.u32 s2, s3  }
0xa: {  	s1 =	sadd.s32 s1, s0;
	s0 =	sadd.s32 $0x3E080, s0;
	s24 =	smul.u32 $0x13880, s2  }
0xb: {  	s16 =	smul.u32 $0x9C400, s2;
	s1 =	sadd.s32 $0x19000, s1;
	[dreg:$0x6] =	wrdreg s0  }
0xc: {  	s30 =	simm.s32 $0x3;
	s11 =	smul.u32 $0x1388, s2;
	[dreg:$0x5] =	wrdreg s1  }
0xd: {  	p0 =	seq.s32 s12, $0xF;
	s0 =	sadd.s32 s13, s24;
	[dreg:$0xc] =	wrdreg s16  }
0xe: {  	s12 =	simm.s32 $0x2;
	s26 =	sadd.s32 $0x20, s11;
	[dreg:$0xb] =	wrdreg s0  }
0xf: {  	s22 =	sshrl.u32 s11, $0x3;
	s19 =	sadd.s32 $0x40, s11;
	[dreg:$0xa] =	wrdreg s26  }
0x10: {  	s10 =	sshrl.u32 s9, $0x1;
	s23 =	sadd.s32 s6, s22;
	[dreg:$0x10] =	wrdreg s19  }
0x11: {  	s3 =	sshrl.u32 s21, $0x2;
	s25 =	sadd.s32 s7, s22;
	[dreg:$0x7] =	wrdreg s23  }
0x12: {  	s15 =	sadd.s32 s8, s22;
	s22 =	sadd.s32 $0x60, s11;
	[dreg:$0x8] =	wrdreg s25  }
0x13: {  	s9 =	ssub.s32 s9, s10;
	s10 =	sshrl.u32 s26, $0x3;
	[dreg:$0x11] =	wrdreg s22  }
0x14: {  	s2 =	simm.s32 $0x0;
	s17 =	sadd.s32 s6, s10;
	[dreg:$0x9] =	wrdreg s15  }
0x15: {  	s21 =	sadd.s32 $0x1380, s11;
	s18 =	sadd.s32 s7, s10;
	[dreg:$0xd] =	wrdreg s17  }
0x16: {  	s24 =	sshrl.u32 s21, $0x3;
	s0 =	sadd.s32 s8, s10;
	[dreg:$0xe] =	wrdreg s18  }
0x17: {  	s3 =	sadd.s32 s3, s4;
	s25 =	sadd.s32 s6, s24;
	[dreg:$0xf] =	wrdreg s0  }
0x18: {  	s20 =	sshrl.u32 s16, $0x3;
	s26 =	sadd.s32 s7, s24;
	[dreg:$0x12] =	wrdreg s25  }
0x19: {  	s23 =	sadd.s32 $0x13600, s20;
	s10 =	sadd.s32 s8, s24;
	[dreg:$0x13] =	wrdreg s26  }
0x1a: {  	s19 =	sadd.s32 $0x4E20, s15;
	s22 =	sadd.s32 $0x9C40, s15;
	[dreg:$0x14] =	wrdreg s10  }
0x1b: {  	s24 =	sadd.s32 $0x9C44, s15;
	s0 =	sadd.s32 s14, s20;
	[dreg:$0x1d] =	wrdreg s19  }
0x1c: {  	s10 =	sshll.u32 s21, $0x4;
	s11 =	sadd.s32 s13, s23;
	[dreg:$0x1e] =	wrdreg s22  }
0x1d: {  	s16 =	sadd.s32 s14, s23;
	s20 =	smov.u32 s13;
	[smem:$0x7FB] =	sst s24  }
0x1e: {  	s21 =	smov.u32 s14;
	s18 =	smax.u32 s9, $0x1;
	[dreg:$0x16] =	wrdreg s11  }
0x1f: {  	s23 =	sadd.s32 $0x4E24, s15;
	s25 =	sadd.s32 $0x5090, s15;
	[dreg:$0x17] =	wrdreg s16  }
0x20: {  	s26 =	sadd.s32 $0x9EB0, s15;
	s19 =	simm.s32 $0x13900;
	[dreg:$0x1a] =	wrdreg s18  }
0x21: {  	s15 =	simm.s32 $0x7;
	s22 =	simm.s32 $0x4;
	[dreg:$0x1f] =	wrdreg s23  }
0x22: {  	s0 =	sadd.s32 $0x13400, s0;
	s17 =	sadd.s32 s13, s10;
	[smem:$0x7FC] =	sst s25  }
0x23: {  	[smem:$0x7FD] =	sst s26;
	s18 =	simm.s32 $0x13880;
	s25 =	simm.s32 $0x1000  }
0x24: {  	s26 =	simm.s32 $0x1388000;
	[dreg:$0x15] =	wrdreg s0;
	s0 =	sadd.s32 s14, s10  }
0x25: {  	s11 =	simm.s32 $0x13920;
	[dreg:$0x19] =	wrdreg s0;
	s0 =	sadd.s32 $0x128400, s4  }
0x26: {  	s13 =	simm.s32 $0x1AB00;
	[dreg:$0x18] =	wrdreg s17;
	s0 =	sshrl.u32 @p0 s0, $0x3  }
0x27: {  	s10 =	simm.s32 $0x138A0;
	[dreg:$0x1b] =	wrdreg s0;
	s0 =	sshrl.u32 @!p0 s3, $0x3  }
0x28: {  	s17 =	simm.s32 $0x6;
	[dreg:$0x1c] =	wrdreg s0;
	s0 =	simm.s32 $0x20  }
.LBB2_1:
0x29: {  	[smem:$0x7FA] =	sst s2  }
0x2a: {  	s2 =	rddreg [dreg:$0x6]  }
0x2b: {  	s1 =	simm.s32 @p0 $0x1FC9;
	s3 =	rddreg [dreg:$0x1b]  }
0x2c: {  	[spmem:s3], [sflag:s1] =	dma.local @p0 [hbm:s2], $0x2080  }
0x2d: {  	s1 =	simm.s32 @p0 $0x9  }
0x2e: {  	s2 =	stileid.u32;
	_ =	swait.ge @p0 [sflag:s1], $0x2080  }
0x2f: {  	s2 =	sshll.u32 @!p0 s2, $0x6;
	[sflag:s1] =	ssyncset.done @p0 $0x0;
	s3 =	rddreg [dreg:$0x1c]  }
0x30: {  	[sflag:s1] =	ssyncadd.s32 @p0 $0xFFFFDF80;
	s1 =	sor.u32 @!p0 $0x1C09, s2;
	s2 =	rddreg [dreg:$0x5]  }
0x31: {  	[spmem:s3], [sflag:s1] =	dma.local @!p0 [hbm:s2], $0x2780  }
0x32: {  	s1 =	simm.s32 @!p0 $0x9  }
0x33: {  	_ =	swait.ge @!p0 [sflag:s1], $0x2780  }
0x34: {  	[sflag:s1] =	ssyncset.done @!p0 $0x0  }
0x35: {  	[sflag:s1] =	ssyncadd.s32 @!p0 $0xFFFFD880  }
0x36: {  	[bflag:$0x0] =	sbarrier.arrive $0xFFFF  }
0x37: {  	s3 =	rddreg [dreg:$0x7]  }
0x38: {  	[tilespmem:s18], [sflag:$0x1] =	stream.linear.gather [hbm4b:s3+s5], $0x20, $0x38;
	[tilespmem:$0x1DB00] =	vst v63  }
0x39: {  	s9 =	rddreg [dreg:$0x8]  }
0x3a: {  	[tilespmem:s19], [sflag:$0x1] =	stream.linear.gather [hbm4b:s9+s5], $0x20, $0x38;
	[tilespmem:$0x1DB00] =	vst v63  }
0x3b: {  	s16 =	simm.s32 $0x13980;
	s14 =	rddreg [dreg:$0x9]  }
0x3c: {  	[tilespmem:s16], [sflag:$0x1] =	stream.linear.gather [hbm4b:s14+s5], $0x20, $0x38;
	[tilespmem:$0x1DB00] =	vst v63  }
0x3d: {  	s24 =	simm.s32 $0x139B0;
	s23 =	rddreg [dreg:$0x1d]  }
0x3e: {  	[tilespmem:s24], [sflag:$0x1] =	stream.linear.gather [hbm4b:s23+s5], $0x20, $0x38;
	[tilespmem:$0x1DB00] =	vst v63  }
0x3f: {  	s3 =	rddreg [dreg:$0x1e];
	s9 =	simm.s32 $0x139E0  }
0x40: {  	[tilespmem:s9], [sflag:$0x1] =	stream.linear.gather [hbm4b:s3+s5], $0x20, $0x38;
	[tilespmem:$0x1DB00] =	vst v63  }
0x41: {  	s14 =	rddreg [dreg:$0xb]  }
0x42: {  	[tilespmem:s28], [sflag:$0x5] =	stream.strided.gather [hbm4b:s14+s25], $0x3000, s26, s25, $0x38;
	[tilespmem:$0x1DB00] =	vst v63  }
0x43: {  	_ =	swait.ge [sflag:s31], $0x20  }
0x44: {  	[sflag:s31] =	ssyncset.done $0x0  }
0x45: {  	[sflag:s31] =	ssyncadd.s32 $0xFFFFFFE0  }
0x46: {  	_ =	swait.ge [sflag:s31], $0x20  }
0x47: {  	[sflag:s31] =	ssyncset.done $0x0  }
0x48: {  	[sflag:s31] =	ssyncadd.s32 $0xFFFFFFE0  }
0x49: {  	_ =	swait.ge [sflag:s31], $0x20  }
0x4a: {  	[sflag:s31] =	ssyncset.done $0x0  }
0x4b: {  	[sflag:s31] =	ssyncadd.s32 $0xFFFFFFE0  }
0x4c: {  	_ =	swait.ge [sflag:s31], $0x20  }
0x4d: {  	[sflag:s31] =	ssyncset.done $0x0  }
0x4e: {  	[sflag:s31] =	ssyncadd.s32 $0xFFFFFFE0  }
0x4f: {  	_ =	swait.ge [sflag:s31], $0x20  }
0x50: {  	[sflag:s31] =	ssyncset.done $0x0  }
0x51: {  	s16 =	simm.s32 $0x13B00;
	[sflag:s31] =	ssyncadd.s32 $0xFFFFFFE0  }
0x52: {  	[tilespmem:s16], [sflag:$0x3] =	stream.indirect.gather [spmem:s4], $0x80, s18, s0, $0xb8;
	[tilespmem:$0x1DB00] =	vst v63  }
0x53: {  	s23 =	simm.s32 $0x15B00;
	s24 =	rddreg [dreg:$0xd]  }
0x54: {  	[tilespmem:s23], [sflag:$0x3] =	stream.indirect.gather [spmem:s4], $0x80, s19, s0, $0xb8;
	[tilespmem:$0x1DB00] =	vst v63  }
0x55: {  	s2 =	rddreg [dreg:$0xe]  }
0x56: {  	[tilespmem:s10], [sflag:$0x2] =	stream.linear.gather [hbm4b:s24+s5], $0x20, $0x38;
	[tilespmem:$0x1DB00] =	vst v63  }
0x57: {  	s3 =	rddreg [dreg:$0xf]  }
0x58: {  	[tilespmem:s11], [sflag:$0x2] =	stream.linear.gather [hbm4b:s2+s5], $0x20, $0x38;
	[tilespmem:$0x1DB00] =	vst v63  }
0x59: {  	s9 =	simm.s32 $0x13A10;
	s14 =	rddreg [dreg:$0x1f]  }
0x5a: {  	[tilespmem:s9], [sflag:$0x2] =	stream.linear.gather [hbm4b:s3+s5], $0x20, $0x38;
	[tilespmem:$0x1DB00] =	vst v63  }
0x5b: {  	s16 =	simm.s32 $0x13A40;
	s23 =	sld [smem:$0x7FB]  }
0x5c: {  	[tilespmem:s16], [sflag:$0x2] =	stream.linear.gather [hbm4b:s14+s5], $0x20, $0x38;
	[tilespmem:$0x1DB00] =	vst v63  }
0x5d: {  	s24 =	simm.s32 $0x13A70  }
0x5e: {  	[tilespmem:s24], [sflag:$0x2] =	stream.linear.gather [hbm4b:s23+s5], $0x20, $0x38;
	[tilespmem:$0x1DB00] =	vst v63  }
0x5f: {  	s23 =	simm.s32 $0x0  }
.LBB2_2:
0x60: {  	p1 =	seq.s32 s23, $0x0  }
0x61: {  	s2 =	simm.s32 @!p1 $0x8  }
0x62: {  	_ =	swait.ge @!p1 [sflag:s2], $0x3000  }
0x63: {  	s1 =	sshll.u32 s23, $0x6;
	s3 =	rddreg [dreg:$0xa]  }
0x64: {  	s3 =	sadd.s32 s1, s3  }
0x65: {  	[sflag:s2] =	ssyncset.done @!p1 $0x0;
	s24 =	sshll.u32 s3, $0x4  }
0x66: {  	[sflag:s2] =	ssyncadd.s32 @!p1 $0xFFFFD000;
	s9 =	sadd.s32 s20, s24  }
0x67: {  	[tilespmem:s13], [sflag:$0x6] =	stream.strided.gather [hbm4b:s9+s25], $0x3000, s26, s25, $0x38;
	[tilespmem:$0x1DB00] =	vst v63  }
0x68: {  	_ =	swait.ge [sflag:s29], $0x3000  }
0x69: {  	[sflag:s29] =	ssyncset.done $0x0  }
0x6a: {  	[sflag:s29] =	ssyncadd.s32 $0xFFFFD000  }
0x6b: {  	_ =	swait.ge [sflag:s30], $0x1000  }
0x6c: {  	[sflag:s30] =	ssyncset.done $0x0  }
0x6d: {  	[sflag:s30] =	ssyncadd.s32 $0xFFFFF000  }
0x6e: {  	_ =	swait.ge [sflag:s30], $0x1000  }
0x6f: {  	[sflag:s30] =	ssyncset.done $0x0  }
0x70: {  	[sflag:s30] =	ssyncadd.s32 $0xFFFFF000  }
0x71: {  	_ =	swait.ge [sflag:s12], $0x20  }
0x72: {  	[sflag:s12] =	ssyncset.done $0x0  }
0x73: {  	[sflag:s12] =	ssyncadd.s32 $0xFFFFFFE0  }
0x74: {  	_ =	swait.ge [sflag:s12], $0x20  }
0x75: {  	[sflag:s12] =	ssyncset.done $0x0  }
0x76: {  	[sflag:s12] =	ssyncadd.s32 $0xFFFFFFE0  }
0x77: {  	_ =	swait.ge [sflag:s12], $0x20  }
0x78: {  	[sflag:s12] =	ssyncset.done $0x0  }
0x79: {  	[sflag:s12] =	ssyncadd.s32 $0xFFFFFFE0  }
0x7a: {  	_ =	swait.ge [sflag:s12], $0x20  }
0x7b: {  	[sflag:s12] =	ssyncset.done $0x0  }
0x7c: {  	[sflag:s12] =	ssyncadd.s32 $0xFFFFFFE0  }
0x7d: {  	_ =	swait.ge [sflag:s12], $0x20  }
0x7e: {  	[sflag:s12] =	ssyncset.done $0x0  }
0x7f: {  	s14 =	simm.s32 $0x14B00;
	[sflag:s12] =	ssyncadd.s32 $0xFFFFFFE0  }
0x80: {  	[tilespmem:s14], [sflag:$0x4] =	stream.indirect.gather [spmem:s4], $0x80, s10, s0, $0xb8;
	[tilespmem:$0x1DB00] =	vst v63  }
0x81: {  	s16 =	simm.s32 $0x16B00;
	s9 =	simm.s32 $0x0  }
0x82: {  	[tilespmem:s16], [sflag:$0x4] =	stream.indirect.gather [spmem:s4], $0x80, s11, s0, $0xb8;
	[tilespmem:$0x1DB00] =	vst v63  }
0x83: {  	v10 =	vld [tilespmem:s9+$0x18B20]  }
0x84: {  	v11 =	vld [tilespmem:s9+$0x15B00]  }
0x85: {  	v7 =	vld [tilespmem:s9+$0x18B10]  }
0x86: {  	v13 =	vld [tilespmem:s9+$0x19B10]  }
0x87: {  	v4 =	vld [tilespmem:s9+$0x19B40]  }
0x88: {  	v8 =	vld [tilespmem:s9+$0x18B00]  }
0x89: {  	v14 =	vld [tilespmem:s9+$0x13B00]  }
0x8a: {  	v9 =	vld [tilespmem:s9+$0x18B60]  }
0x8b: {  	v12 =	vld [tilespmem:s9+$0x18B70]  }
0x8c: {  	v15 =	vld [tilespmem:s9+$0x19B50]  }
0x8d: {  	v16 =	vld [tilespmem:s9+$0x19B60]  }
0x8e: {  	v17 =	vld [tilespmem:s9+$0x19B00]  }
0x8f: {  	v0 =	vld [tilespmem:s9+$0x15B70]  }
0x90: {  	v3 =	vld [tilespmem:s9+$0x13B70]  }
0x91: {  	v5 =	vld [tilespmem:s9+$0x15B60]  }
0x92: {  	v18 =	vld [tilespmem:s9+$0x13B60]  }
0x93: {  	v19 =	vld [tilespmem:s9+$0x15B50]  }
0x94: {  	v20 =	vld [tilespmem:s9+$0x13B50]  }
0x95: {  	s2 =	simm.s32 $0x139B0;
	v21 =	vld [tilespmem:s9+$0x15B40]  }
0x96: {  	v1 =	vld.msk [tilespmem:s2+$0x30 ss:$0x0], $0xffff  }
0x97: {  	v23 =	vld [tilespmem:s9+$0x19B70]  }
0x98: {  	v22 =	vld [tilespmem:s9+$0x13B40]  }
0x99: {  	v24 =	vld [tilespmem:s9+$0x15B30]  }
0x9a: {  	v2 =	vld.msk [tilespmem:s2+$0x0 ss:$0x0], $0xffff  }
0x9b: {  	v25 =	vld [tilespmem:s9+$0x13B30];
	v6 =	vsub.f32 v3, v0  }
0x9c: {  	v26 =	vld [tilespmem:s9+$0x15B20];
	v0 =	vsub.f32 v20, v19;
	v20 =	vmul.f32 $5.000000000e-01, v23;
	v8 =	vmul.f32 $5.000000000e-01, v8  }
0x9d: {  	v27 =	vld [tilespmem:s9+$0x15B10];
	v5 =	vsub.f32 v18, v5;
	v18 =	vmul.f32 $5.000000000e-01, v17;
	v23 =	vmul.f32 $5.000000000e-01, v4  }
0x9e: {  	v28 =	vld [tilespmem:s9+$0x13B20];
	v31 =	vmul.f32 $5.000000000e-01, v12;
	v33 =	vmul.f32 $5.000000000e-01, v9  }
0x9f: {  	v29 =	vld [tilespmem:s9+$0x13B10];
	v30 =	vsub.f32 v22, v21;
	v15 =	vmul.f32 $5.000000000e-01, v15;
	v12 =	vmul.f32 $5.000000000e-01, v16  }
0xa0: {  	v19 =	vld [tilespmem:s9+$0x19B20];
	v9 =	vsub.f32 v25, v24;
	v62 =	vmul.f32 $5.000000000e-01, v7;
	v21 =	vmul.f32 v6, v1  }
0xa1: {  	v22 =	vld [tilespmem:s9+$0x19B30];
	v36 =	vmul.f32 $5.000000000e-01, v13;
	v37 =	vsub.f32 v14, v11;
	v17 =	vmul.f32 v30, v1  }
0xa2: {  	v32 =	vld [tilespmem:s9+$0x17B20];
	v38 =	vmul.f32 $5.000000000e-01, v10;
	v34 =	vmul.f32 v5, v2;
	v20 =	vadd.f32 v20, v21  }
0xa3: {  	v4 =	vld.msk [tilespmem:s2+$0xFFFFFFD0 ss:$0x0], $0xffff;
	v16 =	vmul.f32 v9, v1;
	v21 =	vmul.f32 v0, v1;
	v17 =	vadd.f32 v23, v17  }
0xa4: {  	v35 =	vld [tilespmem:s9+$0x17B40];
	v7 =	vmul.f32 v9, v2;
	v23 =	vmul.f32 v6, v2;
	[tilespmem:s9+$0x19B70] =	vst v20;
	v20 =	vadd.f32 v33, v34  }
0xa5: {  	v63 =	vld [tilespmem:s9+$0x17B50];
	v10 =	vmul.f32 v30, v2;
	v11 =	vmul.f32 $5.000000000e-01, v19;
	[tilespmem:s9+$0x19B40] =	vst v17;
	v13 =	vadd.f32 v15, v21  }
0xa6: {  	v22 =	vmul.f32 $5.000000000e-01, v22;
	v14 =	vadd.f32 v31, v23;
	v21 =	vmul.f32 v37, v1;
	[tilespmem:s9+$0x18B60] =	vst v20  }
0xa7: {  	v39 =	vld [tilespmem:s9+$0x17B10];
	v17 =	vmul.f32 v5, v1;
	v20 =	vsub.f32 v29, v27;
	[tilespmem:s9+$0x19B50] =	vst v13;
	v13 =	vsub.f32 v28, v26  }
0xa8: {  	v3 =	vld [tilespmem:s9+$0x18B30];
	[tilespmem:s9+$0x18B70] =	vst v14;
	v29 =	vadd.f32 v18, v21;
	v21 =	vmul.f32 $5.000000000e-01, v32;
	v14 =	vmul.f32 v30, v4  }
0xa9: {  	v24 =	vld [tilespmem:s9+$0x17B70];
	v27 =	vmul.f32 $5.000000000e-01, v35;
	v32 =	vmul.f32 v37, v2  }
0xaa: {  	v15 =	vld [tilespmem:s9+$0x17B30];
	v18 =	vmul.f32 $5.000000000e-01, v63;
	v26 =	vmul.f32 v13, v2  }
0xab: {  	v23 =	vld [tilespmem:s9+$0x17B60];
	v28 =	vmul.f32 v20, v2;
	v19 =	vmul.f32 v20, v1  }
0xac: {  	v25 =	vmul.f32 v13, v4;
	[tilespmem:s9+$0x19B00] =	vst v29;
	v29 =	vmul.f32 $5.000000000e-01, v39;
	v31 =	vadd.f32 v38, v26;
	v26 =	vld [tilespmem:s9+$0x18B40]  }
0xad: {  	s3 =	simm.s32 $0x200;
	v30 =	vadd.f32 v36, v19;
	v19 =	vmul.f32 v37, v4;
	v33 =	vadd.f32 v62, v28;
	v28 =	vld [tilespmem:s9+$0x18B50]  }
.LBB2_3:
0xae: {  	s16 =	smov.u32 s3  }
0xaf: {  	s14 =	sshra.s32 s3, $0x2;
	v34 =	vld [tilespmem:s9+$0x17B00];
	v8 =	vadd.f32 v8, v32;
	[tilespmem:s9+$0x18B20] =	vst v31;
	v9 =	vmul.f32 v9, v4;
	v27 =	vadd.f32 v14, v27;
	s2 =	sadd.s32 $0x1, s2;
	s16 =	sadd.s32 $0x200, s3  }
0xb0: {  	p1 =	sne.s32 s3, $0x3E00;
	v31 =	vmul.f32 $5.000000000e-01, v15;
	v12 =	vadd.f32 v12, v17;
	v6 =	vmul.f32 v6, v4;
	v14 =	vld [tilespmem:s14+$0x18B20];
	[tilespmem:s9+$0x18B10] =	vst v33  }
0xb1: {  	v17 =	vmul.f32 v20, v4;
	v16 =	vadd.f32 v22, v16;
	v5 =	vmul.f32 v5, v4;
	v15 =	vld [tilespmem:s14+$0x15B00];
	[tilespmem:s9+$0x19B10] =	vst v30  }
0xb2: {  	v9 =	vadd.f32 v9, v31;
	v22 =	vmul.f32 $5.000000000e-01, v23;
	v20 =	vld [tilespmem:s14+$0x18B10];
	[tilespmem:s9+$0x19B60] =	vst v12;
	v12 =	vmul.f32 $5.000000000e-01, v24  }
0xb3: {  	v21 =	vadd.f32 v25, v21;
	v17 =	vadd.f32 v17, v29;
	v23 =	vld [tilespmem:s14+$0x19B10];
	[tilespmem:s9+$0x19B30] =	vst v16;
	v16 =	vmul.f32 $5.000000000e-01, v28  }
0xb4: {  	v5 =	vadd.f32 v5, v22;
	v24 =	vld [tilespmem:s14+$0x19B40];
	[tilespmem:s9+$0x18B00] =	vst v8;
	v8 =	vmul.f32 $5.000000000e-01, v26;
	v6 =	vadd.f32 v6, v12  }
0xb5: {  	v1 =	vmul.f32 v13, v1;
	v2 =	vmul.f32 v0, v2;
	v12 =	vld [tilespmem:s14+$0x18B00];
	[tilespmem:s9+$0x17B10] =	vst v17  }
0xb6: {  	v0 =	vmul.f32 v0, v4;
	v17 =	vmul.f32 $5.000000000e-01, v34;
	v13 =	vld [tilespmem:s14+$0x13B00];
	[tilespmem:s9+$0x17B20] =	vst v21;
	v8 =	vadd.f32 v8, v10  }
0xb7: {  	v3 =	vmul.f32 $5.000000000e-01, v3;
	v1 =	vadd.f32 v11, v1;
	v2 =	vadd.f32 v16, v2;
	v4 =	vld [tilespmem:s14+$0x18B60];
	[tilespmem:s9+$0x17B70] =	vst v6  }
0xb8: {  	v0 =	vadd.f32 v0, v18;
	v6 =	vadd.f32 v19, v17;
	v10 =	vld [tilespmem:s14+$0x18B70];
	[tilespmem:s9+$0x18B40] =	vst v8  }
0xb9: {  	v3 =	vadd.f32 v3, v7;
	v11 =	vld [tilespmem:s14+$0x19B50];
	[tilespmem:s9+$0x18B50] =	vst v2  }
0xba: {  	v7 =	vld [tilespmem:s14+$0x19B60];
	[tilespmem:s9+$0x19B20] =	vst v1  }
0xbb: {  	v16 =	vld [tilespmem:s14+$0x19B00];
	[tilespmem:s9+$0x17B60] =	vst v5  }
0xbc: {  	v2 =	vld [tilespmem:s14+$0x15B70];
	[tilespmem:s9+$0x17B40] =	vst v27  }
0xbd: {  	v5 =	vld [tilespmem:s14+$0x13B70];
	[tilespmem:s9+$0x17B30] =	vst v9  }
0xbe: {  	v8 =	vld [tilespmem:s14+$0x15B60];
	[tilespmem:s9+$0x17B00] =	vst v6  }
0xbf: {  	v9 =	vld [tilespmem:s14+$0x13B60];
	[tilespmem:s9+$0x18B30] =	vst v3  }
0xc0: {  	v3 =	vld [tilespmem:s14+$0x15B50];
	[tilespmem:s9+$0x17B50] =	vst v0;
	s9 =	smov.u32 s14  }
0xc1: {  	v0 =	vld [tilespmem:s9+$0x13B50]  }
0xc2: {  	v17 =	vld [tilespmem:s9+$0x15B40]  }
0xc3: {  	v1 =	vld.msk [tilespmem:s2+$0x30 ss:$0x0], $0xffff  }
0xc4: {  	v6 =	vsub.f32 v5, v2;
	v18 =	vld [tilespmem:s9+$0x13B40]  }
0xc5: {  	v19 =	vld [tilespmem:s9+$0x19B70]  }
0xc6: {  	v21 =	vld [tilespmem:s9+$0x15B30];
	v0 =	vsub.f32 v0, v3  }
0xc7: {  	v5 =	vsub.f32 v9, v8;
	v2 =	vld.msk [tilespmem:s2+$0x0 ss:$0x0], $0xffff  }
0xc8: {  	v25 =	vmul.f32 $5.000000000e-01, v16;
	v8 =	vmul.f32 $5.000000000e-01, v12;
	v3 =	vld [tilespmem:s9+$0x13B30]  }
0xc9: {  	v27 =	vmul.f32 $5.000000000e-01, v10;
	v26 =	vmul.f32 v0, v1;
	v22 =	vld [tilespmem:s9+$0x15B20];
	v18 =	vsub.f32 v18, v17  }
0xca: {  	v11 =	vmul.f32 $5.000000000e-01, v11;
	v10 =	vld [tilespmem:s9+$0x15B10];
	v16 =	vmul.f32 $5.000000000e-01, v19  }
0xcb: {  	v12 =	vmul.f32 $5.000000000e-01, v7;
	v19 =	vld [tilespmem:s9+$0x13B20];
	v28 =	vmul.f32 v18, v1  }
0xcc: {  	v30 =	vmul.f32 $5.000000000e-01, v4;
	v4 =	vmul.f32 v6, v1;
	v29 =	vld [tilespmem:s9+$0x13B10]  }
0xcd: {  	v7 =	vmul.f32 $5.000000000e-01, v24;
	v31 =	vld [tilespmem:s9+$0x19B20];
	v9 =	vsub.f32 v3, v21;
	v21 =	vmul.f32 v6, v2  }
0xce: {  	v17 =	vmul.f32 v5, v1;
	v24 =	vmul.f32 v5, v2;
	v32 =	vadd.f32 v16, v4;
	v3 =	vld [tilespmem:s9+$0x18B30]  }
0xcf: {  	v33 =	vmul.f32 $5.000000000e-01, v20;
	v28 =	vadd.f32 v7, v28;
	v34 =	vld [tilespmem:s9+$0x19B30];
	v16 =	vmul.f32 v9, v1  }
0xd0: {  	v35 =	vmul.f32 $5.000000000e-01, v23;
	v23 =	vadd.f32 v30, v24;
	v7 =	vmul.f32 v9, v2;
	v4 =	vld.msk [tilespmem:s2+$0xFFFFFFD0 ss:$0x0], $0xffff  }
0xd1: {  	v36 =	vsub.f32 v13, v15;
	v30 =	vmul.f32 $5.000000000e-01, v14;
	v13 =	vsub.f32 v19, v22;
	v19 =	vld [tilespmem:s9+$0x17B20];
	[tilespmem:s9+$0x19B70] =	vst v32  }
0xd2: {  	v14 =	vadd.f32 v11, v26;
	v20 =	vsub.f32 v29, v10;
	v10 =	vmul.f32 v18, v2;
	v29 =	vld [tilespmem:s9+$0x17B40];
	[tilespmem:s9+$0x19B40] =	vst v28  }
0xd3: {  	v24 =	vmul.f32 v36, v1;
	v21 =	vadd.f32 v27, v21;
	v11 =	vmul.f32 $5.000000000e-01, v31;
	v28 =	vld [tilespmem:s9+$0x17B50];
	[tilespmem:s9+$0x18B60] =	vst v23  }
0xd4: {  	v38 =	vmul.f32 v20, v2;
	v37 =	vld [tilespmem:s9+$0x17B10];
	v22 =	vmul.f32 $5.000000000e-01, v34;
	[tilespmem:s9+$0x19B50] =	vst v14  }
.Ltmp0:
0xd5: {  	v26 =	vmul.f32 v20, v1;
	v23 =	vmul.f32 v13, v2;
	v15 =	vld [tilespmem:s9+$0x17B30];
	[tilespmem:s9+$0x18B70] =	vst v21;
	(pc) =	sbr.rel @p1 .LBB2_3-.Ltmp0, $4  }
0xd6: {  	v34 =	vadd.f32 v25, v24;
	v14 =	vmul.f32 v18, v4;
	v21 =	vmul.f32 $5.000000000e-01, v19;
	v24 =	vld [tilespmem:s9+$0x17B70]  }
0xd7: {  	v25 =	vmul.f32 v13, v4;
	v31 =	vadd.f32 v30, v23;
	v27 =	vmul.f32 $5.000000000e-01, v29;
	v23 =	vld [tilespmem:s9+$0x17B60]  }
0xd8: {  	v32 =	vmul.f32 v36, v2;
	v30 =	vadd.f32 v35, v26;
	v26 =	vld [tilespmem:s9+$0x18B40];
	v18 =	vmul.f32 $5.000000000e-01, v28  }
0xd9: {  	s3 =	smov.u32 s16;
	v33 =	vadd.f32 v33, v38;
	v19 =	vmul.f32 v36, v4;
	[tilespmem:s9+$0x19B00] =	vst v34;
	v29 =	vmul.f32 $5.000000000e-01, v37;
	v28 =	vld [tilespmem:s9+$0x18B50]  }
0xda: {  	[tilespmem:s9+$0x18B20] =	vst v31  }
0xdb: {  	v12 =	vadd.f32 v12, v17;
	[tilespmem:s9+$0x19B10] =	vst v30  }
0xdc: {  	v17 =	vmul.f32 v20, v4;
	v16 =	vadd.f32 v22, v16;
	[tilespmem:s9+$0x18B10] =	vst v33  }
0xdd: {  	v8 =	vadd.f32 v8, v32;
	[tilespmem:s9+$0x19B60] =	vst v12  }
0xde: {  	v1 =	vmul.f32 v13, v1;
	v17 =	vadd.f32 v17, v29;
	[tilespmem:s9+$0x19B30] =	vst v16  }
0xdf: {  	v2 =	vmul.f32 v0, v2;
	v0 =	vmul.f32 v0, v4;
	v16 =	vadd.f32 v25, v21;
	[tilespmem:s9+$0x18B00] =	vst v8  }
0xe0: {  	v34 =	vld [tilespmem:s9+$0x17B00];
	v6 =	vmul.f32 v6, v4;
	v12 =	vmul.f32 $5.000000000e-01, v24;
	v1 =	vadd.f32 v11, v1;
	[tilespmem:s9+$0x17B10] =	vst v17  }
0xe1: {  	v0 =	vadd.f32 v0, v18;
	v8 =	vmul.f32 $5.000000000e-01, v26;
	[tilespmem:s9+$0x17B20] =	vst v16  }
0xe2: {  	v20 =	vmul.f32 $5.000000000e-01, v28;
	v6 =	vadd.f32 v6, v12;
	[tilespmem:s9+$0x19B20] =	vst v1  }
0xe3: {  	v5 =	vmul.f32 v5, v4;
	[tilespmem:s9+$0x17B50] =	vst v0;
	v8 =	vadd.f32 v8, v10;
	v10 =	vmul.f32 $5.000000000e-01, v23  }
0xe4: {  	v2 =	vadd.f32 v20, v2;
	[tilespmem:s9+$0x17B70] =	vst v6  }
0xe5: {  	v6 =	vmul.f32 v9, v4;
	v9 =	vmul.f32 $5.000000000e-01, v34;
	[tilespmem:s9+$0x18B40] =	vst v8;
	v5 =	vadd.f32 v5, v10  }
0xe6: {  	v8 =	vmul.f32 $5.000000000e-01, v15;
	[tilespmem:s9+$0x18B50] =	vst v2;
	v2 =	vadd.f32 v14, v27  }
0xe7: {  	v3 =	vmul.f32 $5.000000000e-01, v3;
	v4 =	vadd.f32 v19, v9;
	[tilespmem:s9+$0x17B60] =	vst v5  }
0xe8: {  	s2 =	rddreg [dreg:$0x10];
	v1 =	vadd.f32 v6, v8;
	[tilespmem:s9+$0x17B40] =	vst v2  }
0xe9: {  	s2 =	sadd.s32 s1, s2;
	v2 =	vadd.f32 v3, v7;
	[tilespmem:s9+$0x17B00] =	vst v4  }
0xea: {  	s3 =	sshrl.u32 s2, $0x3;
	[tilespmem:s9+$0x17B30] =	vst v1  }
0xeb: {  	s14 =	simm.s32 $0x0;
	s16 =	sadd.s32 s6, s3;
	[tilespmem:s9+$0x18B30] =	vst v2  }
0xec: {  	[tilespmem:s18], [sflag:$0x1] =	stream.linear.gather [hbm4b:s16+s14], $0x20, $0x38;
	[tilespmem:$0x1DB00] =	vst v63  }
0xed: {  	s16 =	sadd.s32 s7, s3  }
0xee: {  	[tilespmem:s19], [sflag:$0x1] =	stream.linear.gather [hbm4b:s16+s14], $0x20, $0x38;
	[tilespmem:$0x1DB00] =	vst v63  }
0xef: {  	s3 =	sadd.s32 s8, s3;
	s16 =	simm.s32 $0x13980  }
0xf0: {  	[tilespmem:s16], [sflag:$0x1] =	stream.linear.gather [hbm4b:s3+s14], $0x20, $0x38;
	[tilespmem:$0x1DB00] =	vst v63  }
0xf1: {  	s9 =	sadd.s32 $0x4E20, s3;
	s16 =	simm.s32 $0x139B0  }
0xf2: {  	[tilespmem:s16], [sflag:$0x1] =	stream.linear.gather [hbm4b:s9+s14], $0x20, $0x38;
	[tilespmem:$0x1DB00] =	vst v63  }
0xf3: {  	s3 =	sadd.s32 $0x9C40, s3;
	s16 =	simm.s32 $0x139E0  }
0xf4: {  	[tilespmem:s16], [sflag:$0x1] =	stream.linear.gather [hbm4b:s3+s14], $0x20, $0x38;
	[tilespmem:$0x1DB00] =	vst v63  }
0xf5: {  	s14 =	sshll.u32 s23, $0xD;
	s16 =	rddreg [dreg:$0xc]  }
0xf6: {  	s3 =	sadd.s32 s16, s14  }
0xf7: {  	s3 =	sshrl.u32 s3, $0x3  }
0xf8: {  	s3 =	sadd.s32 s21, s3  }
0xf9: {  	[hbm4b:s3+s25] =	stream.strided.scatter [tilespmem:s28], [sflag:$0x7], $0x3000, s26, s25, $0x38;
	[tilespmem:$0x1DB00] =	vst v63  }
0xfa: {  	_ =	swait.ge [sflag:s15], $0x3000  }
0xfb: {  	s2 =	sshll.u32 s2, $0x4;
	[sflag:s15] =	ssyncset.done $0x0  }
0xfc: {  	s2 =	sadd.s32 s20, s2;
	[sflag:s15] =	ssyncadd.s32 $0xFFFFD000  }
0xfd: {  	[tilespmem:s28], [sflag:$0x5] =	stream.strided.gather [hbm4b:s2+s25], $0x3000, s26, s25, $0x38;
	[tilespmem:$0x1DB00] =	vst v63  }
0xfe: {  	_ =	swait.ge [sflag:s17], $0x3000  }
0xff: {  	[sflag:s17] =	ssyncset.done $0x0  }
0x100: {  	[sflag:s17] =	ssyncadd.s32 $0xFFFFD000  }
0x101: {  	_ =	swait.ge [sflag:s22], $0x1000  }
0x102: {  	[sflag:s22] =	ssyncset.done $0x0  }
0x103: {  	[sflag:s22] =	ssyncadd.s32 $0xFFFFF000  }
0x104: {  	_ =	swait.ge [sflag:s22], $0x1000  }
0x105: {  	[sflag:s22] =	ssyncset.done $0x0  }
0x106: {  	[sflag:s22] =	ssyncadd.s32 $0xFFFFF000  }
0x107: {  	_ =	swait.ge [sflag:s31], $0x20  }
0x108: {  	[sflag:s31] =	ssyncset.done $0x0  }
0x109: {  	[sflag:s31] =	ssyncadd.s32 $0xFFFFFFE0  }
0x10a: {  	_ =	swait.ge [sflag:s31], $0x20  }
0x10b: {  	[sflag:s31] =	ssyncset.done $0x0  }
0x10c: {  	[sflag:s31] =	ssyncadd.s32 $0xFFFFFFE0  }
0x10d: {  	_ =	swait.ge [sflag:s31], $0x20  }
0x10e: {  	[sflag:s31] =	ssyncset.done $0x0  }
0x10f: {  	[sflag:s31] =	ssyncadd.s32 $0xFFFFFFE0  }
0x110: {  	_ =	swait.ge [sflag:s31], $0x20  }
0x111: {  	[sflag:s31] =	ssyncset.done $0x0  }
0x112: {  	[sflag:s31] =	ssyncadd.s32 $0xFFFFFFE0  }
0x113: {  	_ =	swait.ge [sflag:s31], $0x20  }
0x114: {  	[sflag:s31] =	ssyncset.done $0x0  }
0x115: {  	s14 =	simm.s32 $0x13B00;
	[sflag:s31] =	ssyncadd.s32 $0xFFFFFFE0  }
0x116: {  	[tilespmem:s14], [sflag:$0x3] =	stream.indirect.gather [spmem:s4], $0x80, s18, s0, $0xb8;
	[tilespmem:$0x1DB00] =	vst v63  }
0x117: {  	s9 =	simm.s32 $0x0;
	s16 =	simm.s32 $0x15B00  }
0x118: {  	[tilespmem:s16], [sflag:$0x3] =	stream.indirect.gather [spmem:s4], $0x80, s19, s0, $0xb8;
	[tilespmem:$0x1DB00] =	vst v63  }
0x119: {  	v10 =	vld [tilespmem:s9+$0x1BB20]  }
0x11a: {  	v11 =	vld [tilespmem:s9+$0x16B00]  }
0x11b: {  	v7 =	vld [tilespmem:s9+$0x1BB10]  }
0x11c: {  	v13 =	vld [tilespmem:s9+$0x1CB10]  }
0x11d: {  	v4 =	vld [tilespmem:s9+$0x1CB40]  }
0x11e: {  	v8 =	vld [tilespmem:s9+$0x1BB00]  }
0x11f: {  	v14 =	vld [tilespmem:s9+$0x14B00]  }
0x120: {  	v9 =	vld [tilespmem:s9+$0x1BB60]  }
0x121: {  	v12 =	vld [tilespmem:s9+$0x1BB70]  }
0x122: {  	v15 =	vld [tilespmem:s9+$0x1CB50]  }
0x123: {  	v16 =	vld [tilespmem:s9+$0x1CB60]  }
0x124: {  	v17 =	vld [tilespmem:s9+$0x1CB00]  }
0x125: {  	v0 =	vld [tilespmem:s9+$0x16B70]  }
0x126: {  	v3 =	vld [tilespmem:s9+$0x14B70]  }
0x127: {  	v5 =	vld [tilespmem:s9+$0x16B60]  }
0x128: {  	v18 =	vld [tilespmem:s9+$0x14B60]  }
0x129: {  	v19 =	vld [tilespmem:s9+$0x16B50]  }
0x12a: {  	v20 =	vld [tilespmem:s9+$0x14B50]  }
0x12b: {  	v21 =	vld [tilespmem:s9+$0x16B40]  }
0x12c: {  	s2 =	simm.s32 $0x13A70;
	v23 =	vld [tilespmem:s9+$0x1CB70]  }
0x12d: {  	v1 =	vld.msk [tilespmem:s2+$0x0 ss:$0x0], $0xffff  }
0x12e: {  	v22 =	vld [tilespmem:s9+$0x14B40]  }
0x12f: {  	v24 =	vld [tilespmem:s9+$0x16B30]  }
0x130: {  	v2 =	vld.msk [tilespmem:s2+$0xFFFFFFD0 ss:$0x0], $0xffff  }
0x131: {  	v25 =	vld [tilespmem:s9+$0x14B30];
	v6 =	vsub.f32 v3, v0;
	v0 =	vsub.f32 v20, v19;
	v20 =	vmul.f32 $5.000000000e-01, v23  }
0x132: {  	v26 =	vld [tilespmem:s9+$0x16B20];
	v5 =	vsub.f32 v18, v5;
	v8 =	vmul.f32 $5.000000000e-01, v8;
	v18 =	vmul.f32 $5.000000000e-01, v17  }
0x133: {  	v27 =	vld [tilespmem:s9+$0x16B10];
	v23 =	vmul.f32 $5.000000000e-01, v4;
	v31 =	vmul.f32 $5.000000000e-01, v12  }
0x134: {  	v28 =	vld [tilespmem:s9+$0x14B20];
	v60 =	vmul.f32 $5.000000000e-01, v9;
	v15 =	vmul.f32 $5.000000000e-01, v15  }
0x135: {  	v29 =	vld [tilespmem:s9+$0x14B10];
	v30 =	vsub.f32 v22, v21;
	v12 =	vmul.f32 $5.000000000e-01, v16;
	v62 =	vmul.f32 $5.000000000e-01, v7  }
0x136: {  	v19 =	vld [tilespmem:s9+$0x1CB20];
	v9 =	vsub.f32 v25, v24;
	v36 =	vmul.f32 $5.000000000e-01, v13;
	v38 =	vmul.f32 $5.000000000e-01, v10  }
0x137: {  	v22 =	vld [tilespmem:s9+$0x1CB30];
	v21 =	vmul.f32 v6, v1;
	v17 =	vmul.f32 v30, v1  }
0x138: {  	v59 =	vld [tilespmem:s9+$0x1AB20];
	v37 =	vsub.f32 v14, v11;
	v61 =	vmul.f32 v5, v2;
	v16 =	vmul.f32 v9, v1  }
0x139: {  	v35 =	vld [tilespmem:s9+$0x1AB40];
	v7 =	vmul.f32 v9, v2;
	v10 =	vmul.f32 v30, v2;
	v20 =	vadd.f32 v20, v21  }
0x13a: {  	v4 =	vld.msk [tilespmem:s2+$0xFFFFFFA0 ss:$0x0], $0xffff;
	v32 =	vmul.f32 v37, v2;
	v21 =	vmul.f32 v0, v1;
	v17 =	vadd.f32 v23, v17  }
0x13b: {  	v63 =	vld [tilespmem:s9+$0x1AB50];
	v23 =	vmul.f32 v6, v2;
	v11 =	vmul.f32 $5.000000000e-01, v19;
	[tilespmem:s9+$0x1CB70] =	vst v20;
	v20 =	vadd.f32 v60, v61  }
0x13c: {  	v22 =	vmul.f32 $5.000000000e-01, v22;
	[tilespmem:s9+$0x1CB40] =	vst v17;
	v13 =	vadd.f32 v15, v21;
	v21 =	vmul.f32 v37, v1  }
0x13d: {  	v39 =	vld [tilespmem:s9+$0x1AB10];
	v17 =	vmul.f32 v5, v1;
	v14 =	vadd.f32 v31, v23;
	[tilespmem:s9+$0x1BB60] =	vst v20;
	v20 =	vsub.f32 v29, v27  }
0x13e: {  	v3 =	vld [tilespmem:s9+$0x1BB30];
	[tilespmem:s9+$0x1CB50] =	vst v13;
	v13 =	vsub.f32 v28, v26;
	v29 =	vadd.f32 v18, v21;
	v21 =	vmul.f32 $5.000000000e-01, v59  }
0x13f: {  	v24 =	vld [tilespmem:s9+$0x1AB70];
	[tilespmem:s9+$0x1BB70] =	vst v14;
	v14 =	vmul.f32 v30, v4;
	v27 =	vmul.f32 $5.000000000e-01, v35  }
0x140: {  	v15 =	vld [tilespmem:s9+$0x1AB30];
	v18 =	vmul.f32 $5.000000000e-01, v63;
	v26 =	vmul.f32 v13, v2  }
0x141: {  	v23 =	vld [tilespmem:s9+$0x1AB60];
	v28 =	vmul.f32 v20, v2;
	v19 =	vmul.f32 v20, v1  }
0x142: {  	v25 =	vmul.f32 v13, v4;
	[tilespmem:s9+$0x1CB00] =	vst v29;
	v29 =	vmul.f32 $5.000000000e-01, v39;
	v31 =	vadd.f32 v38, v26;
	v26 =	vld [tilespmem:s9+$0x1BB40]  }
0x143: {  	s16 =	simm.s32 $0x200;
	v30 =	vadd.f32 v36, v19;
	v19 =	vmul.f32 v37, v4;
	v33 =	vadd.f32 v62, v28;
	v28 =	vld [tilespmem:s9+$0x1BB50]  }
.LBB2_5:
0x144: {  	s3 =	smov.u32 s16  }
0x145: {  	s14 =	sshra.s32 s16, $0x2;
	v34 =	vld [tilespmem:s9+$0x1AB00];
	v8 =	vadd.f32 v8, v32;
	[tilespmem:s9+$0x1BB20] =	vst v31;
	v9 =	vmul.f32 v9, v4;
	v27 =	vadd.f32 v14, v27;
	s2 =	sadd.s32 $0x1, s2;
	s3 =	sadd.s32 $0x200, s16  }
0x146: {  	p1 =	sne.s32 s16, $0x3E00;
	v31 =	vmul.f32 $5.000000000e-01, v15;
	v12 =	vadd.f32 v12, v17;
	v6 =	vmul.f32 v6, v4;
	v14 =	vld [tilespmem:s14+$0x1BB20];
	[tilespmem:s9+$0x1BB10] =	vst v33  }
0x147: {  	v17 =	vmul.f32 v20, v4;
	v16 =	vadd.f32 v22, v16;
	v5 =	vmul.f32 v5, v4;
	v15 =	vld [tilespmem:s14+$0x16B00];
	[tilespmem:s9+$0x1CB10] =	vst v30  }
0x148: {  	v9 =	vadd.f32 v9, v31;
	v22 =	vmul.f32 $5.000000000e-01, v23;
	v20 =	vld [tilespmem:s14+$0x1BB10];
	[tilespmem:s9+$0x1CB60] =	vst v12;
	v12 =	vmul.f32 $5.000000000e-01, v24  }
0x149: {  	v21 =	vadd.f32 v25, v21;
	v17 =	vadd.f32 v17, v29;
	v23 =	vld [tilespmem:s14+$0x1CB10];
	[tilespmem:s9+$0x1CB30] =	vst v16;
	v16 =	vmul.f32 $5.000000000e-01, v28  }
0x14a: {  	v5 =	vadd.f32 v5, v22;
	v24 =	vld [tilespmem:s14+$0x1CB40];
	[tilespmem:s9+$0x1BB00] =	vst v8;
	v8 =	vmul.f32 $5.000000000e-01, v26;
	v6 =	vadd.f32 v6, v12  }
0x14b: {  	v1 =	vmul.f32 v13, v1;
	v2 =	vmul.f32 v0, v2;
	v12 =	vld [tilespmem:s14+$0x1BB00];
	[tilespmem:s9+$0x1AB10] =	vst v17  }
0x14c: {  	v0 =	vmul.f32 v0, v4;
	v17 =	vmul.f32 $5.000000000e-01, v34;
	v13 =	vld [tilespmem:s14+$0x14B00];
	[tilespmem:s9+$0x1AB20] =	vst v21;
	v8 =	vadd.f32 v8, v10  }
0x14d: {  	v3 =	vmul.f32 $5.000000000e-01, v3;
	v1 =	vadd.f32 v11, v1;
	v2 =	vadd.f32 v16, v2;
	v4 =	vld [tilespmem:s14+$0x1BB60];
	[tilespmem:s9+$0x1AB70] =	vst v6  }
0x14e: {  	v0 =	vadd.f32 v0, v18;
	v6 =	vadd.f32 v19, v17;
	v10 =	vld [tilespmem:s14+$0x1BB70];
	[tilespmem:s9+$0x1BB40] =	vst v8  }
0x14f: {  	v3 =	vadd.f32 v3, v7;
	v11 =	vld [tilespmem:s14+$0x1CB50];
	[tilespmem:s9+$0x1BB50] =	vst v2  }
0x150: {  	v7 =	vld [tilespmem:s14+$0x1CB60];
	[tilespmem:s9+$0x1CB20] =	vst v1  }
0x151: {  	v16 =	vld [tilespmem:s14+$0x1CB00];
	[tilespmem:s9+$0x1AB60] =	vst v5  }
0x152: {  	v2 =	vld [tilespmem:s14+$0x16B70];
	[tilespmem:s9+$0x1AB40] =	vst v27  }
0x153: {  	v5 =	vld [tilespmem:s14+$0x14B70];
	[tilespmem:s9+$0x1AB30] =	vst v9  }
0x154: {  	v8 =	vld [tilespmem:s14+$0x16B60];
	[tilespmem:s9+$0x1AB00] =	vst v6  }
0x155: {  	v9 =	vld [tilespmem:s14+$0x14B60];
	[tilespmem:s9+$0x1BB30] =	vst v3  }
0x156: {  	v3 =	vld [tilespmem:s14+$0x16B50];
	[tilespmem:s9+$0x1AB50] =	vst v0;
	s9 =	smov.u32 s14  }
0x157: {  	v0 =	vld [tilespmem:s9+$0x14B50]  }
0x158: {  	v17 =	vld [tilespmem:s9+$0x16B40]  }
0x159: {  	v1 =	vld.msk [tilespmem:s2+$0x0 ss:$0x0], $0xffff  }
0x15a: {  	v6 =	vsub.f32 v5, v2;
	v18 =	vld [tilespmem:s9+$0x14B40]  }
0x15b: {  	v19 =	vld [tilespmem:s9+$0x1CB70]  }
0x15c: {  	v21 =	vld [tilespmem:s9+$0x16B30];
	v0 =	vsub.f32 v0, v3  }
0x15d: {  	v5 =	vsub.f32 v9, v8;
	v2 =	vld.msk [tilespmem:s2+$0xFFFFFFD0 ss:$0x0], $0xffff  }
0x15e: {  	v25 =	vmul.f32 $5.000000000e-01, v16;
	v8 =	vmul.f32 $5.000000000e-01, v12;
	v3 =	vld [tilespmem:s9+$0x14B30]  }
0x15f: {  	v27 =	vmul.f32 $5.000000000e-01, v10;
	v26 =	vmul.f32 v0, v1;
	v22 =	vld [tilespmem:s9+$0x16B20];
	v18 =	vsub.f32 v18, v17  }
0x160: {  	v11 =	vmul.f32 $5.000000000e-01, v11;
	v10 =	vld [tilespmem:s9+$0x16B10];
	v16 =	vmul.f32 $5.000000000e-01, v19  }
0x161: {  	v12 =	vmul.f32 $5.000000000e-01, v7;
	v19 =	vld [tilespmem:s9+$0x14B20];
	v28 =	vmul.f32 v18, v1  }
0x162: {  	v30 =	vmul.f32 $5.000000000e-01, v4;
	v4 =	vmul.f32 v6, v1;
	v29 =	vld [tilespmem:s9+$0x14B10]  }
0x163: {  	v7 =	vmul.f32 $5.000000000e-01, v24;
	v31 =	vld [tilespmem:s9+$0x1CB20];
	v9 =	vsub.f32 v3, v21;
	v21 =	vmul.f32 v6, v2  }
0x164: {  	v17 =	vmul.f32 v5, v1;
	v24 =	vmul.f32 v5, v2;
	v32 =	vadd.f32 v16, v4;
	v3 =	vld [tilespmem:s9+$0x1BB30]  }
0x165: {  	v33 =	vmul.f32 $5.000000000e-01, v20;
	v28 =	vadd.f32 v7, v28;
	v34 =	vld [tilespmem:s9+$0x1CB30];
	v16 =	vmul.f32 v9, v1  }
0x166: {  	v35 =	vmul.f32 $5.000000000e-01, v23;
	v23 =	vadd.f32 v30, v24;
	v7 =	vmul.f32 v9, v2;
	v4 =	vld.msk [tilespmem:s2+$0xFFFFFFA0 ss:$0x0], $0xffff  }
0x167: {  	v36 =	vsub.f32 v13, v15;
	v30 =	vmul.f32 $5.000000000e-01, v14;
	v13 =	vsub.f32 v19, v22;
	v19 =	vld [tilespmem:s9+$0x1AB20];
	[tilespmem:s9+$0x1CB70] =	vst v32  }
0x168: {  	v14 =	vadd.f32 v11, v26;
	v20 =	vsub.f32 v29, v10;
	v10 =	vmul.f32 v18, v2;
	v29 =	vld [tilespmem:s9+$0x1AB40];
	[tilespmem:s9+$0x1CB40] =	vst v28  }
0x169: {  	v24 =	vmul.f32 v36, v1;
	v21 =	vadd.f32 v27, v21;
	v11 =	vmul.f32 $5.000000000e-01, v31;
	v28 =	vld [tilespmem:s9+$0x1AB50];
	[tilespmem:s9+$0x1BB60] =	vst v23  }
0x16a: {  	v38 =	vmul.f32 v20, v2;
	v37 =	vld [tilespmem:s9+$0x1AB10];
	v22 =	vmul.f32 $5.000000000e-01, v34;
	[tilespmem:s9+$0x1CB50] =	vst v14  }
.Ltmp1:
0x16b: {  	v26 =	vmul.f32 v20, v1;
	v23 =	vmul.f32 v13, v2;
	v15 =	vld [tilespmem:s9+$0x1AB30];
	[tilespmem:s9+$0x1BB70] =	vst v21;
	(pc) =	sbr.rel @p1 .LBB2_5-.Ltmp1, $4  }
0x16c: {  	v34 =	vadd.f32 v25, v24;
	v14 =	vmul.f32 v18, v4;
	v21 =	vmul.f32 $5.000000000e-01, v19;
	v24 =	vld [tilespmem:s9+$0x1AB70]  }
0x16d: {  	v25 =	vmul.f32 v13, v4;
	v31 =	vadd.f32 v30, v23;
	v27 =	vmul.f32 $5.000000000e-01, v29;
	v23 =	vld [tilespmem:s9+$0x1AB60]  }
0x16e: {  	v32 =	vmul.f32 v36, v2;
	v30 =	vadd.f32 v35, v26;
	v26 =	vld [tilespmem:s9+$0x1BB40];
	v18 =	vmul.f32 $5.000000000e-01, v28  }
0x16f: {  	s16 =	smov.u32 s3;
	v33 =	vadd.f32 v33, v38;
	v19 =	vmul.f32 v36, v4;
	[tilespmem:s9+$0x1CB00] =	vst v34;
	v29 =	vmul.f32 $5.000000000e-01, v37;
	v28 =	vld [tilespmem:s9+$0x1BB50]  }
0x170: {  	[tilespmem:s9+$0x1BB20] =	vst v31  }
0x171: {  	v12 =	vadd.f32 v12, v17;
	[tilespmem:s9+$0x1CB10] =	vst v30  }
0x172: {  	v16 =	vadd.f32 v22, v16;
	[tilespmem:s9+$0x1BB10] =	vst v33  }
0x173: {  	v8 =	vadd.f32 v8, v32;
	[tilespmem:s9+$0x1CB60] =	vst v12  }
0x174: {  	v50 =	vmul.f32 v20, v4;
	v52 =	vadd.f32 v25, v21;
	[tilespmem:s9+$0x1CB30] =	vst v16  }
0x175: {  	v1 =	vmul.f32 v13, v1;
	v58 =	vadd.f32 v14, v27;
	[tilespmem:s9+$0x1BB00] =	vst v8  }
0x176: {  	v56 =	vmul.f32 v9, v4;
	v57 =	vmul.f32 $5.000000000e-01, v15;
	v17 =	vadd.f32 v50, v29;
	[tilespmem:s9+$0x1AB20] =	vst v52  }
0x177: {  	v3 =	vmul.f32 $5.000000000e-01, v3;
	v1 =	vadd.f32 v11, v1;
	[tilespmem:s9+$0x1AB40] =	vst v58  }
0x178: {  	v34 =	vld [tilespmem:s9+$0x1AB00];
	v6 =	vmul.f32 v6, v4;
	v61 =	vmul.f32 v0, v4;
	v60 =	vadd.f32 v56, v57;
	[tilespmem:s9+$0x1AB10] =	vst v17  }
0x179: {  	v2 =	vmul.f32 v0, v2;
	v51 =	vmul.f32 $5.000000000e-01, v24;
	v63 =	vadd.f32 v3, v7;
	[tilespmem:s9+$0x1CB20] =	vst v1  }
0x17a: {  	v5 =	vmul.f32 v5, v4;
	v55 =	vmul.f32 $5.000000000e-01, v23;
	v0 =	vadd.f32 v61, v18;
	[tilespmem:s9+$0x1AB30] =	vst v60  }
0x17b: {  	v53 =	vmul.f32 $5.000000000e-01, v26;
	v6 =	vadd.f32 v6, v51;
	[tilespmem:s9+$0x1BB30] =	vst v63  }
0x17c: {  	v54 =	vmul.f32 $5.000000000e-01, v28;
	v5 =	vadd.f32 v5, v55;
	[tilespmem:s9+$0x1AB50] =	vst v0  }
0x17d: {  	v8 =	vadd.f32 v53, v10;
	[tilespmem:s9+$0x1AB70] =	vst v6;
	v59 =	vmul.f32 $5.000000000e-01, v34  }
0x17e: {  	s2 =	rddreg [dreg:$0x11];
	v2 =	vadd.f32 v54, v2;
	[tilespmem:s9+$0x1AB60] =	vst v5  }
0x17f: {  	s1 =	sadd.s32 s1, s2;
	[tilespmem:s9+$0x1BB40] =	vst v8;
	v62 =	vadd.f32 v19, v59  }
0x180: {  	s1 =	sshrl.u32 s1, $0x3;
	[tilespmem:s9+$0x1BB50] =	vst v2  }
0x181: {  	s16 =	sadd.s32 s6, s1;
	[tilespmem:s9+$0x1AB00] =	vst v62  }
0x182: {  	[tilespmem:s10], [sflag:$0x2] =	stream.linear.gather [hbm4b:s16+s5], $0x20, $0x38;
	[tilespmem:$0x1DB00] =	vst v63  }
0x183: {  	s3 =	sadd.s32 s7, s1  }
0x184: {  	[tilespmem:s11], [sflag:$0x2] =	stream.linear.gather [hbm4b:s3+s5], $0x20, $0x38;
	[tilespmem:$0x1DB00] =	vst v63  }
0x185: {  	s23 =	sadd.s32 $0x1, s23;
	s1 =	sadd.s32 s8, s1;
	s9 =	simm.s32 $0x13A10  }
0x186: {  	[tilespmem:s9], [sflag:$0x2] =	stream.linear.gather [hbm4b:s1+s5], $0x20, $0x38;
	[tilespmem:$0x1DB00] =	vst v63  }
0x187: {  	p1 =	sne.s32 s23, $0x4D;
	s14 =	sadd.s32 $0x4E20, s1;
	s3 =	simm.s32 $0x13A40  }
0x188: {  	[tilespmem:s3], [sflag:$0x2] =	stream.linear.gather [hbm4b:s14+s5], $0x20, $0x38;
	[tilespmem:$0x1DB00] =	vst v63  }
.Ltmp2:
0x189: {  	_ = 	snop;
	(pc) =	sbr.rel @p1 .LBB2_2-.Ltmp2, $4  }
0x18a: {  	s16 =	simm.s32 $0x13A70;
	s1 =	sadd.s32 $0x9C40, s1  }
0x18b: {  	[tilespmem:s16], [sflag:$0x2] =	stream.linear.gather [hbm4b:s1+s5], $0x20, $0x38;
	[tilespmem:$0x1DB00] =	vst v63  }
0x18c: {  	s24 =	sadd.s32 s21, s24  }
0x18d: {  	[hbm4b:s24+s25] =	stream.strided.scatter [tilespmem:s13], [sflag:$0x8], $0x3000, s26, s25, $0x38;
	[tilespmem:$0x1DB00] =	vst v63  }
0x18e: {  	s16 =	simm.s32 $0x8  }
0x18f: {  	_ =	swait.ge [sflag:s16], $0x3000  }
0x190: {  	[sflag:s16] =	ssyncset.done $0x0  }
0x191: {  	s1 =	rddreg [dreg:$0x16];
	[sflag:s16] =	ssyncadd.s32 $0xFFFFD000  }
0x192: {  	[tilespmem:s13], [sflag:$0x6] =	stream.strided.gather [hbm4b:s1+s25], $0x3000, s26, s25, $0x38;
	[tilespmem:$0x1DB00] =	vst v63  }
0x193: {  	_ =	swait.ge [sflag:s29], $0x3000  }
0x194: {  	[sflag:s29] =	ssyncset.done $0x0  }
0x195: {  	[sflag:s29] =	ssyncadd.s32 $0xFFFFD000  }
0x196: {  	_ =	swait.ge [sflag:s30], $0x1000  }
0x197: {  	[sflag:s30] =	ssyncset.done $0x0  }
0x198: {  	[sflag:s30] =	ssyncadd.s32 $0xFFFFF000  }
0x199: {  	_ =	swait.ge [sflag:s30], $0x1000  }
0x19a: {  	[sflag:s30] =	ssyncset.done $0x0  }
0x19b: {  	[sflag:s30] =	ssyncadd.s32 $0xFFFFF000  }
0x19c: {  	_ =	swait.ge [sflag:s12], $0x20  }
0x19d: {  	[sflag:s12] =	ssyncset.done $0x0  }
0x19e: {  	[sflag:s12] =	ssyncadd.s32 $0xFFFFFFE0  }
0x19f: {  	_ =	swait.ge [sflag:s12], $0x20  }
0x1a0: {  	[sflag:s12] =	ssyncset.done $0x0  }
0x1a1: {  	[sflag:s12] =	ssyncadd.s32 $0xFFFFFFE0  }
0x1a2: {  	_ =	swait.ge [sflag:s12], $0x20  }
0x1a3: {  	[sflag:s12] =	ssyncset.done $0x0  }
0x1a4: {  	[sflag:s12] =	ssyncadd.s32 $0xFFFFFFE0  }
0x1a5: {  	_ =	swait.ge [sflag:s12], $0x20  }
0x1a6: {  	[sflag:s12] =	ssyncset.done $0x0  }
0x1a7: {  	[sflag:s12] =	ssyncadd.s32 $0xFFFFFFE0  }
0x1a8: {  	_ =	swait.ge [sflag:s12], $0x20  }
0x1a9: {  	[sflag:s12] =	ssyncset.done $0x0  }
0x1aa: {  	s23 =	simm.s32 $0x14B00;
	[sflag:s12] =	ssyncadd.s32 $0xFFFFFFE0  }
0x1ab: {  	[tilespmem:s23], [sflag:$0x4] =	stream.indirect.gather [spmem:s4], $0x80, s10, s0, $0xb8;
	[tilespmem:$0x1DB00] =	vst v63  }
0x1ac: {  	s24 =	simm.s32 $0x16B00;
	s1 =	simm.s32 $0x0  }
0x1ad: {  	[tilespmem:s24], [sflag:$0x4] =	stream.indirect.gather [spmem:s4], $0x80, s11, s0, $0xb8;
	[tilespmem:$0x1DB00] =	vst v63  }
0x1ae: {  	v10 =	vld [tilespmem:s1+$0x18B20]  }
0x1af: {  	v11 =	vld [tilespmem:s1+$0x15B00]  }
0x1b0: {  	v7 =	vld [tilespmem:s1+$0x18B10]  }
0x1b1: {  	v13 =	vld [tilespmem:s1+$0x19B10]  }
0x1b2: {  	v4 =	vld [tilespmem:s1+$0x19B40]  }
0x1b3: {  	v8 =	vld [tilespmem:s1+$0x18B00]  }
0x1b4: {  	v14 =	vld [tilespmem:s1+$0x13B00]  }
0x1b5: {  	v9 =	vld [tilespmem:s1+$0x18B60]  }
0x1b6: {  	v12 =	vld [tilespmem:s1+$0x18B70]  }
0x1b7: {  	v15 =	vld [tilespmem:s1+$0x19B50]  }
0x1b8: {  	v16 =	vld [tilespmem:s1+$0x19B60]  }
0x1b9: {  	v17 =	vld [tilespmem:s1+$0x19B00]  }
0x1ba: {  	v0 =	vld [tilespmem:s1+$0x15B70]  }
0x1bb: {  	v3 =	vld [tilespmem:s1+$0x13B70]  }
0x1bc: {  	v5 =	vld [tilespmem:s1+$0x15B60]  }
0x1bd: {  	v18 =	vld [tilespmem:s1+$0x13B60]  }
0x1be: {  	v19 =	vld [tilespmem:s1+$0x15B50]  }
0x1bf: {  	v20 =	vld [tilespmem:s1+$0x13B50]  }
0x1c0: {  	s2 =	simm.s32 $0x139B0;
	v21 =	vld [tilespmem:s1+$0x15B40]  }
0x1c1: {  	v1 =	vld.msk [tilespmem:s2+$0x30 ss:$0x0], $0xffff  }
0x1c2: {  	v23 =	vld [tilespmem:s1+$0x19B70]  }
0x1c3: {  	v22 =	vld [tilespmem:s1+$0x13B40]  }
0x1c4: {  	v24 =	vld [tilespmem:s1+$0x15B30]  }
0x1c5: {  	v2 =	vld.msk [tilespmem:s2+$0x0 ss:$0x0], $0xffff  }
0x1c6: {  	v25 =	vld [tilespmem:s1+$0x13B30];
	v6 =	vsub.f32 v3, v0  }
0x1c7: {  	v26 =	vld [tilespmem:s1+$0x15B20];
	v0 =	vsub.f32 v20, v19;
	v20 =	vmul.f32 $5.000000000e-01, v23;
	v8 =	vmul.f32 $5.000000000e-01, v8  }
0x1c8: {  	v27 =	vld [tilespmem:s1+$0x15B10];
	v5 =	vsub.f32 v18, v5;
	v18 =	vmul.f32 $5.000000000e-01, v17;
	v23 =	vmul.f32 $5.000000000e-01, v4  }
0x1c9: {  	v28 =	vld [tilespmem:s1+$0x13B20];
	v31 =	vmul.f32 $5.000000000e-01, v12;
	v33 =	vmul.f32 $5.000000000e-01, v9  }
0x1ca: {  	v29 =	vld [tilespmem:s1+$0x13B10];
	v30 =	vsub.f32 v22, v21;
	v15 =	vmul.f32 $5.000000000e-01, v15;
	v12 =	vmul.f32 $5.000000000e-01, v16  }
0x1cb: {  	v19 =	vld [tilespmem:s1+$0x19B20];
	v9 =	vsub.f32 v25, v24;
	v62 =	vmul.f32 $5.000000000e-01, v7;
	v21 =	vmul.f32 v6, v1  }
0x1cc: {  	v22 =	vld [tilespmem:s1+$0x19B30];
	v36 =	vmul.f32 $5.000000000e-01, v13;
	v37 =	vsub.f32 v14, v11;
	v17 =	vmul.f32 v30, v1  }
0x1cd: {  	v32 =	vld [tilespmem:s1+$0x17B20];
	v38 =	vmul.f32 $5.000000000e-01, v10;
	v34 =	vmul.f32 v5, v2;
	v20 =	vadd.f32 v20, v21  }
0x1ce: {  	v4 =	vld.msk [tilespmem:s2+$0xFFFFFFD0 ss:$0x0], $0xffff;
	v16 =	vmul.f32 v9, v1;
	v21 =	vmul.f32 v0, v1;
	v17 =	vadd.f32 v23, v17  }
0x1cf: {  	v35 =	vld [tilespmem:s1+$0x17B40];
	v7 =	vmul.f32 v9, v2;
	v23 =	vmul.f32 v6, v2;
	[tilespmem:s1+$0x19B70] =	vst v20;
	v20 =	vadd.f32 v33, v34  }
0x1d0: {  	v63 =	vld [tilespmem:s1+$0x17B50];
	v10 =	vmul.f32 v30, v2;
	v11 =	vmul.f32 $5.000000000e-01, v19;
	[tilespmem:s1+$0x19B40] =	vst v17;
	v13 =	vadd.f32 v15, v21  }
0x1d1: {  	v22 =	vmul.f32 $5.000000000e-01, v22;
	v14 =	vadd.f32 v31, v23;
	v21 =	vmul.f32 v37, v1;
	[tilespmem:s1+$0x18B60] =	vst v20  }
0x1d2: {  	v39 =	vld [tilespmem:s1+$0x17B10];
	v17 =	vmul.f32 v5, v1;
	v20 =	vsub.f32 v29, v27;
	[tilespmem:s1+$0x19B50] =	vst v13;
	v13 =	vsub.f32 v28, v26  }
0x1d3: {  	v3 =	vld [tilespmem:s1+$0x18B30];
	[tilespmem:s1+$0x18B70] =	vst v14;
	v29 =	vadd.f32 v18, v21;
	v21 =	vmul.f32 $5.000000000e-01, v32;
	v14 =	vmul.f32 v30, v4  }
0x1d4: {  	v24 =	vld [tilespmem:s1+$0x17B70];
	v27 =	vmul.f32 $5.000000000e-01, v35;
	v32 =	vmul.f32 v37, v2  }
0x1d5: {  	v15 =	vld [tilespmem:s1+$0x17B30];
	v18 =	vmul.f32 $5.000000000e-01, v63;
	v26 =	vmul.f32 v13, v2  }
0x1d6: {  	v23 =	vld [tilespmem:s1+$0x17B60];
	v28 =	vmul.f32 v20, v2;
	v19 =	vmul.f32 v20, v1  }
0x1d7: {  	v25 =	vmul.f32 v13, v4;
	[tilespmem:s1+$0x19B00] =	vst v29;
	v29 =	vmul.f32 $5.000000000e-01, v39;
	v31 =	vadd.f32 v38, v26;
	v26 =	vld [tilespmem:s1+$0x18B40]  }
0x1d8: {  	s14 =	simm.s32 $0x200;
	v30 =	vadd.f32 v36, v19;
	v19 =	vmul.f32 v37, v4;
	v33 =	vadd.f32 v62, v28;
	v28 =	vld [tilespmem:s1+$0x18B50]  }
.LBB2_8:
0x1d9: {  	s3 =	smov.u32 s14  }
0x1da: {  	s9 =	sshra.s32 s14, $0x2;
	v34 =	vld [tilespmem:s1+$0x17B00];
	v8 =	vadd.f32 v8, v32;
	[tilespmem:s1+$0x18B20] =	vst v31;
	v9 =	vmul.f32 v9, v4;
	v27 =	vadd.f32 v14, v27;
	s2 =	sadd.s32 $0x1, s2;
	s3 =	sadd.s32 $0x200, s14  }
0x1db: {  	p1 =	sne.s32 s14, $0x3E00;
	v31 =	vmul.f32 $5.000000000e-01, v15;
	v12 =	vadd.f32 v12, v17;
	v6 =	vmul.f32 v6, v4;
	v14 =	vld [tilespmem:s9+$0x18B20];
	[tilespmem:s1+$0x18B10] =	vst v33  }
0x1dc: {  	v17 =	vmul.f32 v20, v4;
	v16 =	vadd.f32 v22, v16;
	v5 =	vmul.f32 v5, v4;
	v15 =	vld [tilespmem:s9+$0x15B00];
	[tilespmem:s1+$0x19B10] =	vst v30  }
0x1dd: {  	v9 =	vadd.f32 v9, v31;
	v22 =	vmul.f32 $5.000000000e-01, v23;
	v20 =	vld [tilespmem:s9+$0x18B10];
	[tilespmem:s1+$0x19B60] =	vst v12;
	v12 =	vmul.f32 $5.000000000e-01, v24  }
0x1de: {  	v21 =	vadd.f32 v25, v21;
	v17 =	vadd.f32 v17, v29;
	v23 =	vld [tilespmem:s9+$0x19B10];
	[tilespmem:s1+$0x19B30] =	vst v16;
	v16 =	vmul.f32 $5.000000000e-01, v28  }
0x1df: {  	v5 =	vadd.f32 v5, v22;
	v24 =	vld [tilespmem:s9+$0x19B40];
	[tilespmem:s1+$0x18B00] =	vst v8;
	v8 =	vmul.f32 $5.000000000e-01, v26;
	v6 =	vadd.f32 v6, v12  }
0x1e0: {  	v1 =	vmul.f32 v13, v1;
	v2 =	vmul.f32 v0, v2;
	v12 =	vld [tilespmem:s9+$0x18B00];
	[tilespmem:s1+$0x17B10] =	vst v17  }
0x1e1: {  	v0 =	vmul.f32 v0, v4;
	v17 =	vmul.f32 $5.000000000e-01, v34;
	v13 =	vld [tilespmem:s9+$0x13B00];
	[tilespmem:s1+$0x17B20] =	vst v21;
	v8 =	vadd.f32 v8, v10  }
0x1e2: {  	v3 =	vmul.f32 $5.000000000e-01, v3;
	v1 =	vadd.f32 v11, v1;
	v2 =	vadd.f32 v16, v2;
	v4 =	vld [tilespmem:s9+$0x18B60];
	[tilespmem:s1+$0x17B70] =	vst v6  }
0x1e3: {  	v0 =	vadd.f32 v0, v18;
	v6 =	vadd.f32 v19, v17;
	v10 =	vld [tilespmem:s9+$0x18B70];
	[tilespmem:s1+$0x18B40] =	vst v8  }
0x1e4: {  	v3 =	vadd.f32 v3, v7;
	v11 =	vld [tilespmem:s9+$0x19B50];
	[tilespmem:s1+$0x18B50] =	vst v2  }
0x1e5: {  	v7 =	vld [tilespmem:s9+$0x19B60];
	[tilespmem:s1+$0x19B20] =	vst v1  }
0x1e6: {  	v16 =	vld [tilespmem:s9+$0x19B00];
	[tilespmem:s1+$0x17B60] =	vst v5  }
0x1e7: {  	v2 =	vld [tilespmem:s9+$0x15B70];
	[tilespmem:s1+$0x17B40] =	vst v27  }
0x1e8: {  	v5 =	vld [tilespmem:s9+$0x13B70];
	[tilespmem:s1+$0x17B30] =	vst v9  }
0x1e9: {  	v8 =	vld [tilespmem:s9+$0x15B60];
	[tilespmem:s1+$0x17B00] =	vst v6  }
0x1ea: {  	v9 =	vld [tilespmem:s9+$0x13B60];
	[tilespmem:s1+$0x18B30] =	vst v3  }
0x1eb: {  	v3 =	vld [tilespmem:s9+$0x15B50];
	[tilespmem:s1+$0x17B50] =	vst v0;
	s1 =	smov.u32 s9  }
0x1ec: {  	v0 =	vld [tilespmem:s1+$0x13B50]  }
0x1ed: {  	v17 =	vld [tilespmem:s1+$0x15B40]  }
0x1ee: {  	v1 =	vld.msk [tilespmem:s2+$0x30 ss:$0x0], $0xffff  }
0x1ef: {  	v6 =	vsub.f32 v5, v2;
	v18 =	vld [tilespmem:s1+$0x13B40]  }
0x1f0: {  	v19 =	vld [tilespmem:s1+$0x19B70]  }
0x1f1: {  	v21 =	vld [tilespmem:s1+$0x15B30];
	v0 =	vsub.f32 v0, v3  }
0x1f2: {  	v5 =	vsub.f32 v9, v8;
	v2 =	vld.msk [tilespmem:s2+$0x0 ss:$0x0], $0xffff  }
0x1f3: {  	v25 =	vmul.f32 $5.000000000e-01, v16;
	v8 =	vmul.f32 $5.000000000e-01, v12;
	v3 =	vld [tilespmem:s1+$0x13B30]  }
0x1f4: {  	v27 =	vmul.f32 $5.000000000e-01, v10;
	v26 =	vmul.f32 v0, v1;
	v22 =	vld [tilespmem:s1+$0x15B20];
	v18 =	vsub.f32 v18, v17  }
0x1f5: {  	v11 =	vmul.f32 $5.000000000e-01, v11;
	v10 =	vld [tilespmem:s1+$0x15B10];
	v16 =	vmul.f32 $5.000000000e-01, v19  }
0x1f6: {  	v12 =	vmul.f32 $5.000000000e-01, v7;
	v19 =	vld [tilespmem:s1+$0x13B20];
	v28 =	vmul.f32 v18, v1  }
0x1f7: {  	v30 =	vmul.f32 $5.000000000e-01, v4;
	v4 =	vmul.f32 v6, v1;
	v29 =	vld [tilespmem:s1+$0x13B10]  }
0x1f8: {  	v7 =	vmul.f32 $5.000000000e-01, v24;
	v31 =	vld [tilespmem:s1+$0x19B20];
	v9 =	vsub.f32 v3, v21;
	v21 =	vmul.f32 v6, v2  }
0x1f9: {  	v17 =	vmul.f32 v5, v1;
	v24 =	vmul.f32 v5, v2;
	v32 =	vadd.f32 v16, v4;
	v3 =	vld [tilespmem:s1+$0x18B30]  }
0x1fa: {  	v33 =	vmul.f32 $5.000000000e-01, v20;
	v28 =	vadd.f32 v7, v28;
	v34 =	vld [tilespmem:s1+$0x19B30];
	v16 =	vmul.f32 v9, v1  }
0x1fb: {  	v35 =	vmul.f32 $5.000000000e-01, v23;
	v23 =	vadd.f32 v30, v24;
	v7 =	vmul.f32 v9, v2;
	v4 =	vld.msk [tilespmem:s2+$0xFFFFFFD0 ss:$0x0], $0xffff  }
0x1fc: {  	v36 =	vsub.f32 v13, v15;
	v30 =	vmul.f32 $5.000000000e-01, v14;
	v13 =	vsub.f32 v19, v22;
	v19 =	vld [tilespmem:s1+$0x17B20];
	[tilespmem:s1+$0x19B70] =	vst v32  }
0x1fd: {  	v14 =	vadd.f32 v11, v26;
	v20 =	vsub.f32 v29, v10;
	v10 =	vmul.f32 v18, v2;
	v29 =	vld [tilespmem:s1+$0x17B40];
	[tilespmem:s1+$0x19B40] =	vst v28  }
0x1fe: {  	v24 =	vmul.f32 v36, v1;
	v21 =	vadd.f32 v27, v21;
	v11 =	vmul.f32 $5.000000000e-01, v31;
	v28 =	vld [tilespmem:s1+$0x17B50];
	[tilespmem:s1+$0x18B60] =	vst v23  }
0x1ff: {  	v38 =	vmul.f32 v20, v2;
	v37 =	vld [tilespmem:s1+$0x17B10];
	v22 =	vmul.f32 $5.000000000e-01, v34;
	[tilespmem:s1+$0x19B50] =	vst v14  }
.Ltmp3:
0x200: {  	v26 =	vmul.f32 v20, v1;
	v23 =	vmul.f32 v13, v2;
	v15 =	vld [tilespmem:s1+$0x17B30];
	[tilespmem:s1+$0x18B70] =	vst v21;
	(pc) =	sbr.rel @p1 .LBB2_8-.Ltmp3, $4  }
0x201: {  	v34 =	vadd.f32 v25, v24;
	v14 =	vmul.f32 v18, v4;
	v21 =	vmul.f32 $5.000000000e-01, v19;
	v24 =	vld [tilespmem:s1+$0x17B70]  }
0x202: {  	v25 =	vmul.f32 v13, v4;
	v31 =	vadd.f32 v30, v23;
	v27 =	vmul.f32 $5.000000000e-01, v29;
	v23 =	vld [tilespmem:s1+$0x17B60]  }
0x203: {  	v32 =	vmul.f32 v36, v2;
	v30 =	vadd.f32 v35, v26;
	v26 =	vld [tilespmem:s1+$0x18B40];
	v18 =	vmul.f32 $5.000000000e-01, v28  }
0x204: {  	s14 =	smov.u32 s3;
	v33 =	vadd.f32 v33, v38;
	v19 =	vmul.f32 v36, v4;
	[tilespmem:s1+$0x19B00] =	vst v34;
	v29 =	vmul.f32 $5.000000000e-01, v37;
	v28 =	vld [tilespmem:s1+$0x18B50]  }
0x205: {  	[tilespmem:s1+$0x18B20] =	vst v31  }
0x206: {  	v12 =	vadd.f32 v12, v17;
	[tilespmem:s1+$0x19B10] =	vst v30  }
0x207: {  	v17 =	vmul.f32 v20, v4;
	v16 =	vadd.f32 v22, v16;
	[tilespmem:s1+$0x18B10] =	vst v33  }
0x208: {  	v8 =	vadd.f32 v8, v32;
	[tilespmem:s1+$0x19B60] =	vst v12  }
0x209: {  	v1 =	vmul.f32 v13, v1;
	v17 =	vadd.f32 v17, v29;
	[tilespmem:s1+$0x19B30] =	vst v16  }
0x20a: {  	v2 =	vmul.f32 v0, v2;
	v0 =	vmul.f32 v0, v4;
	v16 =	vadd.f32 v25, v21;
	[tilespmem:s1+$0x18B00] =	vst v8  }
0x20b: {  	v34 =	vld [tilespmem:s1+$0x17B00];
	v6 =	vmul.f32 v6, v4;
	v12 =	vmul.f32 $5.000000000e-01, v24;
	v1 =	vadd.f32 v11, v1;
	[tilespmem:s1+$0x17B10] =	vst v17  }
0x20c: {  	v0 =	vadd.f32 v0, v18;
	v8 =	vmul.f32 $5.000000000e-01, v26;
	[tilespmem:s1+$0x17B20] =	vst v16  }
0x20d: {  	v20 =	vmul.f32 $5.000000000e-01, v28;
	v6 =	vadd.f32 v6, v12;
	[tilespmem:s1+$0x19B20] =	vst v1  }
0x20e: {  	v5 =	vmul.f32 v5, v4;
	[tilespmem:s1+$0x17B50] =	vst v0;
	v8 =	vadd.f32 v8, v10;
	v10 =	vmul.f32 $5.000000000e-01, v23  }
0x20f: {  	v2 =	vadd.f32 v20, v2;
	[tilespmem:s1+$0x17B70] =	vst v6  }
0x210: {  	v6 =	vmul.f32 v9, v4;
	v9 =	vmul.f32 $5.000000000e-01, v34;
	[tilespmem:s1+$0x18B40] =	vst v8;
	v5 =	vadd.f32 v5, v10  }
0x211: {  	v8 =	vmul.f32 $5.000000000e-01, v15;
	[tilespmem:s1+$0x18B50] =	vst v2;
	v2 =	vadd.f32 v14, v27  }
0x212: {  	v3 =	vmul.f32 $5.000000000e-01, v3;
	v4 =	vadd.f32 v19, v9;
	[tilespmem:s1+$0x17B60] =	vst v5  }
0x213: {  	v1 =	vadd.f32 v6, v8;
	[tilespmem:s1+$0x17B40] =	vst v2  }
0x214: {  	v2 =	vadd.f32 v3, v7;
	[tilespmem:s1+$0x17B00] =	vst v4  }
0x215: {  	s2 =	rddreg [dreg:$0x12];
	[tilespmem:s1+$0x17B30] =	vst v1  }
0x216: {  	s23 =	rddreg [dreg:$0x13];
	[tilespmem:s1+$0x18B30] =	vst v2;
	s1 =	simm.s32 $0x0  }
0x217: {  	[tilespmem:s18], [sflag:$0x1] =	stream.linear.gather [hbm4b:s2+s1], $0x8, $0x38;
	[tilespmem:$0x1DB00] =	vst v63  }
0x218: {  	s24 =	rddreg [dreg:$0x14]  }
0x219: {  	[tilespmem:s19], [sflag:$0x1] =	stream.linear.gather [hbm4b:s23+s1], $0x8, $0x38;
	[tilespmem:$0x1DB00] =	vst v63  }
0x21a: {  	s3 =	simm.s32 $0x13980;
	s9 =	sld [smem:$0x7FC]  }
0x21b: {  	[tilespmem:s3], [sflag:$0x1] =	stream.linear.gather [hbm4b:s24+s1], $0x8, $0x38;
	[tilespmem:$0x1DB00] =	vst v63  }
0x21c: {  	s14 =	simm.s32 $0x139B0;
	s23 =	sld [smem:$0x7FD]  }
0x21d: {  	[tilespmem:s14], [sflag:$0x1] =	stream.linear.gather [hbm4b:s9+s1], $0x8, $0x38;
	[tilespmem:$0x1DB00] =	vst v63  }
0x21e: {  	s24 =	simm.s32 $0x139E0  }
0x21f: {  	[tilespmem:s24], [sflag:$0x1] =	stream.linear.gather [hbm4b:s23+s1], $0x8, $0x38;
	[tilespmem:$0x1DB00] =	vst v63  }
0x220: {  	s9 =	rddreg [dreg:$0x15]  }
0x221: {  	[hbm4b:s9+s25] =	stream.strided.scatter [tilespmem:s28], [sflag:$0x7], $0x3000, s26, s25, $0x38;
	[tilespmem:$0x1DB00] =	vst v63  }
0x222: {  	_ =	swait.ge [sflag:s15], $0x3000  }
0x223: {  	[sflag:s15] =	ssyncset.done $0x0  }
0x224: {  	s14 =	rddreg [dreg:$0x18];
	[sflag:s15] =	ssyncadd.s32 $0xFFFFD000  }
0x225: {  	[tilespmem:s28], [sflag:$0x5] =	stream.linear.gather [hbm4b:s14+s1], $0x400, $0x38;
	[tilespmem:$0x1DB00] =	vst v63  }
0x226: {  	s23 =	simm.s32 $0x18B00;
	s24 =	sadd.s32 $0x271000, s14  }
0x227: {  	[tilespmem:s23], [sflag:$0x5] =	stream.linear.gather [hbm4b:s24+s1], $0x400, $0x38;
	[tilespmem:$0x1DB00] =	vst v63  }
0x228: {  	s3 =	sadd.s32 $0x4E2000, s14;
	s24 =	simm.s32 $0x19B00  }
0x229: {  	[tilespmem:s24], [sflag:$0x5] =	stream.linear.gather [hbm4b:s3+s1], $0x400, $0x38;
	[tilespmem:$0x1DB00] =	vst v63  }
0x22a: {  	_ =	swait.ge [sflag:s17], $0x3000  }
0x22b: {  	[sflag:s17] =	ssyncset.done $0x0  }
0x22c: {  	[sflag:s17] =	ssyncadd.s32 $0xFFFFD000  }
0x22d: {  	_ =	swait.ge [sflag:s22], $0x1000  }
0x22e: {  	[sflag:s22] =	ssyncset.done $0x0  }
0x22f: {  	[sflag:s22] =	ssyncadd.s32 $0xFFFFF000  }
0x230: {  	_ =	swait.ge [sflag:s22], $0x1000  }
0x231: {  	[sflag:s22] =	ssyncset.done $0x0  }
0x232: {  	[sflag:s22] =	ssyncadd.s32 $0xFFFFF000  }
0x233: {  	_ =	swait.ge [sflag:s31], $0x8  }
0x234: {  	[sflag:s31] =	ssyncset.done $0x0  }
0x235: {  	[sflag:s31] =	ssyncadd.s32 $0xFFFFFFF8  }
0x236: {  	_ =	swait.ge [sflag:s31], $0x8  }
0x237: {  	[sflag:s31] =	ssyncset.done $0x0  }
0x238: {  	[sflag:s31] =	ssyncadd.s32 $0xFFFFFFF8  }
0x239: {  	_ =	swait.ge [sflag:s31], $0x8  }
0x23a: {  	[sflag:s31] =	ssyncset.done $0x0  }
0x23b: {  	[sflag:s31] =	ssyncadd.s32 $0xFFFFFFF8  }
0x23c: {  	_ =	swait.ge [sflag:s31], $0x8  }
0x23d: {  	[sflag:s31] =	ssyncset.done $0x0  }
0x23e: {  	[sflag:s31] =	ssyncadd.s32 $0xFFFFFFF8  }
0x23f: {  	_ =	swait.ge [sflag:s31], $0x8  }
0x240: {  	[sflag:s31] =	ssyncset.done $0x0  }
0x241: {  	s9 =	simm.s32 $0x13B00;
	[sflag:s31] =	ssyncadd.s32 $0xFFFFFFF8  }
0x242: {  	[tilespmem:s9], [sflag:$0x3] =	stream.indirect.gather [spmem:s4], $0x80, s18, s16, $0xb8;
	[tilespmem:$0x1DB00] =	vst v63  }
0x243: {  	s14 =	simm.s32 $0x15B00;
	s1 =	simm.s32 $0x0  }
0x244: {  	[tilespmem:s14], [sflag:$0x3] =	stream.indirect.gather [spmem:s4], $0x80, s19, s16, $0xb8;
	[tilespmem:$0x1DB00] =	vst v63  }
0x245: {  	v10 =	vld [tilespmem:s1+$0x1BB20]  }
0x246: {  	v11 =	vld [tilespmem:s1+$0x16B00]  }
0x247: {  	v7 =	vld [tilespmem:s1+$0x1BB10]  }
0x248: {  	v13 =	vld [tilespmem:s1+$0x1CB10]  }
0x249: {  	v4 =	vld [tilespmem:s1+$0x1CB40]  }
0x24a: {  	v8 =	vld [tilespmem:s1+$0x1BB00]  }
0x24b: {  	v14 =	vld [tilespmem:s1+$0x14B00]  }
0x24c: {  	v9 =	vld [tilespmem:s1+$0x1BB60]  }
0x24d: {  	v12 =	vld [tilespmem:s1+$0x1BB70]  }
0x24e: {  	v15 =	vld [tilespmem:s1+$0x1CB50]  }
0x24f: {  	v16 =	vld [tilespmem:s1+$0x1CB60]  }
0x250: {  	v17 =	vld [tilespmem:s1+$0x1CB00]  }
0x251: {  	v0 =	vld [tilespmem:s1+$0x16B70]  }
0x252: {  	v3 =	vld [tilespmem:s1+$0x14B70]  }
0x253: {  	v5 =	vld [tilespmem:s1+$0x16B60]  }
0x254: {  	v18 =	vld [tilespmem:s1+$0x14B60]  }
0x255: {  	v19 =	vld [tilespmem:s1+$0x16B50]  }
0x256: {  	v20 =	vld [tilespmem:s1+$0x14B50]  }
0x257: {  	v21 =	vld [tilespmem:s1+$0x16B40]  }
0x258: {  	s2 =	simm.s32 $0x13A70;
	v23 =	vld [tilespmem:s1+$0x1CB70]  }
0x259: {  	v1 =	vld.msk [tilespmem:s2+$0x0 ss:$0x0], $0xffff  }
0x25a: {  	v22 =	vld [tilespmem:s1+$0x14B40]  }
0x25b: {  	v24 =	vld [tilespmem:s1+$0x16B30]  }
0x25c: {  	v2 =	vld.msk [tilespmem:s2+$0xFFFFFFD0 ss:$0x0], $0xffff  }
0x25d: {  	v25 =	vld [tilespmem:s1+$0x14B30];
	v6 =	vsub.f32 v3, v0;
	v0 =	vsub.f32 v20, v19;
	v20 =	vmul.f32 $5.000000000e-01, v23  }
0x25e: {  	v26 =	vld [tilespmem:s1+$0x16B20];
	v5 =	vsub.f32 v18, v5;
	v8 =	vmul.f32 $5.000000000e-01, v8;
	v18 =	vmul.f32 $5.000000000e-01, v17  }
0x25f: {  	v27 =	vld [tilespmem:s1+$0x16B10];
	v23 =	vmul.f32 $5.000000000e-01, v4;
	v31 =	vmul.f32 $5.000000000e-01, v12  }
0x260: {  	v28 =	vld [tilespmem:s1+$0x14B20];
	v60 =	vmul.f32 $5.000000000e-01, v9;
	v15 =	vmul.f32 $5.000000000e-01, v15  }
0x261: {  	v29 =	vld [tilespmem:s1+$0x14B10];
	v30 =	vsub.f32 v22, v21;
	v12 =	vmul.f32 $5.000000000e-01, v16;
	v62 =	vmul.f32 $5.000000000e-01, v7  }
0x262: {  	v19 =	vld [tilespmem:s1+$0x1CB20];
	v9 =	vsub.f32 v25, v24;
	v36 =	vmul.f32 $5.000000000e-01, v13;
	v38 =	vmul.f32 $5.000000000e-01, v10  }
0x263: {  	v22 =	vld [tilespmem:s1+$0x1CB30];
	v21 =	vmul.f32 v6, v1;
	v17 =	vmul.f32 v30, v1  }
0x264: {  	v59 =	vld [tilespmem:s1+$0x1AB20];
	v37 =	vsub.f32 v14, v11;
	v61 =	vmul.f32 v5, v2;
	v16 =	vmul.f32 v9, v1  }
0x265: {  	v35 =	vld [tilespmem:s1+$0x1AB40];
	v7 =	vmul.f32 v9, v2;
	v10 =	vmul.f32 v30, v2;
	v20 =	vadd.f32 v20, v21  }
0x266: {  	v4 =	vld.msk [tilespmem:s2+$0xFFFFFFA0 ss:$0x0], $0xffff;
	v32 =	vmul.f32 v37, v2;
	v21 =	vmul.f32 v0, v1;
	v17 =	vadd.f32 v23, v17  }
0x267: {  	v63 =	vld [tilespmem:s1+$0x1AB50];
	v23 =	vmul.f32 v6, v2;
	v11 =	vmul.f32 $5.000000000e-01, v19;
	[tilespmem:s1+$0x1CB70] =	vst v20;
	v20 =	vadd.f32 v60, v61  }
0x268: {  	v22 =	vmul.f32 $5.000000000e-01, v22;
	[tilespmem:s1+$0x1CB40] =	vst v17;
	v13 =	vadd.f32 v15, v21;
	v21 =	vmul.f32 v37, v1  }
0x269: {  	v39 =	vld [tilespmem:s1+$0x1AB10];
	v17 =	vmul.f32 v5, v1;
	v14 =	vadd.f32 v31, v23;
	[tilespmem:s1+$0x1BB60] =	vst v20;
	v20 =	vsub.f32 v29, v27  }
0x26a: {  	v3 =	vld [tilespmem:s1+$0x1BB30];
	[tilespmem:s1+$0x1CB50] =	vst v13;
	v13 =	vsub.f32 v28, v26;
	v29 =	vadd.f32 v18, v21;
	v21 =	vmul.f32 $5.000000000e-01, v59  }
0x26b: {  	v24 =	vld [tilespmem:s1+$0x1AB70];
	[tilespmem:s1+$0x1BB70] =	vst v14;
	v14 =	vmul.f32 v30, v4;
	v27 =	vmul.f32 $5.000000000e-01, v35  }
0x26c: {  	v15 =	vld [tilespmem:s1+$0x1AB30];
	v18 =	vmul.f32 $5.000000000e-01, v63;
	v26 =	vmul.f32 v13, v2  }
0x26d: {  	v23 =	vld [tilespmem:s1+$0x1AB60];
	v28 =	vmul.f32 v20, v2;
	v19 =	vmul.f32 v20, v1  }
0x26e: {  	v25 =	vmul.f32 v13, v4;
	[tilespmem:s1+$0x1CB00] =	vst v29;
	v29 =	vmul.f32 $5.000000000e-01, v39;
	v31 =	vadd.f32 v38, v26;
	v26 =	vld [tilespmem:s1+$0x1BB40]  }
0x26f: {  	s14 =	simm.s32 $0x200;
	v30 =	vadd.f32 v36, v19;
	v19 =	vmul.f32 v37, v4;
	v33 =	vadd.f32 v62, v28;
	v28 =	vld [tilespmem:s1+$0x1BB50]  }
.LBB2_10:
0x270: {  	s3 =	smov.u32 s14  }
0x271: {  	s9 =	sshra.s32 s14, $0x2;
	v34 =	vld [tilespmem:s1+$0x1AB00];
	v8 =	vadd.f32 v8, v32;
	[tilespmem:s1+$0x1BB20] =	vst v31;
	v9 =	vmul.f32 v9, v4;
	v27 =	vadd.f32 v14, v27;
	s2 =	sadd.s32 $0x1, s2;
	s3 =	sadd.s32 $0x200, s14  }
0x272: {  	p1 =	sne.s32 s14, $0x3E00;
	v31 =	vmul.f32 $5.000000000e-01, v15;
	v12 =	vadd.f32 v12, v17;
	v6 =	vmul.f32 v6, v4;
	v14 =	vld [tilespmem:s9+$0x1BB20];
	[tilespmem:s1+$0x1BB10] =	vst v33  }
0x273: {  	v17 =	vmul.f32 v20, v4;
	v16 =	vadd.f32 v22, v16;
	v5 =	vmul.f32 v5, v4;
	v15 =	vld [tilespmem:s9+$0x16B00];
	[tilespmem:s1+$0x1CB10] =	vst v30  }
0x274: {  	v9 =	vadd.f32 v9, v31;
	v22 =	vmul.f32 $5.000000000e-01, v23;
	v20 =	vld [tilespmem:s9+$0x1BB10];
	[tilespmem:s1+$0x1CB60] =	vst v12;
	v12 =	vmul.f32 $5.000000000e-01, v24  }
0x275: {  	v21 =	vadd.f32 v25, v21;
	v17 =	vadd.f32 v17, v29;
	v23 =	vld [tilespmem:s9+$0x1CB10];
	[tilespmem:s1+$0x1CB30] =	vst v16;
	v16 =	vmul.f32 $5.000000000e-01, v28  }
0x276: {  	v5 =	vadd.f32 v5, v22;
	v24 =	vld [tilespmem:s9+$0x1CB40];
	[tilespmem:s1+$0x1BB00] =	vst v8;
	v8 =	vmul.f32 $5.000000000e-01, v26;
	v6 =	vadd.f32 v6, v12  }
0x277: {  	v1 =	vmul.f32 v13, v1;
	v2 =	vmul.f32 v0, v2;
	v12 =	vld [tilespmem:s9+$0x1BB00];
	[tilespmem:s1+$0x1AB10] =	vst v17  }
0x278: {  	v0 =	vmul.f32 v0, v4;
	v17 =	vmul.f32 $5.000000000e-01, v34;
	v13 =	vld [tilespmem:s9+$0x14B00];
	[tilespmem:s1+$0x1AB20] =	vst v21;
	v8 =	vadd.f32 v8, v10  }
0x279: {  	v3 =	vmul.f32 $5.000000000e-01, v3;
	v1 =	vadd.f32 v11, v1;
	v2 =	vadd.f32 v16, v2;
	v4 =	vld [tilespmem:s9+$0x1BB60];
	[tilespmem:s1+$0x1AB70] =	vst v6  }
0x27a: {  	v0 =	vadd.f32 v0, v18;
	v6 =	vadd.f32 v19, v17;
	v10 =	vld [tilespmem:s9+$0x1BB70];
	[tilespmem:s1+$0x1BB40] =	vst v8  }
0x27b: {  	v3 =	vadd.f32 v3, v7;
	v11 =	vld [tilespmem:s9+$0x1CB50];
	[tilespmem:s1+$0x1BB50] =	vst v2  }
0x27c: {  	v7 =	vld [tilespmem:s9+$0x1CB60];
	[tilespmem:s1+$0x1CB20] =	vst v1  }
0x27d: {  	v16 =	vld [tilespmem:s9+$0x1CB00];
	[tilespmem:s1+$0x1AB60] =	vst v5  }
0x27e: {  	v2 =	vld [tilespmem:s9+$0x16B70];
	[tilespmem:s1+$0x1AB40] =	vst v27  }
0x27f: {  	v5 =	vld [tilespmem:s9+$0x14B70];
	[tilespmem:s1+$0x1AB30] =	vst v9  }
0x280: {  	v8 =	vld [tilespmem:s9+$0x16B60];
	[tilespmem:s1+$0x1AB00] =	vst v6  }
0x281: {  	v9 =	vld [tilespmem:s9+$0x14B60];
	[tilespmem:s1+$0x1BB30] =	vst v3  }
0x282: {  	v3 =	vld [tilespmem:s9+$0x16B50];
	[tilespmem:s1+$0x1AB50] =	vst v0;
	s1 =	smov.u32 s9  }
0x283: {  	v0 =	vld [tilespmem:s1+$0x14B50]  }
0x284: {  	v17 =	vld [tilespmem:s1+$0x16B40]  }
0x285: {  	v1 =	vld.msk [tilespmem:s2+$0x0 ss:$0x0], $0xffff  }
0x286: {  	v6 =	vsub.f32 v5, v2;
	v18 =	vld [tilespmem:s1+$0x14B40]  }
0x287: {  	v19 =	vld [tilespmem:s1+$0x1CB70]  }
0x288: {  	v21 =	vld [tilespmem:s1+$0x16B30];
	v0 =	vsub.f32 v0, v3  }
0x289: {  	v5 =	vsub.f32 v9, v8;
	v2 =	vld.msk [tilespmem:s2+$0xFFFFFFD0 ss:$0x0], $0xffff  }
0x28a: {  	v25 =	vmul.f32 $5.000000000e-01, v16;
	v8 =	vmul.f32 $5.000000000e-01, v12;
	v3 =	vld [tilespmem:s1+$0x14B30]  }
0x28b: {  	v27 =	vmul.f32 $5.000000000e-01, v10;
	v26 =	vmul.f32 v0, v1;
	v22 =	vld [tilespmem:s1+$0x16B20];
	v18 =	vsub.f32 v18, v17  }
0x28c: {  	v11 =	vmul.f32 $5.000000000e-01, v11;
	v10 =	vld [tilespmem:s1+$0x16B10];
	v16 =	vmul.f32 $5.000000000e-01, v19  }
0x28d: {  	v12 =	vmul.f32 $5.000000000e-01, v7;
	v19 =	vld [tilespmem:s1+$0x14B20];
	v28 =	vmul.f32 v18, v1  }
0x28e: {  	v30 =	vmul.f32 $5.000000000e-01, v4;
	v4 =	vmul.f32 v6, v1;
	v29 =	vld [tilespmem:s1+$0x14B10]  }
0x28f: {  	v7 =	vmul.f32 $5.000000000e-01, v24;
	v31 =	vld [tilespmem:s1+$0x1CB20];
	v9 =	vsub.f32 v3, v21;
	v21 =	vmul.f32 v6, v2  }
0x290: {  	v17 =	vmul.f32 v5, v1;
	v24 =	vmul.f32 v5, v2;
	v32 =	vadd.f32 v16, v4;
	v3 =	vld [tilespmem:s1+$0x1BB30]  }
0x291: {  	v33 =	vmul.f32 $5.000000000e-01, v20;
	v28 =	vadd.f32 v7, v28;
	v34 =	vld [tilespmem:s1+$0x1CB30];
	v16 =	vmul.f32 v9, v1  }
0x292: {  	v35 =	vmul.f32 $5.000000000e-01, v23;
	v23 =	vadd.f32 v30, v24;
	v7 =	vmul.f32 v9, v2;
	v4 =	vld.msk [tilespmem:s2+$0xFFFFFFA0 ss:$0x0], $0xffff  }
0x293: {  	v36 =	vsub.f32 v13, v15;
	v30 =	vmul.f32 $5.000000000e-01, v14;
	v13 =	vsub.f32 v19, v22;
	v19 =	vld [tilespmem:s1+$0x1AB20];
	[tilespmem:s1+$0x1CB70] =	vst v32  }
0x294: {  	v14 =	vadd.f32 v11, v26;
	v20 =	vsub.f32 v29, v10;
	v10 =	vmul.f32 v18, v2;
	v29 =	vld [tilespmem:s1+$0x1AB40];
	[tilespmem:s1+$0x1CB40] =	vst v28  }
0x295: {  	v24 =	vmul.f32 v36, v1;
	v21 =	vadd.f32 v27, v21;
	v11 =	vmul.f32 $5.000000000e-01, v31;
	v28 =	vld [tilespmem:s1+$0x1AB50];
	[tilespmem:s1+$0x1BB60] =	vst v23  }
0x296: {  	v38 =	vmul.f32 v20, v2;
	v37 =	vld [tilespmem:s1+$0x1AB10];
	v22 =	vmul.f32 $5.000000000e-01, v34;
	[tilespmem:s1+$0x1CB50] =	vst v14  }
.Ltmp4:
0x297: {  	v26 =	vmul.f32 v20, v1;
	v23 =	vmul.f32 v13, v2;
	v15 =	vld [tilespmem:s1+$0x1AB30];
	[tilespmem:s1+$0x1BB70] =	vst v21;
	(pc) =	sbr.rel @p1 .LBB2_10-.Ltmp4, $4  }
0x298: {  	v34 =	vadd.f32 v25, v24;
	v14 =	vmul.f32 v18, v4;
	v21 =	vmul.f32 $5.000000000e-01, v19;
	v24 =	vld [tilespmem:s1+$0x1AB70]  }
0x299: {  	v25 =	vmul.f32 v13, v4;
	v31 =	vadd.f32 v30, v23;
	v27 =	vmul.f32 $5.000000000e-01, v29;
	v23 =	vld [tilespmem:s1+$0x1AB60]  }
0x29a: {  	v32 =	vmul.f32 v36, v2;
	v30 =	vadd.f32 v35, v26;
	v26 =	vld [tilespmem:s1+$0x1BB40];
	v18 =	vmul.f32 $5.000000000e-01, v28  }
0x29b: {  	s14 =	smov.u32 s3;
	v33 =	vadd.f32 v33, v38;
	v19 =	vmul.f32 v36, v4;
	[tilespmem:s1+$0x1CB00] =	vst v34;
	v29 =	vmul.f32 $5.000000000e-01, v37;
	v28 =	vld [tilespmem:s1+$0x1BB50]  }
0x29c: {  	[tilespmem:s1+$0x1BB20] =	vst v31  }
0x29d: {  	v12 =	vadd.f32 v12, v17;
	[tilespmem:s1+$0x1CB10] =	vst v30  }
0x29e: {  	v17 =	vmul.f32 v20, v4;
	v16 =	vadd.f32 v22, v16;
	[tilespmem:s1+$0x1BB10] =	vst v33  }
0x29f: {  	v8 =	vadd.f32 v8, v32;
	[tilespmem:s1+$0x1CB60] =	vst v12  }
0x2a0: {  	v1 =	vmul.f32 v13, v1;
	v17 =	vadd.f32 v17, v29;
	[tilespmem:s1+$0x1CB30] =	vst v16  }
0x2a1: {  	v2 =	vmul.f32 v0, v2;
	v0 =	vmul.f32 v0, v4;
	v16 =	vadd.f32 v25, v21;
	[tilespmem:s1+$0x1BB00] =	vst v8  }
0x2a2: {  	v34 =	vld [tilespmem:s1+$0x1AB00];
	v6 =	vmul.f32 v6, v4;
	v12 =	vmul.f32 $5.000000000e-01, v24;
	v1 =	vadd.f32 v11, v1;
	[tilespmem:s1+$0x1AB10] =	vst v17  }
0x2a3: {  	v0 =	vadd.f32 v0, v18;
	v8 =	vmul.f32 $5.000000000e-01, v26;
	[tilespmem:s1+$0x1AB20] =	vst v16  }
0x2a4: {  	v20 =	vmul.f32 $5.000000000e-01, v28;
	v6 =	vadd.f32 v6, v12;
	[tilespmem:s1+$0x1CB20] =	vst v1  }
0x2a5: {  	v5 =	vmul.f32 v5, v4;
	[tilespmem:s1+$0x1AB50] =	vst v0;
	v8 =	vadd.f32 v8, v10;
	v10 =	vmul.f32 $5.000000000e-01, v23  }
0x2a6: {  	v2 =	vadd.f32 v20, v2;
	[tilespmem:s1+$0x1AB70] =	vst v6  }
0x2a7: {  	v6 =	vmul.f32 v9, v4;
	v9 =	vmul.f32 $5.000000000e-01, v34;
	[tilespmem:s1+$0x1BB40] =	vst v8;
	v5 =	vadd.f32 v5, v10  }
0x2a8: {  	v8 =	vmul.f32 $5.000000000e-01, v15;
	[tilespmem:s1+$0x1BB50] =	vst v2;
	v2 =	vadd.f32 v14, v27  }
0x2a9: {  	v3 =	vmul.f32 $5.000000000e-01, v3;
	v4 =	vadd.f32 v19, v9;
	[tilespmem:s1+$0x1AB60] =	vst v5  }
0x2aa: {  	v1 =	vadd.f32 v6, v8;
	[tilespmem:s1+$0x1AB40] =	vst v2  }
0x2ab: {  	v2 =	vadd.f32 v3, v7;
	[tilespmem:s1+$0x1AB00] =	vst v4  }
0x2ac: {  	[tilespmem:s1+$0x1AB30] =	vst v1  }
0x2ad: {  	s14 =	rddreg [dreg:$0x17];
	[tilespmem:s1+$0x1BB30] =	vst v2  }
0x2ae: {  	[hbm4b:s14+s25] =	stream.strided.scatter [tilespmem:s13], [sflag:$0x8], $0x3000, s26, s25, $0x38;
	[tilespmem:$0x1DB00] =	vst v63  }
0x2af: {  	_ =	swait.ge [sflag:s16], $0x3000  }
0x2b0: {  	[sflag:s16] =	ssyncset.done $0x0  }
0x2b1: {  	[sflag:s16] =	ssyncadd.s32 $0xFFFFD000  }
0x2b2: {  	_ =	swait.ge [sflag:s29], $0xC00  }
0x2b3: {  	[sflag:s29] =	ssyncset.done $0x0  }
0x2b4: {  	[sflag:s29] =	ssyncadd.s32 $0xFFFFF400  }
0x2b5: {  	_ =	swait.ge [sflag:s30], $0x400  }
0x2b6: {  	[sflag:s30] =	ssyncset.done $0x0  }
0x2b7: {  	[sflag:s30] =	ssyncadd.s32 $0xFFFFFC00  }
0x2b8: {  	_ =	swait.ge [sflag:s30], $0x400  }
0x2b9: {  	[sflag:s30] =	ssyncset.done $0x0  }
0x2ba: {  	s1 =	simm.s32 $0x0;
	[sflag:s30] =	ssyncadd.s32 $0xFFFFFC00  }
0x2bb: {  	v10 =	vld [tilespmem:s1+$0x18B20]  }
0x2bc: {  	v11 =	vld [tilespmem:s1+$0x15B00]  }
0x2bd: {  	v7 =	vld [tilespmem:s1+$0x18B10]  }
0x2be: {  	v13 =	vld [tilespmem:s1+$0x19B10]  }
0x2bf: {  	v4 =	vld [tilespmem:s1+$0x19B40]  }
0x2c0: {  	v8 =	vld [tilespmem:s1+$0x18B00]  }
0x2c1: {  	v14 =	vld [tilespmem:s1+$0x13B00]  }
0x2c2: {  	v9 =	vld [tilespmem:s1+$0x18B60]  }
0x2c3: {  	v12 =	vld [tilespmem:s1+$0x18B70]  }
0x2c4: {  	v15 =	vld [tilespmem:s1+$0x19B50]  }
0x2c5: {  	v16 =	vld [tilespmem:s1+$0x19B60]  }
0x2c6: {  	v17 =	vld [tilespmem:s1+$0x19B00]  }
0x2c7: {  	v0 =	vld [tilespmem:s1+$0x15B70]  }
0x2c8: {  	v3 =	vld [tilespmem:s1+$0x13B70]  }
0x2c9: {  	v5 =	vld [tilespmem:s1+$0x15B60]  }
0x2ca: {  	v18 =	vld [tilespmem:s1+$0x13B60]  }
0x2cb: {  	v19 =	vld [tilespmem:s1+$0x15B50]  }
0x2cc: {  	v20 =	vld [tilespmem:s1+$0x13B50]  }
0x2cd: {  	v21 =	vld [tilespmem:s1+$0x15B40]  }
0x2ce: {  	s2 =	simm.s32 $0x139B0;
	v23 =	vld [tilespmem:s1+$0x19B70]  }
0x2cf: {  	v1 =	vld.msk [tilespmem:s2+$0x30 ss:$0x0], $0xffff  }
0x2d0: {  	v22 =	vld [tilespmem:s1+$0x13B40]  }
0x2d1: {  	v24 =	vld [tilespmem:s1+$0x15B30]  }
0x2d2: {  	v2 =	vld.msk [tilespmem:s2+$0x0 ss:$0x0], $0xffff  }
0x2d3: {  	v25 =	vld [tilespmem:s1+$0x13B30];
	v6 =	vsub.f32 v3, v0;
	v0 =	vsub.f32 v20, v19;
	v20 =	vmul.f32 $5.000000000e-01, v23  }
0x2d4: {  	v26 =	vld [tilespmem:s1+$0x15B20];
	v5 =	vsub.f32 v18, v5;
	v8 =	vmul.f32 $5.000000000e-01, v8;
	v18 =	vmul.f32 $5.000000000e-01, v17  }
0x2d5: {  	v27 =	vld [tilespmem:s1+$0x15B10];
	v23 =	vmul.f32 $5.000000000e-01, v4;
	v31 =	vmul.f32 $5.000000000e-01, v12  }
0x2d6: {  	v28 =	vld [tilespmem:s1+$0x13B20];
	v60 =	vmul.f32 $5.000000000e-01, v9;
	v15 =	vmul.f32 $5.000000000e-01, v15  }
0x2d7: {  	v29 =	vld [tilespmem:s1+$0x13B10];
	v30 =	vsub.f32 v22, v21;
	v12 =	vmul.f32 $5.000000000e-01, v16;
	v62 =	vmul.f32 $5.000000000e-01, v7  }
0x2d8: {  	v19 =	vld [tilespmem:s1+$0x19B20];
	v9 =	vsub.f32 v25, v24;
	v36 =	vmul.f32 $5.000000000e-01, v13;
	v38 =	vmul.f32 $5.000000000e-01, v10  }
0x2d9: {  	v22 =	vld [tilespmem:s1+$0x19B30];
	v21 =	vmul.f32 v6, v1;
	v17 =	vmul.f32 v30, v1  }
0x2da: {  	v59 =	vld [tilespmem:s1+$0x17B20];
	v37 =	vsub.f32 v14, v11;
	v61 =	vmul.f32 v5, v2;
	v16 =	vmul.f32 v9, v1  }
0x2db: {  	v35 =	vld [tilespmem:s1+$0x17B40];
	v7 =	vmul.f32 v9, v2;
	v10 =	vmul.f32 v30, v2;
	v20 =	vadd.f32 v20, v21  }
0x2dc: {  	v4 =	vld.msk [tilespmem:s2+$0xFFFFFFD0 ss:$0x0], $0xffff;
	v32 =	vmul.f32 v37, v2;
	v21 =	vmul.f32 v0, v1;
	v17 =	vadd.f32 v23, v17  }
0x2dd: {  	v63 =	vld [tilespmem:s1+$0x17B50];
	v23 =	vmul.f32 v6, v2;
	v11 =	vmul.f32 $5.000000000e-01, v19;
	[tilespmem:s1+$0x19B70] =	vst v20;
	v20 =	vadd.f32 v60, v61  }
0x2de: {  	v22 =	vmul.f32 $5.000000000e-01, v22;
	[tilespmem:s1+$0x19B40] =	vst v17;
	v13 =	vadd.f32 v15, v21;
	v21 =	vmul.f32 v37, v1  }
0x2df: {  	v39 =	vld [tilespmem:s1+$0x17B10];
	v17 =	vmul.f32 v5, v1;
	v14 =	vadd.f32 v31, v23;
	[tilespmem:s1+$0x18B60] =	vst v20;
	v20 =	vsub.f32 v29, v27  }
0x2e0: {  	v3 =	vld [tilespmem:s1+$0x18B30];
	[tilespmem:s1+$0x19B50] =	vst v13;
	v13 =	vsub.f32 v28, v26;
	v29 =	vadd.f32 v18, v21;
	v21 =	vmul.f32 $5.000000000e-01, v59  }
0x2e1: {  	v24 =	vld [tilespmem:s1+$0x17B70];
	[tilespmem:s1+$0x18B70] =	vst v14;
	v14 =	vmul.f32 v30, v4;
	v27 =	vmul.f32 $5.000000000e-01, v35  }
0x2e2: {  	v15 =	vld [tilespmem:s1+$0x17B30];
	v18 =	vmul.f32 $5.000000000e-01, v63;
	v26 =	vmul.f32 v13, v2  }
0x2e3: {  	v23 =	vld [tilespmem:s1+$0x17B60];
	v28 =	vmul.f32 v20, v2;
	v19 =	vmul.f32 v20, v1  }
0x2e4: {  	v25 =	vmul.f32 v13, v4;
	[tilespmem:s1+$0x19B00] =	vst v29;
	v29 =	vmul.f32 $5.000000000e-01, v39;
	v31 =	vadd.f32 v38, v26;
	v26 =	vld [tilespmem:s1+$0x18B40]  }
0x2e5: {  	s14 =	simm.s32 $0x200;
	v30 =	vadd.f32 v36, v19;
	v19 =	vmul.f32 v37, v4;
	v33 =	vadd.f32 v62, v28;
	v28 =	vld [tilespmem:s1+$0x18B50]  }
.LBB2_12:
0x2e6: {  	s3 =	smov.u32 s14  }
0x2e7: {  	s9 =	sshra.s32 s14, $0x2;
	v34 =	vld [tilespmem:s1+$0x17B00];
	v8 =	vadd.f32 v8, v32;
	[tilespmem:s1+$0x18B20] =	vst v31;
	v9 =	vmul.f32 v9, v4;
	v27 =	vadd.f32 v14, v27;
	s2 =	sadd.s32 $0x1, s2;
	s3 =	sadd.s32 $0x200, s14  }
0x2e8: {  	p1 =	sne.s32 s14, $0xE00;
	v31 =	vmul.f32 $5.000000000e-01, v15;
	v12 =	vadd.f32 v12, v17;
	v6 =	vmul.f32 v6, v4;
	v14 =	vld [tilespmem:s9+$0x18B20];
	[tilespmem:s1+$0x18B10] =	vst v33  }
0x2e9: {  	v17 =	vmul.f32 v20, v4;
	v16 =	vadd.f32 v22, v16;
	v5 =	vmul.f32 v5, v4;
	v15 =	vld [tilespmem:s9+$0x15B00];
	[tilespmem:s1+$0x19B10] =	vst v30  }
0x2ea: {  	v9 =	vadd.f32 v9, v31;
	v22 =	vmul.f32 $5.000000000e-01, v23;
	v20 =	vld [tilespmem:s9+$0x18B10];
	[tilespmem:s1+$0x19B60] =	vst v12;
	v12 =	vmul.f32 $5.000000000e-01, v24  }
0x2eb: {  	v21 =	vadd.f32 v25, v21;
	v17 =	vadd.f32 v17, v29;
	v23 =	vld [tilespmem:s9+$0x19B10];
	[tilespmem:s1+$0x19B30] =	vst v16;
	v16 =	vmul.f32 $5.000000000e-01, v28  }
0x2ec: {  	v5 =	vadd.f32 v5, v22;
	v24 =	vld [tilespmem:s9+$0x19B40];
	[tilespmem:s1+$0x18B00] =	vst v8;
	v8 =	vmul.f32 $5.000000000e-01, v26;
	v6 =	vadd.f32 v6, v12  }
0x2ed: {  	v1 =	vmul.f32 v13, v1;
	v2 =	vmul.f32 v0, v2;
	v12 =	vld [tilespmem:s9+$0x18B00];
	[tilespmem:s1+$0x17B10] =	vst v17  }
0x2ee: {  	v0 =	vmul.f32 v0, v4;
	v17 =	vmul.f32 $5.000000000e-01, v34;
	v13 =	vld [tilespmem:s9+$0x13B00];
	[tilespmem:s1+$0x17B20] =	vst v21;
	v8 =	vadd.f32 v8, v10  }
0x2ef: {  	v3 =	vmul.f32 $5.000000000e-01, v3;
	v1 =	vadd.f32 v11, v1;
	v2 =	vadd.f32 v16, v2;
	v4 =	vld [tilespmem:s9+$0x18B60];
	[tilespmem:s1+$0x17B70] =	vst v6  }
0x2f0: {  	v0 =	vadd.f32 v0, v18;
	v6 =	vadd.f32 v19, v17;
	v10 =	vld [tilespmem:s9+$0x18B70];
	[tilespmem:s1+$0x18B40] =	vst v8  }
0x2f1: {  	v3 =	vadd.f32 v3, v7;
	v11 =	vld [tilespmem:s9+$0x19B50];
	[tilespmem:s1+$0x18B50] =	vst v2  }
0x2f2: {  	v7 =	vld [tilespmem:s9+$0x19B60];
	[tilespmem:s1+$0x19B20] =	vst v1  }
0x2f3: {  	v16 =	vld [tilespmem:s9+$0x19B00];
	[tilespmem:s1+$0x17B60] =	vst v5  }
0x2f4: {  	v2 =	vld [tilespmem:s9+$0x15B70];
	[tilespmem:s1+$0x17B40] =	vst v27  }
0x2f5: {  	v5 =	vld [tilespmem:s9+$0x13B70];
	[tilespmem:s1+$0x17B30] =	vst v9  }
0x2f6: {  	v8 =	vld [tilespmem:s9+$0x15B60];
	[tilespmem:s1+$0x17B00] =	vst v6  }
0x2f7: {  	v9 =	vld [tilespmem:s9+$0x13B60];
	[tilespmem:s1+$0x18B30] =	vst v3  }
0x2f8: {  	v3 =	vld [tilespmem:s9+$0x15B50];
	[tilespmem:s1+$0x17B50] =	vst v0;
	s1 =	smov.u32 s9  }
0x2f9: {  	v0 =	vld [tilespmem:s1+$0x13B50]  }
0x2fa: {  	v17 =	vld [tilespmem:s1+$0x15B40]  }
0x2fb: {  	v1 =	vld.msk [tilespmem:s2+$0x30 ss:$0x0], $0xffff  }
0x2fc: {  	v6 =	vsub.f32 v5, v2;
	v18 =	vld [tilespmem:s1+$0x13B40]  }
0x2fd: {  	v19 =	vld [tilespmem:s1+$0x19B70]  }
0x2fe: {  	v21 =	vld [tilespmem:s1+$0x15B30];
	v0 =	vsub.f32 v0, v3  }
0x2ff: {  	v5 =	vsub.f32 v9, v8;
	v2 =	vld.msk [tilespmem:s2+$0x0 ss:$0x0], $0xffff  }
0x300: {  	v25 =	vmul.f32 $5.000000000e-01, v16;
	v8 =	vmul.f32 $5.000000000e-01, v12;
	v3 =	vld [tilespmem:s1+$0x13B30]  }
0x301: {  	v27 =	vmul.f32 $5.000000000e-01, v10;
	v26 =	vmul.f32 v0, v1;
	v22 =	vld [tilespmem:s1+$0x15B20];
	v18 =	vsub.f32 v18, v17  }
0x302: {  	v11 =	vmul.f32 $5.000000000e-01, v11;
	v10 =	vld [tilespmem:s1+$0x15B10];
	v16 =	vmul.f32 $5.000000000e-01, v19  }
0x303: {  	v12 =	vmul.f32 $5.000000000e-01, v7;
	v19 =	vld [tilespmem:s1+$0x13B20];
	v28 =	vmul.f32 v18, v1  }
0x304: {  	v30 =	vmul.f32 $5.000000000e-01, v4;
	v4 =	vmul.f32 v6, v1;
	v29 =	vld [tilespmem:s1+$0x13B10]  }
0x305: {  	v7 =	vmul.f32 $5.000000000e-01, v24;
	v31 =	vld [tilespmem:s1+$0x19B20];
	v9 =	vsub.f32 v3, v21;
	v21 =	vmul.f32 v6, v2  }
0x306: {  	v17 =	vmul.f32 v5, v1;
	v24 =	vmul.f32 v5, v2;
	v32 =	vadd.f32 v16, v4;
	v3 =	vld [tilespmem:s1+$0x18B30]  }
0x307: {  	v33 =	vmul.f32 $5.000000000e-01, v20;
	v28 =	vadd.f32 v7, v28;
	v34 =	vld [tilespmem:s1+$0x19B30];
	v16 =	vmul.f32 v9, v1  }
0x308: {  	v35 =	vmul.f32 $5.000000000e-01, v23;
	v23 =	vadd.f32 v30, v24;
	v7 =	vmul.f32 v9, v2;
	v4 =	vld.msk [tilespmem:s2+$0xFFFFFFD0 ss:$0x0], $0xffff  }
0x309: {  	v36 =	vsub.f32 v13, v15;
	v30 =	vmul.f32 $5.000000000e-01, v14;
	v13 =	vsub.f32 v19, v22;
	v19 =	vld [tilespmem:s1+$0x17B20];
	[tilespmem:s1+$0x19B70] =	vst v32  }
0x30a: {  	v14 =	vadd.f32 v11, v26;
	v20 =	vsub.f32 v29, v10;
	v10 =	vmul.f32 v18, v2;
	v29 =	vld [tilespmem:s1+$0x17B40];
	[tilespmem:s1+$0x19B40] =	vst v28  }
0x30b: {  	v24 =	vmul.f32 v36, v1;
	v21 =	vadd.f32 v27, v21;
	v11 =	vmul.f32 $5.000000000e-01, v31;
	v28 =	vld [tilespmem:s1+$0x17B50];
	[tilespmem:s1+$0x18B60] =	vst v23  }
0x30c: {  	v38 =	vmul.f32 v20, v2;
	v37 =	vld [tilespmem:s1+$0x17B10];
	v22 =	vmul.f32 $5.000000000e-01, v34;
	[tilespmem:s1+$0x19B50] =	vst v14  }
.Ltmp5:
0x30d: {  	v26 =	vmul.f32 v20, v1;
	v23 =	vmul.f32 v13, v2;
	v15 =	vld [tilespmem:s1+$0x17B30];
	[tilespmem:s1+$0x18B70] =	vst v21;
	(pc) =	sbr.rel @p1 .LBB2_12-.Ltmp5, $4  }
0x30e: {  	v34 =	vadd.f32 v25, v24;
	v14 =	vmul.f32 v18, v4;
	v21 =	vmul.f32 $5.000000000e-01, v19;
	v24 =	vld [tilespmem:s1+$0x17B70]  }
0x30f: {  	v25 =	vmul.f32 v13, v4;
	v31 =	vadd.f32 v30, v23;
	v27 =	vmul.f32 $5.000000000e-01, v29;
	v23 =	vld [tilespmem:s1+$0x17B60]  }
0x310: {  	v32 =	vmul.f32 v36, v2;
	v30 =	vadd.f32 v35, v26;
	v26 =	vld [tilespmem:s1+$0x18B40];
	v18 =	vmul.f32 $5.000000000e-01, v28  }
0x311: {  	s14 =	smov.u32 s3;
	v33 =	vadd.f32 v33, v38;
	v19 =	vmul.f32 v36, v4;
	[tilespmem:s1+$0x19B00] =	vst v34;
	v29 =	vmul.f32 $5.000000000e-01, v37;
	v28 =	vld [tilespmem:s1+$0x18B50]  }
0x312: {  	[tilespmem:s1+$0x18B20] =	vst v31  }
0x313: {  	v12 =	vadd.f32 v12, v17;
	[tilespmem:s1+$0x19B10] =	vst v30  }
0x314: {  	v16 =	vadd.f32 v22, v16;
	[tilespmem:s1+$0x18B10] =	vst v33  }
0x315: {  	v8 =	vadd.f32 v8, v32;
	[tilespmem:s1+$0x19B60] =	vst v12  }
0x316: {  	v50 =	vmul.f32 v20, v4;
	v52 =	vadd.f32 v25, v21;
	[tilespmem:s1+$0x19B30] =	vst v16  }
0x317: {  	v1 =	vmul.f32 v13, v1;
	v58 =	vadd.f32 v14, v27;
	[tilespmem:s1+$0x18B00] =	vst v8  }
0x318: {  	v56 =	vmul.f32 v9, v4;
	v57 =	vmul.f32 $5.000000000e-01, v15;
	v17 =	vadd.f32 v50, v29;
	[tilespmem:s1+$0x17B20] =	vst v52  }
0x319: {  	v3 =	vmul.f32 $5.000000000e-01, v3;
	v1 =	vadd.f32 v11, v1;
	[tilespmem:s1+$0x17B40] =	vst v58  }
0x31a: {  	v34 =	vld [tilespmem:s1+$0x17B00];
	v6 =	vmul.f32 v6, v4;
	v61 =	vmul.f32 v0, v4;
	v60 =	vadd.f32 v56, v57;
	[tilespmem:s1+$0x17B10] =	vst v17  }
0x31b: {  	v2 =	vmul.f32 v0, v2;
	v51 =	vmul.f32 $5.000000000e-01, v24;
	v63 =	vadd.f32 v3, v7;
	[tilespmem:s1+$0x19B20] =	vst v1  }
0x31c: {  	v5 =	vmul.f32 v5, v4;
	v55 =	vmul.f32 $5.000000000e-01, v23;
	v0 =	vadd.f32 v61, v18;
	[tilespmem:s1+$0x17B30] =	vst v60  }
0x31d: {  	v53 =	vmul.f32 $5.000000000e-01, v26;
	v6 =	vadd.f32 v6, v51;
	[tilespmem:s1+$0x18B30] =	vst v63  }
0x31e: {  	v54 =	vmul.f32 $5.000000000e-01, v28;
	v5 =	vadd.f32 v5, v55;
	[tilespmem:s1+$0x17B50] =	vst v0  }
0x31f: {  	v8 =	vadd.f32 v53, v10;
	[tilespmem:s1+$0x17B70] =	vst v6;
	v59 =	vmul.f32 $5.000000000e-01, v34  }
0x320: {  	v2 =	vadd.f32 v54, v2;
	[tilespmem:s1+$0x17B60] =	vst v5  }
0x321: {  	[tilespmem:s1+$0x18B40] =	vst v8;
	v62 =	vadd.f32 v19, v59  }
0x322: {  	[tilespmem:s1+$0x18B50] =	vst v2  }
0x323: {  	s2 =	rddreg [dreg:$0x19];
	[tilespmem:s1+$0x17B00] =	vst v62  }
0x324: {  	[hbm4b:s2+s5] =	stream.linear.scatter [tilespmem:s28], [sflag:$0x7], $0x400, $0x38;
	[tilespmem:$0x1DB00] =	vst v63  }
0x325: {  	s14 =	sadd.s32 $0x271000, s2  }
0x326: {  	[hbm4b:s14+s5] =	stream.linear.scatter [tilespmem:s23], [sflag:$0x7], $0x400, $0x38;
	[tilespmem:$0x1DB00] =	vst v63  }
0x327: {  	s16 =	sadd.s32 $0x4E2000, s2  }
0x328: {  	[hbm4b:s16+s5] =	stream.linear.scatter [tilespmem:s24], [sflag:$0x7], $0x400, $0x38;
	[tilespmem:$0x1DB00] =	vst v63  }
0x329: {  	_ =	swait.ge [sflag:s15], $0xC00  }
0x32a: {  	s23 =	sld [smem:$0x7FA];
	_ =	sdelay $0x2  }
0x32b: {  	s24 =	rddreg [dreg:$0x1a];
	s2 =	sadd.s32 $0x1, s23  }
0x32c: {  	p1 =	sne.s32 s2, s24  }
.Ltmp6:
0x32d: {  	_ = 	snop;
	(pc) =	sbr.rel @p1 .LBB2_1-.Ltmp6, $3  }
0x32e: {  	_ =	sdelay $0x1  }
0x32f: {  	[sflag:s15] =	ssyncset.done $0x0  }
0x330: {  	[sflag:s15] =	ssyncadd.s32 $0xFFFFF400  }
0x331: {  	_ =	sfence.sel $0x180000  }
0x332: {  	[bflag:$0x0] =	sbarrier.arrive $0xFFFF  }
0x333: {  	_ =	strace $0x90000047  }
0x334: {  	s0 =	stileid.u32;
	[bflag:$0x2] =	sbarrier.arrive $0xFFFF  }
0x335: {  	p0 =	sne.s32 s0, $0x0;
	s0 =	rddreg [dreg:$0x4]  }
0x336: {  	s0 =	sadd.s32 @!p0 $0x100000, s0  }
0x337: {  	[sflag:s0] =	ssyncadd.tile.s32 @!p0 $0x1;
	_ =	shalt  }
.Lfunc_end2:
_tile_overlayer_lowered:
.L_overlay_start_2:
0x338: {  	(tag) =	ssettag $0x2  }
0x339: {  	s0 =	rddreg [dreg:$0x0];
	s2 =	stileid.u32  }
0x33a: {  	s1 =	rddreg [dreg:$0x1];
	p0 =	sne.s32 s2, $0x0  }
0x33b: {  	s3 =	rddreg [dreg:$0x2];
	[bflag:$0x3] =	sbarrier.arrive $0xFFFF;
	s2 =	simm.s32 @!p0 $0x1C09  }
0x33c: {  	[timem:s3], [sflag:s2] =	dma.local @!p0 [hbm:s0], s1  }
0x33d: {  	s0 =	simm.s32 @!p0 $0x9  }
0x33e: {  	_ =	swait.ge @!p0 [sflag:s0], s1  }
0x33f: {  	s1 =	ssub.s32 @!p0 $0x0, s1;
	[sflag:s0] =	ssyncset.done @!p0 $0x0  }
0x340: {  	[sflag:s0] =	ssyncadd.s32 @!p0 s1  }
0x341: {  	[bflag:$0x3] =	sbarrier.arrive $0xFFFF  }
0x342: {  	_ =	shalt  }

</sc_bundles>
